<compile_context>
chip_gen: v7x
topology: tpu7x:2x2x1
jax: 0.10.2.dev20260603
libtpu: 0.0.44.dev20260713+nightly
codegen_flags: <defaults>
</compile_context>

<pallas_src>
import functools

import jax
import jax.numpy as jnp
from jax import lax
from jax.experimental import pallas as pl
from jax.experimental.pallas import tpu as pltpu
from jax.experimental.pallas import tpu_sc as plsc

NC = 2
NS = 16
LANES = 16
DEPTH = 3
G = 80
RB = 400
GPC = RB // G


def _relu(v):
    return jnp.maximum(v, 0.0)


def kernel(x, edge_index, edge_attr, sysf, W_i, W_h, W_o, pad_token, sysf_W,
           sysf_b):
    N, D = x.shape
    E = edge_index.shape[1]
    B = sysf.shape[0]
    f32 = jnp.float32

    src = edge_index[0].astype(jnp.int32)
    dst = edge_index[1].astype(jnp.int32)
    src2 = src.reshape(E // G, G)
    dst2 = dst.reshape(E // G, G)
    zrows = jnp.zeros((RB, D // NC), f32)

    CH = D // NC
    NR = N // NS
    EC = E // NS
    NCH = EC // RB
    ZR0 = min(RB, NR)
    ZR1 = NR - ZR0
    assert EC % RB == 0 and N % NS == 0 and NR <= 2 * RB and NCH % 2 == 0
    assert RB % G == 0 and CH % LANES == 0

    mesh = plsc.VectorSubcoreMesh(core_axis_name="c", subcore_axis_name="s")
    sc_params = pltpu.CompilerParams(use_tc_tiling_on_sc=False)


    def _gather_out(g_hbm, src2_hbm, a_sh, idx_v, bufs, wsems, gsems, sid,
                    c0, dummy_hbm):
        pltpu.sync_copy(src2_hbm.at[pl.ds(sid * (EC // G), EC // G)], idx_v)

        def body(o, carry):
            for b in (0, 1):
                i = o * 2 + b
                e0 = sid * EC + i * RB

                @pl.when(o >= 1)
                def _():
                    pltpu.make_async_copy(
                        bufs[b], g_hbm.at[pl.ds(e0, RB), pl.ds(c0, CH)],
                        wsems[b]).wait()

                for j in range(GPC):
                    pltpu.async_copy(a_sh.at[idx_v.at[i * GPC + j]],
                                     bufs[b].at[pl.ds(j * G, G)], gsems[b])
                pltpu.make_async_copy(
                    dummy_hbm.at[pl.ds(0, RB), pl.ds(0, CH)], bufs[b],
                    gsems[b]).wait()
                pltpu.async_copy(bufs[b],
                                 g_hbm.at[pl.ds(e0, RB), pl.ds(c0, CH)],
                                 wsems[b])
            return carry

        lax.fori_loop(0, NCH // 2, body, 0)
        for b in (0, 1):
            pltpu.make_async_copy(
                bufs[b], g_hbm.at[pl.ds(sid * EC, RB), pl.ds(c0, CH)],
                wsems[b]).wait()

    def _stage_cols(tab_hbm, a_sh, b0, b1, sid, c0):
        pltpu.sync_copy(tab_hbm.at[pl.ds(sid * NR, ZR0), pl.ds(c0, CH)], b0)
        pltpu.sync_copy(b0, a_sh.at[pl.ds(sid * NR, ZR0)])
        if ZR1 > 0:
            pltpu.sync_copy(
                tab_hbm.at[pl.ds(sid * NR + ZR0, ZR1), pl.ds(c0, CH)],
                b1.at[pl.ds(0, ZR1)])
            pltpu.sync_copy(b1.at[pl.ds(0, ZR1)],
                            a_sh.at[pl.ds(sid * NR + ZR0, ZR1)])

    def _zero_accum(a_sh, zrows_hbm, buf, sid):
        pltpu.sync_copy(zrows_hbm, buf)
        pltpu.sync_copy(buf.at[pl.ds(0, ZR0)],
                        a_sh.at[pl.ds(sid * NR, ZR0)])
        if ZR1 > 0:
            pltpu.sync_copy(buf.at[pl.ds(0, ZR1)],
                            a_sh.at[pl.ds(sid * NR + ZR0, ZR1)])

    def _writeout_a(a_hbm, a_sh, buf, sid, c0):
        pltpu.sync_copy(a_sh.at[pl.ds(sid * NR, ZR0)], buf)
        pltpu.sync_copy(buf, a_hbm.at[pl.ds(sid * NR, ZR0), pl.ds(c0, CH)])
        if ZR1 > 0:
            pltpu.sync_copy(a_sh.at[pl.ds(sid * NR + ZR0, ZR1)],
                            buf.at[pl.ds(0, ZR1)])
            pltpu.sync_copy(buf.at[pl.ds(0, ZR1)],
                            a_hbm.at[pl.ds(sid * NR + ZR0, ZR1),
                                     pl.ds(c0, CH)])

    def _scatter_prologue(h_hbm, dst2_hbm, idx_v, bufs, sls, sid, c0):
        pltpu.sync_copy(dst2_hbm.at[pl.ds(sid * (EC // G), EC // G)], idx_v)
        pltpu.async_copy(h_hbm.at[pl.ds(sid * EC, RB), pl.ds(c0, CH)],
                         bufs[0], sls[0])

    def _scatter_add(h_hbm, a_sh, idx_v, bufs, sls, sas, sid, c0):

        def body(o, carry):
            for b in (0, 1):
                i = o * 2 + b
                e0 = sid * EC + i * RB

                @pl.when(i >= 1)
                def _():
                    pltpu.make_async_copy(
                        h_hbm.at[pl.ds(e0, RB), pl.ds(c0, CH)],
                        bufs[1 - b], sas[1 - b]).wait()

                @pl.when(i + 1 < NCH)
                def _():
                    pltpu.async_copy(
                        h_hbm.at[pl.ds(e0 + RB, RB), pl.ds(c0, CH)],
                        bufs[1 - b], sls[1 - b])

                pltpu.make_async_copy(
                    h_hbm.at[pl.ds(e0, RB), pl.ds(c0, CH)], bufs[b],
                    sls[b]).wait()
                for j in range(GPC):
                    pltpu.async_copy(bufs[b].at[pl.ds(j * G, G)],
                                     a_sh.at[idx_v.at[i * GPC + j]], sas[b],
                                     add=True)
            return carry

        lax.fori_loop(0, NCH // 2, body, 0)
        pltpu.make_async_copy(
            h_hbm.at[pl.ds(sid * EC, RB), pl.ds(c0, CH)],
            bufs[(NCH - 1) % 2], sas[(NCH - 1) % 2]).wait()

    depth_scratch = [
        pltpu.VMEM_SHARED((N, CH), f32),
        pltpu.VMEM((EC // G, G), jnp.int32),
        pltpu.VMEM((RB, CH), f32),
        pltpu.VMEM((RB, CH), f32),
        pltpu.SemaphoreType.DMA,
        pltpu.SemaphoreType.DMA,
        pltpu.SemaphoreType.DMA,
        pltpu.SemaphoreType.DMA,
    ]

    @functools.partial(
        pl.kernel,
        out_type=jax.ShapeDtypeStruct((E, D), f32),
        mesh=mesh,
        compiler_params=sc_params,
        scratch_types=depth_scratch,
    )
    def sc_gather0(xw_hbm, src2_hbm, g_hbm, a_sh, idx_v, b0, b1, s0, s1, s2,
                   s3):
        cid = lax.axis_index("c")
        sid = lax.axis_index("s")
        c0 = cid * CH
        _stage_cols(xw_hbm, a_sh, b0, b1, sid, c0)
        plsc.subcore_barrier()
        _gather_out(g_hbm, src2_hbm, a_sh, idx_v, (b0, b1), (s0, s1),
                    (s2, s3), sid, c0, xw_hbm)

    @functools.partial(
        pl.kernel,
        out_type=jax.ShapeDtypeStruct((E, D), f32),
        mesh=mesh,
        compiler_params=sc_params,
        scratch_types=depth_scratch,
    )
    def sc_seg_gather(h_hbm, dst2_hbm, src2_hbm, zrows_hbm, g_hbm, a_sh,
                      idx_v, b0, b1, s0, s1, s2, s3):
        cid = lax.axis_index("c")
        sid = lax.axis_index("s")
        c0 = cid * CH
        bufs, sls, sas = (b0, b1), (s0, s1), (s2, s3)
        _scatter_prologue(h_hbm, dst2_hbm, idx_v, bufs, sls, sid, c0)
        _zero_accum(a_sh, zrows_hbm, b1, sid)
        plsc.subcore_barrier()
        _scatter_add(h_hbm, a_sh, idx_v, bufs, sls, sas, sid, c0)
        plsc.subcore_barrier()
        _gather_out(g_hbm, src2_hbm, a_sh, idx_v, bufs, sls, sas, sid, c0,
                    h_hbm)

    @functools.partial(
        pl.kernel,
        out_type=jax.ShapeDtypeStruct((N, D), f32),
        mesh=mesh,
        compiler_params=sc_params,
        scratch_types=depth_scratch,
    )
    def sc_seg_final(h_hbm, dst2_hbm, zrows_hbm, a_hbm, a_sh, idx_v, b0, b1,
                     s0, s1, s2, s3):
        cid = lax.axis_index("c")
        sid = lax.axis_index("s")
        c0 = cid * CH
        bufs = (b0, b1)
        _scatter_prologue(h_hbm, dst2_hbm, idx_v, bufs, (s0, s1), sid, c0)
        _zero_accum(a_sh, zrows_hbm, b1, sid)
        plsc.subcore_barrier()
        _scatter_add(h_hbm, a_sh, idx_v, bufs, (s0, s1), (s2, s3), sid, c0)
        plsc.subcore_barrier()
        _writeout_a(a_hbm, a_sh, b0, sid, c0)


    NBX = 5
    BN = N // NBX
    BR = 6400
    NB = E // BR
    HB = (E // 2) // BR
    assert N % NBX == 0 and E % BR == 0 and (E // 2) % BR == 0

    def t_matmul(x_ref, w_ref, o_ref):
        o_ref[...] = jnp.dot(x_ref[...], w_ref[...],
                             preferred_element_type=f32)

    xw = pl.pallas_call(
        t_matmul,
        grid=(NBX,),
        in_specs=[pl.BlockSpec((BN, D), lambda i: (i, 0)),
                  pl.BlockSpec((D, D), lambda i: (0, 0))],
        out_specs=pl.BlockSpec((BN, D), lambda i: (i, 0)),
        out_shape=jax.ShapeDtypeStruct((N, D), f32),
    )(x, W_i[:D])

    g0 = sc_gather0(xw, src2)

    DE = edge_attr.shape[1]

    def t_init(g0_ref, ea_ref, w_ref, o_ref, ob_ref):
        v = _relu(g0_ref[...] +
                  jnp.dot(ea_ref[...], w_ref[...],
                          preferred_element_type=f32))
        o_ref[...] = v
        ob_ref[...] = v.astype(jnp.bfloat16)

    h0, h0b = pl.pallas_call(
        t_init,
        grid=(NB,),
        in_specs=[pl.BlockSpec((BR, D), lambda i: (i, 0)),
                  pl.BlockSpec((BR, DE), lambda i: (i, 0)),
                  pl.BlockSpec((DE, D), lambda i: (0, 0))],
        out_specs=[pl.BlockSpec((BR, D), lambda i: (i, 0)),
                   pl.BlockSpec((BR, D), lambda i: (i, 0))],
        out_shape=[jax.ShapeDtypeStruct((E, D), f32),
                   jax.ShapeDtypeStruct((E, D), jnp.bfloat16)],
    )(g0, edge_attr, W_i[D:])

    def t_step(h0_ref, g_ref, hr_ref, w_ref, o_ref):
        o_ref[...] = _relu(h0_ref[...].astype(f32) +
                           jnp.dot(g_ref[...] - hr_ref[...].astype(f32),
                                   w_ref[...],
                                   preferred_element_type=f32))

    step = pl.pallas_call(
        t_step,
        grid=(NB,),
        in_specs=[pl.BlockSpec((BR, D), lambda i: (i, 0)),
                  pl.BlockSpec((BR, D), lambda i: (i, 0)),
                  pl.BlockSpec((BR, D), lambda i: ((i + HB) % NB, 0)),
                  pl.BlockSpec((D, D), lambda i: (0, 0))],
        out_specs=pl.BlockSpec((BR, D), lambda i: (i, 0)),
        out_shape=jax.ShapeDtypeStruct((E, D), f32),
    )

    g1 = sc_seg_gather(h0, dst2, src2, zrows)
    h1 = step(h0b, g1, h0b, W_h)
    g2 = sc_seg_gather(h1, dst2, src2, zrows)
    h = step(h0b, g2, h1, W_h)
    assert DEPTH == 3

    a_final = sc_seg_final(h, dst2, zrows)

    def t_out(x_ref, a_ref, wx_ref, wa_ref, o_ref):
        o_ref[...] = _relu(jnp.dot(x_ref[...], wx_ref[...],
                                   preferred_element_type=f32) +
                           jnp.dot(a_ref[...], wa_ref[...],
                                   preferred_element_type=f32))

    atom_h = pl.pallas_call(
        t_out,
        grid=(NBX,),
        in_specs=[pl.BlockSpec((BN, D), lambda i: (i, 0)),
                  pl.BlockSpec((BN, D), lambda i: (i, 0)),
                  pl.BlockSpec((D, D), lambda i: (0, 0)),
                  pl.BlockSpec((D, D), lambda i: (0, 0))],
        out_specs=pl.BlockSpec((BN, D), lambda i: (i, 0)),
        out_shape=jax.ShapeDtypeStruct((N, D), f32),
    )(x, a_final, W_o[:D], W_o[D:])

    NSF = sysf.shape[1]

    def t_sysf(s_ref, w_ref, b_ref, o_ref):
        o_ref[...] = jnp.dot(s_ref[...], w_ref[...],
                             preferred_element_type=f32) + b_ref[...]

    sysf_out = pl.pallas_call(
        t_sysf,
        in_specs=[pl.BlockSpec((B, NSF), lambda: (0, 0)),
                  pl.BlockSpec((NSF, D), lambda: (0, 0)),
                  pl.BlockSpec((1, D), lambda: (0, 0))],
        out_specs=pl.BlockSpec((B, D), lambda: (0, 0)),
        out_shape=jax.ShapeDtypeStruct((B, D), f32),
    )(sysf, sysf_W, sysf_b.reshape(1, D))

    return (sysf_out[:, None, :], atom_h.reshape(B, N // B, D))

# --- scband reference (transcript-rebuilt; emitter-appended) ---
"""Pipeline reference for scband-rankformer-gnnembedding-13546326852251 (READ-ONLY COPY).

The authoritative reference and input builder live on the scoring server;
editing this copy changes nothing except your own understanding.
"""

import jax, jax.numpy as jnp
import numpy as np

N = 10000       # atoms (nodes)
E = 320000      # directed bonds (edges), stored as reverse-pairs
D = 128         # ninp / hidden size
DE = 16         # bond (edge) feature dim
B = 100         # graphs per batch (100 atoms per graph)
NS = 16         # nsysf
DEPTH = 3       # gnn_depth


def setup_inputs(seed: int = 0) -> dict:
    key = jax.random.key(seed)
    ks = jax.random.split(key, 12)
    x = jax.random.normal(ks[0], (N, D), dtype=jnp.float32)
    # D-MPNN requires a reverse-edge mapping: build edges as bidirectional pairs so
    # rev(e) for e in [0, E/2) is e + E/2 and vice versa.
    half = E // 2
    src_h = jax.random.randint(ks[1], (half,), 0, N)
    dst_h = jax.random.randint(ks[2], (half,), 0, N)
    edge_index = jnp.stack([jnp.concatenate([src_h, dst_h]),
                            jnp.concatenate([dst_h, src_h])]).astype(jnp.int64)
    edge_attr = jax.random.normal(ks[3], (E, DE), dtype=jnp.float32)
    sysf = jax.random.normal(ks[4], (B, NS), dtype=jnp.float32)
    # Learned parameters (MPN W_i / W_h / W_o, pad token, sysf linear)
    W_i = jax.random.normal(ks[5], (D + DE, D), dtype=jnp.float32) / np.sqrt(D + DE)
    W_h = jax.random.normal(ks[6], (D, D), dtype=jnp.float32) / np.sqrt(D)
    W_o = jax.random.normal(ks[7], (2 * D, D), dtype=jnp.float32) / np.sqrt(2 * D)
    pad_token = jax.random.normal(ks[8], (1, D), dtype=jnp.float32)
    sysf_W = jax.random.normal(ks[9], (NS, D), dtype=jnp.float32) / np.sqrt(NS)
    sysf_b = jnp.zeros((D,), dtype=jnp.float32)
    return {"x": x, "edge_index": edge_index, "edge_attr": edge_attr, "sysf": sysf,
            "W_i": W_i, "W_h": W_h, "W_o": W_o, "pad_token": pad_token,
            "sysf_W": sysf_W, "sysf_b": sysf_b}


def reference(x, edge_index, edge_attr, sysf, W_i, W_h, W_o, pad_token, sysf_W, sysf_b):
    src = edge_index[0]
    dst = edge_index[1]
    E_ = edge_index.shape[1]
    half = E_ // 2
    rev = jnp.concatenate([jnp.arange(half) + half, jnp.arange(half)])
    # D-MPNN (chemprop MPN): initial directed-bond messages
    h0 = jax.nn.relu(jnp.concatenate([x[src], edge_attr], axis=1) @ W_i)  # [E, D]
    h = h0
    for _ in range(DEPTH - 1):
        a = jax.ops.segment_sum(h, dst, num_segments=N)   # scatter-add to nodes
        m = a[src] - h[rev]                               # exclude reverse bond
        h = jax.nn.relu(h0 + m @ W_h)
    a_final = jax.ops.segment_sum(h, dst, num_segments=N)
    atom_h = jax.nn.relu(jnp.concatenate([x, a_final], axis=1) @ W_o)  # [N, D]
    # no_reduce atom embeddings split per-graph; graphs are equal-sized here so
    # the pad loop degenerates to a reshape (pad_token contributes 0 tokens).
    graphs_emb = atom_h.reshape(B, N // B, D)
    sysf_emb = (sysf @ sysf_W + sysf_b)[:, None, :]  # torch.stack([...], dim=1)
    return (sysf_emb, graphs_emb)

if __name__ == "__main__":
    import jax
    _d = setup_inputs()
    print(jax.jit(kernel)(*tuple(_d.values())))

</pallas_src>

<mosaic_0001>
#map = affine_map<(d0, d1) -> (0, 0)>
module attributes {stable_mosaic.version = 14 : i64} {
  func.func @sc_seg_gather(%arg0: i32, %arg1: i32, %arg2: memref<320000x128xf32, #tpu.memory_space<hbm>>, %arg3: memref<4000x80xi32, #tpu.memory_space<hbm>>, %arg4: memref<4000x80xi32, #tpu.memory_space<hbm>>, %arg5: memref<400x64xf32, #tpu.memory_space<hbm>>, %arg6: memref<320000x128xf32, #tpu.memory_space<hbm>>, %arg7: memref<10000x64xf32, #tpu.memory_space<vmem_shared>>, %arg8: memref<250x80xi32, #tpu.memory_space<vmem>>, %arg9: memref<400x64xf32, #tpu.memory_space<vmem>>, %arg10: memref<400x64xf32, #tpu.memory_space<vmem>>, %arg11: memref<!tpu.dma_semaphore, #tpu.memory_space<semaphore_mem>>, %arg12: memref<!tpu.dma_semaphore, #tpu.memory_space<semaphore_mem>>, %arg13: memref<!tpu.dma_semaphore, #tpu.memory_space<semaphore_mem>>, %arg14: memref<!tpu.dma_semaphore, #tpu.memory_space<semaphore_mem>>) attributes {dimension_semantics = [#tpu.dimension_semantics<core_parallel>, #tpu.dimension_semantics<subcore_parallel>], iteration_bounds = array<i64: 2, 16>, scalar_prefetch = 0 : i64, scratch_operands = 8 : i64, tpu.core_type = #tpu.core_type<sc_vector_subcore>, window_params = [{transform_indices = #map}, {transform_indices = #map}, {transform_indices = #map}, {transform_indices = #map}, {transform_indices = #map}]} {
    %mul3A = arith.constant 64 : i32
    %mul3A_0 = arith.muli %arg0, %mul3A : i32
    %mul3A_1 = arith.constant 250 : i32
    %mul3A_2 = arith.muli %arg1, %mul3A_1 : i32
    "tpu.region"() ({
      %run_scoped3A = tpu.sem_alloc : memref<!tpu.dma_semaphore, #tpu.memory_space<semaphore_mem>>
      %dma_start3A_36 = arith.constant 0 : i32
      %dma_start3A_37 = tpu.memref_slice %arg3[%mul3A_2, %dma_start3A_36] : memref<4000x80xi32, #tpu.memory_space<hbm>> -> memref<250x80xi32, #tpu.memory_space<hbm>>
      %dma_start3A_38 = arith.constant 0 : i32
      %dma_start3A_39 = tpu.memref_slice %arg3[%mul3A_2, %dma_start3A_38] : memref<4000x80xi32, #tpu.memory_space<hbm>> -> memref<250x80xi32, #tpu.memory_space<hbm>>
      tpu.enqueue_dma source(%dma_start3A_39 : memref<250x80xi32, #tpu.memory_space<hbm>>) target(%arg8 : memref<250x80xi32, #tpu.memory_space<vmem>>) target_semaphore(%run_scoped3A : memref<!tpu.dma_semaphore, #tpu.memory_space<semaphore_mem>>)
      %dma_wait3A_40 = arith.constant 0 : i32
      %dma_wait3A_41 = tpu.memref_slice %arg3[%mul3A_2, %dma_wait3A_40] : memref<4000x80xi32, #tpu.memory_space<hbm>> -> memref<250x80xi32, #tpu.memory_space<hbm>>
      %dma_wait3A_42 = arith.constant 0 : i32
      %dma_wait3A_43 = tpu.memref_slice %arg3[%mul3A_2, %dma_wait3A_42] : memref<4000x80xi32, #tpu.memory_space<hbm>> -> memref<250x80xi32, #tpu.memory_space<hbm>>
      tpu.wait_dma2 semaphore(%run_scoped3A : memref<!tpu.dma_semaphore, #tpu.memory_space<semaphore_mem>>) src(%dma_wait3A_43 : memref<250x80xi32, #tpu.memory_space<hbm>>) dst(%arg8 : memref<250x80xi32, #tpu.memory_space<vmem>>)
      tpu.yield
    }) : () -> ()
    %mul3A_3 = arith.constant 20000 : i32
    %mul3A_4 = arith.muli %arg1, %mul3A_3 : i32
    %dma_start3A = tpu.memref_slice %arg2[%mul3A_4, %mul3A_0] : memref<320000x128xf32, #tpu.memory_space<hbm>> -> memref<400x64xf32, #tpu.memory_space<hbm>>
    %dma_start3A_5 = tpu.memref_slice %arg2[%mul3A_4, %mul3A_0] : memref<320000x128xf32, #tpu.memory_space<hbm>> -> memref<400x64xf32, #tpu.memory_space<hbm>>
    tpu.enqueue_dma source(%dma_start3A_5 : memref<400x64xf32, #tpu.memory_space<hbm>>) target(%arg9 : memref<400x64xf32, #tpu.memory_space<vmem>>) target_semaphore(%arg11 : memref<!tpu.dma_semaphore, #tpu.memory_space<semaphore_mem>>)
    "tpu.region"() ({
      %run_scoped3A = tpu.sem_alloc : memref<!tpu.dma_semaphore, #tpu.memory_space<semaphore_mem>>
      tpu.enqueue_dma source(%arg5 : memref<400x64xf32, #tpu.memory_space<hbm>>) target(%arg10 : memref<400x64xf32, #tpu.memory_space<vmem>>) target_semaphore(%run_scoped3A : memref<!tpu.dma_semaphore, #tpu.memory_space<semaphore_mem>>)
      tpu.wait_dma2 semaphore(%run_scoped3A : memref<!tpu.dma_semaphore, #tpu.memory_space<semaphore_mem>>) src(%arg5 : memref<400x64xf32, #tpu.memory_space<hbm>>) dst(%arg10 : memref<400x64xf32, #tpu.memory_space<vmem>>)
      tpu.yield
    }) : () -> ()
    %mul3A_6 = arith.constant 625 : i32
    %mul3A_7 = arith.muli %arg1, %mul3A_6 : i32
    "tpu.region"() ({
      %run_scoped3A = tpu.sem_alloc : memref<!tpu.dma_semaphore, #tpu.memory_space<semaphore_mem>>
      %dma_start3A_36 = arith.constant 0 : i32
      %dma_start3A_37 = arith.constant 0 : i32
      %dma_start3A_38 = tpu.memref_slice %arg10[%dma_start3A_36, %dma_start3A_37] : memref<400x64xf32, #tpu.memory_space<vmem>> -> memref<400x64xf32, #tpu.memory_space<vmem>>
      %dma_start3A_39 = arith.constant 0 : i32
      %dma_start3A_40 = tpu.memref_slice %arg7[%mul3A_7, %dma_start3A_39] : memref<10000x64xf32, #tpu.memory_space<vmem_shared>> -> memref<400x64xf32, #tpu.memory_space<vmem_shared>>
      %dma_start3A_41 = arith.constant 0 : i32
      %dma_start3A_42 = tpu.memref_slice %arg7[%mul3A_7, %dma_start3A_41] : memref<10000x64xf32, #tpu.memory_space<vmem_shared>> -> memref<400x64xf32, #tpu.memory_space<vmem_shared>>
      %dma_start3A_43 = arith.constant 0 : i32
      %dma_start3A_44 = arith.constant 0 : i32
      %dma_start3A_45 = tpu.memref_slice %arg10[%dma_start3A_43, %dma_start3A_44] : memref<400x64xf32, #tpu.memory_space<vmem>> -> memref<400x64xf32, #tpu.memory_space<vmem>>
      tpu.enqueue_dma source(%dma_start3A_45 : memref<400x64xf32, #tpu.memory_space<vmem>>) target(%dma_start3A_42 : memref<400x64xf32, #tpu.memory_space<vmem_shared>>) target_semaphore(%run_scoped3A : memref<!tpu.dma_semaphore, #tpu.memory_space<semaphore_mem>>)
      %dma_wait3A_46 = arith.constant 0 : i32
      %dma_wait3A_47 = arith.constant 0 : i32
      %dma_wait3A_48 = tpu.memref_slice %arg10[%dma_wait3A_46, %dma_wait3A_47] : memref<400x64xf32, #tpu.memory_space<vmem>> -> memref<400x64xf32, #tpu.memory_space<vmem>>
      %dma_wait3A_49 = arith.constant 0 : i32
      %dma_wait3A_50 = tpu.memref_slice %arg7[%mul3A_7, %dma_wait3A_49] : memref<10000x64xf32, #tpu.memory_space<vmem_shared>> -> memref<400x64xf32, #tpu.memory_space<vmem_shared>>
      %dma_wait3A_51 = arith.constant 0 : i32
      %dma_wait3A_52 = tpu.memref_slice %arg7[%mul3A_7, %dma_wait3A_51] : memref<10000x64xf32, #tpu.memory_space<vmem_shared>> -> memref<400x64xf32, #tpu.memory_space<vmem_shared>>
      %dma_wait3A_53 = arith.constant 0 : i32
      %dma_wait3A_54 = arith.constant 0 : i32
      %dma_wait3A_55 = tpu.memref_slice %arg10[%dma_wait3A_53, %dma_wait3A_54] : memref<400x64xf32, #tpu.memory_space<vmem>> -> memref<400x64xf32, #tpu.memory_space<vmem>>
      tpu.wait_dma2 semaphore(%run_scoped3A : memref<!tpu.dma_semaphore, #tpu.memory_space<semaphore_mem>>) src(%dma_wait3A_55 : memref<400x64xf32, #tpu.memory_space<vmem>>) dst(%dma_wait3A_52 : memref<400x64xf32, #tpu.memory_space<vmem_shared>>)
      tpu.yield
    }) : () -> ()
    %mul3A_8 = arith.constant 625 : i32
    %mul3A_9 = arith.muli %arg1, %mul3A_8 : i32
    %add3A = arith.constant 400 : i32
    %add3A_10 = arith.addi %mul3A_9, %add3A : i32
    "tpu.region"() ({
      %run_scoped3A = tpu.sem_alloc : memref<!tpu.dma_semaphore, #tpu.memory_space<semaphore_mem>>
      %dma_start3A_36 = arith.constant 0 : i32
      %dma_start3A_37 = arith.constant 0 : i32
      %dma_start3A_38 = tpu.memref_slice %arg10[%dma_start3A_36, %dma_start3A_37] : memref<400x64xf32, #tpu.memory_space<vmem>> -> memref<225x64xf32, #tpu.memory_space<vmem>>
      %dma_start3A_39 = arith.constant 0 : i32
      %dma_start3A_40 = tpu.memref_slice %arg7[%add3A_10, %dma_start3A_39] : memref<10000x64xf32, #tpu.memory_space<vmem_shared>> -> memref<225x64xf32, #tpu.memory_space<vmem_shared>>
      %dma_start3A_41 = arith.constant 0 : i32
      %dma_start3A_42 = tpu.memref_slice %arg7[%add3A_10, %dma_start3A_41] : memref<10000x64xf32, #tpu.memory_space<vmem_shared>> -> memref<225x64xf32, #tpu.memory_space<vmem_shared>>
      %dma_start3A_43 = arith.constant 0 : i32
      %dma_start3A_44 = arith.constant 0 : i32
      %dma_start3A_45 = tpu.memref_slice %arg10[%dma_start3A_43, %dma_start3A_44] : memref<400x64xf32, #tpu.memory_space<vmem>> -> memref<225x64xf32, #tpu.memory_space<vmem>>
      tpu.enqueue_dma source(%dma_start3A_45 : memref<225x64xf32, #tpu.memory_space<vmem>>) target(%dma_start3A_42 : memref<225x64xf32, #tpu.memory_space<vmem_shared>>) target_semaphore(%run_scoped3A : memref<!tpu.dma_semaphore, #tpu.memory_space<semaphore_mem>>)
      %dma_wait3A_46 = arith.constant 0 : i32
      %dma_wait3A_47 = arith.constant 0 : i32
      %dma_wait3A_48 = tpu.memref_slice %arg10[%dma_wait3A_46, %dma_wait3A_47] : memref<400x64xf32, #tpu.memory_space<vmem>> -> memref<225x64xf32, #tpu.memory_space<vmem>>
      %dma_wait3A_49 = arith.constant 0 : i32
      %dma_wait3A_50 = tpu.memref_slice %arg7[%add3A_10, %dma_wait3A_49] : memref<10000x64xf32, #tpu.memory_space<vmem_shared>> -> memref<225x64xf32, #tpu.memory_space<vmem_shared>>
      %dma_wait3A_51 = arith.constant 0 : i32
      %dma_wait3A_52 = tpu.memref_slice %arg7[%add3A_10, %dma_wait3A_51] : memref<10000x64xf32, #tpu.memory_space<vmem_shared>> -> memref<225x64xf32, #tpu.memory_space<vmem_shared>>
      %dma_wait3A_53 = arith.constant 0 : i32
      %dma_wait3A_54 = arith.constant 0 : i32
      %dma_wait3A_55 = tpu.memref_slice %arg10[%dma_wait3A_53, %dma_wait3A_54] : memref<400x64xf32, #tpu.memory_space<vmem>> -> memref<225x64xf32, #tpu.memory_space<vmem>>
      tpu.wait_dma2 semaphore(%run_scoped3A : memref<!tpu.dma_semaphore, #tpu.memory_space<semaphore_mem>>) src(%dma_wait3A_55 : memref<225x64xf32, #tpu.memory_space<vmem>>) dst(%dma_wait3A_52 : memref<225x64xf32, #tpu.memory_space<vmem_shared>>)
      tpu.yield
    }) : () -> ()
    %barrier3A = arith.constant 0 : index
    tpu.barrier barrier_id(%barrier3A)
    %scan3A = arith.constant 0 : i32
    %scan3A_11 = arith.constant 0 : i32
    %scan3A_12 = arith.constant 25 : i32
    %scan3A_13 = arith.addi %scan3A_11, %scan3A_12 : i32
    %scan3A_14 = arith.constant 1 : i32
    scf.for %scan3A_36 = %scan3A_11 to %scan3A_13 step %scan3A_14  : i32 {
      %mul3A_37 = arith.constant 2 : i32
      %mul3A_38 = arith.muli %scan3A_36, %mul3A_37 : i32
      %add3A_39 = arith.constant 0 : i32
      %add3A_40 = arith.addi %mul3A_38, %add3A_39 : i32
      %mul3A_41 = arith.constant 20000 : i32
      %mul3A_42 = arith.muli %arg1, %mul3A_41 : i32
      %mul3A_43 = arith.constant 400 : i32
      %mul3A_44 = arith.muli %add3A_40, %mul3A_43 : i32
      %add3A_45 = arith.addi %mul3A_42, %mul3A_44 : i32
      %ge3A = arith.constant 1 : i32
      %ge3A_46 = arith.cmpi sge, %add3A_40, %ge3A : i32
      %convert_element_type3A = arith.extui %ge3A_46 : i1 to i32
      %cond3A = arith.constant 0 : i32
      %cond3A_47 = arith.cmpi ne, %convert_element_type3A, %cond3A : i32
      scf.if %cond3A_47 {
        %dma_wait3A_209 = tpu.memref_slice %arg2[%add3A_45, %mul3A_0] : memref<320000x128xf32, #tpu.memory_space<hbm>> -> memref<400x64xf32, #tpu.memory_space<hbm>>
        %dma_wait3A_210 = tpu.memref_slice %arg2[%add3A_45, %mul3A_0] : memref<320000x128xf32, #tpu.memory_space<hbm>> -> memref<400x64xf32, #tpu.memory_space<hbm>>
        tpu.wait_dma2 semaphore(%arg14 : memref<!tpu.dma_semaphore, #tpu.memory_space<semaphore_mem>>) src(%dma_wait3A_210 : memref<400x64xf32, #tpu.memory_space<hbm>>) dst(%arg10 : memref<400x64xf32, #tpu.memory_space<vmem>>)
      } else {
      }
      %add3A_48 = arith.constant 1 : i32
      %add3A_49 = arith.addi %add3A_40, %add3A_48 : i32
      %lt3A = arith.constant 50 : i32
      %lt3A_50 = arith.cmpi slt, %add3A_49, %lt3A : i32
      %convert_element_type3A_51 = arith.extui %lt3A_50 : i1 to i32
      %cond3A_52 = arith.constant 0 : i32
      %cond3A_53 = arith.cmpi ne, %convert_element_type3A_51, %cond3A_52 : i32
      scf.if %cond3A_53 {
        %add3A_209 = arith.constant 400 : i32
        %add3A_210 = arith.addi %add3A_45, %add3A_209 : i32
        %dma_start3A_211 = tpu.memref_slice %arg2[%add3A_210, %mul3A_0] : memref<320000x128xf32, #tpu.memory_space<hbm>> -> memref<400x64xf32, #tpu.memory_space<hbm>>
        %dma_start3A_212 = tpu.memref_slice %arg2[%add3A_210, %mul3A_0] : memref<320000x128xf32, #tpu.memory_space<hbm>> -> memref<400x64xf32, #tpu.memory_space<hbm>>
        tpu.enqueue_dma source(%dma_start3A_212 : memref<400x64xf32, #tpu.memory_space<hbm>>) target(%arg10 : memref<400x64xf32, #tpu.memory_space<vmem>>) target_semaphore(%arg12 : memref<!tpu.dma_semaphore, #tpu.memory_space<semaphore_mem>>)
      } else {
      }
      %dma_wait3A_54 = tpu.memref_slice %arg2[%add3A_45, %mul3A_0] : memref<320000x128xf32, #tpu.memory_space<hbm>> -> memref<400x64xf32, #tpu.memory_space<hbm>>
      %dma_wait3A_55 = tpu.memref_slice %arg2[%add3A_45, %mul3A_0] : memref<320000x128xf32, #tpu.memory_space<hbm>> -> memref<400x64xf32, #tpu.memory_space<hbm>>
      tpu.wait_dma2 semaphore(%arg11 : memref<!tpu.dma_semaphore, #tpu.memory_space<semaphore_mem>>) src(%dma_wait3A_55 : memref<400x64xf32, #tpu.memory_space<hbm>>) dst(%arg9 : memref<400x64xf32, #tpu.memory_space<vmem>>)
      %mul3A_56 = arith.constant 5 : i32
      %mul3A_57 = arith.muli %add3A_40, %mul3A_56 : i32
      %add3A_58 = arith.constant 0 : i32
      %add3A_59 = arith.addi %mul3A_57, %add3A_58 : i32
      %dma_start3A_60 = arith.constant 0 : i32
      %dma_start3A_61 = arith.constant 0 : i32
      %dma_start3A_62 = tpu.memref_slice %arg9[%dma_start3A_60, %dma_start3A_61] : memref<400x64xf32, #tpu.memory_space<vmem>> -> memref<80x64xf32, #tpu.memory_space<vmem>>
      %dma_start3A_63 = arith.constant 0 : i32
      %dma_start3A_64 = tpu.memref_slice %arg8[%add3A_59, %dma_start3A_63] : memref<250x80xi32, #tpu.memory_space<vmem>> -> memref<1x80xi32, #tpu.memory_space<vmem>>
      %dma_start3A_65 = tpu.memref_squeeze %dma_start3A_64 : memref<1x80xi32, #tpu.memory_space<vmem>> -> memref<80xi32, #tpu.memory_space<vmem>>
      %dma_start3A_66 = arith.constant 0 : i32
      %dma_start3A_67 = arith.constant 0 : i32
      %dma_start3A_68 = tpu.memref_slice %arg7[%dma_start3A_66, %dma_start3A_67] : memref<10000x64xf32, #tpu.memory_space<vmem_shared>> -> memref<10000x64xf32, #tpu.memory_space<vmem_shared>>
      tpu.enqueue_indirect_dma source(%dma_start3A_62 : memref<80x64xf32, #tpu.memory_space<vmem>>) target(%dma_start3A_68 : memref<10000x64xf32, #tpu.memory_space<vmem_shared>>) offsets(%dma_start3A_65 : memref<80xi32, #tpu.memory_space<vmem>>) semaphore(%arg13 : memref<!tpu.dma_semaphore, #tpu.memory_space<semaphore_mem>>) {add = true}
      %mul3A_69 = arith.constant 5 : i32
      %mul3A_70 = arith.muli %add3A_40, %mul3A_69 : i32
      %add3A_71 = arith.constant 1 : i32
      %add3A_72 = arith.addi %mul3A_70, %add3A_71 : i32
      %dma_start3A_73 = arith.constant 80 : i32
      %dma_start3A_74 = arith.constant 0 : i32
      %dma_start3A_75 = tpu.memref_slice %arg9[%dma_start3A_73, %dma_start3A_74] : memref<400x64xf32, #tpu.memory_space<vmem>> -> memref<80x64xf32, #tpu.memory_space<vmem>>
      %dma_start3A_76 = arith.constant 0 : i32
      %dma_start3A_77 = tpu.memref_slice %arg8[%add3A_72, %dma_start3A_76] : memref<250x80xi32, #tpu.memory_space<vmem>> -> memref<1x80xi32, #tpu.memory_space<vmem>>
      %dma_start3A_78 = tpu.memref_squeeze %dma_start3A_77 : memref<1x80xi32, #tpu.memory_space<vmem>> -> memref<80xi32, #tpu.memory_space<vmem>>
      %dma_start3A_79 = arith.constant 0 : i32
      %dma_start3A_80 = arith.constant 0 : i32
      %dma_start3A_81 = tpu.memref_slice %arg7[%dma_start3A_79, %dma_start3A_80] : memref<10000x64xf32, #tpu.memory_space<vmem_shared>> -> memref<10000x64xf32, #tpu.memory_space<vmem_shared>>
      tpu.enqueue_indirect_dma source(%dma_start3A_75 : memref<80x64xf32, #tpu.memory_space<vmem>>) target(%dma_start3A_81 : memref<10000x64xf32, #tpu.memory_space<vmem_shared>>) offsets(%dma_start3A_78 : memref<80xi32, #tpu.memory_space<vmem>>) semaphore(%arg13 : memref<!tpu.dma_semaphore, #tpu.memory_space<semaphore_mem>>) {add = true}
      %mul3A_82 = arith.constant 5 : i32
      %mul3A_83 = arith.muli %add3A_40, %mul3A_82 : i32
      %add3A_84 = arith.constant 2 : i32
      %add3A_85 = arith.addi %mul3A_83, %add3A_84 : i32
      %dma_start3A_86 = arith.constant 160 : i32
      %dma_start3A_87 = arith.constant 0 : i32
      %dma_start3A_88 = tpu.memref_slice %arg9[%dma_start3A_86, %dma_start3A_87] : memref<400x64xf32, #tpu.memory_space<vmem>> -> memref<80x64xf32, #tpu.memory_space<vmem>>
      %dma_start3A_89 = arith.constant 0 : i32
      %dma_start3A_90 = tpu.memref_slice %arg8[%add3A_85, %dma_start3A_89] : memref<250x80xi32, #tpu.memory_space<vmem>> -> memref<1x80xi32, #tpu.memory_space<vmem>>
      %dma_start3A_91 = tpu.memref_squeeze %dma_start3A_90 : memref<1x80xi32, #tpu.memory_space<vmem>> -> memref<80xi32, #tpu.memory_space<vmem>>
      %dma_start3A_92 = arith.constant 0 : i32
      %dma_start3A_93 = arith.constant 0 : i32
      %dma_start3A_94 = tpu.memref_slice %arg7[%dma_start3A_92, %dma_start3A_93] : memref<10000x64xf32, #tpu.memory_space<vmem_shared>> -> memref<10000x64xf32, #tpu.memory_space<vmem_shared>>
      tpu.enqueue_indirect_dma source(%dma_start3A_88 : memref<80x64xf32, #tpu.memory_space<vmem>>) target(%dma_start3A_94 : memref<10000x64xf32, #tpu.memory_space<vmem_shared>>) offsets(%dma_start3A_91 : memref<80xi32, #tpu.memory_space<vmem>>) semaphore(%arg13 : memref<!tpu.dma_semaphore, #tpu.memory_space<semaphore_mem>>) {add = true}
      %mul3A_95 = arith.constant 5 : i32
      %mul3A_96 = arith.muli %add3A_40, %mul3A_95 : i32
      %add3A_97 = arith.constant 3 : i32
      %add3A_98 = arith.addi %mul3A_96, %add3A_97 : i32
      %dma_start3A_99 = arith.constant 240 : i32
      %dma_start3A_100 = arith.constant 0 : i32
      %dma_start3A_101 = tpu.memref_slice %arg9[%dma_start3A_99, %dma_start3A_100] : memref<400x64xf32, #tpu.memory_space<vmem>> -> memref<80x64xf32, #tpu.memory_space<vmem>>
      %dma_start3A_102 = arith.constant 0 : i32
      %dma_start3A_103 = tpu.memref_slice %arg8[%add3A_98, %dma_start3A_102] : memref<250x80xi32, #tpu.memory_space<vmem>> -> memref<1x80xi32, #tpu.memory_space<vmem>>
      %dma_start3A_104 = tpu.memref_squeeze %dma_start3A_103 : memref<1x80xi32, #tpu.memory_space<vmem>> -> memref<80xi32, #tpu.memory_space<vmem>>
      %dma_start3A_105 = arith.constant 0 : i32
      %dma_start3A_106 = arith.constant 0 : i32
      %dma_start3A_107 = tpu.memref_slice %arg7[%dma_start3A_105, %dma_start3A_106] : memref<10000x64xf32, #tpu.memory_space<vmem_shared>> -> memref<10000x64xf32, #tpu.memory_space<vmem_shared>>
      tpu.enqueue_indirect_dma source(%dma_start3A_101 : memref<80x64xf32, #tpu.memory_space<vmem>>) target(%dma_start3A_107 : memref<10000x64xf32, #tpu.memory_space<vmem_shared>>) offsets(%dma_start3A_104 : memref<80xi32, #tpu.memory_space<vmem>>) semaphore(%arg13 : memref<!tpu.dma_semaphore, #tpu.memory_space<semaphore_mem>>) {add = true}
      %mul3A_108 = arith.constant 5 : i32
      %mul3A_109 = arith.muli %add3A_40, %mul3A_108 : i32
      %add3A_110 = arith.constant 4 : i32
      %add3A_111 = arith.addi %mul3A_109, %add3A_110 : i32
      %dma_start3A_112 = arith.constant 320 : i32
      %dma_start3A_113 = arith.constant 0 : i32
      %dma_start3A_114 = tpu.memref_slice %arg9[%dma_start3A_112, %dma_start3A_113] : memref<400x64xf32, #tpu.memory_space<vmem>> -> memref<80x64xf32, #tpu.memory_space<vmem>>
      %dma_start3A_115 = arith.constant 0 : i32
      %dma_start3A_116 = tpu.memref_slice %arg8[%add3A_111, %dma_start3A_115] : memref<250x80xi32, #tpu.memory_space<vmem>> -> memref<1x80xi32, #tpu.memory_space<vmem>>
      %dma_start3A_117 = tpu.memref_squeeze %dma_start3A_116 : memref<1x80xi32, #tpu.memory_space<vmem>> -> memref<80xi32, #tpu.memory_space<vmem>>
      %dma_start3A_118 = arith.constant 0 : i32
      %dma_start3A_119 = arith.constant 0 : i32
      %dma_start3A_120 = tpu.memref_slice %arg7[%dma_start3A_118, %dma_start3A_119] : memref<10000x64xf32, #tpu.memory_space<vmem_shared>> -> memref<10000x64xf32, #tpu.memory_space<vmem_shared>>
      tpu.enqueue_indirect_dma source(%dma_start3A_114 : memref<80x64xf32, #tpu.memory_space<vmem>>) target(%dma_start3A_120 : memref<10000x64xf32, #tpu.memory_space<vmem_shared>>) offsets(%dma_start3A_117 : memref<80xi32, #tpu.memory_space<vmem>>) semaphore(%arg13 : memref<!tpu.dma_semaphore, #tpu.memory_space<semaphore_mem>>) {add = true}
      %mul3A_121 = arith.constant 2 : i32
      %mul3A_122 = arith.muli %scan3A_36, %mul3A_121 : i32
      %add3A_123 = arith.constant 1 : i32
      %add3A_124 = arith.addi %mul3A_122, %add3A_123 : i32
      %mul3A_125 = arith.constant 20000 : i32
      %mul3A_126 = arith.muli %arg1, %mul3A_125 : i32
      %mul3A_127 = arith.constant 400 : i32
      %mul3A_128 = arith.muli %add3A_124, %mul3A_127 : i32
      %add3A_129 = arith.addi %mul3A_126, %mul3A_128 : i32
      %ge3A_130 = arith.constant 1 : i32
      %ge3A_131 = arith.cmpi sge, %add3A_124, %ge3A_130 : i32
      %convert_element_type3A_132 = arith.extui %ge3A_131 : i1 to i32
      %cond3A_133 = arith.constant 0 : i32
      %cond3A_134 = arith.cmpi ne, %convert_element_type3A_132, %cond3A_133 : i32
      scf.if %cond3A_134 {
        %dma_wait3A_209 = tpu.memref_slice %arg2[%add3A_129, %mul3A_0] : memref<320000x128xf32, #tpu.memory_space<hbm>> -> memref<400x64xf32, #tpu.memory_space<hbm>>
        %dma_wait3A_210 = tpu.memref_slice %arg2[%add3A_129, %mul3A_0] : memref<320000x128xf32, #tpu.memory_space<hbm>> -> memref<400x64xf32, #tpu.memory_space<hbm>>
        tpu.wait_dma2 semaphore(%arg13 : memref<!tpu.dma_semaphore, #tpu.memory_space<semaphore_mem>>) src(%dma_wait3A_210 : memref<400x64xf32, #tpu.memory_space<hbm>>) dst(%arg9 : memref<400x64xf32, #tpu.memory_space<vmem>>)
      } else {
      }
      %add3A_135 = arith.constant 1 : i32
      %add3A_136 = arith.addi %add3A_124, %add3A_135 : i32
      %lt3A_137 = arith.constant 50 : i32
      %lt3A_138 = arith.cmpi slt, %add3A_136, %lt3A_137 : i32
      %convert_element_type3A_139 = arith.extui %lt3A_138 : i1 to i32
      %cond3A_140 = arith.constant 0 : i32
      %cond3A_141 = arith.cmpi ne, %convert_element_type3A_139, %cond3A_140 : i32
      scf.if %cond3A_141 {
        %add3A_209 = arith.constant 400 : i32
        %add3A_210 = arith.addi %add3A_129, %add3A_209 : i32
        %dma_start3A_211 = tpu.memref_slice %arg2[%add3A_210, %mul3A_0] : memref<320000x128xf32, #tpu.memory_space<hbm>> -> memref<400x64xf32, #tpu.memory_space<hbm>>
        %dma_start3A_212 = tpu.memref_slice %arg2[%add3A_210, %mul3A_0] : memref<320000x128xf32, #tpu.memory_space<hbm>> -> memref<400x64xf32, #tpu.memory_space<hbm>>
        tpu.enqueue_dma source(%dma_start3A_212 : memref<400x64xf32, #tpu.memory_space<hbm>>) target(%arg9 : memref<400x64xf32, #tpu.memory_space<vmem>>) target_semaphore(%arg11 : memref<!tpu.dma_semaphore, #tpu.memory_space<semaphore_mem>>)
      } else {
      }
      %dma_wait3A_142 = tpu.memref_slice %arg2[%add3A_129, %mul3A_0] : memref<320000x128xf32, #tpu.memory_space<hbm>> -> memref<400x64xf32, #tpu.memory_space<hbm>>
      %dma_wait3A_143 = tpu.memref_slice %arg2[%add3A_129, %mul3A_0] : memref<320000x128xf32, #tpu.memory_space<hbm>> -> memref<400x64xf32, #tpu.memory_space<hbm>>
      tpu.wait_dma2 semaphore(%arg12 : memref<!tpu.dma_semaphore, #tpu.memory_space<semaphore_mem>>) src(%dma_wait3A_143 : memref<400x64xf32, #tpu.memory_space<hbm>>) dst(%arg10 : memref<400x64xf32, #tpu.memory_space<vmem>>)
      %mul3A_144 = arith.constant 5 : i32
      %mul3A_145 = arith.muli %add3A_124, %mul3A_144 : i32
      %add3A_146 = arith.constant 0 : i32
      %add3A_147 = arith.addi %mul3A_145, %add3A_146 : i32
      %dma_start3A_148 = arith.constant 0 : i32
      %dma_start3A_149 = arith.constant 0 : i32
      %dma_start3A_150 = tpu.memref_slice %arg10[%dma_start3A_148, %dma_start3A_149] : memref<400x64xf32, #tpu.memory_space<vmem>> -> memref<80x64xf32, #tpu.memory_space<vmem>>
      %dma_start3A_151 = arith.constant 0 : i32
      %dma_start3A_152 = tpu.memref_slice %arg8[%add3A_147, %dma_start3A_151] : memref<250x80xi32, #tpu.memory_space<vmem>> -> memref<1x80xi32, #tpu.memory_space<vmem>>
      %dma_start3A_153 = tpu.memref_squeeze %dma_start3A_152 : memref<1x80xi32, #tpu.memory_space<vmem>> -> memref<80xi32, #tpu.memory_space<vmem>>
      %dma_start3A_154 = arith.constant 0 : i32
      %dma_start3A_155 = arith.constant 0 : i32
      %dma_start3A_156 = tpu.memref_slice %arg7[%dma_start3A_154, %dma_start3A_155] : memref<10000x64xf32, #tpu.memory_space<vmem_shared>> -> memref<10000x64xf32, #tpu.memory_space<vmem_shared>>
      tpu.enqueue_indirect_dma source(%dma_start3A_150 : memref<80x64xf32, #tpu.memory_space<vmem>>) target(%dma_start3A_156 : memref<10000x64xf32, #tpu.memory_space<vmem_shared>>) offsets(%dma_start3A_153 : memref<80xi32, #tpu.memory_space<vmem>>) semaphore(%arg14 : memref<!tpu.dma_semaphore, #tpu.memory_space<semaphore_mem>>) {add = true}
      %mul3A_157 = arith.constant 5 : i32
      %mul3A_158 = arith.muli %add3A_124, %mul3A_157 : i32
      %add3A_159 = arith.constant 1 : i32
      %add3A_160 = arith.addi %mul3A_158, %add3A_159 : i32
      %dma_start3A_161 = arith.constant 80 : i32
      %dma_start3A_162 = arith.constant 0 : i32
      %dma_start3A_163 = tpu.memref_slice %arg10[%dma_start3A_161, %dma_start3A_162] : memref<400x64xf32, #tpu.memory_space<vmem>> -> memref<80x64xf32, #tpu.memory_space<vmem>>
      %dma_start3A_164 = arith.constant 0 : i32
      %dma_start3A_165 = tpu.memref_slice %arg8[%add3A_160, %dma_start3A_164] : memref<250x80xi32, #tpu.memory_space<vmem>> -> memref<1x80xi32, #tpu.memory_space<vmem>>
      %dma_start3A_166 = tpu.memref_squeeze %dma_start3A_165 : memref<1x80xi32, #tpu.memory_space<vmem>> -> memref<80xi32, #tpu.memory_space<vmem>>
      %dma_start3A_167 = arith.constant 0 : i32
      %dma_start3A_168 = arith.constant 0 : i32
      %dma_start3A_169 = tpu.memref_slice %arg7[%dma_start3A_167, %dma_start3A_168] : memref<10000x64xf32, #tpu.memory_space<vmem_shared>> -> memref<10000x64xf32, #tpu.memory_space<vmem_shared>>
      tpu.enqueue_indirect_dma source(%dma_start3A_163 : memref<80x64xf32, #tpu.memory_space<vmem>>) target(%dma_start3A_169 : memref<10000x64xf32, #tpu.memory_space<vmem_shared>>) offsets(%dma_start3A_166 : memref<80xi32, #tpu.memory_space<vmem>>) semaphore(%arg14 : memref<!tpu.dma_semaphore, #tpu.memory_space<semaphore_mem>>) {add = true}
      %mul3A_170 = arith.constant 5 : i32
      %mul3A_171 = arith.muli %add3A_124, %mul3A_170 : i32
      %add3A_172 = arith.constant 2 : i32
      %add3A_173 = arith.addi %mul3A_171, %add3A_172 : i32
      %dma_start3A_174 = arith.constant 160 : i32
      %dma_start3A_175 = arith.constant 0 : i32
      %dma_start3A_176 = tpu.memref_slice %arg10[%dma_start3A_174, %dma_start3A_175] : memref<400x64xf32, #tpu.memory_space<vmem>> -> memref<80x64xf32, #tpu.memory_space<vmem>>
      %dma_start3A_177 = arith.constant 0 : i32
      %dma_start3A_178 = tpu.memref_slice %arg8[%add3A_173, %dma_start3A_177] : memref<250x80xi32, #tpu.memory_space<vmem>> -> memref<1x80xi32, #tpu.memory_space<vmem>>
      %dma_start3A_179 = tpu.memref_squeeze %dma_start3A_178 : memref<1x80xi32, #tpu.memory_space<vmem>> -> memref<80xi32, #tpu.memory_space<vmem>>
      %dma_start3A_180 = arith.constant 0 : i32
      %dma_start3A_181 = arith.constant 0 : i32
      %dma_start3A_182 = tpu.memref_slice %arg7[%dma_start3A_180, %dma_start3A_181] : memref<10000x64xf32, #tpu.memory_space<vmem_shared>> -> memref<10000x64xf32, #tpu.memory_space<vmem_shared>>
      tpu.enqueue_indirect_dma source(%dma_start3A_176 : memref<80x64xf32, #tpu.memory_space<vmem>>) target(%dma_start3A_182 : memref<10000x64xf32, #tpu.memory_space<vmem_shared>>) offsets(%dma_start3A_179 : memref<80xi32, #tpu.memory_space<vmem>>) semaphore(%arg14 : memref<!tpu.dma_semaphore, #tpu.memory_space<semaphore_mem>>) {add = true}
      %mul3A_183 = arith.constant 5 : i32
      %mul3A_184 = arith.muli %add3A_124, %mul3A_183 : i32
      %add3A_185 = arith.constant 3 : i32
      %add3A_186 = arith.addi %mul3A_184, %add3A_185 : i32
      %dma_start3A_187 = arith.constant 240 : i32
      %dma_start3A_188 = arith.constant 0 : i32
      %dma_start3A_189 = tpu.memref_slice %arg10[%dma_start3A_187, %dma_start3A_188] : memref<400x64xf32, #tpu.memory_space<vmem>> -> memref<80x64xf32, #tpu.memory_space<vmem>>
      %dma_start3A_190 = arith.constant 0 : i32
      %dma_start3A_191 = tpu.memref_slice %arg8[%add3A_186, %dma_start3A_190] : memref<250x80xi32, #tpu.memory_space<vmem>> -> memref<1x80xi32, #tpu.memory_space<vmem>>
      %dma_start3A_192 = tpu.memref_squeeze %dma_start3A_191 : memref<1x80xi32, #tpu.memory_space<vmem>> -> memref<80xi32, #tpu.memory_space<vmem>>
      %dma_start3A_193 = arith.constant 0 : i32
      %dma_start3A_194 = arith.constant 0 : i32
      %dma_start3A_195 = tpu.memref_slice %arg7[%dma_start3A_193, %dma_start3A_194] : memref<10000x64xf32, #tpu.memory_space<vmem_shared>> -> memref<10000x64xf32, #tpu.memory_space<vmem_shared>>
      tpu.enqueue_indirect_dma source(%dma_start3A_189 : memref<80x64xf32, #tpu.memory_space<vmem>>) target(%dma_start3A_195 : memref<10000x64xf32, #tpu.memory_space<vmem_shared>>) offsets(%dma_start3A_192 : memref<80xi32, #tpu.memory_space<vmem>>) semaphore(%arg14 : memref<!tpu.dma_semaphore, #tpu.memory_space<semaphore_mem>>) {add = true}
      %mul3A_196 = arith.constant 5 : i32
      %mul3A_197 = arith.muli %add3A_124, %mul3A_196 : i32
      %add3A_198 = arith.constant 4 : i32
      %add3A_199 = arith.addi %mul3A_197, %add3A_198 : i32
      %dma_start3A_200 = arith.constant 320 : i32
      %dma_start3A_201 = arith.constant 0 : i32
      %dma_start3A_202 = tpu.memref_slice %arg10[%dma_start3A_200, %dma_start3A_201] : memref<400x64xf32, #tpu.memory_space<vmem>> -> memref<80x64xf32, #tpu.memory_space<vmem>>
      %dma_start3A_203 = arith.constant 0 : i32
      %dma_start3A_204 = tpu.memref_slice %arg8[%add3A_199, %dma_start3A_203] : memref<250x80xi32, #tpu.memory_space<vmem>> -> memref<1x80xi32, #tpu.memory_space<vmem>>
      %dma_start3A_205 = tpu.memref_squeeze %dma_start3A_204 : memref<1x80xi32, #tpu.memory_space<vmem>> -> memref<80xi32, #tpu.memory_space<vmem>>
      %dma_start3A_206 = arith.constant 0 : i32
      %dma_start3A_207 = arith.constant 0 : i32
      %dma_start3A_208 = tpu.memref_slice %arg7[%dma_start3A_206, %dma_start3A_207] : memref<10000x64xf32, #tpu.memory_space<vmem_shared>> -> memref<10000x64xf32, #tpu.memory_space<vmem_shared>>
      tpu.enqueue_indirect_dma source(%dma_start3A_202 : memref<80x64xf32, #tpu.memory_space<vmem>>) target(%dma_start3A_208 : memref<10000x64xf32, #tpu.memory_space<vmem_shared>>) offsets(%dma_start3A_205 : memref<80xi32, #tpu.memory_space<vmem>>) semaphore(%arg14 : memref<!tpu.dma_semaphore, #tpu.memory_space<semaphore_mem>>) {add = true}
    }
    %scan3A_15 = arith.constant 25 : i32
    %mul3A_16 = arith.constant 20000 : i32
    %mul3A_17 = arith.muli %arg1, %mul3A_16 : i32
    %dma_wait3A = tpu.memref_slice %arg2[%mul3A_17, %mul3A_0] : memref<320000x128xf32, #tpu.memory_space<hbm>> -> memref<400x64xf32, #tpu.memory_space<hbm>>
    %dma_wait3A_18 = tpu.memref_slice %arg2[%mul3A_17, %mul3A_0] : memref<320000x128xf32, #tpu.memory_space<hbm>> -> memref<400x64xf32, #tpu.memory_space<hbm>>
    tpu.wait_dma2 semaphore(%arg14 : memref<!tpu.dma_semaphore, #tpu.memory_space<semaphore_mem>>) src(%dma_wait3A_18 : memref<400x64xf32, #tpu.memory_space<hbm>>) dst(%arg10 : memref<400x64xf32, #tpu.memory_space<vmem>>)
    %barrier3A_19 = arith.constant 0 : index
    tpu.barrier barrier_id(%barrier3A_19)
    %mul3A_20 = arith.constant 250 : i32
    %mul3A_21 = arith.muli %arg1, %mul3A_20 : i32
    "tpu.region"() ({
      %run_scoped3A = tpu.sem_alloc : memref<!tpu.dma_semaphore, #tpu.memory_space<semaphore_mem>>
      %dma_start3A_36 = arith.constant 0 : i32
      %dma_start3A_37 = tpu.memref_slice %arg4[%mul3A_21, %dma_start3A_36] : memref<4000x80xi32, #tpu.memory_space<hbm>> -> memref<250x80xi32, #tpu.memory_space<hbm>>
      %dma_start3A_38 = arith.constant 0 : i32
      %dma_start3A_39 = tpu.memref_slice %arg4[%mul3A_21, %dma_start3A_38] : memref<4000x80xi32, #tpu.memory_space<hbm>> -> memref<250x80xi32, #tpu.memory_space<hbm>>
      tpu.enqueue_dma source(%dma_start3A_39 : memref<250x80xi32, #tpu.memory_space<hbm>>) target(%arg8 : memref<250x80xi32, #tpu.memory_space<vmem>>) target_semaphore(%run_scoped3A : memref<!tpu.dma_semaphore, #tpu.memory_space<semaphore_mem>>)
      %dma_wait3A_40 = arith.constant 0 : i32
      %dma_wait3A_41 = tpu.memref_slice %arg4[%mul3A_21, %dma_wait3A_40] : memref<4000x80xi32, #tpu.memory_space<hbm>> -> memref<250x80xi32, #tpu.memory_space<hbm>>
      %dma_wait3A_42 = arith.constant 0 : i32
      %dma_wait3A_43 = tpu.memref_slice %arg4[%mul3A_21, %dma_wait3A_42] : memref<4000x80xi32, #tpu.memory_space<hbm>> -> memref<250x80xi32, #tpu.memory_space<hbm>>
      tpu.wait_dma2 semaphore(%run_scoped3A : memref<!tpu.dma_semaphore, #tpu.memory_space<semaphore_mem>>) src(%dma_wait3A_43 : memref<250x80xi32, #tpu.memory_space<hbm>>) dst(%arg8 : memref<250x80xi32, #tpu.memory_space<vmem>>)
      tpu.yield
    }) : () -> ()
    %scan3A_22 = arith.constant 0 : i32
    %scan3A_23 = arith.constant 0 : i32
    %scan3A_24 = arith.constant 25 : i32
    %scan3A_25 = arith.addi %scan3A_23, %scan3A_24 : i32
    %scan3A_26 = arith.constant 1 : i32
    scf.for %scan3A_36 = %scan3A_23 to %scan3A_25 step %scan3A_26  : i32 {
      %mul3A_37 = arith.constant 2 : i32
      %mul3A_38 = arith.muli %scan3A_36, %mul3A_37 : i32
      %add3A_39 = arith.constant 0 : i32
      %add3A_40 = arith.addi %mul3A_38, %add3A_39 : i32
      %mul3A_41 = arith.constant 20000 : i32
      %mul3A_42 = arith.muli %arg1, %mul3A_41 : i32
      %mul3A_43 = arith.constant 400 : i32
      %mul3A_44 = arith.muli %add3A_40, %mul3A_43 : i32
      %add3A_45 = arith.addi %mul3A_42, %mul3A_44 : i32
      %ge3A = arith.constant 1 : i32
      %ge3A_46 = arith.cmpi sge, %scan3A_36, %ge3A : i32
      %convert_element_type3A = arith.extui %ge3A_46 : i1 to i32
      %cond3A = arith.constant 0 : i32
      %cond3A_47 = arith.cmpi ne, %convert_element_type3A, %cond3A : i32
      scf.if %cond3A_47 {
        %dma_wait3A_208 = tpu.memref_slice %arg6[%add3A_45, %mul3A_0] : memref<320000x128xf32, #tpu.memory_space<hbm>> -> memref<400x64xf32, #tpu.memory_space<hbm>>
        %dma_wait3A_209 = tpu.memref_slice %arg6[%add3A_45, %mul3A_0] : memref<320000x128xf32, #tpu.memory_space<hbm>> -> memref<400x64xf32, #tpu.memory_space<hbm>>
        tpu.wait_dma2 semaphore(%arg11 : memref<!tpu.dma_semaphore, #tpu.memory_space<semaphore_mem>>) src(%arg9 : memref<400x64xf32, #tpu.memory_space<vmem>>) dst(%dma_wait3A_209 : memref<400x64xf32, #tpu.memory_space<hbm>>)
      } else {
      }
      %mul3A_48 = arith.constant 5 : i32
      %mul3A_49 = arith.muli %add3A_40, %mul3A_48 : i32
      %add3A_50 = arith.constant 0 : i32
      %add3A_51 = arith.addi %mul3A_49, %add3A_50 : i32
      %dma_start3A_52 = arith.constant 0 : i32
      %dma_start3A_53 = arith.constant 0 : i32
      %dma_start3A_54 = tpu.memref_slice %arg9[%dma_start3A_52, %dma_start3A_53] : memref<400x64xf32, #tpu.memory_space<vmem>> -> memref<80x64xf32, #tpu.memory_space<vmem>>
      %dma_start3A_55 = arith.constant 0 : i32
      %dma_start3A_56 = tpu.memref_slice %arg8[%add3A_51, %dma_start3A_55] : memref<250x80xi32, #tpu.memory_space<vmem>> -> memref<1x80xi32, #tpu.memory_space<vmem>>
      %dma_start3A_57 = tpu.memref_squeeze %dma_start3A_56 : memref<1x80xi32, #tpu.memory_space<vmem>> -> memref<80xi32, #tpu.memory_space<vmem>>
      %dma_start3A_58 = arith.constant 0 : i32
      %dma_start3A_59 = arith.constant 0 : i32
      %dma_start3A_60 = tpu.memref_slice %arg7[%dma_start3A_58, %dma_start3A_59] : memref<10000x64xf32, #tpu.memory_space<vmem_shared>> -> memref<10000x64xf32, #tpu.memory_space<vmem_shared>>
      tpu.enqueue_indirect_dma source(%dma_start3A_60 : memref<10000x64xf32, #tpu.memory_space<vmem_shared>>) target(%dma_start3A_54 : memref<80x64xf32, #tpu.memory_space<vmem>>) offsets(%dma_start3A_57 : memref<80xi32, #tpu.memory_space<vmem>>) semaphore(%arg13 : memref<!tpu.dma_semaphore, #tpu.memory_space<semaphore_mem>>)
      %mul3A_61 = arith.constant 5 : i32
      %mul3A_62 = arith.muli %add3A_40, %mul3A_61 : i32
      %add3A_63 = arith.constant 1 : i32
      %add3A_64 = arith.addi %mul3A_62, %add3A_63 : i32
      %dma_start3A_65 = arith.constant 80 : i32
      %dma_start3A_66 = arith.constant 0 : i32
      %dma_start3A_67 = tpu.memref_slice %arg9[%dma_start3A_65, %dma_start3A_66] : memref<400x64xf32, #tpu.memory_space<vmem>> -> memref<80x64xf32, #tpu.memory_space<vmem>>
      %dma_start3A_68 = arith.constant 0 : i32
      %dma_start3A_69 = tpu.memref_slice %arg8[%add3A_64, %dma_start3A_68] : memref<250x80xi32, #tpu.memory_space<vmem>> -> memref<1x80xi32, #tpu.memory_space<vmem>>
      %dma_start3A_70 = tpu.memref_squeeze %dma_start3A_69 : memref<1x80xi32, #tpu.memory_space<vmem>> -> memref<80xi32, #tpu.memory_space<vmem>>
      %dma_start3A_71 = arith.constant 0 : i32
      %dma_start3A_72 = arith.constant 0 : i32
      %dma_start3A_73 = tpu.memref_slice %arg7[%dma_start3A_71, %dma_start3A_72] : memref<10000x64xf32, #tpu.memory_space<vmem_shared>> -> memref<10000x64xf32, #tpu.memory_space<vmem_shared>>
      tpu.enqueue_indirect_dma source(%dma_start3A_73 : memref<10000x64xf32, #tpu.memory_space<vmem_shared>>) target(%dma_start3A_67 : memref<80x64xf32, #tpu.memory_space<vmem>>) offsets(%dma_start3A_70 : memref<80xi32, #tpu.memory_space<vmem>>) semaphore(%arg13 : memref<!tpu.dma_semaphore, #tpu.memory_space<semaphore_mem>>)
      %mul3A_74 = arith.constant 5 : i32
      %mul3A_75 = arith.muli %add3A_40, %mul3A_74 : i32
      %add3A_76 = arith.constant 2 : i32
      %add3A_77 = arith.addi %mul3A_75, %add3A_76 : i32
      %dma_start3A_78 = arith.constant 160 : i32
      %dma_start3A_79 = arith.constant 0 : i32
      %dma_start3A_80 = tpu.memref_slice %arg9[%dma_start3A_78, %dma_start3A_79] : memref<400x64xf32, #tpu.memory_space<vmem>> -> memref<80x64xf32, #tpu.memory_space<vmem>>
      %dma_start3A_81 = arith.constant 0 : i32
      %dma_start3A_82 = tpu.memref_slice %arg8[%add3A_77, %dma_start3A_81] : memref<250x80xi32, #tpu.memory_space<vmem>> -> memref<1x80xi32, #tpu.memory_space<vmem>>
      %dma_start3A_83 = tpu.memref_squeeze %dma_start3A_82 : memref<1x80xi32, #tpu.memory_space<vmem>> -> memref<80xi32, #tpu.memory_space<vmem>>
      %dma_start3A_84 = arith.constant 0 : i32
      %dma_start3A_85 = arith.constant 0 : i32
      %dma_start3A_86 = tpu.memref_slice %arg7[%dma_start3A_84, %dma_start3A_85] : memref<10000x64xf32, #tpu.memory_space<vmem_shared>> -> memref<10000x64xf32, #tpu.memory_space<vmem_shared>>
      tpu.enqueue_indirect_dma source(%dma_start3A_86 : memref<10000x64xf32, #tpu.memory_space<vmem_shared>>) target(%dma_start3A_80 : memref<80x64xf32, #tpu.memory_space<vmem>>) offsets(%dma_start3A_83 : memref<80xi32, #tpu.memory_space<vmem>>) semaphore(%arg13 : memref<!tpu.dma_semaphore, #tpu.memory_space<semaphore_mem>>)
      %mul3A_87 = arith.constant 5 : i32
      %mul3A_88 = arith.muli %add3A_40, %mul3A_87 : i32
      %add3A_89 = arith.constant 3 : i32
      %add3A_90 = arith.addi %mul3A_88, %add3A_89 : i32
      %dma_start3A_91 = arith.constant 240 : i32
      %dma_start3A_92 = arith.constant 0 : i32
      %dma_start3A_93 = tpu.memref_slice %arg9[%dma_start3A_91, %dma_start3A_92] : memref<400x64xf32, #tpu.memory_space<vmem>> -> memref<80x64xf32, #tpu.memory_space<vmem>>
      %dma_start3A_94 = arith.constant 0 : i32
      %dma_start3A_95 = tpu.memref_slice %arg8[%add3A_90, %dma_start3A_94] : memref<250x80xi32, #tpu.memory_space<vmem>> -> memref<1x80xi32, #tpu.memory_space<vmem>>
      %dma_start3A_96 = tpu.memref_squeeze %dma_start3A_95 : memref<1x80xi32, #tpu.memory_space<vmem>> -> memref<80xi32, #tpu.memory_space<vmem>>
      %dma_start3A_97 = arith.constant 0 : i32
      %dma_start3A_98 = arith.constant 0 : i32
      %dma_start3A_99 = tpu.memref_slice %arg7[%dma_start3A_97, %dma_start3A_98] : memref<10000x64xf32, #tpu.memory_space<vmem_shared>> -> memref<10000x64xf32, #tpu.memory_space<vmem_shared>>
      tpu.enqueue_indirect_dma source(%dma_start3A_99 : memref<10000x64xf32, #tpu.memory_space<vmem_shared>>) target(%dma_start3A_93 : memref<80x64xf32, #tpu.memory_space<vmem>>) offsets(%dma_start3A_96 : memref<80xi32, #tpu.memory_space<vmem>>) semaphore(%arg13 : memref<!tpu.dma_semaphore, #tpu.memory_space<semaphore_mem>>)
      %mul3A_100 = arith.constant 5 : i32
      %mul3A_101 = arith.muli %add3A_40, %mul3A_100 : i32
      %add3A_102 = arith.constant 4 : i32
      %add3A_103 = arith.addi %mul3A_101, %add3A_102 : i32
      %dma_start3A_104 = arith.constant 320 : i32
      %dma_start3A_105 = arith.constant 0 : i32
      %dma_start3A_106 = tpu.memref_slice %arg9[%dma_start3A_104, %dma_start3A_105] : memref<400x64xf32, #tpu.memory_space<vmem>> -> memref<80x64xf32, #tpu.memory_space<vmem>>
      %dma_start3A_107 = arith.constant 0 : i32
      %dma_start3A_108 = tpu.memref_slice %arg8[%add3A_103, %dma_start3A_107] : memref<250x80xi32, #tpu.memory_space<vmem>> -> memref<1x80xi32, #tpu.memory_space<vmem>>
      %dma_start3A_109 = tpu.memref_squeeze %dma_start3A_108 : memref<1x80xi32, #tpu.memory_space<vmem>> -> memref<80xi32, #tpu.memory_space<vmem>>
      %dma_start3A_110 = arith.constant 0 : i32
      %dma_start3A_111 = arith.constant 0 : i32
      %dma_start3A_112 = tpu.memref_slice %arg7[%dma_start3A_110, %dma_start3A_111] : memref<10000x64xf32, #tpu.memory_space<vmem_shared>> -> memref<10000x64xf32, #tpu.memory_space<vmem_shared>>
      tpu.enqueue_indirect_dma source(%dma_start3A_112 : memref<10000x64xf32, #tpu.memory_space<vmem_shared>>) target(%dma_start3A_106 : memref<80x64xf32, #tpu.memory_space<vmem>>) offsets(%dma_start3A_109 : memref<80xi32, #tpu.memory_space<vmem>>) semaphore(%arg13 : memref<!tpu.dma_semaphore, #tpu.memory_space<semaphore_mem>>)
      %dma_wait3A_113 = arith.constant 0 : i32
      %dma_wait3A_114 = arith.constant 0 : i32
      %dma_wait3A_115 = tpu.memref_slice %arg2[%dma_wait3A_113, %dma_wait3A_114] : memref<320000x128xf32, #tpu.memory_space<hbm>> -> memref<400x64xf32, #tpu.memory_space<hbm>>
      %dma_wait3A_116 = arith.constant 0 : i32
      %dma_wait3A_117 = arith.constant 0 : i32
      %dma_wait3A_118 = tpu.memref_slice %arg2[%dma_wait3A_116, %dma_wait3A_117] : memref<320000x128xf32, #tpu.memory_space<hbm>> -> memref<400x64xf32, #tpu.memory_space<hbm>>
      tpu.wait_dma2 semaphore(%arg13 : memref<!tpu.dma_semaphore, #tpu.memory_space<semaphore_mem>>) src(%dma_wait3A_118 : memref<400x64xf32, #tpu.memory_space<hbm>>) dst(%arg9 : memref<400x64xf32, #tpu.memory_space<vmem>>)
      %dma_start3A_119 = tpu.memref_slice %arg6[%add3A_45, %mul3A_0] : memref<320000x128xf32, #tpu.memory_space<hbm>> -> memref<400x64xf32, #tpu.memory_space<hbm>>
      %dma_start3A_120 = tpu.memref_slice %arg6[%add3A_45, %mul3A_0] : memref<320000x128xf32, #tpu.memory_space<hbm>> -> memref<400x64xf32, #tpu.memory_space<hbm>>
      tpu.enqueue_dma source(%arg9 : memref<400x64xf32, #tpu.memory_space<vmem>>) target(%dma_start3A_120 : memref<400x64xf32, #tpu.memory_space<hbm>>) target_semaphore(%arg11 : memref<!tpu.dma_semaphore, #tpu.memory_space<semaphore_mem>>)
      %mul3A_121 = arith.constant 2 : i32
      %mul3A_122 = arith.muli %scan3A_36, %mul3A_121 : i32
      %add3A_123 = arith.constant 1 : i32
      %add3A_124 = arith.addi %mul3A_122, %add3A_123 : i32
      %mul3A_125 = arith.constant 20000 : i32
      %mul3A_126 = arith.muli %arg1, %mul3A_125 : i32
      %mul3A_127 = arith.constant 400 : i32
      %mul3A_128 = arith.muli %add3A_124, %mul3A_127 : i32
      %add3A_129 = arith.addi %mul3A_126, %mul3A_128 : i32
      %ge3A_130 = arith.constant 1 : i32
      %ge3A_131 = arith.cmpi sge, %scan3A_36, %ge3A_130 : i32
      %convert_element_type3A_132 = arith.extui %ge3A_131 : i1 to i32
      %cond3A_133 = arith.constant 0 : i32
      %cond3A_134 = arith.cmpi ne, %convert_element_type3A_132, %cond3A_133 : i32
      scf.if %cond3A_134 {
        %dma_wait3A_208 = tpu.memref_slice %arg6[%add3A_129, %mul3A_0] : memref<320000x128xf32, #tpu.memory_space<hbm>> -> memref<400x64xf32, #tpu.memory_space<hbm>>
        %dma_wait3A_209 = tpu.memref_slice %arg6[%add3A_129, %mul3A_0] : memref<320000x128xf32, #tpu.memory_space<hbm>> -> memref<400x64xf32, #tpu.memory_space<hbm>>
        tpu.wait_dma2 semaphore(%arg12 : memref<!tpu.dma_semaphore, #tpu.memory_space<semaphore_mem>>) src(%arg10 : memref<400x64xf32, #tpu.memory_space<vmem>>) dst(%dma_wait3A_209 : memref<400x64xf32, #tpu.memory_space<hbm>>)
      } else {
      }
      %mul3A_135 = arith.constant 5 : i32
      %mul3A_136 = arith.muli %add3A_124, %mul3A_135 : i32
      %add3A_137 = arith.constant 0 : i32
      %add3A_138 = arith.addi %mul3A_136, %add3A_137 : i32
      %dma_start3A_139 = arith.constant 0 : i32
      %dma_start3A_140 = arith.constant 0 : i32
      %dma_start3A_141 = tpu.memref_slice %arg10[%dma_start3A_139, %dma_start3A_140] : memref<400x64xf32, #tpu.memory_space<vmem>> -> memref<80x64xf32, #tpu.memory_space<vmem>>
      %dma_start3A_142 = arith.constant 0 : i32
      %dma_start3A_143 = tpu.memref_slice %arg8[%add3A_138, %dma_start3A_142] : memref<250x80xi32, #tpu.memory_space<vmem>> -> memref<1x80xi32, #tpu.memory_space<vmem>>
      %dma_start3A_144 = tpu.memref_squeeze %dma_start3A_143 : memref<1x80xi32, #tpu.memory_space<vmem>> -> memref<80xi32, #tpu.memory_space<vmem>>
      %dma_start3A_145 = arith.constant 0 : i32
      %dma_start3A_146 = arith.constant 0 : i32
      %dma_start3A_147 = tpu.memref_slice %arg7[%dma_start3A_145, %dma_start3A_146] : memref<10000x64xf32, #tpu.memory_space<vmem_shared>> -> memref<10000x64xf32, #tpu.memory_space<vmem_shared>>
      tpu.enqueue_indirect_dma source(%dma_start3A_147 : memref<10000x64xf32, #tpu.memory_space<vmem_shared>>) target(%dma_start3A_141 : memref<80x64xf32, #tpu.memory_space<vmem>>) offsets(%dma_start3A_144 : memref<80xi32, #tpu.memory_space<vmem>>) semaphore(%arg14 : memref<!tpu.dma_semaphore, #tpu.memory_space<semaphore_mem>>)
      %mul3A_148 = arith.constant 5 : i32
      %mul3A_149 = arith.muli %add3A_124, %mul3A_148 : i32
      %add3A_150 = arith.constant 1 : i32
      %add3A_151 = arith.addi %mul3A_149, %add3A_150 : i32
      %dma_start3A_152 = arith.constant 80 : i32
      %dma_start3A_153 = arith.constant 0 : i32
      %dma_start3A_154 = tpu.memref_slice %arg10[%dma_start3A_152, %dma_start3A_153] : memref<400x64xf32, #tpu.memory_space<vmem>> -> memref<80x64xf32, #tpu.memory_space<vmem>>
      %dma_start3A_155 = arith.constant 0 : i32
      %dma_start3A_156 = tpu.memref_slice %arg8[%add3A_151, %dma_start3A_155] : memref<250x80xi32, #tpu.memory_space<vmem>> -> memref<1x80xi32, #tpu.memory_space<vmem>>
      %dma_start3A_157 = tpu.memref_squeeze %dma_start3A_156 : memref<1x80xi32, #tpu.memory_space<vmem>> -> memref<80xi32, #tpu.memory_space<vmem>>
      %dma_start3A_158 = arith.constant 0 : i32
      %dma_start3A_159 = arith.constant 0 : i32
      %dma_start3A_160 = tpu.memref_slice %arg7[%dma_start3A_158, %dma_start3A_159] : memref<10000x64xf32, #tpu.memory_space<vmem_shared>> -> memref<10000x64xf32, #tpu.memory_space<vmem_shared>>
      tpu.enqueue_indirect_dma source(%dma_start3A_160 : memref<10000x64xf32, #tpu.memory_space<vmem_shared>>) target(%dma_start3A_154 : memref<80x64xf32, #tpu.memory_space<vmem>>) offsets(%dma_start3A_157 : memref<80xi32, #tpu.memory_space<vmem>>) semaphore(%arg14 : memref<!tpu.dma_semaphore, #tpu.memory_space<semaphore_mem>>)
      %mul3A_161 = arith.constant 5 : i32
      %mul3A_162 = arith.muli %add3A_124, %mul3A_161 : i32
      %add3A_163 = arith.constant 2 : i32
      %add3A_164 = arith.addi %mul3A_162, %add3A_163 : i32
      %dma_start3A_165 = arith.constant 160 : i32
      %dma_start3A_166 = arith.constant 0 : i32
      %dma_start3A_167 = tpu.memref_slice %arg10[%dma_start3A_165, %dma_start3A_166] : memref<400x64xf32, #tpu.memory_space<vmem>> -> memref<80x64xf32, #tpu.memory_space<vmem>>
      %dma_start3A_168 = arith.constant 0 : i32
      %dma_start3A_169 = tpu.memref_slice %arg8[%add3A_164, %dma_start3A_168] : memref<250x80xi32, #tpu.memory_space<vmem>> -> memref<1x80xi32, #tpu.memory_space<vmem>>
      %dma_start3A_170 = tpu.memref_squeeze %dma_start3A_169 : memref<1x80xi32, #tpu.memory_space<vmem>> -> memref<80xi32, #tpu.memory_space<vmem>>
      %dma_start3A_171 = arith.constant 0 : i32
      %dma_start3A_172 = arith.constant 0 : i32
      %dma_start3A_173 = tpu.memref_slice %arg7[%dma_start3A_171, %dma_start3A_172] : memref<10000x64xf32, #tpu.memory_space<vmem_shared>> -> memref<10000x64xf32, #tpu.memory_space<vmem_shared>>
      tpu.enqueue_indirect_dma source(%dma_start3A_173 : memref<10000x64xf32, #tpu.memory_space<vmem_shared>>) target(%dma_start3A_167 : memref<80x64xf32, #tpu.memory_space<vmem>>) offsets(%dma_start3A_170 : memref<80xi32, #tpu.memory_space<vmem>>) semaphore(%arg14 : memref<!tpu.dma_semaphore, #tpu.memory_space<semaphore_mem>>)
      %mul3A_174 = arith.constant 5 : i32
      %mul3A_175 = arith.muli %add3A_124, %mul3A_174 : i32
      %add3A_176 = arith.constant 3 : i32
      %add3A_177 = arith.addi %mul3A_175, %add3A_176 : i32
      %dma_start3A_178 = arith.constant 240 : i32
      %dma_start3A_179 = arith.constant 0 : i32
      %dma_start3A_180 = tpu.memref_slice %arg10[%dma_start3A_178, %dma_start3A_179] : memref<400x64xf32, #tpu.memory_space<vmem>> -> memref<80x64xf32, #tpu.memory_space<vmem>>
      %dma_start3A_181 = arith.constant 0 : i32
      %dma_start3A_182 = tpu.memref_slice %arg8[%add3A_177, %dma_start3A_181] : memref<250x80xi32, #tpu.memory_space<vmem>> -> memref<1x80xi32, #tpu.memory_space<vmem>>
      %dma_start3A_183 = tpu.memref_squeeze %dma_start3A_182 : memref<1x80xi32, #tpu.memory_space<vmem>> -> memref<80xi32, #tpu.memory_space<vmem>>
      %dma_start3A_184 = arith.constant 0 : i32
      %dma_start3A_185 = arith.constant 0 : i32
      %dma_start3A_186 = tpu.memref_slice %arg7[%dma_start3A_184, %dma_start3A_185] : memref<10000x64xf32, #tpu.memory_space<vmem_shared>> -> memref<10000x64xf32, #tpu.memory_space<vmem_shared>>
      tpu.enqueue_indirect_dma source(%dma_start3A_186 : memref<10000x64xf32, #tpu.memory_space<vmem_shared>>) target(%dma_start3A_180 : memref<80x64xf32, #tpu.memory_space<vmem>>) offsets(%dma_start3A_183 : memref<80xi32, #tpu.memory_space<vmem>>) semaphore(%arg14 : memref<!tpu.dma_semaphore, #tpu.memory_space<semaphore_mem>>)
      %mul3A_187 = arith.constant 5 : i32
      %mul3A_188 = arith.muli %add3A_124, %mul3A_187 : i32
      %add3A_189 = arith.constant 4 : i32
      %add3A_190 = arith.addi %mul3A_188, %add3A_189 : i32
      %dma_start3A_191 = arith.constant 320 : i32
      %dma_start3A_192 = arith.constant 0 : i32
      %dma_start3A_193 = tpu.memref_slice %arg10[%dma_start3A_191, %dma_start3A_192] : memref<400x64xf32, #tpu.memory_space<vmem>> -> memref<80x64xf32, #tpu.memory_space<vmem>>
      %dma_start3A_194 = arith.constant 0 : i32
      %dma_start3A_195 = tpu.memref_slice %arg8[%add3A_190, %dma_start3A_194] : memref<250x80xi32, #tpu.memory_space<vmem>> -> memref<1x80xi32, #tpu.memory_space<vmem>>
      %dma_start3A_196 = tpu.memref_squeeze %dma_start3A_195 : memref<1x80xi32, #tpu.memory_space<vmem>> -> memref<80xi32, #tpu.memory_space<vmem>>
      %dma_start3A_197 = arith.constant 0 : i32
      %dma_start3A_198 = arith.constant 0 : i32
      %dma_start3A_199 = tpu.memref_slice %arg7[%dma_start3A_197, %dma_start3A_198] : memref<10000x64xf32, #tpu.memory_space<vmem_shared>> -> memref<10000x64xf32, #tpu.memory_space<vmem_shared>>
      tpu.enqueue_indirect_dma source(%dma_start3A_199 : memref<10000x64xf32, #tpu.memory_space<vmem_shared>>) target(%dma_start3A_193 : memref<80x64xf32, #tpu.memory_space<vmem>>) offsets(%dma_start3A_196 : memref<80xi32, #tpu.memory_space<vmem>>) semaphore(%arg14 : memref<!tpu.dma_semaphore, #tpu.memory_space<semaphore_mem>>)
      %dma_wait3A_200 = arith.constant 0 : i32
      %dma_wait3A_201 = arith.constant 0 : i32
      %dma_wait3A_202 = tpu.memref_slice %arg2[%dma_wait3A_200, %dma_wait3A_201] : memref<320000x128xf32, #tpu.memory_space<hbm>> -> memref<400x64xf32, #tpu.memory_space<hbm>>
      %dma_wait3A_203 = arith.constant 0 : i32
      %dma_wait3A_204 = arith.constant 0 : i32
      %dma_wait3A_205 = tpu.memref_slice %arg2[%dma_wait3A_203, %dma_wait3A_204] : memref<320000x128xf32, #tpu.memory_space<hbm>> -> memref<400x64xf32, #tpu.memory_space<hbm>>
      tpu.wait_dma2 semaphore(%arg14 : memref<!tpu.dma_semaphore, #tpu.memory_space<semaphore_mem>>) src(%dma_wait3A_205 : memref<400x64xf32, #tpu.memory_space<hbm>>) dst(%arg10 : memref<400x64xf32, #tpu.memory_space<vmem>>)
      %dma_start3A_206 = tpu.memref_slice %arg6[%add3A_129, %mul3A_0] : memref<320000x128xf32, #tpu.memory_space<hbm>> -> memref<400x64xf32, #tpu.memory_space<hbm>>
      %dma_start3A_207 = tpu.memref_slice %arg6[%add3A_129, %mul3A_0] : memref<320000x128xf32, #tpu.memory_space<hbm>> -> memref<400x64xf32, #tpu.memory_space<hbm>>
      tpu.enqueue_dma source(%arg10 : memref<400x64xf32, #tpu.memory_space<vmem>>) target(%dma_start3A_207 : memref<400x64xf32, #tpu.memory_space<hbm>>) target_semaphore(%arg12 : memref<!tpu.dma_semaphore, #tpu.memory_space<semaphore_mem>>)
    }
    %scan3A_27 = arith.constant 25 : i32
    %mul3A_28 = arith.constant 20000 : i32
    %mul3A_29 = arith.muli %arg1, %mul3A_28 : i32
    %dma_wait3A_30 = tpu.memref_slice %arg6[%mul3A_29, %mul3A_0] : memref<320000x128xf32, #tpu.memory_space<hbm>> -> memref<400x64xf32, #tpu.memory_space<hbm>>
    %dma_wait3A_31 = tpu.memref_slice %arg6[%mul3A_29, %mul3A_0] : memref<320000x128xf32, #tpu.memory_space<hbm>> -> memref<400x64xf32, #tpu.memory_space<hbm>>
    tpu.wait_dma2 semaphore(%arg11 : memref<!tpu.dma_semaphore, #tpu.memory_space<semaphore_mem>>) src(%arg9 : memref<400x64xf32, #tpu.memory_space<vmem>>) dst(%dma_wait3A_31 : memref<400x64xf32, #tpu.memory_space<hbm>>)
    %mul3A_32 = arith.constant 20000 : i32
    %mul3A_33 = arith.muli %arg1, %mul3A_32 : i32
    %dma_wait3A_34 = tpu.memref_slice %arg6[%mul3A_33, %mul3A_0] : memref<320000x128xf32, #tpu.memory_space<hbm>> -> memref<400x64xf32, #tpu.memory_space<hbm>>
    %dma_wait3A_35 = tpu.memref_slice %arg6[%mul3A_33, %mul3A_0] : memref<320000x128xf32, #tpu.memory_space<hbm>> -> memref<400x64xf32, #tpu.memory_space<hbm>>
    tpu.wait_dma2 semaphore(%arg12 : memref<!tpu.dma_semaphore, #tpu.memory_space<semaphore_mem>>) src(%arg10 : memref<400x64xf32, #tpu.memory_space<vmem>>) dst(%dma_wait3A_35 : memref<400x64xf32, #tpu.memory_space<hbm>>)
    return
  }
}

#map = affine_map<(d0, d1) -> (0, 0)>
module attributes {stable_mosaic.version = 14 : i64} {
  func.func @sc_seg_gather(%arg0: i32, %arg1: i32, %arg2: memref<320000x128xf32, #tpu.memory_space<hbm>>, %arg3: memref<4000x80xi32, #tpu.memory_space<hbm>>, %arg4: memref<4000x80xi32, #tpu.memory_space<hbm>>, %arg5: memref<400x64xf32, #tpu.memory_space<hbm>>, %arg6: memref<320000x128xf32, #tpu.memory_space<hbm>>, %arg7: memref<10000x64xf32, #tpu.memory_space<vmem_shared>>, %arg8: memref<250x80xi32, #tpu.memory_space<vmem>>, %arg9: memref<400x64xf32, #tpu.memory_space<vmem>>, %arg10: memref<400x64xf32, #tpu.memory_space<vmem>>, %arg11: memref<!tpu.dma_semaphore, #tpu.memory_space<semaphore_mem>>, %arg12: memref<!tpu.dma_semaphore, #tpu.memory_space<semaphore_mem>>, %arg13: memref<!tpu.dma_semaphore, #tpu.memory_space<semaphore_mem>>, %arg14: memref<!tpu.dma_semaphore, #tpu.memory_space<semaphore_mem>>) attributes {dimension_semantics = [#tpu.dimension_semantics<core_parallel>, #tpu.dimension_semantics<subcore_parallel>], iteration_bounds = array<i64: 2, 16>, scalar_prefetch = 0 : i64, scratch_operands = 8 : i64, tpu.core_type = #tpu.core_type<sc_vector_subcore>, window_params = [{transform_indices = #map}, {transform_indices = #map}, {transform_indices = #map}, {transform_indices = #map}, {transform_indices = #map}]} {
    %mul3A = arith.constant 64 : i32
    %mul3A_0 = arith.muli %arg0, %mul3A : i32
    %mul3A_1 = arith.constant 250 : i32
    %mul3A_2 = arith.muli %arg1, %mul3A_1 : i32
    "tpu.region"() ({
      %run_scoped3A = tpu.sem_alloc : memref<!tpu.dma_semaphore, #tpu.memory_space<semaphore_mem>>
      %dma_start3A_36 = arith.constant 0 : i32
      %dma_start3A_37 = tpu.memref_slice %arg3[%mul3A_2, %dma_start3A_36] : memref<4000x80xi32, #tpu.memory_space<hbm>> -> memref<250x80xi32, #tpu.memory_space<hbm>>
      %dma_start3A_38 = arith.constant 0 : i32
      %dma_start3A_39 = tpu.memref_slice %arg3[%mul3A_2, %dma_start3A_38] : memref<4000x80xi32, #tpu.memory_space<hbm>> -> memref<250x80xi32, #tpu.memory_space<hbm>>
      tpu.enqueue_dma source(%dma_start3A_39 : memref<250x80xi32, #tpu.memory_space<hbm>>) target(%arg8 : memref<250x80xi32, #tpu.memory_space<vmem>>) target_semaphore(%run_scoped3A : memref<!tpu.dma_semaphore, #tpu.memory_space<semaphore_mem>>)
      %dma_wait3A_40 = arith.constant 0 : i32
      %dma_wait3A_41 = tpu.memref_slice %arg3[%mul3A_2, %dma_wait3A_40] : memref<4000x80xi32, #tpu.memory_space<hbm>> -> memref<250x80xi32, #tpu.memory_space<hbm>>
      %dma_wait3A_42 = arith.constant 0 : i32
      %dma_wait3A_43 = tpu.memref_slice %arg3[%mul3A_2, %dma_wait3A_42] : memref<4000x80xi32, #tpu.memory_space<hbm>> -> memref<250x80xi32, #tpu.memory_space<hbm>>
      tpu.wait_dma2 semaphore(%run_scoped3A : memref<!tpu.dma_semaphore, #tpu.memory_space<semaphore_mem>>) src(%dma_wait3A_43 : memref<250x80xi32, #tpu.memory_space<hbm>>) dst(%arg8 : memref<250x80xi32, #tpu.memory_space<vmem>>)
      tpu.yield
    }) : () -> ()
    %mul3A_3 = arith.constant 20000 : i32
    %mul3A_4 = arith.muli %arg1, %mul3A_3 : i32
    %dma_start3A = tpu.memref_slice %arg2[%mul3A_4, %mul3A_0] : memref<320000x128xf32, #tpu.memory_space<hbm>> -> memref<400x64xf32, #tpu.memory_space<hbm>>
    %dma_start3A_5 = tpu.memref_slice %arg2[%mul3A_4, %mul3A_0] : memref<320000x128xf32, #tpu.memory_space<hbm>> -> memref<400x64xf32, #tpu.memory_space<hbm>>
    tpu.enqueue_dma source(%dma_start3A_5 : memref<400x64xf32, #tpu.memory_space<hbm>>) target(%arg9 : memref<400x64xf32, #tpu.memory_space<vmem>>) target_semaphore(%arg11 : memref<!tpu.dma_semaphore, #tpu.memory_space<semaphore_mem>>)
    "tpu.region"() ({
      %run_scoped3A = tpu.sem_alloc : memref<!tpu.dma_semaphore, #tpu.memory_space<semaphore_mem>>
      tpu.enqueue_dma source(%arg5 : memref<400x64xf32, #tpu.memory_space<hbm>>) target(%arg10 : memref<400x64xf32, #tpu.memory_space<vmem>>) target_semaphore(%run_scoped3A : memref<!tpu.dma_semaphore, #tpu.memory_space<semaphore_mem>>)
      tpu.wait_dma2 semaphore(%run_scoped3A : memref<!tpu.dma_semaphore, #tpu.memory_space<semaphore_mem>>) src(%arg5 : memref<400x64xf32, #tpu.memory_space<hbm>>) dst(%arg10 : memref<400x64xf32, #tpu.memory_space<vmem>>)
      tpu.yield
    }) : () -> ()
    %mul3A_6 = arith.constant 625 : i32
    %mul3A_7 = arith.muli %arg1, %mul3A_6 : i32
    "tpu.region"() ({
      %run_scoped3A = tpu.sem_alloc : memref<!tpu.dma_semaphore, #tpu.memory_space<semaphore_mem>>
      %dma_start3A_36 = arith.constant 0 : i32
      %dma_start3A_37 = arith.constant 0 : i32
      %dma_start3A_38 = tpu.memref_slice %arg10[%dma_start3A_36, %dma_start3A_37] : memref<400x64xf32, #tpu.memory_space<vmem>> -> memref<400x64xf32, #tpu.memory_space<vmem>>
      %dma_start3A_39 = arith.constant 0 : i32
      %dma_start3A_40 = tpu.memref_slice %arg7[%mul3A_7, %dma_start3A_39] : memref<10000x64xf32, #tpu.memory_space<vmem_shared>> -> memref<400x64xf32, #tpu.memory_space<vmem_shared>>
      %dma_start3A_41 = arith.constant 0 : i32
      %dma_start3A_42 = tpu.memref_slice %arg7[%mul3A_7, %dma_start3A_41] : memref<10000x64xf32, #tpu.memory_space<vmem_shared>> -> memref<400x64xf32, #tpu.memory_space<vmem_shared>>
      %dma_start3A_43 = arith.constant 0 : i32
      %dma_start3A_44 = arith.constant 0 : i32
      %dma_start3A_45 = tpu.memref_slice %arg10[%dma_start3A_43, %dma_start3A_44] : memref<400x64xf32, #tpu.memory_space<vmem>> -> memref<400x64xf32, #tpu.memory_space<vmem>>
      tpu.enqueue_dma source(%dma_start3A_45 : memref<400x64xf32, #tpu.memory_space<vmem>>) target(%dma_start3A_42 : memref<400x64xf32, #tpu.memory_space<vmem_shared>>) target_semaphore(%run_scoped3A : memref<!tpu.dma_semaphore, #tpu.memory_space<semaphore_mem>>)
      %dma_wait3A_46 = arith.constant 0 : i32
      %dma_wait3A_47 = arith.constant 0 : i32
      %dma_wait3A_48 = tpu.memref_slice %arg10[%dma_wait3A_46, %dma_wait3A_47] : memref<400x64xf32, #tpu.memory_space<vmem>> -> memref<400x64xf32, #tpu.memory_space<vmem>>
      %dma_wait3A_49 = arith.constant 0 : i32
      %dma_wait3A_50 = tpu.memref_slice %arg7[%mul3A_7, %dma_wait3A_49] : memref<10000x64xf32, #tpu.memory_space<vmem_shared>> -> memref<400x64xf32, #tpu.memory_space<vmem_shared>>
      %dma_wait3A_51 = arith.constant 0 : i32
      %dma_wait3A_52 = tpu.memref_slice %arg7[%mul3A_7, %dma_wait3A_51] : memref<10000x64xf32, #tpu.memory_space<vmem_shared>> -> memref<400x64xf32, #tpu.memory_space<vmem_shared>>
      %dma_wait3A_53 = arith.constant 0 : i32
      %dma_wait3A_54 = arith.constant 0 : i32
      %dma_wait3A_55 = tpu.memref_slice %arg10[%dma_wait3A_53, %dma_wait3A_54] : memref<400x64xf32, #tpu.memory_space<vmem>> -> memref<400x64xf32, #tpu.memory_space<vmem>>
      tpu.wait_dma2 semaphore(%run_scoped3A : memref<!tpu.dma_semaphore, #tpu.memory_space<semaphore_mem>>) src(%dma_wait3A_55 : memref<400x64xf32, #tpu.memory_space<vmem>>) dst(%dma_wait3A_52 : memref<400x64xf32, #tpu.memory_space<vmem_shared>>)
      tpu.yield
    }) : () -> ()
    %mul3A_8 = arith.constant 625 : i32
    %mul3A_9 = arith.muli %arg1, %mul3A_8 : i32
    %add3A = arith.constant 400 : i32
    %add3A_10 = arith.addi %mul3A_9, %add3A : i32
    "tpu.region"() ({
      %run_scoped3A = tpu.sem_alloc : memref<!tpu.dma_semaphore, #tpu.memory_space<semaphore_mem>>
      %dma_start3A_36 = arith.constant 0 : i32
      %dma_start3A_37 = arith.constant 0 : i32
      %dma_start3A_38 = tpu.memref_slice %arg10[%dma_start3A_36, %dma_start3A_37] : memref<400x64xf32, #tpu.memory_space<vmem>> -> memref<225x64xf32, #tpu.memory_space<vmem>>
      %dma_start3A_39 = arith.constant 0 : i32
      %dma_start3A_40 = tpu.memref_slice %arg7[%add3A_10, %dma_start3A_39] : memref<10000x64xf32, #tpu.memory_space<vmem_shared>> -> memref<225x64xf32, #tpu.memory_space<vmem_shared>>
      %dma_start3A_41 = arith.constant 0 : i32
      %dma_start3A_42 = tpu.memref_slice %arg7[%add3A_10, %dma_start3A_41] : memref<10000x64xf32, #tpu.memory_space<vmem_shared>> -> memref<225x64xf32, #tpu.memory_space<vmem_shared>>
      %dma_start3A_43 = arith.constant 0 : i32
      %dma_start3A_44 = arith.constant 0 : i32
      %dma_start3A_45 = tpu.memref_slice %arg10[%dma_start3A_43, %dma_start3A_44] : memref<400x64xf32, #tpu.memory_space<vmem>> -> memref<225x64xf32, #tpu.memory_space<vmem>>
      tpu.enqueue_dma source(%dma_start3A_45 : memref<225x64xf32, #tpu.memory_space<vmem>>) target(%dma_start3A_42 : memref<225x64xf32, #tpu.memory_space<vmem_shared>>) target_semaphore(%run_scoped3A : memref<!tpu.dma_semaphore, #tpu.memory_space<semaphore_mem>>)
      %dma_wait3A_46 = arith.constant 0 : i32
      %dma_wait3A_47 = arith.constant 0 : i32
      %dma_wait3A_48 = tpu.memref_slice %arg10[%dma_wait3A_46, %dma_wait3A_47] : memref<400x64xf32, #tpu.memory_space<vmem>> -> memref<225x64xf32, #tpu.memory_space<vmem>>
      %dma_wait3A_49 = arith.constant 0 : i32
      %dma_wait3A_50 = tpu.memref_slice %arg7[%add3A_10, %dma_wait3A_49] : memref<10000x64xf32, #tpu.memory_space<vmem_shared>> -> memref<225x64xf32, #tpu.memory_space<vmem_shared>>
      %dma_wait3A_51 = arith.constant 0 : i32
      %dma_wait3A_52 = tpu.memref_slice %arg7[%add3A_10, %dma_wait3A_51] : memref<10000x64xf32, #tpu.memory_space<vmem_shared>> -> memref<225x64xf32, #tpu.memory_space<vmem_shared>>
      %dma_wait3A_53 = arith.constant 0 : i32
      %dma_wait3A_54 = arith.constant 0 : i32
      %dma_wait3A_55 = tpu.memref_slice %arg10[%dma_wait3A_53, %dma_wait3A_54] : memref<400x64xf32, #tpu.memory_space<vmem>> -> memref<225x64xf32, #tpu.memory_space<vmem>>
      tpu.wait_dma2 semaphore(%run_scoped3A : memref<!tpu.dma_semaphore, #tpu.memory_space<semaphore_mem>>) src(%dma_wait3A_55 : memref<225x64xf32, #tpu.memory_space<vmem>>) dst(%dma_wait3A_52 : memref<225x64xf32, #tpu.memory_space<vmem_shared>>)
      tpu.yield
    }) : () -> ()
    %barrier3A = arith.constant 0 : index
    tpu.barrier barrier_id(%barrier3A)
    %scan3A = arith.constant 0 : i32
    %scan3A_11 = arith.constant 0 : i32
    %scan3A_12 = arith.constant 25 : i32
    %scan3A_13 = arith.addi %scan3A_11, %scan3A_12 : i32
    %scan3A_14 = arith.constant 1 : i32
    scf.for %scan3A_36 = %scan3A_11 to %scan3A_13 step %scan3A_14  : i32 {
      %mul3A_37 = arith.constant 2 : i32
      %mul3A_38 = arith.muli %scan3A_36, %mul3A_37 : i32
      %add3A_39 = arith.constant 0 : i32
      %add3A_40 = arith.addi %mul3A_38, %add3A_39 : i32
      %mul3A_41 = arith.constant 20000 : i32
      %mul3A_42 = arith.muli %arg1, %mul3A_41 : i32
      %mul3A_43 = arith.constant 400 : i32
      %mul3A_44 = arith.muli %add3A_40, %mul3A_43 : i32
      %add3A_45 = arith.addi %mul3A_42, %mul3A_44 : i32
      %ge3A = arith.constant 1 : i32
      %ge3A_46 = arith.cmpi sge, %add3A_40, %ge3A : i32
      %convert_element_type3A = arith.extui %ge3A_46 : i1 to i32
      %cond3A = arith.constant 0 : i32
      %cond3A_47 = arith.cmpi ne, %convert_element_type3A, %cond3A : i32
      scf.if %cond3A_47 {
        %dma_wait3A_209 = tpu.memref_slice %arg2[%add3A_45, %mul3A_0] : memref<320000x128xf32, #tpu.memory_space<hbm>> -> memref<400x64xf32, #tpu.memory_space<hbm>>
        %dma_wait3A_210 = tpu.memref_slice %arg2[%add3A_45, %mul3A_0] : memref<320000x128xf32, #tpu.memory_space<hbm>> -> memref<400x64xf32, #tpu.memory_space<hbm>>
        tpu.wait_dma2 semaphore(%arg14 : memref<!tpu.dma_semaphore, #tpu.memory_space<semaphore_mem>>) src(%dma_wait3A_210 : memref<400x64xf32, #tpu.memory_space<hbm>>) dst(%arg10 : memref<400x64xf32, #tpu.memory_space<vmem>>)
      } else {
      }
      %add3A_48 = arith.constant 1 : i32
      %add3A_49 = arith.addi %add3A_40, %add3A_48 : i32
      %lt3A = arith.constant 50 : i32
      %lt3A_50 = arith.cmpi slt, %add3A_49, %lt3A : i32
      %convert_element_type3A_51 = arith.extui %lt3A_50 : i1 to i32
      %cond3A_52 = arith.constant 0 : i32
      %cond3A_53 = arith.cmpi ne, %convert_element_type3A_51, %cond3A_52 : i32
      scf.if %cond3A_53 {
        %add3A_209 = arith.constant 400 : i32
        %add3A_210 = arith.addi %add3A_45, %add3A_209 : i32
        %dma_start3A_211 = tpu.memref_slice %arg2[%add3A_210, %mul3A_0] : memref<320000x128xf32, #tpu.memory_space<hbm>> -> memref<400x64xf32, #tpu.memory_space<hbm>>
        %dma_start3A_212 = tpu.memref_slice %arg2[%add3A_210, %mul3A_0] : memref<320000x128xf32, #tpu.memory_space<hbm>> -> memref<400x64xf32, #tpu.memory_space<hbm>>
        tpu.enqueue_dma source(%dma_start3A_212 : memref<400x64xf32, #tpu.memory_space<hbm>>) target(%arg10 : memref<400x64xf32, #tpu.memory_space<vmem>>) target_semaphore(%arg12 : memref<!tpu.dma_semaphore, #tpu.memory_space<semaphore_mem>>)
      } else {
      }
      %dma_wait3A_54 = tpu.memref_slice %arg2[%add3A_45, %mul3A_0] : memref<320000x128xf32, #tpu.memory_space<hbm>> -> memref<400x64xf32, #tpu.memory_space<hbm>>
      %dma_wait3A_55 = tpu.memref_slice %arg2[%add3A_45, %mul3A_0] : memref<320000x128xf32, #tpu.memory_space<hbm>> -> memref<400x64xf32, #tpu.memory_space<hbm>>
      tpu.wait_dma2 semaphore(%arg11 : memref<!tpu.dma_semaphore, #tpu.memory_space<semaphore_mem>>) src(%dma_wait3A_55 : memref<400x64xf32, #tpu.memory_space<hbm>>) dst(%arg9 : memref<400x64xf32, #tpu.memory_space<vmem>>)
      %mul3A_56 = arith.constant 5 : i32
      %mul3A_57 = arith.muli %add3A_40, %mul3A_56 : i32
      %add3A_58 = arith.constant 0 : i32
      %add3A_59 = arith.addi %mul3A_57, %add3A_58 : i32
      %dma_start3A_60 = arith.constant 0 : i32
      %dma_start3A_61 = arith.constant 0 : i32
      %dma_start3A_62 = tpu.memref_slice %arg9[%dma_start3A_60, %dma_start3A_61] : memref<400x64xf32, #tpu.memory_space<vmem>> -> memref<80x64xf32, #tpu.memory_space<vmem>>
      %dma_start3A_63 = arith.constant 0 : i32
      %dma_start3A_64 = tpu.memref_slice %arg8[%add3A_59, %dma_start3A_63] : memref<250x80xi32, #tpu.memory_space<vmem>> -> memref<1x80xi32, #tpu.memory_space<vmem>>
      %dma_start3A_65 = tpu.memref_squeeze %dma_start3A_64 : memref<1x80xi32, #tpu.memory_space<vmem>> -> memref<80xi32, #tpu.memory_space<vmem>>
      %dma_start3A_66 = arith.constant 0 : i32
      %dma_start3A_67 = arith.constant 0 : i32
      %dma_start3A_68 = tpu.memref_slice %arg7[%dma_start3A_66, %dma_start3A_67] : memref<10000x64xf32, #tpu.memory_space<vmem_shared>> -> memref<10000x64xf32, #tpu.memory_space<vmem_shared>>
      tpu.enqueue_indirect_dma source(%dma_start3A_62 : memref<80x64xf32, #tpu.memory_space<vmem>>) target(%dma_start3A_68 : memref<10000x64xf32, #tpu.memory_space<vmem_shared>>) offsets(%dma_start3A_65 : memref<80xi32, #tpu.memory_space<vmem>>) semaphore(%arg13 : memref<!tpu.dma_semaphore, #tpu.memory_space<semaphore_mem>>) {add = true}
      %mul3A_69 = arith.constant 5 : i32
      %mul3A_70 = arith.muli %add3A_40, %mul3A_69 : i32
      %add3A_71 = arith.constant 1 : i32
      %add3A_72 = arith.addi %mul3A_70, %add3A_71 : i32
      %dma_start3A_73 = arith.constant 80 : i32
      %dma_start3A_74 = arith.constant 0 : i32
      %dma_start3A_75 = tpu.memref_slice %arg9[%dma_start3A_73, %dma_start3A_74] : memref<400x64xf32, #tpu.memory_space<vmem>> -> memref<80x64xf32, #tpu.memory_space<vmem>>
      %dma_start3A_76 = arith.constant 0 : i32
      %dma_start3A_77 = tpu.memref_slice %arg8[%add3A_72, %dma_start3A_76] : memref<250x80xi32, #tpu.memory_space<vmem>> -> memref<1x80xi32, #tpu.memory_space<vmem>>
      %dma_start3A_78 = tpu.memref_squeeze %dma_start3A_77 : memref<1x80xi32, #tpu.memory_space<vmem>> -> memref<80xi32, #tpu.memory_space<vmem>>
      %dma_start3A_79 = arith.constant 0 : i32
      %dma_start3A_80 = arith.constant 0 : i32
      %dma_start3A_81 = tpu.memref_slice %arg7[%dma_start3A_79, %dma_start3A_80] : memref<10000x64xf32, #tpu.memory_space<vmem_shared>> -> memref<10000x64xf32, #tpu.memory_space<vmem_shared>>
      tpu.enqueue_indirect_dma source(%dma_start3A_75 : memref<80x64xf32, #tpu.memory_space<vmem>>) target(%dma_start3A_81 : memref<10000x64xf32, #tpu.memory_space<vmem_shared>>) offsets(%dma_start3A_78 : memref<80xi32, #tpu.memory_space<vmem>>) semaphore(%arg13 : memref<!tpu.dma_semaphore, #tpu.memory_space<semaphore_mem>>) {add = true}
      %mul3A_82 = arith.constant 5 : i32
      %mul3A_83 = arith.muli %add3A_40, %mul3A_82 : i32
      %add3A_84 = arith.constant 2 : i32
      %add3A_85 = arith.addi %mul3A_83, %add3A_84 : i32
      %dma_start3A_86 = arith.constant 160 : i32
      %dma_start3A_87 = arith.constant 0 : i32
      %dma_start3A_88 = tpu.memref_slice %arg9[%dma_start3A_86, %dma_start3A_87] : memref<400x64xf32, #tpu.memory_space<vmem>> -> memref<80x64xf32, #tpu.memory_space<vmem>>
      %dma_start3A_89 = arith.constant 0 : i32
      %dma_start3A_90 = tpu.memref_slice %arg8[%add3A_85, %dma_start3A_89] : memref<250x80xi32, #tpu.memory_space<vmem>> -> memref<1x80xi32, #tpu.memory_space<vmem>>
      %dma_start3A_91 = tpu.memref_squeeze %dma_start3A_90 : memref<1x80xi32, #tpu.memory_space<vmem>> -> memref<80xi32, #tpu.memory_space<vmem>>
      %dma_start3A_92 = arith.constant 0 : i32
      %dma_start3A_93 = arith.constant 0 : i32
      %dma_start3A_94 = tpu.memref_slice %arg7[%dma_start3A_92, %dma_start3A_93] : memref<10000x64xf32, #tpu.memory_space<vmem_shared>> -> memref<10000x64xf32, #tpu.memory_space<vmem_shared>>
      tpu.enqueue_indirect_dma source(%dma_start3A_88 : memref<80x64xf32, #tpu.memory_space<vmem>>) target(%dma_start3A_94 : memref<10000x64xf32, #tpu.memory_space<vmem_shared>>) offsets(%dma_start3A_91 : memref<80xi32, #tpu.memory_space<vmem>>) semaphore(%arg13 : memref<!tpu.dma_semaphore, #tpu.memory_space<semaphore_mem>>) {add = true}
      %mul3A_95 = arith.constant 5 : i32
      %mul3A_96 = arith.muli %add3A_40, %mul3A_95 : i32
      %add3A_97 = arith.constant 3 : i32
      %add3A_98 = arith.addi %mul3A_96, %add3A_97 : i32
      %dma_start3A_99 = arith.constant 240 : i32
      %dma_start3A_100 = arith.constant 0 : i32
      %dma_start3A_101 = tpu.memref_slice %arg9[%dma_start3A_99, %dma_start3A_100] : memref<400x64xf32, #tpu.memory_space<vmem>> -> memref<80x64xf32, #tpu.memory_space<vmem>>
      %dma_start3A_102 = arith.constant 0 : i32
      %dma_start3A_103 = tpu.memref_slice %arg8[%add3A_98, %dma_start3A_102] : memref<250x80xi32, #tpu.memory_space<vmem>> -> memref<1x80xi32, #tpu.memory_space<vmem>>
      %dma_start3A_104 = tpu.memref_squeeze %dma_start3A_103 : memref<1x80xi32, #tpu.memory_space<vmem>> -> memref<80xi32, #tpu.memory_space<vmem>>
      %dma_start3A_105 = arith.constant 0 : i32
      %dma_start3A_106 = arith.constant 0 : i32
      %dma_start3A_107 = tpu.memref_slice %arg7[%dma_start3A_105, %dma_start3A_106] : memref<10000x64xf32, #tpu.memory_space<vmem_shared>> -> memref<10000x64xf32, #tpu.memory_space<vmem_shared>>
      tpu.enqueue_indirect_dma source(%dma_start3A_101 : memref<80x64xf32, #tpu.memory_space<vmem>>) target(%dma_start3A_107 : memref<10000x64xf32, #tpu.memory_space<vmem_shared>>) offsets(%dma_start3A_104 : memref<80xi32, #tpu.memory_space<vmem>>) semaphore(%arg13 : memref<!tpu.dma_semaphore, #tpu.memory_space<semaphore_mem>>) {add = true}
      %mul3A_108 = arith.constant 5 : i32
      %mul3A_109 = arith.muli %add3A_40, %mul3A_108 : i32
      %add3A_110 = arith.constant 4 : i32
      %add3A_111 = arith.addi %mul3A_109, %add3A_110 : i32
      %dma_start3A_112 = arith.constant 320 : i32
      %dma_start3A_113 = arith.constant 0 : i32
      %dma_start3A_114 = tpu.memref_slice %arg9[%dma_start3A_112, %dma_start3A_113] : memref<400x64xf32, #tpu.memory_space<vmem>> -> memref<80x64xf32, #tpu.memory_space<vmem>>
      %dma_start3A_115 = arith.constant 0 : i32
      %dma_start3A_116 = tpu.memref_slice %arg8[%add3A_111, %dma_start3A_115] : memref<250x80xi32, #tpu.memory_space<vmem>> -> memref<1x80xi32, #tpu.memory_space<vmem>>
      %dma_start3A_117 = tpu.memref_squeeze %dma_start3A_116 : memref<1x80xi32, #tpu.memory_space<vmem>> -> memref<80xi32, #tpu.memory_space<vmem>>
      %dma_start3A_118 = arith.constant 0 : i32
      %dma_start3A_119 = arith.constant 0 : i32
      %dma_start3A_120 = tpu.memref_slice %arg7[%dma_start3A_118, %dma_start3A_119] : memref<10000x64xf32, #tpu.memory_space<vmem_shared>> -> memref<10000x64xf32, #tpu.memory_space<vmem_shared>>
      tpu.enqueue_indirect_dma source(%dma_start3A_114 : memref<80x64xf32, #tpu.memory_space<vmem>>) target(%dma_start3A_120 : memref<10000x64xf32, #tpu.memory_space<vmem_shared>>) offsets(%dma_start3A_117 : memref<80xi32, #tpu.memory_space<vmem>>) semaphore(%arg13 : memref<!tpu.dma_semaphore, #tpu.memory_space<semaphore_mem>>) {add = true}
      %mul3A_121 = arith.constant 2 : i32
      %mul3A_122 = arith.muli %scan3A_36, %mul3A_121 : i32
      %add3A_123 = arith.constant 1 : i32
      %add3A_124 = arith.addi %mul3A_122, %add3A_123 : i32
      %mul3A_125 = arith.constant 20000 : i32
      %mul3A_126 = arith.muli %arg1, %mul3A_125 : i32
      %mul3A_127 = arith.constant 400 : i32
      %mul3A_128 = arith.muli %add3A_124, %mul3A_127 : i32
      %add3A_129 = arith.addi %mul3A_126, %mul3A_128 : i32
      %ge3A_130 = arith.constant 1 : i32
      %ge3A_131 = arith.cmpi sge, %add3A_124, %ge3A_130 : i32
      %convert_element_type3A_132 = arith.extui %ge3A_131 : i1 to i32
      %cond3A_133 = arith.constant 0 : i32
      %cond3A_134 = arith.cmpi ne, %convert_element_type3A_132, %cond3A_133 : i32
      scf.if %cond3A_134 {
        %dma_wait3A_209 = tpu.memref_slice %arg2[%add3A_129, %mul3A_0] : memref<320000x128xf32, #tpu.memory_space<hbm>> -> memref<400x64xf32, #tpu.memory_space<hbm>>
        %dma_wait3A_210 = tpu.memref_slice %arg2[%add3A_129, %mul3A_0] : memref<320000x128xf32, #tpu.memory_space<hbm>> -> memref<400x64xf32, #tpu.memory_space<hbm>>
        tpu.wait_dma2 semaphore(%arg13 : memref<!tpu.dma_semaphore, #tpu.memory_space<semaphore_mem>>) src(%dma_wait3A_210 : memref<400x64xf32, #tpu.memory_space<hbm>>) dst(%arg9 : memref<400x64xf32, #tpu.memory_space<vmem>>)
      } else {
      }
      %add3A_135 = arith.constant 1 : i32
      %add3A_136 = arith.addi %add3A_124, %add3A_135 : i32
      %lt3A_137 = arith.constant 50 : i32
      %lt3A_138 = arith.cmpi slt, %add3A_136, %lt3A_137 : i32
      %convert_element_type3A_139 = arith.extui %lt3A_138 : i1 to i32
      %cond3A_140 = arith.constant 0 : i32
      %cond3A_141 = arith.cmpi ne, %convert_element_type3A_139, %cond3A_140 : i32
      scf.if %cond3A_141 {
        %add3A_209 = arith.constant 400 : i32
        %add3A_210 = arith.addi %add3A_129, %add3A_209 : i32
        %dma_start3A_211 = tpu.memref_slice %arg2[%add3A_210, %mul3A_0] : memref<320000x128xf32, #tpu.memory_space<hbm>> -> memref<400x64xf32, #tpu.memory_space<hbm>>
        %dma_start3A_212 = tpu.memref_slice %arg2[%add3A_210, %mul3A_0] : memref<320000x128xf32, #tpu.memory_space<hbm>> -> memref<400x64xf32, #tpu.memory_space<hbm>>
        tpu.enqueue_dma source(%dma_start3A_212 : memref<400x64xf32, #tpu.memory_space<hbm>>) target(%arg9 : memref<400x64xf32, #tpu.memory_space<vmem>>) target_semaphore(%arg11 : memref<!tpu.dma_semaphore, #tpu.memory_space<semaphore_mem>>)
      } else {
      }
      %dma_wait3A_142 = tpu.memref_slice %arg2[%add3A_129, %mul3A_0] : memref<320000x128xf32, #tpu.memory_space<hbm>> -> memref<400x64xf32, #tpu.memory_space<hbm>>
      %dma_wait3A_143 = tpu.memref_slice %arg2[%add3A_129, %mul3A_0] : memref<320000x128xf32, #tpu.memory_space<hbm>> -> memref<400x64xf32, #tpu.memory_space<hbm>>
      tpu.wait_dma2 semaphore(%arg12 : memref<!tpu.dma_semaphore, #tpu.memory_space<semaphore_mem>>) src(%dma_wait3A_143 : memref<400x64xf32, #tpu.memory_space<hbm>>) dst(%arg10 : memref<400x64xf32, #tpu.memory_space<vmem>>)
      %mul3A_144 = arith.constant 5 : i32
      %mul3A_145 = arith.muli %add3A_124, %mul3A_144 : i32
      %add3A_146 = arith.constant 0 : i32
      %add3A_147 = arith.addi %mul3A_145, %add3A_146 : i32
      %dma_start3A_148 = arith.constant 0 : i32
      %dma_start3A_149 = arith.constant 0 : i32
      %dma_start3A_150 = tpu.memref_slice %arg10[%dma_start3A_148, %dma_start3A_149] : memref<400x64xf32, #tpu.memory_space<vmem>> -> memref<80x64xf32, #tpu.memory_space<vmem>>
      %dma_start3A_151 = arith.constant 0 : i32
      %dma_start3A_152 = tpu.memref_slice %arg8[%add3A_147, %dma_start3A_151] : memref<250x80xi32, #tpu.memory_space<vmem>> -> memref<1x80xi32, #tpu.memory_space<vmem>>
      %dma_start3A_153 = tpu.memref_squeeze %dma_start3A_152 : memref<1x80xi32, #tpu.memory_space<vmem>> -> memref<80xi32, #tpu.memory_space<vmem>>
      %dma_start3A_154 = arith.constant 0 : i32
      %dma_start3A_155 = arith.constant 0 : i32
      %dma_start3A_156 = tpu.memref_slice %arg7[%dma_start3A_154, %dma_start3A_155] : memref<10000x64xf32, #tpu.memory_space<vmem_shared>> -> memref<10000x64xf32, #tpu.memory_space<vmem_shared>>
      tpu.enqueue_indirect_dma source(%dma_start3A_150 : memref<80x64xf32, #tpu.memory_space<vmem>>) target(%dma_start3A_156 : memref<10000x64xf32, #tpu.memory_space<vmem_shared>>) offsets(%dma_start3A_153 : memref<80xi32, #tpu.memory_space<vmem>>) semaphore(%arg14 : memref<!tpu.dma_semaphore, #tpu.memory_space<semaphore_mem>>) {add = true}
      %mul3A_157 = arith.constant 5 : i32
      %mul3A_158 = arith.muli %add3A_124, %mul3A_157 : i32
      %add3A_159 = arith.constant 1 : i32
      %add3A_160 = arith.addi %mul3A_158, %add3A_159 : i32
      %dma_start3A_161 = arith.constant 80 : i32
      %dma_start3A_162 = arith.constant 0 : i32
      %dma_start3A_163 = tpu.memref_slice %arg10[%dma_start3A_161, %dma_start3A_162] : memref<400x64xf32, #tpu.memory_space<vmem>> -> memref<80x64xf32, #tpu.memory_space<vmem>>
      %dma_start3A_164 = arith.constant 0 : i32
      %dma_start3A_165 = tpu.memref_slice %arg8[%add3A_160, %dma_start3A_164] : memref<250x80xi32, #tpu.memory_space<vmem>> -> memref<1x80xi32, #tpu.memory_space<vmem>>
      %dma_start3A_166 = tpu.memref_squeeze %dma_start3A_165 : memref<1x80xi32, #tpu.memory_space<vmem>> -> memref<80xi32, #tpu.memory_space<vmem>>
      %dma_start3A_167 = arith.constant 0 : i32
      %dma_start3A_168 = arith.constant 0 : i32
      %dma_start3A_169 = tpu.memref_slice %arg7[%dma_start3A_167, %dma_start3A_168] : memref<10000x64xf32, #tpu.memory_space<vmem_shared>> -> memref<10000x64xf32, #tpu.memory_space<vmem_shared>>
      tpu.enqueue_indirect_dma source(%dma_start3A_163 : memref<80x64xf32, #tpu.memory_space<vmem>>) target(%dma_start3A_169 : memref<10000x64xf32, #tpu.memory_space<vmem_shared>>) offsets(%dma_start3A_166 : memref<80xi32, #tpu.memory_space<vmem>>) semaphore(%arg14 : memref<!tpu.dma_semaphore, #tpu.memory_space<semaphore_mem>>) {add = true}
      %mul3A_170 = arith.constant 5 : i32
      %mul3A_171 = arith.muli %add3A_124, %mul3A_170 : i32
      %add3A_172 = arith.constant 2 : i32
      %add3A_173 = arith.addi %mul3A_171, %add3A_172 : i32
      %dma_start3A_174 = arith.constant 160 : i32
      %dma_start3A_175 = arith.constant 0 : i32
      %dma_start3A_176 = tpu.memref_slice %arg10[%dma_start3A_174, %dma_start3A_175] : memref<400x64xf32, #tpu.memory_space<vmem>> -> memref<80x64xf32, #tpu.memory_space<vmem>>
      %dma_start3A_177 = arith.constant 0 : i32
      %dma_start3A_178 = tpu.memref_slice %arg8[%add3A_173, %dma_start3A_177] : memref<250x80xi32, #tpu.memory_space<vmem>> -> memref<1x80xi32, #tpu.memory_space<vmem>>
      %dma_start3A_179 = tpu.memref_squeeze %dma_start3A_178 : memref<1x80xi32, #tpu.memory_space<vmem>> -> memref<80xi32, #tpu.memory_space<vmem>>
      %dma_start3A_180 = arith.constant 0 : i32
      %dma_start3A_181 = arith.constant 0 : i32
      %dma_start3A_182 = tpu.memref_slice %arg7[%dma_start3A_180, %dma_start3A_181] : memref<10000x64xf32, #tpu.memory_space<vmem_shared>> -> memref<10000x64xf32, #tpu.memory_space<vmem_shared>>
      tpu.enqueue_indirect_dma source(%dma_start3A_176 : memref<80x64xf32, #tpu.memory_space<vmem>>) target(%dma_start3A_182 : memref<10000x64xf32, #tpu.memory_space<vmem_shared>>) offsets(%dma_start3A_179 : memref<80xi32, #tpu.memory_space<vmem>>) semaphore(%arg14 : memref<!tpu.dma_semaphore, #tpu.memory_space<semaphore_mem>>) {add = true}
      %mul3A_183 = arith.constant 5 : i32
      %mul3A_184 = arith.muli %add3A_124, %mul3A_183 : i32
      %add3A_185 = arith.constant 3 : i32
      %add3A_186 = arith.addi %mul3A_184, %add3A_185 : i32
      %dma_start3A_187 = arith.constant 240 : i32
      %dma_start3A_188 = arith.constant 0 : i32
      %dma_start3A_189 = tpu.memref_slice %arg10[%dma_start3A_187, %dma_start3A_188] : memref<400x64xf32, #tpu.memory_space<vmem>> -> memref<80x64xf32, #tpu.memory_space<vmem>>
      %dma_start3A_190 = arith.constant 0 : i32
      %dma_start3A_191 = tpu.memref_slice %arg8[%add3A_186, %dma_start3A_190] : memref<250x80xi32, #tpu.memory_space<vmem>> -> memref<1x80xi32, #tpu.memory_space<vmem>>
      %dma_start3A_192 = tpu.memref_squeeze %dma_start3A_191 : memref<1x80xi32, #tpu.memory_space<vmem>> -> memref<80xi32, #tpu.memory_space<vmem>>
      %dma_start3A_193 = arith.constant 0 : i32
      %dma_start3A_194 = arith.constant 0 : i32
      %dma_start3A_195 = tpu.memref_slice %arg7[%dma_start3A_193, %dma_start3A_194] : memref<10000x64xf32, #tpu.memory_space<vmem_shared>> -> memref<10000x64xf32, #tpu.memory_space<vmem_shared>>
      tpu.enqueue_indirect_dma source(%dma_start3A_189 : memref<80x64xf32, #tpu.memory_space<vmem>>) target(%dma_start3A_195 : memref<10000x64xf32, #tpu.memory_space<vmem_shared>>) offsets(%dma_start3A_192 : memref<80xi32, #tpu.memory_space<vmem>>) semaphore(%arg14 : memref<!tpu.dma_semaphore, #tpu.memory_space<semaphore_mem>>) {add = true}
      %mul3A_196 = arith.constant 5 : i32
      %mul3A_197 = arith.muli %add3A_124, %mul3A_196 : i32
      %add3A_198 = arith.constant 4 : i32
      %add3A_199 = arith.addi %mul3A_197, %add3A_198 : i32
      %dma_start3A_200 = arith.constant 320 : i32
      %dma_start3A_201 = arith.constant 0 : i32
      %dma_start3A_202 = tpu.memref_slice %arg10[%dma_start3A_200, %dma_start3A_201] : memref<400x64xf32, #tpu.memory_space<vmem>> -> memref<80x64xf32, #tpu.memory_space<vmem>>
      %dma_start3A_203 = arith.constant 0 : i32
      %dma_start3A_204 = tpu.memref_slice %arg8[%add3A_199, %dma_start3A_203] : memref<250x80xi32, #tpu.memory_space<vmem>> -> memref<1x80xi32, #tpu.memory_space<vmem>>
      %dma_start3A_205 = tpu.memref_squeeze %dma_start3A_204 : memref<1x80xi32, #tpu.memory_space<vmem>> -> memref<80xi32, #tpu.memory_space<vmem>>
      %dma_start3A_206 = arith.constant 0 : i32
      %dma_start3A_207 = arith.constant 0 : i32
      %dma_start3A_208 = tpu.memref_slice %arg7[%dma_start3A_206, %dma_start3A_207] : memref<10000x64xf32, #tpu.memory_space<vmem_shared>> -> memref<10000x64xf32, #tpu.memory_space<vmem_shared>>
      tpu.enqueue_indirect_dma source(%dma_start3A_202 : memref<80x64xf32, #tpu.memory_space<vmem>>) target(%dma_start3A_208 : memref<10000x64xf32, #tpu.memory_space<vmem_shared>>) offsets(%dma_start3A_205 : memref<80xi32, #tpu.memory_space<vmem>>) semaphore(%arg14 : memref<!tpu.dma_semaphore, #tpu.memory_space<semaphore_mem>>) {add = true}
    }
    %scan3A_15 = arith.constant 25 : i32
    %mul3A_16 = arith.constant 20000 : i32
    %mul3A_17 = arith.muli %arg1, %mul3A_16 : i32
    %dma_wait3A = tpu.memref_slice %arg2[%mul3A_17, %mul3A_0] : memref<320000x128xf32, #tpu.memory_space<hbm>> -> memref<400x64xf32, #tpu.memory_space<hbm>>
    %dma_wait3A_18 = tpu.memref_slice %arg2[%mul3A_17, %mul3A_0] : memref<320000x128xf32, #tpu.memory_space<hbm>> -> memref<400x64xf32, #tpu.memory_space<hbm>>
    tpu.wait_dma2 semaphore(%arg14 : memref<!tpu.dma_semaphore, #tpu.memory_space<semaphore_mem>>) src(%dma_wait3A_18 : memref<400x64xf32, #tpu.memory_space<hbm>>) dst(%arg10 : memref<400x64xf32, #tpu.memory_space<vmem>>)
    %barrier3A_19 = arith.constant 0 : index
    tpu.barrier barrier_id(%barrier3A_19)
    %mul3A_20 = arith.constant 250 : i32
    %mul3A_21 = arith.muli %arg1, %mul3A_20 : i32
    "tpu.region"() ({
      %run_scoped3A = tpu.sem_alloc : memref<!tpu.dma_semaphore, #tpu.memory_space<semaphore_mem>>
      %dma_start3A_36 = arith.constant 0 : i32
      %dma_start3A_37 = tpu.memref_slice %arg4[%mul3A_21, %dma_start3A_36] : memref<4000x80xi32, #tpu.memory_space<hbm>> -> memref<250x80xi32, #tpu.memory_space<hbm>>
      %dma_start3A_38 = arith.constant 0 : i32
      %dma_start3A_39 = tpu.memref_slice %arg4[%mul3A_21, %dma_start3A_38] : memref<4000x80xi32, #tpu.memory_space<hbm>> -> memref<250x80xi32, #tpu.memory_space<hbm>>
      tpu.enqueue_dma source(%dma_start3A_39 : memref<250x80xi32, #tpu.memory_space<hbm>>) target(%arg8 : memref<250x80xi32, #tpu.memory_space<vmem>>) target_semaphore(%run_scoped3A : memref<!tpu.dma_semaphore, #tpu.memory_space<semaphore_mem>>)
      %dma_wait3A_40 = arith.constant 0 : i32
      %dma_wait3A_41 = tpu.memref_slice %arg4[%mul3A_21, %dma_wait3A_40] : memref<4000x80xi32, #tpu.memory_space<hbm>> -> memref<250x80xi32, #tpu.memory_space<hbm>>
      %dma_wait3A_42 = arith.constant 0 : i32
      %dma_wait3A_43 = tpu.memref_slice %arg4[%mul3A_21, %dma_wait3A_42] : memref<4000x80xi32, #tpu.memory_space<hbm>> -> memref<250x80xi32, #tpu.memory_space<hbm>>
      tpu.wait_dma2 semaphore(%run_scoped3A : memref<!tpu.dma_semaphore, #tpu.memory_space<semaphore_mem>>) src(%dma_wait3A_43 : memref<250x80xi32, #tpu.memory_space<hbm>>) dst(%arg8 : memref<250x80xi32, #tpu.memory_space<vmem>>)
      tpu.yield
    }) : () -> ()
    %scan3A_22 = arith.constant 0 : i32
    %scan3A_23 = arith.constant 0 : i32
    %scan3A_24 = arith.constant 25 : i32
    %scan3A_25 = arith.addi %scan3A_23, %scan3A_24 : i32
    %scan3A_26 = arith.constant 1 : i32
    scf.for %scan3A_36 = %scan3A_23 to %scan3A_25 step %scan3A_26  : i32 {
      %mul3A_37 = arith.constant 2 : i32
      %mul3A_38 = arith.muli %scan3A_36, %mul3A_37 : i32
      %add3A_39 = arith.constant 0 : i32
      %add3A_40 = arith.addi %mul3A_38, %add3A_39 : i32
      %mul3A_41 = arith.constant 20000 : i32
      %mul3A_42 = arith.muli %arg1, %mul3A_41 : i32
      %mul3A_43 = arith.constant 400 : i32
      %mul3A_44 = arith.muli %add3A_40, %mul3A_43 : i32
      %add3A_45 = arith.addi %mul3A_42, %mul3A_44 : i32
      %ge3A = arith.constant 1 : i32
      %ge3A_46 = arith.cmpi sge, %scan3A_36, %ge3A : i32
      %convert_element_type3A = arith.extui %ge3A_46 : i1 to i32
      %cond3A = arith.constant 0 : i32
      %cond3A_47 = arith.cmpi ne, %convert_element_type3A, %cond3A : i32
      scf.if %cond3A_47 {
        %dma_wait3A_208 = tpu.memref_slice %arg6[%add3A_45, %mul3A_0] : memref<320000x128xf32, #tpu.memory_space<hbm>> -> memref<400x64xf32, #tpu.memory_space<hbm>>
        %dma_wait3A_209 = tpu.memref_slice %arg6[%add3A_45, %mul3A_0] : memref<320000x128xf32, #tpu.memory_space<hbm>> -> memref<400x64xf32, #tpu.memory_space<hbm>>
        tpu.wait_dma2 semaphore(%arg11 : memref<!tpu.dma_semaphore, #tpu.memory_space<semaphore_mem>>) src(%arg9 : memref<400x64xf32, #tpu.memory_space<vmem>>) dst(%dma_wait3A_209 : memref<400x64xf32, #tpu.memory_space<hbm>>)
      } else {
      }
      %mul3A_48 = arith.constant 5 : i32
      %mul3A_49 = arith.muli %add3A_40, %mul3A_48 : i32
      %add3A_50 = arith.constant 0 : i32
      %add3A_51 = arith.addi %mul3A_49, %add3A_50 : i32
      %dma_start3A_52 = arith.constant 0 : i32
      %dma_start3A_53 = arith.constant 0 : i32
      %dma_start3A_54 = tpu.memref_slice %arg9[%dma_start3A_52, %dma_start3A_53] : memref<400x64xf32, #tpu.memory_space<vmem>> -> memref<80x64xf32, #tpu.memory_space<vmem>>
      %dma_start3A_55 = arith.constant 0 : i32
      %dma_start3A_56 = tpu.memref_slice %arg8[%add3A_51, %dma_start3A_55] : memref<250x80xi32, #tpu.memory_space<vmem>> -> memref<1x80xi32, #tpu.memory_space<vmem>>
      %dma_start3A_57 = tpu.memref_squeeze %dma_start3A_56 : memref<1x80xi32, #tpu.memory_space<vmem>> -> memref<80xi32, #tpu.memory_space<vmem>>
      %dma_start3A_58 = arith.constant 0 : i32
      %dma_start3A_59 = arith.constant 0 : i32
      %dma_start3A_60 = tpu.memref_slice %arg7[%dma_start3A_58, %dma_start3A_59] : memref<10000x64xf32, #tpu.memory_space<vmem_shared>> -> memref<10000x64xf32, #tpu.memory_space<vmem_shared>>
      tpu.enqueue_indirect_dma source(%dma_start3A_60 : memref<10000x64xf32, #tpu.memory_space<vmem_shared>>) target(%dma_start3A_54 : memref<80x64xf32, #tpu.memory_space<vmem>>) offsets(%dma_start3A_57 : memref<80xi32, #tpu.memory_space<vmem>>) semaphore(%arg13 : memref<!tpu.dma_semaphore, #tpu.memory_space<semaphore_mem>>)
      %mul3A_61 = arith.constant 5 : i32
      %mul3A_62 = arith.muli %add3A_40, %mul3A_61 : i32
      %add3A_63 = arith.constant 1 : i32
      %add3A_64 = arith.addi %mul3A_62, %add3A_63 : i32
      %dma_start3A_65 = arith.constant 80 : i32
      %dma_start3A_66 = arith.constant 0 : i32
      %dma_start3A_67 = tpu.memref_slice %arg9[%dma_start3A_65, %dma_start3A_66] : memref<400x64xf32, #tpu.memory_space<vmem>> -> memref<80x64xf32, #tpu.memory_space<vmem>>
      %dma_start3A_68 = arith.constant 0 : i32
      %dma_start3A_69 = tpu.memref_slice %arg8[%add3A_64, %dma_start3A_68] : memref<250x80xi32, #tpu.memory_space<vmem>> -> memref<1x80xi32, #tpu.memory_space<vmem>>
      %dma_start3A_70 = tpu.memref_squeeze %dma_start3A_69 : memref<1x80xi32, #tpu.memory_space<vmem>> -> memref<80xi32, #tpu.memory_space<vmem>>
      %dma_start3A_71 = arith.constant 0 : i32
      %dma_start3A_72 = arith.constant 0 : i32
      %dma_start3A_73 = tpu.memref_slice %arg7[%dma_start3A_71, %dma_start3A_72] : memref<10000x64xf32, #tpu.memory_space<vmem_shared>> -> memref<10000x64xf32, #tpu.memory_space<vmem_shared>>
      tpu.enqueue_indirect_dma source(%dma_start3A_73 : memref<10000x64xf32, #tpu.memory_space<vmem_shared>>) target(%dma_start3A_67 : memref<80x64xf32, #tpu.memory_space<vmem>>) offsets(%dma_start3A_70 : memref<80xi32, #tpu.memory_space<vmem>>) semaphore(%arg13 : memref<!tpu.dma_semaphore, #tpu.memory_space<semaphore_mem>>)
      %mul3A_74 = arith.constant 5 : i32
      %mul3A_75 = arith.muli %add3A_40, %mul3A_74 : i32
      %add3A_76 = arith.constant 2 : i32
      %add3A_77 = arith.addi %mul3A_75, %add3A_76 : i32
      %dma_start3A_78 = arith.constant 160 : i32
      %dma_start3A_79 = arith.constant 0 : i32
      %dma_start3A_80 = tpu.memref_slice %arg9[%dma_start3A_78, %dma_start3A_79] : memref<400x64xf32, #tpu.memory_space<vmem>> -> memref<80x64xf32, #tpu.memory_space<vmem>>
      %dma_start3A_81 = arith.constant 0 : i32
      %dma_start3A_82 = tpu.memref_slice %arg8[%add3A_77, %dma_start3A_81] : memref<250x80xi32, #tpu.memory_space<vmem>> -> memref<1x80xi32, #tpu.memory_space<vmem>>
      %dma_start3A_83 = tpu.memref_squeeze %dma_start3A_82 : memref<1x80xi32, #tpu.memory_space<vmem>> -> memref<80xi32, #tpu.memory_space<vmem>>
      %dma_start3A_84 = arith.constant 0 : i32
      %dma_start3A_85 = arith.constant 0 : i32
      %dma_start3A_86 = tpu.memref_slice %arg7[%dma_start3A_84, %dma_start3A_85] : memref<10000x64xf32, #tpu.memory_space<vmem_shared>> -> memref<10000x64xf32, #tpu.memory_space<vmem_shared>>
      tpu.enqueue_indirect_dma source(%dma_start3A_86 : memref<10000x64xf32, #tpu.memory_space<vmem_shared>>) target(%dma_start3A_80 : memref<80x64xf32, #tpu.memory_space<vmem>>) offsets(%dma_start3A_83 : memref<80xi32, #tpu.memory_space<vmem>>) semaphore(%arg13 : memref<!tpu.dma_semaphore, #tpu.memory_space<semaphore_mem>>)
      %mul3A_87 = arith.constant 5 : i32
      %mul3A_88 = arith.muli %add3A_40, %mul3A_87 : i32
      %add3A_89 = arith.constant 3 : i32
      %add3A_90 = arith.addi %mul3A_88, %add3A_89 : i32
      %dma_start3A_91 = arith.constant 240 : i32
      %dma_start3A_92 = arith.constant 0 : i32
      %dma_start3A_93 = tpu.memref_slice %arg9[%dma_start3A_91, %dma_start3A_92] : memref<400x64xf32, #tpu.memory_space<vmem>> -> memref<80x64xf32, #tpu.memory_space<vmem>>
      %dma_start3A_94 = arith.constant 0 : i32
      %dma_start3A_95 = tpu.memref_slice %arg8[%add3A_90, %dma_start3A_94] : memref<250x80xi32, #tpu.memory_space<vmem>> -> memref<1x80xi32, #tpu.memory_space<vmem>>
      %dma_start3A_96 = tpu.memref_squeeze %dma_start3A_95 : memref<1x80xi32, #tpu.memory_space<vmem>> -> memref<80xi32, #tpu.memory_space<vmem>>
      %dma_start3A_97 = arith.constant 0 : i32
      %dma_start3A_98 = arith.constant 0 : i32
      %dma_start3A_99 = tpu.memref_slice %arg7[%dma_start3A_97, %dma_start3A_98] : memref<10000x64xf32, #tpu.memory_space<vmem_shared>> -> memref<10000x64xf32, #tpu.memory_space<vmem_shared>>
      tpu.enqueue_indirect_dma source(%dma_start3A_99 : memref<10000x64xf32, #tpu.memory_space<vmem_shared>>) target(%dma_start3A_93 : memref<80x64xf32, #tpu.memory_space<vmem>>) offsets(%dma_start3A_96 : memref<80xi32, #tpu.memory_space<vmem>>) semaphore(%arg13 : memref<!tpu.dma_semaphore, #tpu.memory_space<semaphore_mem>>)
      %mul3A_100 = arith.constant 5 : i32
      %mul3A_101 = arith.muli %add3A_40, %mul3A_100 : i32
      %add3A_102 = arith.constant 4 : i32
      %add3A_103 = arith.addi %mul3A_101, %add3A_102 : i32
      %dma_start3A_104 = arith.constant 320 : i32
      %dma_start3A_105 = arith.constant 0 : i32
      %dma_start3A_106 = tpu.memref_slice %arg9[%dma_start3A_104, %dma_start3A_105] : memref<400x64xf32, #tpu.memory_space<vmem>> -> memref<80x64xf32, #tpu.memory_space<vmem>>
      %dma_start3A_107 = arith.constant 0 : i32
      %dma_start3A_108 = tpu.memref_slice %arg8[%add3A_103, %dma_start3A_107] : memref<250x80xi32, #tpu.memory_space<vmem>> -> memref<1x80xi32, #tpu.memory_space<vmem>>
      %dma_start3A_109 = tpu.memref_squeeze %dma_start3A_108 : memref<1x80xi32, #tpu.memory_space<vmem>> -> memref<80xi32, #tpu.memory_space<vmem>>
      %dma_start3A_110 = arith.constant 0 : i32
      %dma_start3A_111 = arith.constant 0 : i32
      %dma_start3A_112 = tpu.memref_slice %arg7[%dma_start3A_110, %dma_start3A_111] : memref<10000x64xf32, #tpu.memory_space<vmem_shared>> -> memref<10000x64xf32, #tpu.memory_space<vmem_shared>>
      tpu.enqueue_indirect_dma source(%dma_start3A_112 : memref<10000x64xf32, #tpu.memory_space<vmem_shared>>) target(%dma_start3A_106 : memref<80x64xf32, #tpu.memory_space<vmem>>) offsets(%dma_start3A_109 : memref<80xi32, #tpu.memory_space<vmem>>) semaphore(%arg13 : memref<!tpu.dma_semaphore, #tpu.memory_space<semaphore_mem>>)
      %dma_wait3A_113 = arith.constant 0 : i32
      %dma_wait3A_114 = arith.constant 0 : i32
      %dma_wait3A_115 = tpu.memref_slice %arg2[%dma_wait3A_113, %dma_wait3A_114] : memref<320000x128xf32, #tpu.memory_space<hbm>> -> memref<400x64xf32, #tpu.memory_space<hbm>>
      %dma_wait3A_116 = arith.constant 0 : i32
      %dma_wait3A_117 = arith.constant 0 : i32
      %dma_wait3A_118 = tpu.memref_slice %arg2[%dma_wait3A_116, %dma_wait3A_117] : memref<320000x128xf32, #tpu.memory_space<hbm>> -> memref<400x64xf32, #tpu.memory_space<hbm>>
      tpu.wait_dma2 semaphore(%arg13 : memref<!tpu.dma_semaphore, #tpu.memory_space<semaphore_mem>>) src(%dma_wait3A_118 : memref<400x64xf32, #tpu.memory_space<hbm>>) dst(%arg9 : memref<400x64xf32, #tpu.memory_space<vmem>>)
      %dma_start3A_119 = tpu.memref_slice %arg6[%add3A_45, %mul3A_0] : memref<320000x128xf32, #tpu.memory_space<hbm>> -> memref<400x64xf32, #tpu.memory_space<hbm>>
      %dma_start3A_120 = tpu.memref_slice %arg6[%add3A_45, %mul3A_0] : memref<320000x128xf32, #tpu.memory_space<hbm>> -> memref<400x64xf32, #tpu.memory_space<hbm>>
      tpu.enqueue_dma source(%arg9 : memref<400x64xf32, #tpu.memory_space<vmem>>) target(%dma_start3A_120 : memref<400x64xf32, #tpu.memory_space<hbm>>) target_semaphore(%arg11 : memref<!tpu.dma_semaphore, #tpu.memory_space<semaphore_mem>>)
      %mul3A_121 = arith.constant 2 : i32
      %mul3A_122 = arith.muli %scan3A_36, %mul3A_121 : i32
      %add3A_123 = arith.constant 1 : i32
      %add3A_124 = arith.addi %mul3A_122, %add3A_123 : i32
      %mul3A_125 = arith.constant 20000 : i32
      %mul3A_126 = arith.muli %arg1, %mul3A_125 : i32
      %mul3A_127 = arith.constant 400 : i32
      %mul3A_128 = arith.muli %add3A_124, %mul3A_127 : i32
      %add3A_129 = arith.addi %mul3A_126, %mul3A_128 : i32
      %ge3A_130 = arith.constant 1 : i32
      %ge3A_131 = arith.cmpi sge, %scan3A_36, %ge3A_130 : i32
      %convert_element_type3A_132 = arith.extui %ge3A_131 : i1 to i32
      %cond3A_133 = arith.constant 0 : i32
      %cond3A_134 = arith.cmpi ne, %convert_element_type3A_132, %cond3A_133 : i32
      scf.if %cond3A_134 {
        %dma_wait3A_208 = tpu.memref_slice %arg6[%add3A_129, %mul3A_0] : memref<320000x128xf32, #tpu.memory_space<hbm>> -> memref<400x64xf32, #tpu.memory_space<hbm>>
        %dma_wait3A_209 = tpu.memref_slice %arg6[%add3A_129, %mul3A_0] : memref<320000x128xf32, #tpu.memory_space<hbm>> -> memref<400x64xf32, #tpu.memory_space<hbm>>
        tpu.wait_dma2 semaphore(%arg12 : memref<!tpu.dma_semaphore, #tpu.memory_space<semaphore_mem>>) src(%arg10 : memref<400x64xf32, #tpu.memory_space<vmem>>) dst(%dma_wait3A_209 : memref<400x64xf32, #tpu.memory_space<hbm>>)
      } else {
      }
      %mul3A_135 = arith.constant 5 : i32
      %mul3A_136 = arith.muli %add3A_124, %mul3A_135 : i32
      %add3A_137 = arith.constant 0 : i32
      %add3A_138 = arith.addi %mul3A_136, %add3A_137 : i32
      %dma_start3A_139 = arith.constant 0 : i32
      %dma_start3A_140 = arith.constant 0 : i32
      %dma_start3A_141 = tpu.memref_slice %arg10[%dma_start3A_139, %dma_start3A_140] : memref<400x64xf32, #tpu.memory_space<vmem>> -> memref<80x64xf32, #tpu.memory_space<vmem>>
      %dma_start3A_142 = arith.constant 0 : i32
      %dma_start3A_143 = tpu.memref_slice %arg8[%add3A_138, %dma_start3A_142] : memref<250x80xi32, #tpu.memory_space<vmem>> -> memref<1x80xi32, #tpu.memory_space<vmem>>
      %dma_start3A_144 = tpu.memref_squeeze %dma_start3A_143 : memref<1x80xi32, #tpu.memory_space<vmem>> -> memref<80xi32, #tpu.memory_space<vmem>>
      %dma_start3A_145 = arith.constant 0 : i32
      %dma_start3A_146 = arith.constant 0 : i32
      %dma_start3A_147 = tpu.memref_slice %arg7[%dma_start3A_145, %dma_start3A_146] : memref<10000x64xf32, #tpu.memory_space<vmem_shared>> -> memref<10000x64xf32, #tpu.memory_space<vmem_shared>>
      tpu.enqueue_indirect_dma source(%dma_start3A_147 : memref<10000x64xf32, #tpu.memory_space<vmem_shared>>) target(%dma_start3A_141 : memref<80x64xf32, #tpu.memory_space<vmem>>) offsets(%dma_start3A_144 : memref<80xi32, #tpu.memory_space<vmem>>) semaphore(%arg14 : memref<!tpu.dma_semaphore, #tpu.memory_space<semaphore_mem>>)
      %mul3A_148 = arith.constant 5 : i32
      %mul3A_149 = arith.muli %add3A_124, %mul3A_148 : i32
      %add3A_150 = arith.constant 1 : i32
      %add3A_151 = arith.addi %mul3A_149, %add3A_150 : i32
      %dma_start3A_152 = arith.constant 80 : i32
      %dma_start3A_153 = arith.constant 0 : i32
      %dma_start3A_154 = tpu.memref_slice %arg10[%dma_start3A_152, %dma_start3A_153] : memref<400x64xf32, #tpu.memory_space<vmem>> -> memref<80x64xf32, #tpu.memory_space<vmem>>
      %dma_start3A_155 = arith.constant 0 : i32
      %dma_start3A_156 = tpu.memref_slice %arg8[%add3A_151, %dma_start3A_155] : memref<250x80xi32, #tpu.memory_space<vmem>> -> memref<1x80xi32, #tpu.memory_space<vmem>>
      %dma_start3A_157 = tpu.memref_squeeze %dma_start3A_156 : memref<1x80xi32, #tpu.memory_space<vmem>> -> memref<80xi32, #tpu.memory_space<vmem>>
      %dma_start3A_158 = arith.constant 0 : i32
      %dma_start3A_159 = arith.constant 0 : i32
      %dma_start3A_160 = tpu.memref_slice %arg7[%dma_start3A_158, %dma_start3A_159] : memref<10000x64xf32, #tpu.memory_space<vmem_shared>> -> memref<10000x64xf32, #tpu.memory_space<vmem_shared>>
      tpu.enqueue_indirect_dma source(%dma_start3A_160 : memref<10000x64xf32, #tpu.memory_space<vmem_shared>>) target(%dma_start3A_154 : memref<80x64xf32, #tpu.memory_space<vmem>>) offsets(%dma_start3A_157 : memref<80xi32, #tpu.memory_space<vmem>>) semaphore(%arg14 : memref<!tpu.dma_semaphore, #tpu.memory_space<semaphore_mem>>)
      %mul3A_161 = arith.constant 5 : i32
      %mul3A_162 = arith.muli %add3A_124, %mul3A_161 : i32
      %add3A_163 = arith.constant 2 : i32
      %add3A_164 = arith.addi %mul3A_162, %add3A_163 : i32
      %dma_start3A_165 = arith.constant 160 : i32
      %dma_start3A_166 = arith.constant 0 : i32
      %dma_start3A_167 = tpu.memref_slice %arg10[%dma_start3A_165, %dma_start3A_166] : memref<400x64xf32, #tpu.memory_space<vmem>> -> memref<80x64xf32, #tpu.memory_space<vmem>>
      %dma_start3A_168 = arith.constant 0 : i32
      %dma_start3A_169 = tpu.memref_slice %arg8[%add3A_164, %dma_start3A_168] : memref<250x80xi32, #tpu.memory_space<vmem>> -> memref<1x80xi32, #tpu.memory_space<vmem>>
      %dma_start3A_170 = tpu.memref_squeeze %dma_start3A_169 : memref<1x80xi32, #tpu.memory_space<vmem>> -> memref<80xi32, #tpu.memory_space<vmem>>
      %dma_start3A_171 = arith.constant 0 : i32
      %dma_start3A_172 = arith.constant 0 : i32
      %dma_start3A_173 = tpu.memref_slice %arg7[%dma_start3A_171, %dma_start3A_172] : memref<10000x64xf32, #tpu.memory_space<vmem_shared>> -> memref<10000x64xf32, #tpu.memory_space<vmem_shared>>
      tpu.enqueue_indirect_dma source(%dma_start3A_173 : memref<10000x64xf32, #tpu.memory_space<vmem_shared>>) target(%dma_start3A_167 : memref<80x64xf32, #tpu.memory_space<vmem>>) offsets(%dma_start3A_170 : memref<80xi32, #tpu.memory_space<vmem>>) semaphore(%arg14 : memref<!tpu.dma_semaphore, #tpu.memory_space<semaphore_mem>>)
      %mul3A_174 = arith.constant 5 : i32
      %mul3A_175 = arith.muli %add3A_124, %mul3A_174 : i32
      %add3A_176 = arith.constant 3 : i32
      %add3A_177 = arith.addi %mul3A_175, %add3A_176 : i32
      %dma_start3A_178 = arith.constant 240 : i32
      %dma_start3A_179 = arith.constant 0 : i32
      %dma_start3A_180 = tpu.memref_slice %arg10[%dma_start3A_178, %dma_start3A_179] : memref<400x64xf32, #tpu.memory_space<vmem>> -> memref<80x64xf32, #tpu.memory_space<vmem>>
      %dma_start3A_181 = arith.constant 0 : i32
      %dma_start3A_182 = tpu.memref_slice %arg8[%add3A_177, %dma_start3A_181] : memref<250x80xi32, #tpu.memory_space<vmem>> -> memref<1x80xi32, #tpu.memory_space<vmem>>
      %dma_start3A_183 = tpu.memref_squeeze %dma_start3A_182 : memref<1x80xi32, #tpu.memory_space<vmem>> -> memref<80xi32, #tpu.memory_space<vmem>>
      %dma_start3A_184 = arith.constant 0 : i32
      %dma_start3A_185 = arith.constant 0 : i32
      %dma_start3A_186 = tpu.memref_slice %arg7[%dma_start3A_184, %dma_start3A_185] : memref<10000x64xf32, #tpu.memory_space<vmem_shared>> -> memref<10000x64xf32, #tpu.memory_space<vmem_shared>>
      tpu.enqueue_indirect_dma source(%dma_start3A_186 : memref<10000x64xf32, #tpu.memory_space<vmem_shared>>) target(%dma_start3A_180 : memref<80x64xf32, #tpu.memory_space<vmem>>) offsets(%dma_start3A_183 : memref<80xi32, #tpu.memory_space<vmem>>) semaphore(%arg14 : memref<!tpu.dma_semaphore, #tpu.memory_space<semaphore_mem>>)
      %mul3A_187 = arith.constant 5 : i32
      %mul3A_188 = arith.muli %add3A_124, %mul3A_187 : i32
      %add3A_189 = arith.constant 4 : i32
      %add3A_190 = arith.addi %mul3A_188, %add3A_189 : i32
      %dma_start3A_191 = arith.constant 320 : i32
      %dma_start3A_192 = arith.constant 0 : i32
      %dma_start3A_193 = tpu.memref_slice %arg10[%dma_start3A_191, %dma_start3A_192] : memref<400x64xf32, #tpu.memory_space<vmem>> -> memref<80x64xf32, #tpu.memory_space<vmem>>
      %dma_start3A_194 = arith.constant 0 : i32
      %dma_start3A_195 = tpu.memref_slice %arg8[%add3A_190, %dma_start3A_194] : memref<250x80xi32, #tpu.memory_space<vmem>> -> memref<1x80xi32, #tpu.memory_space<vmem>>
      %dma_start3A_196 = tpu.memref_squeeze %dma_start3A_195 : memref<1x80xi32, #tpu.memory_space<vmem>> -> memref<80xi32, #tpu.memory_space<vmem>>
      %dma_start3A_197 = arith.constant 0 : i32
      %dma_start3A_198 = arith.constant 0 : i32
      %dma_start3A_199 = tpu.memref_slice %arg7[%dma_start3A_197, %dma_start3A_198] : memref<10000x64xf32, #tpu.memory_space<vmem_shared>> -> memref<10000x64xf32, #tpu.memory_space<vmem_shared>>
      tpu.enqueue_indirect_dma source(%dma_start3A_199 : memref<10000x64xf32, #tpu.memory_space<vmem_shared>>) target(%dma_start3A_193 : memref<80x64xf32, #tpu.memory_space<vmem>>) offsets(%dma_start3A_196 : memref<80xi32, #tpu.memory_space<vmem>>) semaphore(%arg14 : memref<!tpu.dma_semaphore, #tpu.memory_space<semaphore_mem>>)
      %dma_wait3A_200 = arith.constant 0 : i32
      %dma_wait3A_201 = arith.constant 0 : i32
      %dma_wait3A_202 = tpu.memref_slice %arg2[%dma_wait3A_200, %dma_wait3A_201] : memref<320000x128xf32, #tpu.memory_space<hbm>> -> memref<400x64xf32, #tpu.memory_space<hbm>>
      %dma_wait3A_203 = arith.constant 0 : i32
      %dma_wait3A_204 = arith.constant 0 : i32
      %dma_wait3A_205 = tpu.memref_slice %arg2[%dma_wait3A_203, %dma_wait3A_204] : memref<320000x128xf32, #tpu.memory_space<hbm>> -> memref<400x64xf32, #tpu.memory_space<hbm>>
      tpu.wait_dma2 semaphore(%arg14 : memref<!tpu.dma_semaphore, #tpu.memory_space<semaphore_mem>>) src(%dma_wait3A_205 : memref<400x64xf32, #tpu.memory_space<hbm>>) dst(%arg10 : memref<400x64xf32, #tpu.memory_space<vmem>>)
      %dma_start3A_206 = tpu.memref_slice %arg6[%add3A_129, %mul3A_0] : memref<320000x128xf32, #tpu.memory_space<hbm>> -> memref<400x64xf32, #tpu.memory_space<hbm>>
      %dma_start3A_207 = tpu.memref_slice %arg6[%add3A_129, %mul3A_0] : memref<320000x128xf32, #tpu.memory_space<hbm>> -> memref<400x64xf32, #tpu.memory_space<hbm>>
      tpu.enqueue_dma source(%arg10 : memref<400x64xf32, #tpu.memory_space<vmem>>) target(%dma_start3A_207 : memref<400x64xf32, #tpu.memory_space<hbm>>) target_semaphore(%arg12 : memref<!tpu.dma_semaphore, #tpu.memory_space<semaphore_mem>>)
    }
    %scan3A_27 = arith.constant 25 : i32
    %mul3A_28 = arith.constant 20000 : i32
    %mul3A_29 = arith.muli %arg1, %mul3A_28 : i32
    %dma_wait3A_30 = tpu.memref_slice %arg6[%mul3A_29, %mul3A_0] : memref<320000x128xf32, #tpu.memory_space<hbm>> -> memref<400x64xf32, #tpu.memory_space<hbm>>
    %dma_wait3A_31 = tpu.memref_slice %arg6[%mul3A_29, %mul3A_0] : memref<320000x128xf32, #tpu.memory_space<hbm>> -> memref<400x64xf32, #tpu.memory_space<hbm>>
    tpu.wait_dma2 semaphore(%arg11 : memref<!tpu.dma_semaphore, #tpu.memory_space<semaphore_mem>>) src(%arg9 : memref<400x64xf32, #tpu.memory_space<vmem>>) dst(%dma_wait3A_31 : memref<400x64xf32, #tpu.memory_space<hbm>>)
    %mul3A_32 = arith.constant 20000 : i32
    %mul3A_33 = arith.muli %arg1, %mul3A_32 : i32
    %dma_wait3A_34 = tpu.memref_slice %arg6[%mul3A_33, %mul3A_0] : memref<320000x128xf32, #tpu.memory_space<hbm>> -> memref<400x64xf32, #tpu.memory_space<hbm>>
    %dma_wait3A_35 = tpu.memref_slice %arg6[%mul3A_33, %mul3A_0] : memref<320000x128xf32, #tpu.memory_space<hbm>> -> memref<400x64xf32, #tpu.memory_space<hbm>>
    tpu.wait_dma2 semaphore(%arg12 : memref<!tpu.dma_semaphore, #tpu.memory_space<semaphore_mem>>) src(%arg10 : memref<400x64xf32, #tpu.memory_space<vmem>>) dst(%dma_wait3A_35 : memref<400x64xf32, #tpu.memory_space<hbm>>)
    return
  }
}

#map = affine_map<(d0, d1) -> (0, 0)>
module attributes {stable_mosaic.version = 14 : i64} {
  func.func @sc_gather0(%arg0: i32, %arg1: i32, %arg2: memref<10000x128xf32, #tpu.memory_space<hbm>>, %arg3: memref<4000x80xi32, #tpu.memory_space<hbm>>, %arg4: memref<320000x128xf32, #tpu.memory_space<hbm>>, %arg5: memref<10000x64xf32, #tpu.memory_space<vmem_shared>>, %arg6: memref<250x80xi32, #tpu.memory_space<vmem>>, %arg7: memref<400x64xf32, #tpu.memory_space<vmem>>, %arg8: memref<400x64xf32, #tpu.memory_space<vmem>>, %arg9: memref<!tpu.dma_semaphore, #tpu.memory_space<semaphore_mem>>, %arg10: memref<!tpu.dma_semaphore, #tpu.memory_space<semaphore_mem>>, %arg11: memref<!tpu.dma_semaphore, #tpu.memory_space<semaphore_mem>>, %arg12: memref<!tpu.dma_semaphore, #tpu.memory_space<semaphore_mem>>) attributes {dimension_semantics = [#tpu.dimension_semantics<core_parallel>, #tpu.dimension_semantics<subcore_parallel>], iteration_bounds = array<i64: 2, 16>, scalar_prefetch = 0 : i64, scratch_operands = 8 : i64, tpu.core_type = #tpu.core_type<sc_vector_subcore>, window_params = [{transform_indices = #map}, {transform_indices = #map}, {transform_indices = #map}]} {
    %mul3A = arith.constant 64 : i32
    %mul3A_0 = arith.muli %arg0, %mul3A : i32
    %mul3A_1 = arith.constant 625 : i32
    %mul3A_2 = arith.muli %arg1, %mul3A_1 : i32
    "tpu.region"() ({
      %run_scoped3A = tpu.sem_alloc : memref<!tpu.dma_semaphore, #tpu.memory_space<semaphore_mem>>
      %dma_start3A = tpu.memref_slice %arg2[%mul3A_2, %mul3A_0] : memref<10000x128xf32, #tpu.memory_space<hbm>> -> memref<400x64xf32, #tpu.memory_space<hbm>>
      %dma_start3A_26 = tpu.memref_slice %arg2[%mul3A_2, %mul3A_0] : memref<10000x128xf32, #tpu.memory_space<hbm>> -> memref<400x64xf32, #tpu.memory_space<hbm>>
      tpu.enqueue_dma source(%dma_start3A_26 : memref<400x64xf32, #tpu.memory_space<hbm>>) target(%arg7 : memref<400x64xf32, #tpu.memory_space<vmem>>) target_semaphore(%run_scoped3A : memref<!tpu.dma_semaphore, #tpu.memory_space<semaphore_mem>>)
      %dma_wait3A_27 = tpu.memref_slice %arg2[%mul3A_2, %mul3A_0] : memref<10000x128xf32, #tpu.memory_space<hbm>> -> memref<400x64xf32, #tpu.memory_space<hbm>>
      %dma_wait3A_28 = tpu.memref_slice %arg2[%mul3A_2, %mul3A_0] : memref<10000x128xf32, #tpu.memory_space<hbm>> -> memref<400x64xf32, #tpu.memory_space<hbm>>
      tpu.wait_dma2 semaphore(%run_scoped3A : memref<!tpu.dma_semaphore, #tpu.memory_space<semaphore_mem>>) src(%dma_wait3A_28 : memref<400x64xf32, #tpu.memory_space<hbm>>) dst(%arg7 : memref<400x64xf32, #tpu.memory_space<vmem>>)
      tpu.yield
    }) : () -> ()
    %mul3A_3 = arith.constant 625 : i32
    %mul3A_4 = arith.muli %arg1, %mul3A_3 : i32
    "tpu.region"() ({
      %run_scoped3A = tpu.sem_alloc : memref<!tpu.dma_semaphore, #tpu.memory_space<semaphore_mem>>
      %dma_start3A = arith.constant 0 : i32
      %dma_start3A_26 = tpu.memref_slice %arg5[%mul3A_4, %dma_start3A] : memref<10000x64xf32, #tpu.memory_space<vmem_shared>> -> memref<400x64xf32, #tpu.memory_space<vmem_shared>>
      %dma_start3A_27 = arith.constant 0 : i32
      %dma_start3A_28 = tpu.memref_slice %arg5[%mul3A_4, %dma_start3A_27] : memref<10000x64xf32, #tpu.memory_space<vmem_shared>> -> memref<400x64xf32, #tpu.memory_space<vmem_shared>>
      tpu.enqueue_dma source(%arg7 : memref<400x64xf32, #tpu.memory_space<vmem>>) target(%dma_start3A_28 : memref<400x64xf32, #tpu.memory_space<vmem_shared>>) target_semaphore(%run_scoped3A : memref<!tpu.dma_semaphore, #tpu.memory_space<semaphore_mem>>)
      %dma_wait3A_29 = arith.constant 0 : i32
      %dma_wait3A_30 = tpu.memref_slice %arg5[%mul3A_4, %dma_wait3A_29] : memref<10000x64xf32, #tpu.memory_space<vmem_shared>> -> memref<400x64xf32, #tpu.memory_space<vmem_shared>>
      %dma_wait3A_31 = arith.constant 0 : i32
      %dma_wait3A_32 = tpu.memref_slice %arg5[%mul3A_4, %dma_wait3A_31] : memref<10000x64xf32, #tpu.memory_space<vmem_shared>> -> memref<400x64xf32, #tpu.memory_space<vmem_shared>>
      tpu.wait_dma2 semaphore(%run_scoped3A : memref<!tpu.dma_semaphore, #tpu.memory_space<semaphore_mem>>) src(%arg7 : memref<400x64xf32, #tpu.memory_space<vmem>>) dst(%dma_wait3A_32 : memref<400x64xf32, #tpu.memory_space<vmem_shared>>)
      tpu.yield
    }) : () -> ()
    %mul3A_5 = arith.constant 625 : i32
    %mul3A_6 = arith.muli %arg1, %mul3A_5 : i32
    %add3A = arith.constant 400 : i32
    %add3A_7 = arith.addi %mul3A_6, %add3A : i32
    "tpu.region"() ({
      %run_scoped3A = tpu.sem_alloc : memref<!tpu.dma_semaphore, #tpu.memory_space<semaphore_mem>>
      %dma_start3A = arith.constant 0 : i32
      %dma_start3A_26 = arith.constant 0 : i32
      %dma_start3A_27 = tpu.memref_slice %arg8[%dma_start3A, %dma_start3A_26] : memref<400x64xf32, #tpu.memory_space<vmem>> -> memref<225x64xf32, #tpu.memory_space<vmem>>
      %dma_start3A_28 = tpu.memref_slice %arg2[%add3A_7, %mul3A_0] : memref<10000x128xf32, #tpu.memory_space<hbm>> -> memref<225x64xf32, #tpu.memory_space<hbm>>
      %dma_start3A_29 = arith.constant 0 : i32
      %dma_start3A_30 = arith.constant 0 : i32
      %dma_start3A_31 = tpu.memref_slice %arg8[%dma_start3A_29, %dma_start3A_30] : memref<400x64xf32, #tpu.memory_space<vmem>> -> memref<225x64xf32, #tpu.memory_space<vmem>>
      %dma_start3A_32 = tpu.memref_slice %arg2[%add3A_7, %mul3A_0] : memref<10000x128xf32, #tpu.memory_space<hbm>> -> memref<225x64xf32, #tpu.memory_space<hbm>>
      tpu.enqueue_dma source(%dma_start3A_32 : memref<225x64xf32, #tpu.memory_space<hbm>>) target(%dma_start3A_31 : memref<225x64xf32, #tpu.memory_space<vmem>>) target_semaphore(%run_scoped3A : memref<!tpu.dma_semaphore, #tpu.memory_space<semaphore_mem>>)
      %dma_wait3A_33 = arith.constant 0 : i32
      %dma_wait3A_34 = arith.constant 0 : i32
      %dma_wait3A_35 = tpu.memref_slice %arg8[%dma_wait3A_33, %dma_wait3A_34] : memref<400x64xf32, #tpu.memory_space<vmem>> -> memref<225x64xf32, #tpu.memory_space<vmem>>
      %dma_wait3A_36 = tpu.memref_slice %arg2[%add3A_7, %mul3A_0] : memref<10000x128xf32, #tpu.memory_space<hbm>> -> memref<225x64xf32, #tpu.memory_space<hbm>>
      %dma_wait3A_37 = arith.constant 0 : i32
      %dma_wait3A_38 = arith.constant 0 : i32
      %dma_wait3A_39 = tpu.memref_slice %arg8[%dma_wait3A_37, %dma_wait3A_38] : memref<400x64xf32, #tpu.memory_space<vmem>> -> memref<225x64xf32, #tpu.memory_space<vmem>>
      %dma_wait3A_40 = tpu.memref_slice %arg2[%add3A_7, %mul3A_0] : memref<10000x128xf32, #tpu.memory_space<hbm>> -> memref<225x64xf32, #tpu.memory_space<hbm>>
      tpu.wait_dma2 semaphore(%run_scoped3A : memref<!tpu.dma_semaphore, #tpu.memory_space<semaphore_mem>>) src(%dma_wait3A_40 : memref<225x64xf32, #tpu.memory_space<hbm>>) dst(%dma_wait3A_39 : memref<225x64xf32, #tpu.memory_space<vmem>>)
      tpu.yield
    }) : () -> ()
    %mul3A_8 = arith.constant 625 : i32
    %mul3A_9 = arith.muli %arg1, %mul3A_8 : i32
    %add3A_10 = arith.constant 400 : i32
    %add3A_11 = arith.addi %mul3A_9, %add3A_10 : i32
    "tpu.region"() ({
      %run_scoped3A = tpu.sem_alloc : memref<!tpu.dma_semaphore, #tpu.memory_space<semaphore_mem>>
      %dma_start3A = arith.constant 0 : i32
      %dma_start3A_26 = arith.constant 0 : i32
      %dma_start3A_27 = tpu.memref_slice %arg8[%dma_start3A, %dma_start3A_26] : memref<400x64xf32, #tpu.memory_space<vmem>> -> memref<225x64xf32, #tpu.memory_space<vmem>>
      %dma_start3A_28 = arith.constant 0 : i32
      %dma_start3A_29 = tpu.memref_slice %arg5[%add3A_11, %dma_start3A_28] : memref<10000x64xf32, #tpu.memory_space<vmem_shared>> -> memref<225x64xf32, #tpu.memory_space<vmem_shared>>
      %dma_start3A_30 = arith.constant 0 : i32
      %dma_start3A_31 = tpu.memref_slice %arg5[%add3A_11, %dma_start3A_30] : memref<10000x64xf32, #tpu.memory_space<vmem_shared>> -> memref<225x64xf32, #tpu.memory_space<vmem_shared>>
      %dma_start3A_32 = arith.constant 0 : i32
      %dma_start3A_33 = arith.constant 0 : i32
      %dma_start3A_34 = tpu.memref_slice %arg8[%dma_start3A_32, %dma_start3A_33] : memref<400x64xf32, #tpu.memory_space<vmem>> -> memref<225x64xf32, #tpu.memory_space<vmem>>
      tpu.enqueue_dma source(%dma_start3A_34 : memref<225x64xf32, #tpu.memory_space<vmem>>) target(%dma_start3A_31 : memref<225x64xf32, #tpu.memory_space<vmem_shared>>) target_semaphore(%run_scoped3A : memref<!tpu.dma_semaphore, #tpu.memory_space<semaphore_mem>>)
      %dma_wait3A_35 = arith.constant 0 : i32
      %dma_wait3A_36 = arith.constant 0 : i32
      %dma_wait3A_37 = tpu.memref_slice %arg8[%dma_wait3A_35, %dma_wait3A_36] : memref<400x64xf32, #tpu.memory_space<vmem>> -> memref<225x64xf32, #tpu.memory_space<vmem>>
      %dma_wait3A_38 = arith.constant 0 : i32
      %dma_wait3A_39 = tpu.memref_slice %arg5[%add3A_11, %dma_wait3A_38] : memref<10000x64xf32, #tpu.memory_space<vmem_shared>> -> memref<225x64xf32, #tpu.memory_space<vmem_shared>>
      %dma_wait3A_40 = arith.constant 0 : i32
      %dma_wait3A_41 = tpu.memref_slice %arg5[%add3A_11, %dma_wait3A_40] : memref<10000x64xf32, #tpu.memory_space<vmem_shared>> -> memref<225x64xf32, #tpu.memory_space<vmem_shared>>
      %dma_wait3A_42 = arith.constant 0 : i32
      %dma_wait3A_43 = arith.constant 0 : i32
      %dma_wait3A_44 = tpu.memref_slice %arg8[%dma_wait3A_42, %dma_wait3A_43] : memref<400x64xf32, #tpu.memory_space<vmem>> -> memref<225x64xf32, #tpu.memory_space<vmem>>
      tpu.wait_dma2 semaphore(%run_scoped3A : memref<!tpu.dma_semaphore, #tpu.memory_space<semaphore_mem>>) src(%dma_wait3A_44 : memref<225x64xf32, #tpu.memory_space<vmem>>) dst(%dma_wait3A_41 : memref<225x64xf32, #tpu.memory_space<vmem_shared>>)
      tpu.yield
    }) : () -> ()
    %barrier3A = arith.constant 0 : index
    tpu.barrier barrier_id(%barrier3A)
    %mul3A_12 = arith.constant 250 : i32
    %mul3A_13 = arith.muli %arg1, %mul3A_12 : i32
    "tpu.region"() ({
      %run_scoped3A = tpu.sem_alloc : memref<!tpu.dma_semaphore, #tpu.memory_space<semaphore_mem>>
      %dma_start3A = arith.constant 0 : i32
      %dma_start3A_26 = tpu.memref_slice %arg3[%mul3A_13, %dma_start3A] : memref<4000x80xi32, #tpu.memory_space<hbm>> -> memref<250x80xi32, #tpu.memory_space<hbm>>
      %dma_start3A_27 = arith.constant 0 : i32
      %dma_start3A_28 = tpu.memref_slice %arg3[%mul3A_13, %dma_start3A_27] : memref<4000x80xi32, #tpu.memory_space<hbm>> -> memref<250x80xi32, #tpu.memory_space<hbm>>
      tpu.enqueue_dma source(%dma_start3A_28 : memref<250x80xi32, #tpu.memory_space<hbm>>) target(%arg6 : memref<250x80xi32, #tpu.memory_space<vmem>>) target_semaphore(%run_scoped3A : memref<!tpu.dma_semaphore, #tpu.memory_space<semaphore_mem>>)
      %dma_wait3A_29 = arith.constant 0 : i32
      %dma_wait3A_30 = tpu.memref_slice %arg3[%mul3A_13, %dma_wait3A_29] : memref<4000x80xi32, #tpu.memory_space<hbm>> -> memref<250x80xi32, #tpu.memory_space<hbm>>
      %dma_wait3A_31 = arith.constant 0 : i32
      %dma_wait3A_32 = tpu.memref_slice %arg3[%mul3A_13, %dma_wait3A_31] : memref<4000x80xi32, #tpu.memory_space<hbm>> -> memref<250x80xi32, #tpu.memory_space<hbm>>
      tpu.wait_dma2 semaphore(%run_scoped3A : memref<!tpu.dma_semaphore, #tpu.memory_space<semaphore_mem>>) src(%dma_wait3A_32 : memref<250x80xi32, #tpu.memory_space<hbm>>) dst(%arg6 : memref<250x80xi32, #tpu.memory_space<vmem>>)
      tpu.yield
    }) : () -> ()
    %scan3A = arith.constant 0 : i32
    %scan3A_14 = arith.constant 0 : i32
    %scan3A_15 = arith.constant 25 : i32
    %scan3A_16 = arith.addi %scan3A_14, %scan3A_15 : i32
    %scan3A_17 = arith.constant 1 : i32
    scf.for %scan3A_26 = %scan3A_14 to %scan3A_16 step %scan3A_17  : i32 {
      %mul3A_27 = arith.constant 2 : i32
      %mul3A_28 = arith.muli %scan3A_26, %mul3A_27 : i32
      %add3A_29 = arith.constant 0 : i32
      %add3A_30 = arith.addi %mul3A_28, %add3A_29 : i32
      %mul3A_31 = arith.constant 20000 : i32
      %mul3A_32 = arith.muli %arg1, %mul3A_31 : i32
      %mul3A_33 = arith.constant 400 : i32
      %mul3A_34 = arith.muli %add3A_30, %mul3A_33 : i32
      %add3A_35 = arith.addi %mul3A_32, %mul3A_34 : i32
      %ge3A = arith.constant 1 : i32
      %ge3A_36 = arith.cmpi sge, %scan3A_26, %ge3A : i32
      %convert_element_type3A = arith.extui %ge3A_36 : i1 to i32
      %cond3A = arith.constant 0 : i32
      %cond3A_37 = arith.cmpi ne, %convert_element_type3A, %cond3A : i32
      scf.if %cond3A_37 {
        %dma_wait3A_197 = tpu.memref_slice %arg4[%add3A_35, %mul3A_0] : memref<320000x128xf32, #tpu.memory_space<hbm>> -> memref<400x64xf32, #tpu.memory_space<hbm>>
        %dma_wait3A_198 = tpu.memref_slice %arg4[%add3A_35, %mul3A_0] : memref<320000x128xf32, #tpu.memory_space<hbm>> -> memref<400x64xf32, #tpu.memory_space<hbm>>
        tpu.wait_dma2 semaphore(%arg9 : memref<!tpu.dma_semaphore, #tpu.memory_space<semaphore_mem>>) src(%arg7 : memref<400x64xf32, #tpu.memory_space<vmem>>) dst(%dma_wait3A_198 : memref<400x64xf32, #tpu.memory_space<hbm>>)
      } else {
      }
      %mul3A_38 = arith.constant 5 : i32
      %mul3A_39 = arith.muli %add3A_30, %mul3A_38 : i32
      %add3A_40 = arith.constant 0 : i32
      %add3A_41 = arith.addi %mul3A_39, %add3A_40 : i32
      %dma_start3A = arith.constant 0 : i32
      %dma_start3A_42 = arith.constant 0 : i32
      %dma_start3A_43 = tpu.memref_slice %arg7[%dma_start3A, %dma_start3A_42] : memref<400x64xf32, #tpu.memory_space<vmem>> -> memref<80x64xf32, #tpu.memory_space<vmem>>
      %dma_start3A_44 = arith.constant 0 : i32
      %dma_start3A_45 = tpu.memref_slice %arg6[%add3A_41, %dma_start3A_44] : memref<250x80xi32, #tpu.memory_space<vmem>> -> memref<1x80xi32, #tpu.memory_space<vmem>>
      %dma_start3A_46 = tpu.memref_squeeze %dma_start3A_45 : memref<1x80xi32, #tpu.memory_space<vmem>> -> memref<80xi32, #tpu.memory_space<vmem>>
      %dma_start3A_47 = arith.constant 0 : i32
      %dma_start3A_48 = arith.constant 0 : i32
      %dma_start3A_49 = tpu.memref_slice %arg5[%dma_start3A_47, %dma_start3A_48] : memref<10000x64xf32, #tpu.memory_space<vmem_shared>> -> memref<10000x64xf32, #tpu.memory_space<vmem_shared>>
      tpu.enqueue_indirect_dma source(%dma_start3A_49 : memref<10000x64xf32, #tpu.memory_space<vmem_shared>>) target(%dma_start3A_43 : memref<80x64xf32, #tpu.memory_space<vmem>>) offsets(%dma_start3A_46 : memref<80xi32, #tpu.memory_space<vmem>>) semaphore(%arg11 : memref<!tpu.dma_semaphore, #tpu.memory_space<semaphore_mem>>)
      %mul3A_50 = arith.constant 5 : i32
      %mul3A_51 = arith.muli %add3A_30, %mul3A_50 : i32
      %add3A_52 = arith.constant 1 : i32
      %add3A_53 = arith.addi %mul3A_51, %add3A_52 : i32
      %dma_start3A_54 = arith.constant 80 : i32
      %dma_start3A_55 = arith.constant 0 : i32
      %dma_start3A_56 = tpu.memref_slice %arg7[%dma_start3A_54, %dma_start3A_55] : memref<400x64xf32, #tpu.memory_space<vmem>> -> memref<80x64xf32, #tpu.memory_space<vmem>>
      %dma_start3A_57 = arith.constant 0 : i32
      %dma_start3A_58 = tpu.memref_slice %arg6[%add3A_53, %dma_start3A_57] : memref<250x80xi32, #tpu.memory_space<vmem>> -> memref<1x80xi32, #tpu.memory_space<vmem>>
      %dma_start3A_59 = tpu.memref_squeeze %dma_start3A_58 : memref<1x80xi32, #tpu.memory_space<vmem>> -> memref<80xi32, #tpu.memory_space<vmem>>
      %dma_start3A_60 = arith.constant 0 : i32
      %dma_start3A_61 = arith.constant 0 : i32
      %dma_start3A_62 = tpu.memref_slice %arg5[%dma_start3A_60, %dma_start3A_61] : memref<10000x64xf32, #tpu.memory_space<vmem_shared>> -> memref<10000x64xf32, #tpu.memory_space<vmem_shared>>
      tpu.enqueue_indirect_dma source(%dma_start3A_62 : memref<10000x64xf32, #tpu.memory_space<vmem_shared>>) target(%dma_start3A_56 : memref<80x64xf32, #tpu.memory_space<vmem>>) offsets(%dma_start3A_59 : memref<80xi32, #tpu.memory_space<vmem>>) semaphore(%arg11 : memref<!tpu.dma_semaphore, #tpu.memory_space<semaphore_mem>>)
      %mul3A_63 = arith.constant 5 : i32
      %mul3A_64 = arith.muli %add3A_30, %mul3A_63 : i32
      %add3A_65 = arith.constant 2 : i32
      %add3A_66 = arith.addi %mul3A_64, %add3A_65 : i32
      %dma_start3A_67 = arith.constant 160 : i32
      %dma_start3A_68 = arith.constant 0 : i32
      %dma_start3A_69 = tpu.memref_slice %arg7[%dma_start3A_67, %dma_start3A_68] : memref<400x64xf32, #tpu.memory_space<vmem>> -> memref<80x64xf32, #tpu.memory_space<vmem>>
      %dma_start3A_70 = arith.constant 0 : i32
      %dma_start3A_71 = tpu.memref_slice %arg6[%add3A_66, %dma_start3A_70] : memref<250x80xi32, #tpu.memory_space<vmem>> -> memref<1x80xi32, #tpu.memory_space<vmem>>
      %dma_start3A_72 = tpu.memref_squeeze %dma_start3A_71 : memref<1x80xi32, #tpu.memory_space<vmem>> -> memref<80xi32, #tpu.memory_space<vmem>>
      %dma_start3A_73 = arith.constant 0 : i32
      %dma_start3A_74 = arith.constant 0 : i32
      %dma_start3A_75 = tpu.memref_slice %arg5[%dma_start3A_73, %dma_start3A_74] : memref<10000x64xf32, #tpu.memory_space<vmem_shared>> -> memref<10000x64xf32, #tpu.memory_space<vmem_shared>>
      tpu.enqueue_indirect_dma source(%dma_start3A_75 : memref<10000x64xf32, #tpu.memory_space<vmem_shared>>) target(%dma_start3A_69 : memref<80x64xf32, #tpu.memory_space<vmem>>) offsets(%dma_start3A_72 : memref<80xi32, #tpu.memory_space<vmem>>) semaphore(%arg11 : memref<!tpu.dma_semaphore, #tpu.memory_space<semaphore_mem>>)
      %mul3A_76 = arith.constant 5 : i32
      %mul3A_77 = arith.muli %add3A_30, %mul3A_76 : i32
      %add3A_78 = arith.constant 3 : i32
      %add3A_79 = arith.addi %mul3A_77, %add3A_78 : i32
      %dma_start3A_80 = arith.constant 240 : i32
      %dma_start3A_81 = arith.constant 0 : i32
      %dma_start3A_82 = tpu.memref_slice %arg7[%dma_start3A_80, %dma_start3A_81] : memref<400x64xf32, #tpu.memory_space<vmem>> -> memref<80x64xf32, #tpu.memory_space<vmem>>
      %dma_start3A_83 = arith.constant 0 : i32
      %dma_start3A_84 = tpu.memref_slice %arg6[%add3A_79, %dma_start3A_83] : memref<250x80xi32, #tpu.memory_space<vmem>> -> memref<1x80xi32, #tpu.memory_space<vmem>>
      %dma_start3A_85 = tpu.memref_squeeze %dma_start3A_84 : memref<1x80xi32, #tpu.memory_space<vmem>> -> memref<80xi32, #tpu.memory_space<vmem>>
      %dma_start3A_86 = arith.constant 0 : i32
      %dma_start3A_87 = arith.constant 0 : i32
      %dma_start3A_88 = tpu.memref_slice %arg5[%dma_start3A_86, %dma_start3A_87] : memref<10000x64xf32, #tpu.memory_space<vmem_shared>> -> memref<10000x64xf32, #tpu.memory_space<vmem_shared>>
      tpu.enqueue_indirect_dma source(%dma_start3A_88 : memref<10000x64xf32, #tpu.memory_space<vmem_shared>>) target(%dma_start3A_82 : memref<80x64xf32, #tpu.memory_space<vmem>>) offsets(%dma_start3A_85 : memref<80xi32, #tpu.memory_space<vmem>>) semaphore(%arg11 : memref<!tpu.dma_semaphore, #tpu.memory_space<semaphore_mem>>)
      %mul3A_89 = arith.constant 5 : i32
      %mul3A_90 = arith.muli %add3A_30, %mul3A_89 : i32
      %add3A_91 = arith.constant 4 : i32
      %add3A_92 = arith.addi %mul3A_90, %add3A_91 : i32
      %dma_start3A_93 = arith.constant 320 : i32
      %dma_start3A_94 = arith.constant 0 : i32
      %dma_start3A_95 = tpu.memref_slice %arg7[%dma_start3A_93, %dma_start3A_94] : memref<400x64xf32, #tpu.memory_space<vmem>> -> memref<80x64xf32, #tpu.memory_space<vmem>>
      %dma_start3A_96 = arith.constant 0 : i32
      %dma_start3A_97 = tpu.memref_slice %arg6[%add3A_92, %dma_start3A_96] : memref<250x80xi32, #tpu.memory_space<vmem>> -> memref<1x80xi32, #tpu.memory_space<vmem>>
      %dma_start3A_98 = tpu.memref_squeeze %dma_start3A_97 : memref<1x80xi32, #tpu.memory_space<vmem>> -> memref<80xi32, #tpu.memory_space<vmem>>
      %dma_start3A_99 = arith.constant 0 : i32
      %dma_start3A_100 = arith.constant 0 : i32
      %dma_start3A_101 = tpu.memref_slice %arg5[%dma_start3A_99, %dma_start3A_100] : memref<10000x64xf32, #tpu.memory_space<vmem_shared>> -> memref<10000x64xf32, #tpu.memory_space<vmem_shared>>
      tpu.enqueue_indirect_dma source(%dma_start3A_101 : memref<10000x64xf32, #tpu.memory_space<vmem_shared>>) target(%dma_start3A_95 : memref<80x64xf32, #tpu.memory_space<vmem>>) offsets(%dma_start3A_98 : memref<80xi32, #tpu.memory_space<vmem>>) semaphore(%arg11 : memref<!tpu.dma_semaphore, #tpu.memory_space<semaphore_mem>>)
      %dma_wait3A_102 = arith.constant 0 : i32
      %dma_wait3A_103 = arith.constant 0 : i32
      %dma_wait3A_104 = tpu.memref_slice %arg2[%dma_wait3A_102, %dma_wait3A_103] : memref<10000x128xf32, #tpu.memory_space<hbm>> -> memref<400x64xf32, #tpu.memory_space<hbm>>
      %dma_wait3A_105 = arith.constant 0 : i32
      %dma_wait3A_106 = arith.constant 0 : i32
      %dma_wait3A_107 = tpu.memref_slice %arg2[%dma_wait3A_105, %dma_wait3A_106] : memref<10000x128xf32, #tpu.memory_space<hbm>> -> memref<400x64xf32, #tpu.memory_space<hbm>>
      tpu.wait_dma2 semaphore(%arg11 : memref<!tpu.dma_semaphore, #tpu.memory_space<semaphore_mem>>) src(%dma_wait3A_107 : memref<400x64xf32, #tpu.memory_space<hbm>>) dst(%arg7 : memref<400x64xf32, #tpu.memory_space<vmem>>)
      %dma_start3A_108 = tpu.memref_slice %arg4[%add3A_35, %mul3A_0] : memref<320000x128xf32, #tpu.memory_space<hbm>> -> memref<400x64xf32, #tpu.memory_space<hbm>>
      %dma_start3A_109 = tpu.memref_slice %arg4[%add3A_35, %mul3A_0] : memref<320000x128xf32, #tpu.memory_space<hbm>> -> memref<400x64xf32, #tpu.memory_space<hbm>>
      tpu.enqueue_dma source(%arg7 : memref<400x64xf32, #tpu.memory_space<vmem>>) target(%dma_start3A_109 : memref<400x64xf32, #tpu.memory_space<hbm>>) target_semaphore(%arg9 : memref<!tpu.dma_semaphore, #tpu.memory_space<semaphore_mem>>)
      %mul3A_110 = arith.constant 2 : i32
      %mul3A_111 = arith.muli %scan3A_26, %mul3A_110 : i32
      %add3A_112 = arith.constant 1 : i32
      %add3A_113 = arith.addi %mul3A_111, %add3A_112 : i32
      %mul3A_114 = arith.constant 20000 : i32
      %mul3A_115 = arith.muli %arg1, %mul3A_114 : i32
      %mul3A_116 = arith.constant 400 : i32
      %mul3A_117 = arith.muli %add3A_113, %mul3A_116 : i32
      %add3A_118 = arith.addi %mul3A_115, %mul3A_117 : i32
      %ge3A_119 = arith.constant 1 : i32
      %ge3A_120 = arith.cmpi sge, %scan3A_26, %ge3A_119 : i32
      %convert_element_type3A_121 = arith.extui %ge3A_120 : i1 to i32
      %cond3A_122 = arith.constant 0 : i32
      %cond3A_123 = arith.cmpi ne, %convert_element_type3A_121, %cond3A_122 : i32
      scf.if %cond3A_123 {
        %dma_wait3A_197 = tpu.memref_slice %arg4[%add3A_118, %mul3A_0] : memref<320000x128xf32, #tpu.memory_space<hbm>> -> memref<400x64xf32, #tpu.memory_space<hbm>>
        %dma_wait3A_198 = tpu.memref_slice %arg4[%add3A_118, %mul3A_0] : memref<320000x128xf32, #tpu.memory_space<hbm>> -> memref<400x64xf32, #tpu.memory_space<hbm>>
        tpu.wait_dma2 semaphore(%arg10 : memref<!tpu.dma_semaphore, #tpu.memory_space<semaphore_mem>>) src(%arg8 : memref<400x64xf32, #tpu.memory_space<vmem>>) dst(%dma_wait3A_198 : memref<400x64xf32, #tpu.memory_space<hbm>>)
      } else {
      }
      %mul3A_124 = arith.constant 5 : i32
      %mul3A_125 = arith.muli %add3A_113, %mul3A_124 : i32
      %add3A_126 = arith.constant 0 : i32
      %add3A_127 = arith.addi %mul3A_125, %add3A_126 : i32
      %dma_start3A_128 = arith.constant 0 : i32
      %dma_start3A_129 = arith.constant 0 : i32
      %dma_start3A_130 = tpu.memref_slice %arg8[%dma_start3A_128, %dma_start3A_129] : memref<400x64xf32, #tpu.memory_space<vmem>> -> memref<80x64xf32, #tpu.memory_space<vmem>>
      %dma_start3A_131 = arith.constant 0 : i32
      %dma_start3A_132 = tpu.memref_slice %arg6[%add3A_127, %dma_start3A_131] : memref<250x80xi32, #tpu.memory_space<vmem>> -> memref<1x80xi32, #tpu.memory_space<vmem>>
      %dma_start3A_133 = tpu.memref_squeeze %dma_start3A_132 : memref<1x80xi32, #tpu.memory_space<vmem>> -> memref<80xi32, #tpu.memory_space<vmem>>
      %dma_start3A_134 = arith.constant 0 : i32
      %dma_start3A_135 = arith.constant 0 : i32
      %dma_start3A_136 = tpu.memref_slice %arg5[%dma_start3A_134, %dma_start3A_135] : memref<10000x64xf32, #tpu.memory_space<vmem_shared>> -> memref<10000x64xf32, #tpu.memory_space<vmem_shared>>
      tpu.enqueue_indirect_dma source(%dma_start3A_136 : memref<10000x64xf32, #tpu.memory_space<vmem_shared>>) target(%dma_start3A_130 : memref<80x64xf32, #tpu.memory_space<vmem>>) offsets(%dma_start3A_133 : memref<80xi32, #tpu.memory_space<vmem>>) semaphore(%arg12 : memref<!tpu.dma_semaphore, #tpu.memory_space<semaphore_mem>>)
      %mul3A_137 = arith.constant 5 : i32
      %mul3A_138 = arith.muli %add3A_113, %mul3A_137 : i32
      %add3A_139 = arith.constant 1 : i32
      %add3A_140 = arith.addi %mul3A_138, %add3A_139 : i32
      %dma_start3A_141 = arith.constant 80 : i32
      %dma_start3A_142 = arith.constant 0 : i32
      %dma_start3A_143 = tpu.memref_slice %arg8[%dma_start3A_141, %dma_start3A_142] : memref<400x64xf32, #tpu.memory_space<vmem>> -> memref<80x64xf32, #tpu.memory_space<vmem>>
      %dma_start3A_144 = arith.constant 0 : i32
      %dma_start3A_145 = tpu.memref_slice %arg6[%add3A_140, %dma_start3A_144] : memref<250x80xi32, #tpu.memory_space<vmem>> -> memref<1x80xi32, #tpu.memory_space<vmem>>
      %dma_start3A_146 = tpu.memref_squeeze %dma_start3A_145 : memref<1x80xi32, #tpu.memory_space<vmem>> -> memref<80xi32, #tpu.memory_space<vmem>>
      %dma_start3A_147 = arith.constant 0 : i32
      %dma_start3A_148 = arith.constant 0 : i32
      %dma_start3A_149 = tpu.memref_slice %arg5[%dma_start3A_147, %dma_start3A_148] : memref<10000x64xf32, #tpu.memory_space<vmem_shared>> -> memref<10000x64xf32, #tpu.memory_space<vmem_shared>>
      tpu.enqueue_indirect_dma source(%dma_start3A_149 : memref<10000x64xf32, #tpu.memory_space<vmem_shared>>) target(%dma_start3A_143 : memref<80x64xf32, #tpu.memory_space<vmem>>) offsets(%dma_start3A_146 : memref<80xi32, #tpu.memory_space<vmem>>) semaphore(%arg12 : memref<!tpu.dma_semaphore, #tpu.memory_space<semaphore_mem>>)
      %mul3A_150 = arith.constant 5 : i32
      %mul3A_151 = arith.muli %add3A_113, %mul3A_150 : i32
      %add3A_152 = arith.constant 2 : i32
      %add3A_153 = arith.addi %mul3A_151, %add3A_152 : i32
      %dma_start3A_154 = arith.constant 160 : i32
      %dma_start3A_155 = arith.constant 0 : i32
      %dma_start3A_156 = tpu.memref_slice %arg8[%dma_start3A_154, %dma_start3A_155] : memref<400x64xf32, #tpu.memory_space<vmem>> -> memref<80x64xf32, #tpu.memory_space<vmem>>
      %dma_start3A_157 = arith.constant 0 : i32
      %dma_start3A_158 = tpu.memref_slice %arg6[%add3A_153, %dma_start3A_157] : memref<250x80xi32, #tpu.memory_space<vmem>> -> memref<1x80xi32, #tpu.memory_space<vmem>>
      %dma_start3A_159 = tpu.memref_squeeze %dma_start3A_158 : memref<1x80xi32, #tpu.memory_space<vmem>> -> memref<80xi32, #tpu.memory_space<vmem>>
      %dma_start3A_160 = arith.constant 0 : i32
      %dma_start3A_161 = arith.constant 0 : i32
      %dma_start3A_162 = tpu.memref_slice %arg5[%dma_start3A_160, %dma_start3A_161] : memref<10000x64xf32, #tpu.memory_space<vmem_shared>> -> memref<10000x64xf32, #tpu.memory_space<vmem_shared>>
      tpu.enqueue_indirect_dma source(%dma_start3A_162 : memref<10000x64xf32, #tpu.memory_space<vmem_shared>>) target(%dma_start3A_156 : memref<80x64xf32, #tpu.memory_space<vmem>>) offsets(%dma_start3A_159 : memref<80xi32, #tpu.memory_space<vmem>>) semaphore(%arg12 : memref<!tpu.dma_semaphore, #tpu.memory_space<semaphore_mem>>)
      %mul3A_163 = arith.constant 5 : i32
      %mul3A_164 = arith.muli %add3A_113, %mul3A_163 : i32
      %add3A_165 = arith.constant 3 : i32
      %add3A_166 = arith.addi %mul3A_164, %add3A_165 : i32
      %dma_start3A_167 = arith.constant 240 : i32
      %dma_start3A_168 = arith.constant 0 : i32
      %dma_start3A_169 = tpu.memref_slice %arg8[%dma_start3A_167, %dma_start3A_168] : memref<400x64xf32, #tpu.memory_space<vmem>> -> memref<80x64xf32, #tpu.memory_space<vmem>>
      %dma_start3A_170 = arith.constant 0 : i32
      %dma_start3A_171 = tpu.memref_slice %arg6[%add3A_166, %dma_start3A_170] : memref<250x80xi32, #tpu.memory_space<vmem>> -> memref<1x80xi32, #tpu.memory_space<vmem>>
      %dma_start3A_172 = tpu.memref_squeeze %dma_start3A_171 : memref<1x80xi32, #tpu.memory_space<vmem>> -> memref<80xi32, #tpu.memory_space<vmem>>
      %dma_start3A_173 = arith.constant 0 : i32
      %dma_start3A_174 = arith.constant 0 : i32
      %dma_start3A_175 = tpu.memref_slice %arg5[%dma_start3A_173, %dma_start3A_174] : memref<10000x64xf32, #tpu.memory_space<vmem_shared>> -> memref<10000x64xf32, #tpu.memory_space<vmem_shared>>
      tpu.enqueue_indirect_dma source(%dma_start3A_175 : memref<10000x64xf32, #tpu.memory_space<vmem_shared>>) target(%dma_start3A_169 : memref<80x64xf32, #tpu.memory_space<vmem>>) offsets(%dma_start3A_172 : memref<80xi32, #tpu.memory_space<vmem>>) semaphore(%arg12 : memref<!tpu.dma_semaphore, #tpu.memory_space<semaphore_mem>>)
      %mul3A_176 = arith.constant 5 : i32
      %mul3A_177 = arith.muli %add3A_113, %mul3A_176 : i32
      %add3A_178 = arith.constant 4 : i32
      %add3A_179 = arith.addi %mul3A_177, %add3A_178 : i32
      %dma_start3A_180 = arith.constant 320 : i32
      %dma_start3A_181 = arith.constant 0 : i32
      %dma_start3A_182 = tpu.memref_slice %arg8[%dma_start3A_180, %dma_start3A_181] : memref<400x64xf32, #tpu.memory_space<vmem>> -> memref<80x64xf32, #tpu.memory_space<vmem>>
      %dma_start3A_183 = arith.constant 0 : i32
      %dma_start3A_184 = tpu.memref_slice %arg6[%add3A_179, %dma_start3A_183] : memref<250x80xi32, #tpu.memory_space<vmem>> -> memref<1x80xi32, #tpu.memory_space<vmem>>
      %dma_start3A_185 = tpu.memref_squeeze %dma_start3A_184 : memref<1x80xi32, #tpu.memory_space<vmem>> -> memref<80xi32, #tpu.memory_space<vmem>>
      %dma_start3A_186 = arith.constant 0 : i32
      %dma_start3A_187 = arith.constant 0 : i32
      %dma_start3A_188 = tpu.memref_slice %arg5[%dma_start3A_186, %dma_start3A_187] : memref<10000x64xf32, #tpu.memory_space<vmem_shared>> -> memref<10000x64xf32, #tpu.memory_space<vmem_shared>>
      tpu.enqueue_indirect_dma source(%dma_start3A_188 : memref<10000x64xf32, #tpu.memory_space<vmem_shared>>) target(%dma_start3A_182 : memref<80x64xf32, #tpu.memory_space<vmem>>) offsets(%dma_start3A_185 : memref<80xi32, #tpu.memory_space<vmem>>) semaphore(%arg12 : memref<!tpu.dma_semaphore, #tpu.memory_space<semaphore_mem>>)
      %dma_wait3A_189 = arith.constant 0 : i32
      %dma_wait3A_190 = arith.constant 0 : i32
      %dma_wait3A_191 = tpu.memref_slice %arg2[%dma_wait3A_189, %dma_wait3A_190] : memref<10000x128xf32, #tpu.memory_space<hbm>> -> memref<400x64xf32, #tpu.memory_space<hbm>>
      %dma_wait3A_192 = arith.constant 0 : i32
      %dma_wait3A_193 = arith.constant 0 : i32
      %dma_wait3A_194 = tpu.memref_slice %arg2[%dma_wait3A_192, %dma_wait3A_193] : memref<10000x128xf32, #tpu.memory_space<hbm>> -> memref<400x64xf32, #tpu.memory_space<hbm>>
      tpu.wait_dma2 semaphore(%arg12 : memref<!tpu.dma_semaphore, #tpu.memory_space<semaphore_mem>>) src(%dma_wait3A_194 : memref<400x64xf32, #tpu.memory_space<hbm>>) dst(%arg8 : memref<400x64xf32, #tpu.memory_space<vmem>>)
      %dma_start3A_195 = tpu.memref_slice %arg4[%add3A_118, %mul3A_0] : memref<320000x128xf32, #tpu.memory_space<hbm>> -> memref<400x64xf32, #tpu.memory_space<hbm>>
      %dma_start3A_196 = tpu.memref_slice %arg4[%add3A_118, %mul3A_0] : memref<320000x128xf32, #tpu.memory_space<hbm>> -> memref<400x64xf32, #tpu.memory_space<hbm>>
      tpu.enqueue_dma source(%arg8 : memref<400x64xf32, #tpu.memory_space<vmem>>) target(%dma_start3A_196 : memref<400x64xf32, #tpu.memory_space<hbm>>) target_semaphore(%arg10 : memref<!tpu.dma_semaphore, #tpu.memory_space<semaphore_mem>>)
    }
    %scan3A_18 = arith.constant 25 : i32
    %mul3A_19 = arith.constant 20000 : i32
    %mul3A_20 = arith.muli %arg1, %mul3A_19 : i32
    %dma_wait3A = tpu.memref_slice %arg4[%mul3A_20, %mul3A_0] : memref<320000x128xf32, #tpu.memory_space<hbm>> -> memref<400x64xf32, #tpu.memory_space<hbm>>
    %dma_wait3A_21 = tpu.memref_slice %arg4[%mul3A_20, %mul3A_0] : memref<320000x128xf32, #tpu.memory_space<hbm>> -> memref<400x64xf32, #tpu.memory_space<hbm>>
    tpu.wait_dma2 semaphore(%arg9 : memref<!tpu.dma_semaphore, #tpu.memory_space<semaphore_mem>>) src(%arg7 : memref<400x64xf32, #tpu.memory_space<vmem>>) dst(%dma_wait3A_21 : memref<400x64xf32, #tpu.memory_space<hbm>>)
    %mul3A_22 = arith.constant 20000 : i32
    %mul3A_23 = arith.muli %arg1, %mul3A_22 : i32
    %dma_wait3A_24 = tpu.memref_slice %arg4[%mul3A_23, %mul3A_0] : memref<320000x128xf32, #tpu.memory_space<hbm>> -> memref<400x64xf32, #tpu.memory_space<hbm>>
    %dma_wait3A_25 = tpu.memref_slice %arg4[%mul3A_23, %mul3A_0] : memref<320000x128xf32, #tpu.memory_space<hbm>> -> memref<400x64xf32, #tpu.memory_space<hbm>>
    tpu.wait_dma2 semaphore(%arg10 : memref<!tpu.dma_semaphore, #tpu.memory_space<semaphore_mem>>) src(%arg8 : memref<400x64xf32, #tpu.memory_space<vmem>>) dst(%dma_wait3A_25 : memref<400x64xf32, #tpu.memory_space<hbm>>)
    return
  }
}

#map = affine_map<(d0, d1) -> (0, 0)>
module attributes {stable_mosaic.version = 14 : i64} {
  func.func @sc_seg_final(%arg0: i32, %arg1: i32, %arg2: memref<320000x128xf32, #tpu.memory_space<hbm>>, %arg3: memref<4000x80xi32, #tpu.memory_space<hbm>>, %arg4: memref<400x64xf32, #tpu.memory_space<hbm>>, %arg5: memref<10000x128xf32, #tpu.memory_space<hbm>>, %arg6: memref<10000x64xf32, #tpu.memory_space<vmem_shared>>, %arg7: memref<250x80xi32, #tpu.memory_space<vmem>>, %arg8: memref<400x64xf32, #tpu.memory_space<vmem>>, %arg9: memref<400x64xf32, #tpu.memory_space<vmem>>, %arg10: memref<!tpu.dma_semaphore, #tpu.memory_space<semaphore_mem>>, %arg11: memref<!tpu.dma_semaphore, #tpu.memory_space<semaphore_mem>>, %arg12: memref<!tpu.dma_semaphore, #tpu.memory_space<semaphore_mem>>, %arg13: memref<!tpu.dma_semaphore, #tpu.memory_space<semaphore_mem>>) attributes {dimension_semantics = [#tpu.dimension_semantics<core_parallel>, #tpu.dimension_semantics<subcore_parallel>], iteration_bounds = array<i64: 2, 16>, scalar_prefetch = 0 : i64, scratch_operands = 8 : i64, tpu.core_type = #tpu.core_type<sc_vector_subcore>, window_params = [{transform_indices = #map}, {transform_indices = #map}, {transform_indices = #map}, {transform_indices = #map}]} {
    %mul3A = arith.constant 64 : i32
    %mul3A_0 = arith.muli %arg0, %mul3A : i32
    %mul3A_1 = arith.constant 250 : i32
    %mul3A_2 = arith.muli %arg1, %mul3A_1 : i32
    "tpu.region"() ({
      %run_scoped3A = tpu.sem_alloc : memref<!tpu.dma_semaphore, #tpu.memory_space<semaphore_mem>>
      %dma_start3A_32 = arith.constant 0 : i32
      %dma_start3A_33 = tpu.memref_slice %arg3[%mul3A_2, %dma_start3A_32] : memref<4000x80xi32, #tpu.memory_space<hbm>> -> memref<250x80xi32, #tpu.memory_space<hbm>>
      %dma_start3A_34 = arith.constant 0 : i32
      %dma_start3A_35 = tpu.memref_slice %arg3[%mul3A_2, %dma_start3A_34] : memref<4000x80xi32, #tpu.memory_space<hbm>> -> memref<250x80xi32, #tpu.memory_space<hbm>>
      tpu.enqueue_dma source(%dma_start3A_35 : memref<250x80xi32, #tpu.memory_space<hbm>>) target(%arg7 : memref<250x80xi32, #tpu.memory_space<vmem>>) target_semaphore(%run_scoped3A : memref<!tpu.dma_semaphore, #tpu.memory_space<semaphore_mem>>)
      %dma_wait3A_36 = arith.constant 0 : i32
      %dma_wait3A_37 = tpu.memref_slice %arg3[%mul3A_2, %dma_wait3A_36] : memref<4000x80xi32, #tpu.memory_space<hbm>> -> memref<250x80xi32, #tpu.memory_space<hbm>>
      %dma_wait3A_38 = arith.constant 0 : i32
      %dma_wait3A_39 = tpu.memref_slice %arg3[%mul3A_2, %dma_wait3A_38] : memref<4000x80xi32, #tpu.memory_space<hbm>> -> memref<250x80xi32, #tpu.memory_space<hbm>>
      tpu.wait_dma2 semaphore(%run_scoped3A : memref<!tpu.dma_semaphore, #tpu.memory_space<semaphore_mem>>) src(%dma_wait3A_39 : memref<250x80xi32, #tpu.memory_space<hbm>>) dst(%arg7 : memref<250x80xi32, #tpu.memory_space<vmem>>)
      tpu.yield
    }) : () -> ()
    %mul3A_3 = arith.constant 20000 : i32
    %mul3A_4 = arith.muli %arg1, %mul3A_3 : i32
    %dma_start3A = tpu.memref_slice %arg2[%mul3A_4, %mul3A_0] : memref<320000x128xf32, #tpu.memory_space<hbm>> -> memref<400x64xf32, #tpu.memory_space<hbm>>
    %dma_start3A_5 = tpu.memref_slice %arg2[%mul3A_4, %mul3A_0] : memref<320000x128xf32, #tpu.memory_space<hbm>> -> memref<400x64xf32, #tpu.memory_space<hbm>>
    tpu.enqueue_dma source(%dma_start3A_5 : memref<400x64xf32, #tpu.memory_space<hbm>>) target(%arg8 : memref<400x64xf32, #tpu.memory_space<vmem>>) target_semaphore(%arg10 : memref<!tpu.dma_semaphore, #tpu.memory_space<semaphore_mem>>)
    "tpu.region"() ({
      %run_scoped3A = tpu.sem_alloc : memref<!tpu.dma_semaphore, #tpu.memory_space<semaphore_mem>>
      tpu.enqueue_dma source(%arg4 : memref<400x64xf32, #tpu.memory_space<hbm>>) target(%arg9 : memref<400x64xf32, #tpu.memory_space<vmem>>) target_semaphore(%run_scoped3A : memref<!tpu.dma_semaphore, #tpu.memory_space<semaphore_mem>>)
      tpu.wait_dma2 semaphore(%run_scoped3A : memref<!tpu.dma_semaphore, #tpu.memory_space<semaphore_mem>>) src(%arg4 : memref<400x64xf32, #tpu.memory_space<hbm>>) dst(%arg9 : memref<400x64xf32, #tpu.memory_space<vmem>>)
      tpu.yield
    }) : () -> ()
    %mul3A_6 = arith.constant 625 : i32
    %mul3A_7 = arith.muli %arg1, %mul3A_6 : i32
    "tpu.region"() ({
      %run_scoped3A = tpu.sem_alloc : memref<!tpu.dma_semaphore, #tpu.memory_space<semaphore_mem>>
      %dma_start3A_32 = arith.constant 0 : i32
      %dma_start3A_33 = arith.constant 0 : i32
      %dma_start3A_34 = tpu.memref_slice %arg9[%dma_start3A_32, %dma_start3A_33] : memref<400x64xf32, #tpu.memory_space<vmem>> -> memref<400x64xf32, #tpu.memory_space<vmem>>
      %dma_start3A_35 = arith.constant 0 : i32
      %dma_start3A_36 = tpu.memref_slice %arg6[%mul3A_7, %dma_start3A_35] : memref<10000x64xf32, #tpu.memory_space<vmem_shared>> -> memref<400x64xf32, #tpu.memory_space<vmem_shared>>
      %dma_start3A_37 = arith.constant 0 : i32
      %dma_start3A_38 = tpu.memref_slice %arg6[%mul3A_7, %dma_start3A_37] : memref<10000x64xf32, #tpu.memory_space<vmem_shared>> -> memref<400x64xf32, #tpu.memory_space<vmem_shared>>
      %dma_start3A_39 = arith.constant 0 : i32
      %dma_start3A_40 = arith.constant 0 : i32
      %dma_start3A_41 = tpu.memref_slice %arg9[%dma_start3A_39, %dma_start3A_40] : memref<400x64xf32, #tpu.memory_space<vmem>> -> memref<400x64xf32, #tpu.memory_space<vmem>>
      tpu.enqueue_dma source(%dma_start3A_41 : memref<400x64xf32, #tpu.memory_space<vmem>>) target(%dma_start3A_38 : memref<400x64xf32, #tpu.memory_space<vmem_shared>>) target_semaphore(%run_scoped3A : memref<!tpu.dma_semaphore, #tpu.memory_space<semaphore_mem>>)
      %dma_wait3A_42 = arith.constant 0 : i32
      %dma_wait3A_43 = arith.constant 0 : i32
      %dma_wait3A_44 = tpu.memref_slice %arg9[%dma_wait3A_42, %dma_wait3A_43] : memref<400x64xf32, #tpu.memory_space<vmem>> -> memref<400x64xf32, #tpu.memory_space<vmem>>
      %dma_wait3A_45 = arith.constant 0 : i32
      %dma_wait3A_46 = tpu.memref_slice %arg6[%mul3A_7, %dma_wait3A_45] : memref<10000x64xf32, #tpu.memory_space<vmem_shared>> -> memref<400x64xf32, #tpu.memory_space<vmem_shared>>
      %dma_wait3A_47 = arith.constant 0 : i32
      %dma_wait3A_48 = tpu.memref_slice %arg6[%mul3A_7, %dma_wait3A_47] : memref<10000x64xf32, #tpu.memory_space<vmem_shared>> -> memref<400x64xf32, #tpu.memory_space<vmem_shared>>
      %dma_wait3A_49 = arith.constant 0 : i32
      %dma_wait3A_50 = arith.constant 0 : i32
      %dma_wait3A_51 = tpu.memref_slice %arg9[%dma_wait3A_49, %dma_wait3A_50] : memref<400x64xf32, #tpu.memory_space<vmem>> -> memref<400x64xf32, #tpu.memory_space<vmem>>
      tpu.wait_dma2 semaphore(%run_scoped3A : memref<!tpu.dma_semaphore, #tpu.memory_space<semaphore_mem>>) src(%dma_wait3A_51 : memref<400x64xf32, #tpu.memory_space<vmem>>) dst(%dma_wait3A_48 : memref<400x64xf32, #tpu.memory_space<vmem_shared>>)
      tpu.yield
    }) : () -> ()
    %mul3A_8 = arith.constant 625 : i32
    %mul3A_9 = arith.muli %arg1, %mul3A_8 : i32
    %add3A = arith.constant 400 : i32
    %add3A_10 = arith.addi %mul3A_9, %add3A : i32
    "tpu.region"() ({
      %run_scoped3A = tpu.sem_alloc : memref<!tpu.dma_semaphore, #tpu.memory_space<semaphore_mem>>
      %dma_start3A_32 = arith.constant 0 : i32
      %dma_start3A_33 = arith.constant 0 : i32
      %dma_start3A_34 = tpu.memref_slice %arg9[%dma_start3A_32, %dma_start3A_33] : memref<400x64xf32, #tpu.memory_space<vmem>> -> memref<225x64xf32, #tpu.memory_space<vmem>>
      %dma_start3A_35 = arith.constant 0 : i32
      %dma_start3A_36 = tpu.memref_slice %arg6[%add3A_10, %dma_start3A_35] : memref<10000x64xf32, #tpu.memory_space<vmem_shared>> -> memref<225x64xf32, #tpu.memory_space<vmem_shared>>
      %dma_start3A_37 = arith.constant 0 : i32
      %dma_start3A_38 = tpu.memref_slice %arg6[%add3A_10, %dma_start3A_37] : memref<10000x64xf32, #tpu.memory_space<vmem_shared>> -> memref<225x64xf32, #tpu.memory_space<vmem_shared>>
      %dma_start3A_39 = arith.constant 0 : i32
      %dma_start3A_40 = arith.constant 0 : i32
      %dma_start3A_41 = tpu.memref_slice %arg9[%dma_start3A_39, %dma_start3A_40] : memref<400x64xf32, #tpu.memory_space<vmem>> -> memref<225x64xf32, #tpu.memory_space<vmem>>
      tpu.enqueue_dma source(%dma_start3A_41 : memref<225x64xf32, #tpu.memory_space<vmem>>) target(%dma_start3A_38 : memref<225x64xf32, #tpu.memory_space<vmem_shared>>) target_semaphore(%run_scoped3A : memref<!tpu.dma_semaphore, #tpu.memory_space<semaphore_mem>>)
      %dma_wait3A_42 = arith.constant 0 : i32
      %dma_wait3A_43 = arith.constant 0 : i32
      %dma_wait3A_44 = tpu.memref_slice %arg9[%dma_wait3A_42, %dma_wait3A_43] : memref<400x64xf32, #tpu.memory_space<vmem>> -> memref<225x64xf32, #tpu.memory_space<vmem>>
      %dma_wait3A_45 = arith.constant 0 : i32
      %dma_wait3A_46 = tpu.memref_slice %arg6[%add3A_10, %dma_wait3A_45] : memref<10000x64xf32, #tpu.memory_space<vmem_shared>> -> memref<225x64xf32, #tpu.memory_space<vmem_shared>>
      %dma_wait3A_47 = arith.constant 0 : i32
      %dma_wait3A_48 = tpu.memref_slice %arg6[%add3A_10, %dma_wait3A_47] : memref<10000x64xf32, #tpu.memory_space<vmem_shared>> -> memref<225x64xf32, #tpu.memory_space<vmem_shared>>
      %dma_wait3A_49 = arith.constant 0 : i32
      %dma_wait3A_50 = arith.constant 0 : i32
      %dma_wait3A_51 = tpu.memref_slice %arg9[%dma_wait3A_49, %dma_wait3A_50] : memref<400x64xf32, #tpu.memory_space<vmem>> -> memref<225x64xf32, #tpu.memory_space<vmem>>
      tpu.wait_dma2 semaphore(%run_scoped3A : memref<!tpu.dma_semaphore, #tpu.memory_space<semaphore_mem>>) src(%dma_wait3A_51 : memref<225x64xf32, #tpu.memory_space<vmem>>) dst(%dma_wait3A_48 : memref<225x64xf32, #tpu.memory_space<vmem_shared>>)
      tpu.yield
    }) : () -> ()
    %barrier3A = arith.constant 0 : index
    tpu.barrier barrier_id(%barrier3A)
    %scan3A = arith.constant 0 : i32
    %scan3A_11 = arith.constant 0 : i32
    %scan3A_12 = arith.constant 25 : i32
    %scan3A_13 = arith.addi %scan3A_11, %scan3A_12 : i32
    %scan3A_14 = arith.constant 1 : i32
    scf.for %scan3A_32 = %scan3A_11 to %scan3A_13 step %scan3A_14  : i32 {
      %mul3A_33 = arith.constant 2 : i32
      %mul3A_34 = arith.muli %scan3A_32, %mul3A_33 : i32
      %add3A_35 = arith.constant 0 : i32
      %add3A_36 = arith.addi %mul3A_34, %add3A_35 : i32
      %mul3A_37 = arith.constant 20000 : i32
      %mul3A_38 = arith.muli %arg1, %mul3A_37 : i32
      %mul3A_39 = arith.constant 400 : i32
      %mul3A_40 = arith.muli %add3A_36, %mul3A_39 : i32
      %add3A_41 = arith.addi %mul3A_38, %mul3A_40 : i32
      %ge3A = arith.constant 1 : i32
      %ge3A_42 = arith.cmpi sge, %add3A_36, %ge3A : i32
      %convert_element_type3A = arith.extui %ge3A_42 : i1 to i32
      %cond3A = arith.constant 0 : i32
      %cond3A_43 = arith.cmpi ne, %convert_element_type3A, %cond3A : i32
      scf.if %cond3A_43 {
        %dma_wait3A_205 = tpu.memref_slice %arg2[%add3A_41, %mul3A_0] : memref<320000x128xf32, #tpu.memory_space<hbm>> -> memref<400x64xf32, #tpu.memory_space<hbm>>
        %dma_wait3A_206 = tpu.memref_slice %arg2[%add3A_41, %mul3A_0] : memref<320000x128xf32, #tpu.memory_space<hbm>> -> memref<400x64xf32, #tpu.memory_space<hbm>>
        tpu.wait_dma2 semaphore(%arg13 : memref<!tpu.dma_semaphore, #tpu.memory_space<semaphore_mem>>) src(%dma_wait3A_206 : memref<400x64xf32, #tpu.memory_space<hbm>>) dst(%arg9 : memref<400x64xf32, #tpu.memory_space<vmem>>)
      } else {
      }
      %add3A_44 = arith.constant 1 : i32
      %add3A_45 = arith.addi %add3A_36, %add3A_44 : i32
      %lt3A = arith.constant 50 : i32
      %lt3A_46 = arith.cmpi slt, %add3A_45, %lt3A : i32
      %convert_element_type3A_47 = arith.extui %lt3A_46 : i1 to i32
      %cond3A_48 = arith.constant 0 : i32
      %cond3A_49 = arith.cmpi ne, %convert_element_type3A_47, %cond3A_48 : i32
      scf.if %cond3A_49 {
        %add3A_205 = arith.constant 400 : i32
        %add3A_206 = arith.addi %add3A_41, %add3A_205 : i32
        %dma_start3A_207 = tpu.memref_slice %arg2[%add3A_206, %mul3A_0] : memref<320000x128xf32, #tpu.memory_space<hbm>> -> memref<400x64xf32, #tpu.memory_space<hbm>>
        %dma_start3A_208 = tpu.memref_slice %arg2[%add3A_206, %mul3A_0] : memref<320000x128xf32, #tpu.memory_space<hbm>> -> memref<400x64xf32, #tpu.memory_space<hbm>>
        tpu.enqueue_dma source(%dma_start3A_208 : memref<400x64xf32, #tpu.memory_space<hbm>>) target(%arg9 : memref<400x64xf32, #tpu.memory_space<vmem>>) target_semaphore(%arg11 : memref<!tpu.dma_semaphore, #tpu.memory_space<semaphore_mem>>)
      } else {
      }
      %dma_wait3A_50 = tpu.memref_slice %arg2[%add3A_41, %mul3A_0] : memref<320000x128xf32, #tpu.memory_space<hbm>> -> memref<400x64xf32, #tpu.memory_space<hbm>>
      %dma_wait3A_51 = tpu.memref_slice %arg2[%add3A_41, %mul3A_0] : memref<320000x128xf32, #tpu.memory_space<hbm>> -> memref<400x64xf32, #tpu.memory_space<hbm>>
      tpu.wait_dma2 semaphore(%arg10 : memref<!tpu.dma_semaphore, #tpu.memory_space<semaphore_mem>>) src(%dma_wait3A_51 : memref<400x64xf32, #tpu.memory_space<hbm>>) dst(%arg8 : memref<400x64xf32, #tpu.memory_space<vmem>>)
      %mul3A_52 = arith.constant 5 : i32
      %mul3A_53 = arith.muli %add3A_36, %mul3A_52 : i32
      %add3A_54 = arith.constant 0 : i32
      %add3A_55 = arith.addi %mul3A_53, %add3A_54 : i32
      %dma_start3A_56 = arith.constant 0 : i32
      %dma_start3A_57 = arith.constant 0 : i32
      %dma_start3A_58 = tpu.memref_slice %arg8[%dma_start3A_56, %dma_start3A_57] : memref<400x64xf32, #tpu.memory_space<vmem>> -> memref<80x64xf32, #tpu.memory_space<vmem>>
      %dma_start3A_59 = arith.constant 0 : i32
      %dma_start3A_60 = tpu.memref_slice %arg7[%add3A_55, %dma_start3A_59] : memref<250x80xi32, #tpu.memory_space<vmem>> -> memref<1x80xi32, #tpu.memory_space<vmem>>
      %dma_start3A_61 = tpu.memref_squeeze %dma_start3A_60 : memref<1x80xi32, #tpu.memory_space<vmem>> -> memref<80xi32, #tpu.memory_space<vmem>>
      %dma_start3A_62 = arith.constant 0 : i32
      %dma_start3A_63 = arith.constant 0 : i32
      %dma_start3A_64 = tpu.memref_slice %arg6[%dma_start3A_62, %dma_start3A_63] : memref<10000x64xf32, #tpu.memory_space<vmem_shared>> -> memref<10000x64xf32, #tpu.memory_space<vmem_shared>>
      tpu.enqueue_indirect_dma source(%dma_start3A_58 : memref<80x64xf32, #tpu.memory_space<vmem>>) target(%dma_start3A_64 : memref<10000x64xf32, #tpu.memory_space<vmem_shared>>) offsets(%dma_start3A_61 : memref<80xi32, #tpu.memory_space<vmem>>) semaphore(%arg12 : memref<!tpu.dma_semaphore, #tpu.memory_space<semaphore_mem>>) {add = true}
      %mul3A_65 = arith.constant 5 : i32
      %mul3A_66 = arith.muli %add3A_36, %mul3A_65 : i32
      %add3A_67 = arith.constant 1 : i32
      %add3A_68 = arith.addi %mul3A_66, %add3A_67 : i32
      %dma_start3A_69 = arith.constant 80 : i32
      %dma_start3A_70 = arith.constant 0 : i32
      %dma_start3A_71 = tpu.memref_slice %arg8[%dma_start3A_69, %dma_start3A_70] : memref<400x64xf32, #tpu.memory_space<vmem>> -> memref<80x64xf32, #tpu.memory_space<vmem>>
      %dma_start3A_72 = arith.constant 0 : i32
      %dma_start3A_73 = tpu.memref_slice %arg7[%add3A_68, %dma_start3A_72] : memref<250x80xi32, #tpu.memory_space<vmem>> -> memref<1x80xi32, #tpu.memory_space<vmem>>
      %dma_start3A_74 = tpu.memref_squeeze %dma_start3A_73 : memref<1x80xi32, #tpu.memory_space<vmem>> -> memref<80xi32, #tpu.memory_space<vmem>>
      %dma_start3A_75 = arith.constant 0 : i32
      %dma_start3A_76 = arith.constant 0 : i32
      %dma_start3A_77 = tpu.memref_slice %arg6[%dma_start3A_75, %dma_start3A_76] : memref<10000x64xf32, #tpu.memory_space<vmem_shared>> -> memref<10000x64xf32, #tpu.memory_space<vmem_shared>>
      tpu.enqueue_indirect_dma source(%dma_start3A_71 : memref<80x64xf32, #tpu.memory_space<vmem>>) target(%dma_start3A_77 : memref<10000x64xf32, #tpu.memory_space<vmem_shared>>) offsets(%dma_start3A_74 : memref<80xi32, #tpu.memory_space<vmem>>) semaphore(%arg12 : memref<!tpu.dma_semaphore, #tpu.memory_space<semaphore_mem>>) {add = true}
      %mul3A_78 = arith.constant 5 : i32
      %mul3A_79 = arith.muli %add3A_36, %mul3A_78 : i32
      %add3A_80 = arith.constant 2 : i32
      %add3A_81 = arith.addi %mul3A_79, %add3A_80 : i32
      %dma_start3A_82 = arith.constant 160 : i32
      %dma_start3A_83 = arith.constant 0 : i32
      %dma_start3A_84 = tpu.memref_slice %arg8[%dma_start3A_82, %dma_start3A_83] : memref<400x64xf32, #tpu.memory_space<vmem>> -> memref<80x64xf32, #tpu.memory_space<vmem>>
      %dma_start3A_85 = arith.constant 0 : i32
      %dma_start3A_86 = tpu.memref_slice %arg7[%add3A_81, %dma_start3A_85] : memref<250x80xi32, #tpu.memory_space<vmem>> -> memref<1x80xi32, #tpu.memory_space<vmem>>
      %dma_start3A_87 = tpu.memref_squeeze %dma_start3A_86 : memref<1x80xi32, #tpu.memory_space<vmem>> -> memref<80xi32, #tpu.memory_space<vmem>>
      %dma_start3A_88 = arith.constant 0 : i32
      %dma_start3A_89 = arith.constant 0 : i32
      %dma_start3A_90 = tpu.memref_slice %arg6[%dma_start3A_88, %dma_start3A_89] : memref<10000x64xf32, #tpu.memory_space<vmem_shared>> -> memref<10000x64xf32, #tpu.memory_space<vmem_shared>>
      tpu.enqueue_indirect_dma source(%dma_start3A_84 : memref<80x64xf32, #tpu.memory_space<vmem>>) target(%dma_start3A_90 : memref<10000x64xf32, #tpu.memory_space<vmem_shared>>) offsets(%dma_start3A_87 : memref<80xi32, #tpu.memory_space<vmem>>) semaphore(%arg12 : memref<!tpu.dma_semaphore, #tpu.memory_space<semaphore_mem>>) {add = true}
      %mul3A_91 = arith.constant 5 : i32
      %mul3A_92 = arith.muli %add3A_36, %mul3A_91 : i32
      %add3A_93 = arith.constant 3 : i32
      %add3A_94 = arith.addi %mul3A_92, %add3A_93 : i32
      %dma_start3A_95 = arith.constant 240 : i32
      %dma_start3A_96 = arith.constant 0 : i32
      %dma_start3A_97 = tpu.memref_slice %arg8[%dma_start3A_95, %dma_start3A_96] : memref<400x64xf32, #tpu.memory_space<vmem>> -> memref<80x64xf32, #tpu.memory_space<vmem>>
      %dma_start3A_98 = arith.constant 0 : i32
      %dma_start3A_99 = tpu.memref_slice %arg7[%add3A_94, %dma_start3A_98] : memref<250x80xi32, #tpu.memory_space<vmem>> -> memref<1x80xi32, #tpu.memory_space<vmem>>
      %dma_start3A_100 = tpu.memref_squeeze %dma_start3A_99 : memref<1x80xi32, #tpu.memory_space<vmem>> -> memref<80xi32, #tpu.memory_space<vmem>>
      %dma_start3A_101 = arith.constant 0 : i32
      %dma_start3A_102 = arith.constant 0 : i32
      %dma_start3A_103 = tpu.memref_slice %arg6[%dma_start3A_101, %dma_start3A_102] : memref<10000x64xf32, #tpu.memory_space<vmem_shared>> -> memref<10000x64xf32, #tpu.memory_space<vmem_shared>>
      tpu.enqueue_indirect_dma source(%dma_start3A_97 : memref<80x64xf32, #tpu.memory_space<vmem>>) target(%dma_start3A_103 : memref<10000x64xf32, #tpu.memory_space<vmem_shared>>) offsets(%dma_start3A_100 : memref<80xi32, #tpu.memory_space<vmem>>) semaphore(%arg12 : memref<!tpu.dma_semaphore, #tpu.memory_space<semaphore_mem>>) {add = true}
      %mul3A_104 = arith.constant 5 : i32
      %mul3A_105 = arith.muli %add3A_36, %mul3A_104 : i32
      %add3A_106 = arith.constant 4 : i32
      %add3A_107 = arith.addi %mul3A_105, %add3A_106 : i32
      %dma_start3A_108 = arith.constant 320 : i32
      %dma_start3A_109 = arith.constant 0 : i32
      %dma_start3A_110 = tpu.memref_slice %arg8[%dma_start3A_108, %dma_start3A_109] : memref<400x64xf32, #tpu.memory_space<vmem>> -> memref<80x64xf32, #tpu.memory_space<vmem>>
      %dma_start3A_111 = arith.constant 0 : i32
      %dma_start3A_112 = tpu.memref_slice %arg7[%add3A_107, %dma_start3A_111] : memref<250x80xi32, #tpu.memory_space<vmem>> -> memref<1x80xi32, #tpu.memory_space<vmem>>
      %dma_start3A_113 = tpu.memref_squeeze %dma_start3A_112 : memref<1x80xi32, #tpu.memory_space<vmem>> -> memref<80xi32, #tpu.memory_space<vmem>>
      %dma_start3A_114 = arith.constant 0 : i32
      %dma_start3A_115 = arith.constant 0 : i32
      %dma_start3A_116 = tpu.memref_slice %arg6[%dma_start3A_114, %dma_start3A_115] : memref<10000x64xf32, #tpu.memory_space<vmem_shared>> -> memref<10000x64xf32, #tpu.memory_space<vmem_shared>>
      tpu.enqueue_indirect_dma source(%dma_start3A_110 : memref<80x64xf32, #tpu.memory_space<vmem>>) target(%dma_start3A_116 : memref<10000x64xf32, #tpu.memory_space<vmem_shared>>) offsets(%dma_start3A_113 : memref<80xi32, #tpu.memory_space<vmem>>) semaphore(%arg12 : memref<!tpu.dma_semaphore, #tpu.memory_space<semaphore_mem>>) {add = true}
      %mul3A_117 = arith.constant 2 : i32
      %mul3A_118 = arith.muli %scan3A_32, %mul3A_117 : i32
      %add3A_119 = arith.constant 1 : i32
      %add3A_120 = arith.addi %mul3A_118, %add3A_119 : i32
      %mul3A_121 = arith.constant 20000 : i32
      %mul3A_122 = arith.muli %arg1, %mul3A_121 : i32
      %mul3A_123 = arith.constant 400 : i32
      %mul3A_124 = arith.muli %add3A_120, %mul3A_123 : i32
      %add3A_125 = arith.addi %mul3A_122, %mul3A_124 : i32
      %ge3A_126 = arith.constant 1 : i32
      %ge3A_127 = arith.cmpi sge, %add3A_120, %ge3A_126 : i32
      %convert_element_type3A_128 = arith.extui %ge3A_127 : i1 to i32
      %cond3A_129 = arith.constant 0 : i32
      %cond3A_130 = arith.cmpi ne, %convert_element_type3A_128, %cond3A_129 : i32
      scf.if %cond3A_130 {
        %dma_wait3A_205 = tpu.memref_slice %arg2[%add3A_125, %mul3A_0] : memref<320000x128xf32, #tpu.memory_space<hbm>> -> memref<400x64xf32, #tpu.memory_space<hbm>>
        %dma_wait3A_206 = tpu.memref_slice %arg2[%add3A_125, %mul3A_0] : memref<320000x128xf32, #tpu.memory_space<hbm>> -> memref<400x64xf32, #tpu.memory_space<hbm>>
        tpu.wait_dma2 semaphore(%arg12 : memref<!tpu.dma_semaphore, #tpu.memory_space<semaphore_mem>>) src(%dma_wait3A_206 : memref<400x64xf32, #tpu.memory_space<hbm>>) dst(%arg8 : memref<400x64xf32, #tpu.memory_space<vmem>>)
      } else {
      }
      %add3A_131 = arith.constant 1 : i32
      %add3A_132 = arith.addi %add3A_120, %add3A_131 : i32
      %lt3A_133 = arith.constant 50 : i32
      %lt3A_134 = arith.cmpi slt, %add3A_132, %lt3A_133 : i32
      %convert_element_type3A_135 = arith.extui %lt3A_134 : i1 to i32
      %cond3A_136 = arith.constant 0 : i32
      %cond3A_137 = arith.cmpi ne, %convert_element_type3A_135, %cond3A_136 : i32
      scf.if %cond3A_137 {
        %add3A_205 = arith.constant 400 : i32
        %add3A_206 = arith.addi %add3A_125, %add3A_205 : i32
        %dma_start3A_207 = tpu.memref_slice %arg2[%add3A_206, %mul3A_0] : memref<320000x128xf32, #tpu.memory_space<hbm>> -> memref<400x64xf32, #tpu.memory_space<hbm>>
        %dma_start3A_208 = tpu.memref_slice %arg2[%add3A_206, %mul3A_0] : memref<320000x128xf32, #tpu.memory_space<hbm>> -> memref<400x64xf32, #tpu.memory_space<hbm>>
        tpu.enqueue_dma source(%dma_start3A_208 : memref<400x64xf32, #tpu.memory_space<hbm>>) target(%arg8 : memref<400x64xf32, #tpu.memory_space<vmem>>) target_semaphore(%arg10 : memref<!tpu.dma_semaphore, #tpu.memory_space<semaphore_mem>>)
      } else {
      }
      %dma_wait3A_138 = tpu.memref_slice %arg2[%add3A_125, %mul3A_0] : memref<320000x128xf32, #tpu.memory_space<hbm>> -> memref<400x64xf32, #tpu.memory_space<hbm>>
      %dma_wait3A_139 = tpu.memref_slice %arg2[%add3A_125, %mul3A_0] : memref<320000x128xf32, #tpu.memory_space<hbm>> -> memref<400x64xf32, #tpu.memory_space<hbm>>
      tpu.wait_dma2 semaphore(%arg11 : memref<!tpu.dma_semaphore, #tpu.memory_space<semaphore_mem>>) src(%dma_wait3A_139 : memref<400x64xf32, #tpu.memory_space<hbm>>) dst(%arg9 : memref<400x64xf32, #tpu.memory_space<vmem>>)
      %mul3A_140 = arith.constant 5 : i32
      %mul3A_141 = arith.muli %add3A_120, %mul3A_140 : i32
      %add3A_142 = arith.constant 0 : i32
      %add3A_143 = arith.addi %mul3A_141, %add3A_142 : i32
      %dma_start3A_144 = arith.constant 0 : i32
      %dma_start3A_145 = arith.constant 0 : i32
      %dma_start3A_146 = tpu.memref_slice %arg9[%dma_start3A_144, %dma_start3A_145] : memref<400x64xf32, #tpu.memory_space<vmem>> -> memref<80x64xf32, #tpu.memory_space<vmem>>
      %dma_start3A_147 = arith.constant 0 : i32
      %dma_start3A_148 = tpu.memref_slice %arg7[%add3A_143, %dma_start3A_147] : memref<250x80xi32, #tpu.memory_space<vmem>> -> memref<1x80xi32, #tpu.memory_space<vmem>>
      %dma_start3A_149 = tpu.memref_squeeze %dma_start3A_148 : memref<1x80xi32, #tpu.memory_space<vmem>> -> memref<80xi32, #tpu.memory_space<vmem>>
      %dma_start3A_150 = arith.constant 0 : i32
      %dma_start3A_151 = arith.constant 0 : i32
      %dma_start3A_152 = tpu.memref_slice %arg6[%dma_start3A_150, %dma_start3A_151] : memref<10000x64xf32, #tpu.memory_space<vmem_shared>> -> memref<10000x64xf32, #tpu.memory_space<vmem_shared>>
      tpu.enqueue_indirect_dma source(%dma_start3A_146 : memref<80x64xf32, #tpu.memory_space<vmem>>) target(%dma_start3A_152 : memref<10000x64xf32, #tpu.memory_space<vmem_shared>>) offsets(%dma_start3A_149 : memref<80xi32, #tpu.memory_space<vmem>>) semaphore(%arg13 : memref<!tpu.dma_semaphore, #tpu.memory_space<semaphore_mem>>) {add = true}
      %mul3A_153 = arith.constant 5 : i32
      %mul3A_154 = arith.muli %add3A_120, %mul3A_153 : i32
      %add3A_155 = arith.constant 1 : i32
      %add3A_156 = arith.addi %mul3A_154, %add3A_155 : i32
      %dma_start3A_157 = arith.constant 80 : i32
      %dma_start3A_158 = arith.constant 0 : i32
      %dma_start3A_159 = tpu.memref_slice %arg9[%dma_start3A_157, %dma_start3A_158] : memref<400x64xf32, #tpu.memory_space<vmem>> -> memref<80x64xf32, #tpu.memory_space<vmem>>
      %dma_start3A_160 = arith.constant 0 : i32
      %dma_start3A_161 = tpu.memref_slice %arg7[%add3A_156, %dma_start3A_160] : memref<250x80xi32, #tpu.memory_space<vmem>> -> memref<1x80xi32, #tpu.memory_space<vmem>>
      %dma_start3A_162 = tpu.memref_squeeze %dma_start3A_161 : memref<1x80xi32, #tpu.memory_space<vmem>> -> memref<80xi32, #tpu.memory_space<vmem>>
      %dma_start3A_163 = arith.constant 0 : i32
      %dma_start3A_164 = arith.constant 0 : i32
      %dma_start3A_165 = tpu.memref_slice %arg6[%dma_start3A_163, %dma_start3A_164] : memref<10000x64xf32, #tpu.memory_space<vmem_shared>> -> memref<10000x64xf32, #tpu.memory_space<vmem_shared>>
      tpu.enqueue_indirect_dma source(%dma_start3A_159 : memref<80x64xf32, #tpu.memory_space<vmem>>) target(%dma_start3A_165 : memref<10000x64xf32, #tpu.memory_space<vmem_shared>>) offsets(%dma_start3A_162 : memref<80xi32, #tpu.memory_space<vmem>>) semaphore(%arg13 : memref<!tpu.dma_semaphore, #tpu.memory_space<semaphore_mem>>) {add = true}
      %mul3A_166 = arith.constant 5 : i32
      %mul3A_167 = arith.muli %add3A_120, %mul3A_166 : i32
      %add3A_168 = arith.constant 2 : i32
      %add3A_169 = arith.addi %mul3A_167, %add3A_168 : i32
      %dma_start3A_170 = arith.constant 160 : i32
      %dma_start3A_171 = arith.constant 0 : i32
      %dma_start3A_172 = tpu.memref_slice %arg9[%dma_start3A_170, %dma_start3A_171] : memref<400x64xf32, #tpu.memory_space<vmem>> -> memref<80x64xf32, #tpu.memory_space<vmem>>
      %dma_start3A_173 = arith.constant 0 : i32
      %dma_start3A_174 = tpu.memref_slice %arg7[%add3A_169, %dma_start3A_173] : memref<250x80xi32, #tpu.memory_space<vmem>> -> memref<1x80xi32, #tpu.memory_space<vmem>>
      %dma_start3A_175 = tpu.memref_squeeze %dma_start3A_174 : memref<1x80xi32, #tpu.memory_space<vmem>> -> memref<80xi32, #tpu.memory_space<vmem>>
      %dma_start3A_176 = arith.constant 0 : i32
      %dma_start3A_177 = arith.constant 0 : i32
      %dma_start3A_178 = tpu.memref_slice %arg6[%dma_start3A_176, %dma_start3A_177] : memref<10000x64xf32, #tpu.memory_space<vmem_shared>> -> memref<10000x64xf32, #tpu.memory_space<vmem_shared>>
      tpu.enqueue_indirect_dma source(%dma_start3A_172 : memref<80x64xf32, #tpu.memory_space<vmem>>) target(%dma_start3A_178 : memref<10000x64xf32, #tpu.memory_space<vmem_shared>>) offsets(%dma_start3A_175 : memref<80xi32, #tpu.memory_space<vmem>>) semaphore(%arg13 : memref<!tpu.dma_semaphore, #tpu.memory_space<semaphore_mem>>) {add = true}
      %mul3A_179 = arith.constant 5 : i32
      %mul3A_180 = arith.muli %add3A_120, %mul3A_179 : i32
      %add3A_181 = arith.constant 3 : i32
      %add3A_182 = arith.addi %mul3A_180, %add3A_181 : i32
      %dma_start3A_183 = arith.constant 240 : i32
      %dma_start3A_184 = arith.constant 0 : i32
      %dma_start3A_185 = tpu.memref_slice %arg9[%dma_start3A_183, %dma_start3A_184] : memref<400x64xf32, #tpu.memory_space<vmem>> -> memref<80x64xf32, #tpu.memory_space<vmem>>
      %dma_start3A_186 = arith.constant 0 : i32
      %dma_start3A_187 = tpu.memref_slice %arg7[%add3A_182, %dma_start3A_186] : memref<250x80xi32, #tpu.memory_space<vmem>> -> memref<1x80xi32, #tpu.memory_space<vmem>>
      %dma_start3A_188 = tpu.memref_squeeze %dma_start3A_187 : memref<1x80xi32, #tpu.memory_space<vmem>> -> memref<80xi32, #tpu.memory_space<vmem>>
      %dma_start3A_189 = arith.constant 0 : i32
      %dma_start3A_190 = arith.constant 0 : i32
      %dma_start3A_191 = tpu.memref_slice %arg6[%dma_start3A_189, %dma_start3A_190] : memref<10000x64xf32, #tpu.memory_space<vmem_shared>> -> memref<10000x64xf32, #tpu.memory_space<vmem_shared>>
      tpu.enqueue_indirect_dma source(%dma_start3A_185 : memref<80x64xf32, #tpu.memory_space<vmem>>) target(%dma_start3A_191 : memref<10000x64xf32, #tpu.memory_space<vmem_shared>>) offsets(%dma_start3A_188 : memref<80xi32, #tpu.memory_space<vmem>>) semaphore(%arg13 : memref<!tpu.dma_semaphore, #tpu.memory_space<semaphore_mem>>) {add = true}
      %mul3A_192 = arith.constant 5 : i32
      %mul3A_193 = arith.muli %add3A_120, %mul3A_192 : i32
      %add3A_194 = arith.constant 4 : i32
      %add3A_195 = arith.addi %mul3A_193, %add3A_194 : i32
      %dma_start3A_196 = arith.constant 320 : i32
      %dma_start3A_197 = arith.constant 0 : i32
      %dma_start3A_198 = tpu.memref_slice %arg9[%dma_start3A_196, %dma_start3A_197] : memref<400x64xf32, #tpu.memory_space<vmem>> -> memref<80x64xf32, #tpu.memory_space<vmem>>
      %dma_start3A_199 = arith.constant 0 : i32
      %dma_start3A_200 = tpu.memref_slice %arg7[%add3A_195, %dma_start3A_199] : memref<250x80xi32, #tpu.memory_space<vmem>> -> memref<1x80xi32, #tpu.memory_space<vmem>>
      %dma_start3A_201 = tpu.memref_squeeze %dma_start3A_200 : memref<1x80xi32, #tpu.memory_space<vmem>> -> memref<80xi32, #tpu.memory_space<vmem>>
      %dma_start3A_202 = arith.constant 0 : i32
      %dma_start3A_203 = arith.constant 0 : i32
      %dma_start3A_204 = tpu.memref_slice %arg6[%dma_start3A_202, %dma_start3A_203] : memref<10000x64xf32, #tpu.memory_space<vmem_shared>> -> memref<10000x64xf32, #tpu.memory_space<vmem_shared>>
      tpu.enqueue_indirect_dma source(%dma_start3A_198 : memref<80x64xf32, #tpu.memory_space<vmem>>) target(%dma_start3A_204 : memref<10000x64xf32, #tpu.memory_space<vmem_shared>>) offsets(%dma_start3A_201 : memref<80xi32, #tpu.memory_space<vmem>>) semaphore(%arg13 : memref<!tpu.dma_semaphore, #tpu.memory_space<semaphore_mem>>) {add = true}
    }
    %scan3A_15 = arith.constant 25 : i32
    %mul3A_16 = arith.constant 20000 : i32
    %mul3A_17 = arith.muli %arg1, %mul3A_16 : i32
    %dma_wait3A = tpu.memref_slice %arg2[%mul3A_17, %mul3A_0] : memref<320000x128xf32, #tpu.memory_space<hbm>> -> memref<400x64xf32, #tpu.memory_space<hbm>>
    %dma_wait3A_18 = tpu.memref_slice %arg2[%mul3A_17, %mul3A_0] : memref<320000x128xf32, #tpu.memory_space<hbm>> -> memref<400x64xf32, #tpu.memory_space<hbm>>
    tpu.wait_dma2 semaphore(%arg13 : memref<!tpu.dma_semaphore, #tpu.memory_space<semaphore_mem>>) src(%dma_wait3A_18 : memref<400x64xf32, #tpu.memory_space<hbm>>) dst(%arg9 : memref<400x64xf32, #tpu.memory_space<vmem>>)
    %barrier3A_19 = arith.constant 0 : index
    tpu.barrier barrier_id(%barrier3A_19)
    %mul3A_20 = arith.constant 625 : i32
    %mul3A_21 = arith.muli %arg1, %mul3A_20 : i32
    "tpu.region"() ({
      %run_scoped3A = tpu.sem_alloc : memref<!tpu.dma_semaphore, #tpu.memory_space<semaphore_mem>>
      %dma_start3A_32 = arith.constant 0 : i32
      %dma_start3A_33 = tpu.memref_slice %arg6[%mul3A_21, %dma_start3A_32] : memref<10000x64xf32, #tpu.memory_space<vmem_shared>> -> memref<400x64xf32, #tpu.memory_space<vmem_shared>>
      %dma_start3A_34 = arith.constant 0 : i32
      %dma_start3A_35 = tpu.memref_slice %arg6[%mul3A_21, %dma_start3A_34] : memref<10000x64xf32, #tpu.memory_space<vmem_shared>> -> memref<400x64xf32, #tpu.memory_space<vmem_shared>>
      tpu.enqueue_dma source(%dma_start3A_35 : memref<400x64xf32, #tpu.memory_space<vmem_shared>>) target(%arg8 : memref<400x64xf32, #tpu.memory_space<vmem>>) target_semaphore(%run_scoped3A : memref<!tpu.dma_semaphore, #tpu.memory_space<semaphore_mem>>)
      %dma_wait3A_36 = arith.constant 0 : i32
      %dma_wait3A_37 = tpu.memref_slice %arg6[%mul3A_21, %dma_wait3A_36] : memref<10000x64xf32, #tpu.memory_space<vmem_shared>> -> memref<400x64xf32, #tpu.memory_space<vmem_shared>>
      %dma_wait3A_38 = arith.constant 0 : i32
      %dma_wait3A_39 = tpu.memref_slice %arg6[%mul3A_21, %dma_wait3A_38] : memref<10000x64xf32, #tpu.memory_space<vmem_shared>> -> memref<400x64xf32, #tpu.memory_space<vmem_shared>>
      tpu.wait_dma2 semaphore(%run_scoped3A : memref<!tpu.dma_semaphore, #tpu.memory_space<semaphore_mem>>) src(%dma_wait3A_39 : memref<400x64xf32, #tpu.memory_space<vmem_shared>>) dst(%arg8 : memref<400x64xf32, #tpu.memory_space<vmem>>)
      tpu.yield
    }) : () -> ()
    %mul3A_22 = arith.constant 625 : i32
    %mul3A_23 = arith.muli %arg1, %mul3A_22 : i32
    "tpu.region"() ({
      %run_scoped3A = tpu.sem_alloc : memref<!tpu.dma_semaphore, #tpu.memory_space<semaphore_mem>>
      %dma_start3A_32 = tpu.memref_slice %arg5[%mul3A_23, %mul3A_0] : memref<10000x128xf32, #tpu.memory_space<hbm>> -> memref<400x64xf32, #tpu.memory_space<hbm>>
      %dma_start3A_33 = tpu.memref_slice %arg5[%mul3A_23, %mul3A_0] : memref<10000x128xf32, #tpu.memory_space<hbm>> -> memref<400x64xf32, #tpu.memory_space<hbm>>
      tpu.enqueue_dma source(%arg8 : memref<400x64xf32, #tpu.memory_space<vmem>>) target(%dma_start3A_33 : memref<400x64xf32, #tpu.memory_space<hbm>>) target_semaphore(%run_scoped3A : memref<!tpu.dma_semaphore, #tpu.memory_space<semaphore_mem>>)
      %dma_wait3A_34 = tpu.memref_slice %arg5[%mul3A_23, %mul3A_0] : memref<10000x128xf32, #tpu.memory_space<hbm>> -> memref<400x64xf32, #tpu.memory_space<hbm>>
      %dma_wait3A_35 = tpu.memref_slice %arg5[%mul3A_23, %mul3A_0] : memref<10000x128xf32, #tpu.memory_space<hbm>> -> memref<400x64xf32, #tpu.memory_space<hbm>>
      tpu.wait_dma2 semaphore(%run_scoped3A : memref<!tpu.dma_semaphore, #tpu.memory_space<semaphore_mem>>) src(%arg8 : memref<400x64xf32, #tpu.memory_space<vmem>>) dst(%dma_wait3A_35 : memref<400x64xf32, #tpu.memory_space<hbm>>)
      tpu.yield
    }) : () -> ()
    %mul3A_24 = arith.constant 625 : i32
    %mul3A_25 = arith.muli %arg1, %mul3A_24 : i32
    %add3A_26 = arith.constant 400 : i32
    %add3A_27 = arith.addi %mul3A_25, %add3A_26 : i32
    "tpu.region"() ({
      %run_scoped3A = tpu.sem_alloc : memref<!tpu.dma_semaphore, #tpu.memory_space<semaphore_mem>>
      %dma_start3A_32 = arith.constant 0 : i32
      %dma_start3A_33 = arith.constant 0 : i32
      %dma_start3A_34 = tpu.memref_slice %arg8[%dma_start3A_32, %dma_start3A_33] : memref<400x64xf32, #tpu.memory_space<vmem>> -> memref<225x64xf32, #tpu.memory_space<vmem>>
      %dma_start3A_35 = arith.constant 0 : i32
      %dma_start3A_36 = tpu.memref_slice %arg6[%add3A_27, %dma_start3A_35] : memref<10000x64xf32, #tpu.memory_space<vmem_shared>> -> memref<225x64xf32, #tpu.memory_space<vmem_shared>>
      %dma_start3A_37 = arith.constant 0 : i32
      %dma_start3A_38 = arith.constant 0 : i32
      %dma_start3A_39 = tpu.memref_slice %arg8[%dma_start3A_37, %dma_start3A_38] : memref<400x64xf32, #tpu.memory_space<vmem>> -> memref<225x64xf32, #tpu.memory_space<vmem>>
      %dma_start3A_40 = arith.constant 0 : i32
      %dma_start3A_41 = tpu.memref_slice %arg6[%add3A_27, %dma_start3A_40] : memref<10000x64xf32, #tpu.memory_space<vmem_shared>> -> memref<225x64xf32, #tpu.memory_space<vmem_shared>>
      tpu.enqueue_dma source(%dma_start3A_41 : memref<225x64xf32, #tpu.memory_space<vmem_shared>>) target(%dma_start3A_39 : memref<225x64xf32, #tpu.memory_space<vmem>>) target_semaphore(%run_scoped3A : memref<!tpu.dma_semaphore, #tpu.memory_space<semaphore_mem>>)
      %dma_wait3A_42 = arith.constant 0 : i32
      %dma_wait3A_43 = arith.constant 0 : i32
      %dma_wait3A_44 = tpu.memref_slice %arg8[%dma_wait3A_42, %dma_wait3A_43] : memref<400x64xf32, #tpu.memory_space<vmem>> -> memref<225x64xf32, #tpu.memory_space<vmem>>
      %dma_wait3A_45 = arith.constant 0 : i32
      %dma_wait3A_46 = tpu.memref_slice %arg6[%add3A_27, %dma_wait3A_45] : memref<10000x64xf32, #tpu.memory_space<vmem_shared>> -> memref<225x64xf32, #tpu.memory_space<vmem_shared>>
      %dma_wait3A_47 = arith.constant 0 : i32
      %dma_wait3A_48 = arith.constant 0 : i32
      %dma_wait3A_49 = tpu.memref_slice %arg8[%dma_wait3A_47, %dma_wait3A_48] : memref<400x64xf32, #tpu.memory_space<vmem>> -> memref<225x64xf32, #tpu.memory_space<vmem>>
      %dma_wait3A_50 = arith.constant 0 : i32
      %dma_wait3A_51 = tpu.memref_slice %arg6[%add3A_27, %dma_wait3A_50] : memref<10000x64xf32, #tpu.memory_space<vmem_shared>> -> memref<225x64xf32, #tpu.memory_space<vmem_shared>>
      tpu.wait_dma2 semaphore(%run_scoped3A : memref<!tpu.dma_semaphore, #tpu.memory_space<semaphore_mem>>) src(%dma_wait3A_51 : memref<225x64xf32, #tpu.memory_space<vmem_shared>>) dst(%dma_wait3A_49 : memref<225x64xf32, #tpu.memory_space<vmem>>)
      tpu.yield
    }) : () -> ()
    %mul3A_28 = arith.constant 625 : i32
    %mul3A_29 = arith.muli %arg1, %mul3A_28 : i32
    %add3A_30 = arith.constant 400 : i32
    %add3A_31 = arith.addi %mul3A_29, %add3A_30 : i32
    "tpu.region"() ({
      %run_scoped3A = tpu.sem_alloc : memref<!tpu.dma_semaphore, #tpu.memory_space<semaphore_mem>>
      %dma_start3A_32 = arith.constant 0 : i32
      %dma_start3A_33 = arith.constant 0 : i32
      %dma_start3A_34 = tpu.memref_slice %arg8[%dma_start3A_32, %dma_start3A_33] : memref<400x64xf32, #tpu.memory_space<vmem>> -> memref<225x64xf32, #tpu.memory_space<vmem>>
      %dma_start3A_35 = tpu.memref_slice %arg5[%add3A_31, %mul3A_0] : memref<10000x128xf32, #tpu.memory_space<hbm>> -> memref<225x64xf32, #tpu.memory_space<hbm>>
      %dma_start3A_36 = tpu.memref_slice %arg5[%add3A_31, %mul3A_0] : memref<10000x128xf32, #tpu.memory_space<hbm>> -> memref<225x64xf32, #tpu.memory_space<hbm>>
      %dma_start3A_37 = arith.constant 0 : i32
      %dma_start3A_38 = arith.constant 0 : i32
      %dma_start3A_39 = tpu.memref_slice %arg8[%dma_start3A_37, %dma_start3A_38] : memref<400x64xf32, #tpu.memory_space<vmem>> -> memref<225x64xf32, #tpu.memory_space<vmem>>
      tpu.enqueue_dma source(%dma_start3A_39 : memref<225x64xf32, #tpu.memory_space<vmem>>) target(%dma_start3A_36 : memref<225x64xf32, #tpu.memory_space<hbm>>) target_semaphore(%run_scoped3A : memref<!tpu.dma_semaphore, #tpu.memory_space<semaphore_mem>>)
      %dma_wait3A_40 = arith.constant 0 : i32
      %dma_wait3A_41 = arith.constant 0 : i32
      %dma_wait3A_42 = tpu.memref_slice %arg8[%dma_wait3A_40, %dma_wait3A_41] : memref<400x64xf32, #tpu.memory_space<vmem>> -> memref<225x64xf32, #tpu.memory_space<vmem>>
      %dma_wait3A_43 = tpu.memref_slice %arg5[%add3A_31, %mul3A_0] : memref<10000x128xf32, #tpu.memory_space<hbm>> -> memref<225x64xf32, #tpu.memory_space<hbm>>
      %dma_wait3A_44 = tpu.memref_slice %arg5[%add3A_31, %mul3A_0] : memref<10000x128xf32, #tpu.memory_space<hbm>> -> memref<225x64xf32, #tpu.memory_space<hbm>>
      %dma_wait3A_45 = arith.constant 0 : i32
      %dma_wait3A_46 = arith.constant 0 : i32
      %dma_wait3A_47 = tpu.memref_slice %arg8[%dma_wait3A_45, %dma_wait3A_46] : memref<400x64xf32, #tpu.memory_space<vmem>> -> memref<225x64xf32, #tpu.memory_space<vmem>>
      tpu.wait_dma2 semaphore(%run_scoped3A : memref<!tpu.dma_semaphore, #tpu.memory_space<semaphore_mem>>) src(%dma_wait3A_47 : memref<225x64xf32, #tpu.memory_space<vmem>>) dst(%dma_wait3A_44 : memref<225x64xf32, #tpu.memory_space<hbm>>)
      tpu.yield
    }) : () -> ()
    return
  }
}

module attributes {stable_mosaic.version = 14 : i64} {
  func.func @t_matmul(%arg0: i32, %arg1: memref<2000x128xf32, #tpu.memory_space<vmem>>, %arg2: memref<128x128xf32, #tpu.memory_space<vmem>>, %arg3: memref<2000x128xf32, #tpu.memory_space<vmem>>) attributes {dimension_semantics = [#tpu.dimension_semantics<arbitrary>], iteration_bounds = array<i64: 5>, scalar_prefetch = 0 : i64, scratch_operands = 0 : i64, tpu.core_type = #tpu.core_type<tc>, window_params = [{transform_indices = @transform_0, window_bounds = array<i64: 2000, 128>}, {pipeline_mode = #tpu.pipeline_mode<synchronous>, transform_indices = @transform_1, window_bounds = array<i64: 128, 128>}, {transform_indices = @transform_2, window_bounds = array<i64: 2000, 128>}]} {
    %get3A = arith.constant 0 : index
    %get3A_0 = arith.constant 0 : index
    %get3A_1 = vector.load %arg1[%get3A, %get3A_0] : memref<2000x128xf32, #tpu.memory_space<vmem>>, vector<2000x128xf32>
    %get3A_2 = arith.constant 0 : index
    %get3A_3 = arith.constant 0 : index
    %get3A_4 = vector.load %arg2[%get3A_2, %get3A_3] : memref<128x128xf32, #tpu.memory_space<vmem>>, vector<128x128xf32>
    %dot_general3A = arith.constant dense<0.000000e+00> : vector<2000x128xf32>
    %dot_general3A_5 = tpu.matmul %get3A_1, %get3A_4, %dot_general3A {dimension_numbers = #tpu.dot_dimension_numbers<[1], [0], [0], [1], [0, 0, 1, 1], [], []>, transpose_lhs_hint = false} : vector<2000x128xf32>, vector<128x128xf32>, vector<2000x128xf32> -> vector<2000x128xf32>
    %swap3A = arith.constant 0 : index
    %swap3A_6 = arith.constant 0 : index
    %swap3A_7 = vector.load %arg3[%swap3A, %swap3A_6] : memref<2000x128xf32, #tpu.memory_space<vmem>>, vector<2000x128xf32>
    tpu.vector_store %arg3[%swap3A, %swap3A_6], %dot_general3A_5 {strides = array<i32>} : memref<2000x128xf32, #tpu.memory_space<vmem>>, vector<2000x128xf32>,
    return
  }
  func.func @transform_0(%arg0: i32) -> (i32, i32) {
    %c0_i32 = arith.constant 0 : i32
    %c0_i32_0 = arith.constant 0 : i32
    return %arg0, %c0_i32 : i32, i32
  }
  func.func @transform_1(%arg0: i32) -> (i32, i32) {
    %c0_i32 = arith.constant 0 : i32
    %c0_i32_0 = arith.constant 0 : i32
    %c0_i32_1 = arith.constant 0 : i32
    return %c0_i32, %c0_i32_0 : i32, i32
  }
  func.func @transform_2(%arg0: i32) -> (i32, i32) {
    %c0_i32 = arith.constant 0 : i32
    %c0_i32_0 = arith.constant 0 : i32
    return %arg0, %c0_i32 : i32, i32
  }
}

module attributes {stable_mosaic.version = 14 : i64} {
  func.func @t_init(%arg0: i32, %arg1: memref<6400x128xf32, #tpu.memory_space<vmem>>, %arg2: memref<6400x16xf32, #tpu.memory_space<vmem>>, %arg3: memref<16x128xf32, #tpu.memory_space<vmem>>, %arg4: memref<6400x128xf32, #tpu.memory_space<vmem>>, %arg5: memref<6400x128xbf16, #tpu.memory_space<vmem>>) attributes {dimension_semantics = [#tpu.dimension_semantics<arbitrary>], iteration_bounds = array<i64: 50>, scalar_prefetch = 0 : i64, scratch_operands = 0 : i64, tpu.core_type = #tpu.core_type<tc>, window_params = [{transform_indices = @transform_0, window_bounds = array<i64: 6400, 128>}, {transform_indices = @transform_1, window_bounds = array<i64: 6400, 16>}, {pipeline_mode = #tpu.pipeline_mode<synchronous>, transform_indices = @transform_2, window_bounds = array<i64: 16, 128>}, {transform_indices = @transform_3, window_bounds = array<i64: 6400, 128>}, {transform_indices = @transform_4, window_bounds = array<i64: 6400, 128>}]} {
    %get3A = arith.constant 0 : index
    %get3A_0 = arith.constant 0 : index
    %get3A_1 = vector.load %arg1[%get3A, %get3A_0] : memref<6400x128xf32, #tpu.memory_space<vmem>>, vector<6400x128xf32>
    %get3A_2 = arith.constant 0 : index
    %get3A_3 = arith.constant 0 : index
    %get3A_4 = vector.load %arg2[%get3A_2, %get3A_3] : memref<6400x16xf32, #tpu.memory_space<vmem>>, vector<6400x16xf32>
    %get3A_5 = arith.constant 0 : index
    %get3A_6 = arith.constant 0 : index
    %get3A_7 = vector.load %arg3[%get3A_5, %get3A_6] : memref<16x128xf32, #tpu.memory_space<vmem>>, vector<16x128xf32>
    %dot_general3A = arith.constant dense<0.000000e+00> : vector<6400x128xf32>
    %dot_general3A_8 = tpu.matmul %get3A_4, %get3A_7, %dot_general3A {dimension_numbers = #tpu.dot_dimension_numbers<[1], [0], [0], [1], [0, 0, 1, 1], [], []>, transpose_lhs_hint = false} : vector<6400x16xf32>, vector<16x128xf32>, vector<6400x128xf32> -> vector<6400x128xf32>
    %add3A = arith.addf %get3A_1, %dot_general3A_8 : vector<6400x128xf32>
    %max3A = arith.constant 0.000000e+00 : f32
    %max3A_9 = vector.broadcast %max3A : f32 to vector<6400x128xf32>
    %max3A_10 = arith.maximumf %add3A, %max3A_9 : vector<6400x128xf32>
    %swap3A = arith.constant 0 : index
    %swap3A_11 = arith.constant 0 : index
    %swap3A_12 = vector.load %arg4[%swap3A, %swap3A_11] : memref<6400x128xf32, #tpu.memory_space<vmem>>, vector<6400x128xf32>
    tpu.vector_store %arg4[%swap3A, %swap3A_11], %max3A_10 {strides = array<i32>} : memref<6400x128xf32, #tpu.memory_space<vmem>>, vector<6400x128xf32>,
    %convert_element_type3A = arith.truncf %max3A_10 : vector<6400x128xf32> to vector<6400x128xbf16>
    %swap3A_13 = arith.constant 0 : index
    %swap3A_14 = arith.constant 0 : index
    %swap3A_15 = vector.load %arg5[%swap3A_13, %swap3A_14] : memref<6400x128xbf16, #tpu.memory_space<vmem>>, vector<6400x128xbf16>
    tpu.vector_store %arg5[%swap3A_13, %swap3A_14], %convert_element_type3A {strides = array<i32>} : memref<6400x128xbf16, #tpu.memory_space<vmem>>, vector<6400x128xbf16>,
    return
  }
  func.func @transform_0(%arg0: i32) -> (i32, i32) {
    %c0_i32 = arith.constant 0 : i32
    %c0_i32_0 = arith.constant 0 : i32
    return %arg0, %c0_i32 : i32, i32
  }
  func.func @transform_1(%arg0: i32) -> (i32, i32) {
    %c0_i32 = arith.constant 0 : i32
    %c0_i32_0 = arith.constant 0 : i32
    return %arg0, %c0_i32 : i32, i32
  }
  func.func @transform_2(%arg0: i32) -> (i32, i32) {
    %c0_i32 = arith.constant 0 : i32
    %c0_i32_0 = arith.constant 0 : i32
    %c0_i32_1 = arith.constant 0 : i32
    return %c0_i32, %c0_i32_0 : i32, i32
  }
  func.func @transform_3(%arg0: i32) -> (i32, i32) {
    %c0_i32 = arith.constant 0 : i32
    %c0_i32_0 = arith.constant 0 : i32
    return %arg0, %c0_i32 : i32, i32
  }
  func.func @transform_4(%arg0: i32) -> (i32, i32) {
    %c0_i32 = arith.constant 0 : i32
    %c0_i32_0 = arith.constant 0 : i32
    return %arg0, %c0_i32 : i32, i32
  }
}

module attributes {stable_mosaic.version = 14 : i64} {
  func.func @t_step(%arg0: i32, %arg1: memref<6400x128xbf16, #tpu.memory_space<vmem>>, %arg2: memref<6400x128xf32, #tpu.memory_space<vmem>>, %arg3: memref<6400x128xbf16, #tpu.memory_space<vmem>>, %arg4: memref<128x128xf32, #tpu.memory_space<vmem>>, %arg5: memref<6400x128xf32, #tpu.memory_space<vmem>>) attributes {dimension_semantics = [#tpu.dimension_semantics<arbitrary>], iteration_bounds = array<i64: 50>, scalar_prefetch = 0 : i64, scratch_operands = 0 : i64, tpu.core_type = #tpu.core_type<tc>, window_params = [{transform_indices = @transform_0, window_bounds = array<i64: 6400, 128>}, {transform_indices = @transform_1, window_bounds = array<i64: 6400, 128>}, {transform_indices = @transform_2, window_bounds = array<i64: 6400, 128>}, {pipeline_mode = #tpu.pipeline_mode<synchronous>, transform_indices = @transform_3, window_bounds = array<i64: 128, 128>}, {transform_indices = @transform_4, window_bounds = array<i64: 6400, 128>}]} {
    %get3A = arith.constant 0 : index
    %get3A_0 = arith.constant 0 : index
    %get3A_1 = vector.load %arg1[%get3A, %get3A_0] : memref<6400x128xbf16, #tpu.memory_space<vmem>>, vector<6400x128xbf16>
    %convert_element_type3A = arith.extf %get3A_1 : vector<6400x128xbf16> to vector<6400x128xf32>
    %get3A_2 = arith.constant 0 : index
    %get3A_3 = arith.constant 0 : index
    %get3A_4 = vector.load %arg2[%get3A_2, %get3A_3] : memref<6400x128xf32, #tpu.memory_space<vmem>>, vector<6400x128xf32>
    %get3A_5 = arith.constant 0 : index
    %get3A_6 = arith.constant 0 : index
    %get3A_7 = vector.load %arg3[%get3A_5, %get3A_6] : memref<6400x128xbf16, #tpu.memory_space<vmem>>, vector<6400x128xbf16>
    %convert_element_type3A_8 = arith.extf %get3A_7 : vector<6400x128xbf16> to vector<6400x128xf32>
    %sub3A = arith.subf %get3A_4, %convert_element_type3A_8 : vector<6400x128xf32>
    %get3A_9 = arith.constant 0 : index
    %get3A_10 = arith.constant 0 : index
    %get3A_11 = vector.load %arg4[%get3A_9, %get3A_10] : memref<128x128xf32, #tpu.memory_space<vmem>>, vector<128x128xf32>
    %dot_general3A = arith.constant dense<0.000000e+00> : vector<6400x128xf32>
    %dot_general3A_12 = tpu.matmul %sub3A, %get3A_11, %dot_general3A {dimension_numbers = #tpu.dot_dimension_numbers<[1], [0], [0], [1], [0, 0, 1, 1], [], []>, transpose_lhs_hint = false} : vector<6400x128xf32>, vector<128x128xf32>, vector<6400x128xf32> -> vector<6400x128xf32>
    %add3A = arith.addf %convert_element_type3A, %dot_general3A_12 : vector<6400x128xf32>
    %max3A = arith.constant 0.000000e+00 : f32
    %max3A_13 = vector.broadcast %max3A : f32 to vector<6400x128xf32>
    %max3A_14 = arith.maximumf %add3A, %max3A_13 : vector<6400x128xf32>
    %swap3A = arith.constant 0 : index
    %swap3A_15 = arith.constant 0 : index
    %swap3A_16 = vector.load %arg5[%swap3A, %swap3A_15] : memref<6400x128xf32, #tpu.memory_space<vmem>>, vector<6400x128xf32>
    tpu.vector_store %arg5[%swap3A, %swap3A_15], %max3A_14 {strides = array<i32>} : memref<6400x128xf32, #tpu.memory_space<vmem>>, vector<6400x128xf32>,
    return
  }
  func.func @transform_0(%arg0: i32) -> (i32, i32) {
    %c0_i32 = arith.constant 0 : i32
    %c0_i32_0 = arith.constant 0 : i32
    return %arg0, %c0_i32 : i32, i32
  }
  func.func @transform_1(%arg0: i32) -> (i32, i32) {
    %c0_i32 = arith.constant 0 : i32
    %c0_i32_0 = arith.constant 0 : i32
    return %arg0, %c0_i32 : i32, i32
  }
  func.func @transform_2(%arg0: i32) -> (i32, i32) {
    %add3A = arith.constant 25 : i32
    %add3A_0 = arith.addi %arg0, %add3A : i32
    %jit3A = arith.constant 50 : i32
    %eq3A = arith.constant 0 : i32
    %eq3A_1 = arith.cmpi eq, %jit3A, %eq3A : i32
    %jit3A_2 = arith.constant 1 : i32
    %select_n3A = arith.select %eq3A_1, %jit3A_2, %jit3A : i32
    %rem3A = arith.remsi %add3A_0, %select_n3A : i32
    %ne3A = arith.constant 0 : i32
    %ne3A_3 = arith.cmpi ne, %rem3A, %ne3A : i32
    %lt3A = arith.constant 0 : i32
    %lt3A_4 = arith.cmpi slt, %rem3A, %lt3A : i32
    %lt3A_5 = arith.constant 0 : i32
    %lt3A_6 = arith.cmpi slt, %select_n3A, %lt3A_5 : i32
    %ne3A_7 = arith.xori %lt3A_4, %lt3A_6 : i1
    %and3A = arith.andi %ne3A_7, %ne3A_3 : i1
    %add3A_8 = arith.addi %rem3A, %select_n3A : i32
    %select_n3A_9 = arith.select %and3A, %add3A_8, %rem3A : i32
    %c0_i32 = arith.constant 0 : i32
    %c0_i32_10 = arith.constant 0 : i32
    return %select_n3A_9, %c0_i32 : i32, i32
  }
  func.func @transform_3(%arg0: i32) -> (i32, i32) {
    %c0_i32 = arith.constant 0 : i32
    %c0_i32_0 = arith.constant 0 : i32
    %c0_i32_1 = arith.constant 0 : i32
    return %c0_i32, %c0_i32_0 : i32, i32
  }
  func.func @transform_4(%arg0: i32) -> (i32, i32) {
    %c0_i32 = arith.constant 0 : i32
    %c0_i32_0 = arith.constant 0 : i32
    return %arg0, %c0_i32 : i32, i32
  }
}

module attributes {stable_mosaic.version = 14 : i64} {
  func.func @t_step(%arg0: i32, %arg1: memref<6400x128xbf16, #tpu.memory_space<vmem>>, %arg2: memref<6400x128xf32, #tpu.memory_space<vmem>>, %arg3: memref<6400x128xf32, #tpu.memory_space<vmem>>, %arg4: memref<128x128xf32, #tpu.memory_space<vmem>>, %arg5: memref<6400x128xf32, #tpu.memory_space<vmem>>) attributes {dimension_semantics = [#tpu.dimension_semantics<arbitrary>], iteration_bounds = array<i64: 50>, scalar_prefetch = 0 : i64, scratch_operands = 0 : i64, tpu.core_type = #tpu.core_type<tc>, window_params = [{transform_indices = @transform_0, window_bounds = array<i64: 6400, 128>}, {transform_indices = @transform_1, window_bounds = array<i64: 6400, 128>}, {transform_indices = @transform_2, window_bounds = array<i64: 6400, 128>}, {pipeline_mode = #tpu.pipeline_mode<synchronous>, transform_indices = @transform_3, window_bounds = array<i64: 128, 128>}, {transform_indices = @transform_4, window_bounds = array<i64: 6400, 128>}]} {
    %get3A = arith.constant 0 : index
    %get3A_0 = arith.constant 0 : index
    %get3A_1 = vector.load %arg1[%get3A, %get3A_0] : memref<6400x128xbf16, #tpu.memory_space<vmem>>, vector<6400x128xbf16>
    %convert_element_type3A = arith.extf %get3A_1 : vector<6400x128xbf16> to vector<6400x128xf32>
    %get3A_2 = arith.constant 0 : index
    %get3A_3 = arith.constant 0 : index
    %get3A_4 = vector.load %arg2[%get3A_2, %get3A_3] : memref<6400x128xf32, #tpu.memory_space<vmem>>, vector<6400x128xf32>
    %get3A_5 = arith.constant 0 : index
    %get3A_6 = arith.constant 0 : index
    %get3A_7 = vector.load %arg3[%get3A_5, %get3A_6] : memref<6400x128xf32, #tpu.memory_space<vmem>>, vector<6400x128xf32>
    %sub3A = arith.subf %get3A_4, %get3A_7 : vector<6400x128xf32>
    %get3A_8 = arith.constant 0 : index
    %get3A_9 = arith.constant 0 : index
    %get3A_10 = vector.load %arg4[%get3A_8, %get3A_9] : memref<128x128xf32, #tpu.memory_space<vmem>>, vector<128x128xf32>
    %dot_general3A = arith.constant dense<0.000000e+00> : vector<6400x128xf32>
    %dot_general3A_11 = tpu.matmul %sub3A, %get3A_10, %dot_general3A {dimension_numbers = #tpu.dot_dimension_numbers<[1], [0], [0], [1], [0, 0, 1, 1], [], []>, transpose_lhs_hint = false} : vector<6400x128xf32>, vector<128x128xf32>, vector<6400x128xf32> -> vector<6400x128xf32>
    %add3A = arith.addf %convert_element_type3A, %dot_general3A_11 : vector<6400x128xf32>
    %max3A = arith.constant 0.000000e+00 : f32
    %max3A_12 = vector.broadcast %max3A : f32 to vector<6400x128xf32>
    %max3A_13 = arith.maximumf %add3A, %max3A_12 : vector<6400x128xf32>
    %swap3A = arith.constant 0 : index
    %swap3A_14 = arith.constant 0 : index
    %swap3A_15 = vector.load %arg5[%swap3A, %swap3A_14] : memref<6400x128xf32, #tpu.memory_space<vmem>>, vector<6400x128xf32>
    tpu.vector_store %arg5[%swap3A, %swap3A_14], %max3A_13 {strides = array<i32>} : memref<6400x128xf32, #tpu.memory_space<vmem>>, vector<6400x128xf32>,
    return
  }
  func.func @transform_0(%arg0: i32) -> (i32, i32) {
    %c0_i32 = arith.constant 0 : i32
    %c0_i32_0 = arith.constant 0 : i32
    return %arg0, %c0_i32 : i32, i32
  }
  func.func @transform_1(%arg0: i32) -> (i32, i32) {
    %c0_i32 = arith.constant 0 : i32
    %c0_i32_0 = arith.constant 0 : i32
    return %arg0, %c0_i32 : i32, i32
  }
  func.func @transform_2(%arg0: i32) -> (i32, i32) {
    %add3A = arith.constant 25 : i32
    %add3A_0 = arith.addi %arg0, %add3A : i32
    %jit3A = arith.constant 50 : i32
    %eq3A = arith.constant 0 : i32
    %eq3A_1 = arith.cmpi eq, %jit3A, %eq3A : i32
    %jit3A_2 = arith.constant 1 : i32
    %select_n3A = arith.select %eq3A_1, %jit3A_2, %jit3A : i32
    %rem3A = arith.remsi %add3A_0, %select_n3A : i32
    %ne3A = arith.constant 0 : i32
    %ne3A_3 = arith.cmpi ne, %rem3A, %ne3A : i32
    %lt3A = arith.constant 0 : i32
    %lt3A_4 = arith.cmpi slt, %rem3A, %lt3A : i32
    %lt3A_5 = arith.constant 0 : i32
    %lt3A_6 = arith.cmpi slt, %select_n3A, %lt3A_5 : i32
    %ne3A_7 = arith.xori %lt3A_4, %lt3A_6 : i1
    %and3A = arith.andi %ne3A_7, %ne3A_3 : i1
    %add3A_8 = arith.addi %rem3A, %select_n3A : i32
    %select_n3A_9 = arith.select %and3A, %add3A_8, %rem3A : i32
    %c0_i32 = arith.constant 0 : i32
    %c0_i32_10 = arith.constant 0 : i32
    return %select_n3A_9, %c0_i32 : i32, i32
  }
  func.func @transform_3(%arg0: i32) -> (i32, i32) {
    %c0_i32 = arith.constant 0 : i32
    %c0_i32_0 = arith.constant 0 : i32
    %c0_i32_1 = arith.constant 0 : i32
    return %c0_i32, %c0_i32_0 : i32, i32
  }
  func.func @transform_4(%arg0: i32) -> (i32, i32) {
    %c0_i32 = arith.constant 0 : i32
    %c0_i32_0 = arith.constant 0 : i32
    return %arg0, %c0_i32 : i32, i32
  }
}

module attributes {stable_mosaic.version = 14 : i64} {
  func.func @t_sysf(%arg0: memref<100x16xf32, #tpu.memory_space<vmem>>, %arg1: memref<16x128xf32, #tpu.memory_space<vmem>>, %arg2: memref<1x128xf32, #tpu.memory_space<vmem>>, %arg3: memref<100x128xf32, #tpu.memory_space<vmem>>) attributes {dimension_semantics = [], scalar_prefetch = 0 : i64, scratch_operands = 0 : i64, tpu.core_type = #tpu.core_type<tc>} {
    %get3A = arith.constant 0 : index
    %get3A_0 = arith.constant 0 : index
    %get3A_1 = vector.load %arg0[%get3A, %get3A_0] : memref<100x16xf32, #tpu.memory_space<vmem>>, vector<100x16xf32>
    %get3A_2 = arith.constant 0 : index
    %get3A_3 = arith.constant 0 : index
    %get3A_4 = vector.load %arg1[%get3A_2, %get3A_3] : memref<16x128xf32, #tpu.memory_space<vmem>>, vector<16x128xf32>
    %dot_general3A = arith.constant dense<0.000000e+00> : vector<100x128xf32>
    %dot_general3A_5 = tpu.matmul %get3A_1, %get3A_4, %dot_general3A {dimension_numbers = #tpu.dot_dimension_numbers<[1], [0], [0], [1], [0, 0, 1, 1], [], []>, transpose_lhs_hint = false} : vector<100x16xf32>, vector<16x128xf32>, vector<100x128xf32> -> vector<100x128xf32>
    %get3A_6 = arith.constant 0 : index
    %get3A_7 = arith.constant 0 : index
    %get3A_8 = vector.load %arg2[%get3A_6, %get3A_7] : memref<1x128xf32, #tpu.memory_space<vmem>>, vector<1x128xf32>
    %add3A = vector.broadcast %get3A_8 : vector<1x128xf32> to vector<100x128xf32>
    %add3A_9 = arith.addf %dot_general3A_5, %add3A : vector<100x128xf32>
    %swap3A = arith.constant 0 : index
    %swap3A_10 = arith.constant 0 : index
    %swap3A_11 = vector.load %arg3[%swap3A, %swap3A_10] : memref<100x128xf32, #tpu.memory_space<vmem>>, vector<100x128xf32>
    tpu.vector_store %arg3[%swap3A, %swap3A_10], %add3A_9 {strides = array<i32>} : memref<100x128xf32, #tpu.memory_space<vmem>>, vector<100x128xf32>,
    return
  }
}

module attributes {stable_mosaic.version = 14 : i64} {
  func.func @t_out(%arg0: i32, %arg1: memref<2000x128xf32, #tpu.memory_space<vmem>>, %arg2: memref<2000x128xf32, #tpu.memory_space<vmem>>, %arg3: memref<128x128xf32, #tpu.memory_space<vmem>>, %arg4: memref<128x128xf32, #tpu.memory_space<vmem>>, %arg5: memref<2000x128xf32, #tpu.memory_space<vmem>>) attributes {dimension_semantics = [#tpu.dimension_semantics<arbitrary>], iteration_bounds = array<i64: 5>, scalar_prefetch = 0 : i64, scratch_operands = 0 : i64, tpu.core_type = #tpu.core_type<tc>, window_params = [{transform_indices = @transform_0, window_bounds = array<i64: 2000, 128>}, {transform_indices = @transform_1, window_bounds = array<i64: 2000, 128>}, {pipeline_mode = #tpu.pipeline_mode<synchronous>, transform_indices = @transform_2, window_bounds = array<i64: 128, 128>}, {pipeline_mode = #tpu.pipeline_mode<synchronous>, transform_indices = @transform_3, window_bounds = array<i64: 128, 128>}, {transform_indices = @transform_4, window_bounds = array<i64: 2000, 128>}]} {
    %get3A = arith.constant 0 : index
    %get3A_0 = arith.constant 0 : index
    %get3A_1 = vector.load %arg1[%get3A, %get3A_0] : memref<2000x128xf32, #tpu.memory_space<vmem>>, vector<2000x128xf32>
    %get3A_2 = arith.constant 0 : index
    %get3A_3 = arith.constant 0 : index
    %get3A_4 = vector.load %arg3[%get3A_2, %get3A_3] : memref<128x128xf32, #tpu.memory_space<vmem>>, vector<128x128xf32>
    %dot_general3A = arith.constant dense<0.000000e+00> : vector<2000x128xf32>
    %dot_general3A_5 = tpu.matmul %get3A_1, %get3A_4, %dot_general3A {dimension_numbers = #tpu.dot_dimension_numbers<[1], [0], [0], [1], [0, 0, 1, 1], [], []>, transpose_lhs_hint = false} : vector<2000x128xf32>, vector<128x128xf32>, vector<2000x128xf32> -> vector<2000x128xf32>
    %get3A_6 = arith.constant 0 : index
    %get3A_7 = arith.constant 0 : index
    %get3A_8 = vector.load %arg2[%get3A_6, %get3A_7] : memref<2000x128xf32, #tpu.memory_space<vmem>>, vector<2000x128xf32>
    %get3A_9 = arith.constant 0 : index
    %get3A_10 = arith.constant 0 : index
    %get3A_11 = vector.load %arg4[%get3A_9, %get3A_10] : memref<128x128xf32, #tpu.memory_space<vmem>>, vector<128x128xf32>
    %dot_general3A_12 = arith.constant dense<0.000000e+00> : vector<2000x128xf32>
    %dot_general3A_13 = tpu.matmul %get3A_8, %get3A_11, %dot_general3A_12 {dimension_numbers = #tpu.dot_dimension_numbers<[1], [0], [0], [1], [0, 0, 1, 1], [], []>, transpose_lhs_hint = false} : vector<2000x128xf32>, vector<128x128xf32>, vector<2000x128xf32> -> vector<2000x128xf32>
    %add3A = arith.addf %dot_general3A_5, %dot_general3A_13 : vector<2000x128xf32>
    %max3A = arith.constant 0.000000e+00 : f32
    %max3A_14 = vector.broadcast %max3A : f32 to vector<2000x128xf32>
    %max3A_15 = arith.maximumf %add3A, %max3A_14 : vector<2000x128xf32>
    %swap3A = arith.constant 0 : index
    %swap3A_16 = arith.constant 0 : index
    %swap3A_17 = vector.load %arg5[%swap3A, %swap3A_16] : memref<2000x128xf32, #tpu.memory_space<vmem>>, vector<2000x128xf32>
    tpu.vector_store %arg5[%swap3A, %swap3A_16], %max3A_15 {strides = array<i32>} : memref<2000x128xf32, #tpu.memory_space<vmem>>, vector<2000x128xf32>,
    return
  }
  func.func @transform_0(%arg0: i32) -> (i32, i32) {
    %c0_i32 = arith.constant 0 : i32
    %c0_i32_0 = arith.constant 0 : i32
    return %arg0, %c0_i32 : i32, i32
  }
  func.func @transform_1(%arg0: i32) -> (i32, i32) {
    %c0_i32 = arith.constant 0 : i32
    %c0_i32_0 = arith.constant 0 : i32
    return %arg0, %c0_i32 : i32, i32
  }
  func.func @transform_2(%arg0: i32) -> (i32, i32) {
    %c0_i32 = arith.constant 0 : i32
    %c0_i32_0 = arith.constant 0 : i32
    %c0_i32_1 = arith.constant 0 : i32
    return %c0_i32, %c0_i32_0 : i32, i32
  }
  func.func @transform_3(%arg0: i32) -> (i32, i32) {
    %c0_i32 = arith.constant 0 : i32
    %c0_i32_0 = arith.constant 0 : i32
    %c0_i32_1 = arith.constant 0 : i32
    return %c0_i32, %c0_i32_0 : i32, i32
  }
  func.func @transform_4(%arg0: i32) -> (i32, i32) {
    %c0_i32 = arith.constant 0 : i32
    %c0_i32_0 = arith.constant 0 : i32
    return %arg0, %c0_i32 : i32, i32
  }
}

</mosaic_0001>

<sc_bundles>
// kernel: kernel.12.cloned.1.call-start
scs
__scs_entry_jumppad:
0x0: {  	(pc) =	sbr.rel $0x88, $3  }
0x1: {  	(tag) =	ssettag $0x0;
	lr =	simm.s32 $0x1  }
0x2: {  	[smem:$0x3F98] =	sst lr;
	_ =	strace $0xD0000000  }
0x3: {  	_ = 	snop  }
0x4: {  	_ = 	snop  }
0x5: {  	_ = 	snop  }
0x6: {  	_ = 	snop  }
0x7: {  	_ = 	snop  }
__scs_overlays_trampoline_lowered:
0x8: {  	[smem:$0x3FA7] =	sst s0  }
0x9: {  	[smem:$0x3FA8] =	sst s1  }
0xa: {  	[smem:$0x3FA9] =	sst s2  }
0xb: {  	[smem:$0x3FAA] =	sst s3  }
0xc: {  	[smem:$0x3FAB] =	sst s4  }
0xd: {  	[smem:$0x3FAC] =	sst s5  }
0xe: {  	[smem:$0x3FAD] =	sst s6  }
0xf: {  	[smem:$0x3FAE] =	sst s7  }
0x10: {  	[smem:$0x3FAF] =	sst s8  }
0x11: {  	[smem:$0x3FB0] =	sst s9;
	s0 =	simm.s32 @!p0 $0x0  }
0x12: {  	s1 =	sld [smem:$0x3F96];
	s0 =	simm.s32 @p0 $0x1  }
0x13: {  	[smem:$0x3FB1] =	sst s0;
	s0 =	simm.s32 @!p1 $0x0  }
0x14: {  	s2 =	sld [smem:$0x3F95];
	s0 =	simm.s32 @p1 $0x1  }
0x15: {  	[smem:$0x3FB2] =	sst s0;
	s0 =	simm.s32 @!p2 $0x0  }
0x16: {  	s3 =	sld [smem:$0x3FDB];
	s0 =	simm.s32 @p2 $0x1  }
0x17: {  	s4 =	simm.s32 $0x1BF5;
	[smem:$0x3FB4] =	sst s0  }
0x18: {  	s0 =	sld [smem:$0x3F97];
	_ =	swait.ge [sflag:s4], $0x0  }
0x19: {  	s7 =	sld [smem:$0x3F98]  }
0x1a: {  	s8 =	sadd.s32 $0xFFFFE003, lr  }
0x1b: {  	s9 =	sadd.s32 $0xFFFFFEF7, lr;
	s5 =	simm.s32 $0xFFFFFFFF;
	p2 =	slt.u32 s8, $0xFFFFF086  }
0x1c: {  	p1 =	slt.u32 s9, $0xF7A;
	s5 =	simm.s32 @!p2 $0x0  }
0x1d: {  	s5 =	simm.s32 @p1 $0x1;
	p0 =	seq.s32 s7, s2  }
0x1e: {  	s7 =	smul.u32 @!p0 $0xF7A, s2;
	p2 =	seq.s32 @!p0 s5, $0x0  }
0x1f: {  	s9 =	smul.u32 $0xF7A, s1;
	s8 =	simm.s32 @!p0 $0x1BF5;
	p2 =	por !p2, p0  }
0x20: {  	[sflag:s8] =	ssyncset.s32 @!p0 $0xFFFFF086;
	s6 =	sadd.s32 @!p0 s3, s7;
	s7 =	simm.s32 @!p0 $0x108  }
0x21: {  	s3 =	sadd.s32 s3, s9;
	s6 =	sadd.s32 @!p0 $0x88, s6;
	s7 =	simm.s32 @p2 $0x1082  }
0x22: {  	[simem:s7], [sflag:s8] =	dma.local @!p0 [hbm:s6], $0xF7A  }
0x23: {  	s9 =	sor.u32 $0xD0000000, s2;
	s6 =	simm.s32 $0x108;
	_ =	swait.ge @!p0 [sflag:s8], $0x0  }
0x24: {  	s3 =	sadd.s32 $0x88, s3;
	s6 =	simm.s32 @!p1 $0x1082;
	[sflag:s4] =	ssyncset.s32 $0xFFFFF086  }
0x25: {  	[simem:s6], [sflag:s4] =	dma.local [hbm:s3], $0xF7A  }
0x26: {  	[smem:$0x3F98] =	sst s1;
	(tag) =	ssettag s2;
	_ =	strace s9  }
0x27: {  	s1 =	sld [smem:$0x3FA8]  }
0x28: {  	s2 =	sld [smem:$0x3FA9]  }
0x29: {  	s4 =	sld [smem:$0x3FAB]  }
0x2a: {  	p0 =	seq.s32 s5, $0x0;
	s5 =	sld [smem:$0x3FAC]  }
0x2b: {  	s6 =	sld [smem:$0x3FAD]  }
0x2c: {  	s7 =	sld [smem:$0x3FAE]  }
0x2d: {  	s3 =	simm.s32 $0x108;
	s8 =	sld [smem:$0x3FAF]  }
0x2e: {  	s3 =	simm.s32 @!p0 $0x1082;
	s9 =	sld [smem:$0x3FB0]  }
0x2f: {  	lr =	sadd.s32 s0, s3;
	s0 =	sld [smem:$0x3FA7]  }
0x30: {  	s3 =	sld [smem:$0x3FAA]  }
0x31: {  	[smem:$0x3FB3] =	sst s10  }
0x32: {  	s10 =	sld [smem:$0x3FB1];
	_ =	sdelay $0x3  }
0x33: {  	p0 =	seq.s32 s10, $0x1;
	s10 =	sld [smem:$0x3FB3];
	_ =	sdelay $0x3  }
0x34: {  	[smem:$0x3FB3] =	sst s10  }
0x35: {  	s10 =	sld [smem:$0x3FB2];
	_ =	sdelay $0x3  }
0x36: {  	p1 =	seq.s32 s10, $0x1;
	s10 =	sld [smem:$0x3FB3];
	_ =	sdelay $0x3  }
0x37: {  	[smem:$0x3FB3] =	sst s10  }
0x38: {  	s10 =	sld [smem:$0x3FB4]  }
0x39: {  	_ = 	snop;
	(pc) =	sbr.ind lr, $3  }
0x3a: {  	_ = 	snop  }
0x3b: {  	_ = 	snop  }
0x3c: {  	p2 =	seq.s32 s10, $0x1;
	s10 =	sld [smem:$0x3FB3]  }
0x3d: {  	_ =	shalt  }
0x3e: {  	_ =	shalt  }
0x3f: {  	_ =	shalt  }
0x40: {  	_ =	shalt  }
0x41: {  	_ =	shalt  }
0x42: {  	_ =	shalt  }
0x43: {  	_ =	shalt  }
0x44: {  	_ =	shalt  }
0x45: {  	_ =	shalt  }
0x46: {  	_ =	shalt  }
0x47: {  	_ =	shalt  }
0x48: {  	_ =	shalt  }
0x49: {  	_ =	shalt  }
0x4a: {  	_ =	shalt  }
0x4b: {  	_ =	shalt  }
0x4c: {  	_ =	shalt  }
0x4d: {  	_ =	shalt  }
0x4e: {  	_ =	shalt  }
0x4f: {  	_ =	shalt  }
0x50: {  	_ =	shalt  }
0x51: {  	_ =	shalt  }
0x52: {  	_ =	shalt  }
0x53: {  	_ =	shalt  }
0x54: {  	_ =	shalt  }
0x55: {  	_ =	shalt  }
0x56: {  	_ =	shalt  }
0x57: {  	_ =	shalt  }
0x58: {  	_ =	shalt  }
0x59: {  	_ =	shalt  }
0x5a: {  	_ =	shalt  }
0x5b: {  	_ =	shalt  }
0x5c: {  	_ =	shalt  }
0x5d: {  	_ =	shalt  }
0x5e: {  	_ =	shalt  }
0x5f: {  	_ =	shalt  }
0x60: {  	_ =	shalt  }
0x61: {  	_ =	shalt  }
0x62: {  	_ =	shalt  }
0x63: {  	_ =	shalt  }
0x64: {  	_ =	shalt  }
0x65: {  	_ =	shalt  }
0x66: {  	_ =	shalt  }
0x67: {  	_ =	shalt  }
0x68: {  	_ =	shalt  }
0x69: {  	_ =	shalt  }
0x6a: {  	_ =	shalt  }
0x6b: {  	_ =	shalt  }
0x6c: {  	_ =	shalt  }
0x6d: {  	_ =	shalt  }
0x6e: {  	_ =	shalt  }
0x6f: {  	_ =	shalt  }
0x70: {  	_ =	shalt  }
0x71: {  	_ =	shalt  }
0x72: {  	_ =	shalt  }
0x73: {  	_ =	shalt  }
0x74: {  	_ =	shalt  }
0x75: {  	_ =	shalt  }
0x76: {  	_ =	shalt  }
0x77: {  	_ =	shalt  }
0x78: {  	_ =	shalt  }
0x79: {  	_ =	shalt  }
0x7a: {  	_ =	shalt  }
0x7b: {  	_ =	shalt  }
0x7c: {  	_ =	shalt  }
0x7d: {  	_ =	shalt  }
0x7e: {  	_ =	shalt  }
0x7f: {  	_ =	shalt  }
0x80: {  	_ =	shalt  }
0x81: {  	_ =	shalt  }
0x82: {  	_ =	shalt  }
0x83: {  	_ =	shalt  }
0x84: {  	_ =	shalt  }
0x85: {  	_ =	shalt  }
0x86: {  	_ =	shalt  }
0x87: {  	_ =	shalt  }
.Lfunc_end0:
.L_simem_size_0:
called_computation_lowered:
.L_overlay_start_0:
0x88: {  	s2 =	sld [smem:$0x3FD9]  }
0x89: {  	s3 =	sld [smem:$0x3FFE];
	_ =	sdelay $0x1  }
0x8a: {  	s1 =	srdreg.scid  }
0x8b: {  	s0 =	sand.u32 $0x1, s1  }
0x8c: {  	s14 =	sshll.u32 s0, $0xA;
	s2 =	sadd.s32 s3, s2  }
0x8d: {  	s2 =	sadd.s32 s2, s14  }
0x8e: {  	[smem:$0x3FBF] =	sst s2  }
0x8f: {  	_ = 	snop  }
0x90: {  	s2 =	sld [smem:$0x3FD0];
	_ =	sdelay $0x2  }
0x91: {  	s15 =	simm.s32 $0xA;
	s4 =	simm.s32 $0x10  }
0x92: {  	[smem:s4], [sflag:s15] =	dma.local [hbm:s2], $0x1  }
0x93: {  	_ =	swait.eq [sflag:s15], $0x1  }
0x94: {  	[sflag:s15] =	ssyncset.done $0x0  }
0x95: {  	[sflag:s15] =	ssyncadd.s32 $0xFFFFFFFF  }
0x96: {  	s16 =	sld [smem:$0x11];
	(tm) =	ssettm $0x1  }
0x97: {  	s17 =	sld [smem:$0x3FFB];
	_ =	sdelay $0x3  }
0x98: {  	_ =	strace s17  }
0x99: {  	s3 =	sld [smem:$0x3FFC];
	_ =	sdelay $0x3  }
0x9a: {  	_ =	strace s3  }
0x9b: {  	s3 =	sld [smem:$0x3FFD];
	_ =	sdelay $0x3  }
0x9c: {  	_ =	strace s3  }
0x9d: {  	_ =	strace $0x8FFFFFFF  }
0x9e: {  	s18 =	sld [smem:$0x3FDB];
	_ =	sdelay $0x1  }
0x9f: {  	s19 =	simm.s32 $_scs_section_size  }
0xa0: {  	s5 =	simm.s32 $_size__tile_overlayer_lowered;
	s6 =	simm.s32 $_tile_overlayer_lowered  }
0xa1: {  	s22 =	simm.s32 $0x1BFF;
	s21 =	sshll.u32 s6, $0x1;
	s3 =	sadd.s32 s19, s18  }
0xa2: {  	s7 =	simm.s32 $0x0;
	s20 =	sshll.u32 s5, $0x1;
	s5 =	sadd.s32 s21, s3  }
0xa3: {  	[timem:s7], [sflag:s22] =	dma.local [hbm:s5], s20  }
0xa4: {  	_ =	swait.ge [sflag:s22], s20  }
0xa5: {  	s4 =	ssub.s32 $0x0, s20;
	[sflag:s22] =	ssyncset.done $0x0  }
0xa6: {  	[sflag:s22] =	ssyncadd.s32 s4;
	_ =	sdelay $0x1  }
0xa7: {  	s23 =	simm.s32 $0x1B8B  }
0xa8: {  	_ =	swait.ge [sflag:s23], $0x1  }
0xa9: {  	[sflag:s23] =	ssyncset.done $0x0  }
0xaa: {  	s25 =	simm.s32 $0x1B8E;
	s24 =	sld [smem:$0x3FFE];
	[sflag:s23] =	ssyncadd.s32 $0xFFFFFFFF  }
0xab: {  	s26 =	simm.s32 $execute0_lowered;
	[smem:$0x3FD2] =	sst s25  }
0xac: {  	s5 =	sshll.u32 s26, $0x1;
	_ =	strace $0x80000046;
	[dreg:$0x1] =	wrdreg $0xFFFFFFFF  }
0xad: {  	s28 =	simm.s32 $_size_execute0_lowered;
	s3 =	sadd.s32 s3, s5;
	[dreg:$0x0] =	wrdreg $0x0  }
0xae: {  	s5 =	sshll.u32 s28, $0x1;
	[dreg:$0x2] =	wrdreg s3  }
0xaf: {  	[dreg:$0x3] =	wrdreg s5  }
0xb0: {  	[dreg:$0x4] =	wrdreg $0xC0  }
0xb1: {  	_ =	task [dreg:s7], $0x5FFFF  }
0xb2: {  	[dreg:$0x1] =	wrdreg $0xFFFFFFFF  }
0xb3: {  	[dreg:$0x0] =	wrdreg $0x60  }
0xb4: {  	[dreg:$0x2] =	wrdreg s16  }
0xb5: {  	[dreg:$0x3] =	wrdreg s24  }
0xb6: {  	[dreg:$0x4] =	wrdreg $0x0  }
0xb7: {  	[dreg:$0x5] =	wrdreg $0x9  }
0xb8: {  	_ =	task.clear_ibuf [dreg:s7], $0x6FFFF;
	_ =	strace $0x90000046  }
0xb9: {  	s29 =	simm.s32 $0x9;
	_ =	strace $0x80000048  }
0xba: {  	_ =	swait.ge [sflag:s29], $0x1  }
0xbb: {  	[sflag:s29] =	ssyncadd.s32 $0xFFFFFFFF  }
0xbc: {  	_ =	strace $0x90000048  }
0xbd: {  	_ =	sfence  }
0xbe: {  	s30 =	sld [smem:$0x0];
	_ =	sdelay $0x2  }
0xbf: {  	s31 =	sshll.u32 s1, $0xD;
	s1 =	sshrl.u32 s1, $0x2  }
0xc0: {  	s3 =	sand.u32 $0x4000, s31;
	s1 =	sadd.s32 s1, s30  }
0xc1: {  	s0 =	sor.u32 s3, s0;
	s1 =	sshll.u32 s1, $0x11  }
0xc2: {  	s0 =	sor.u32 s1, s0  }
0xc3: {  	s0 =	sadd.s32 $0x8F2B, s0  }
0xc4: {  	[sflag:s0] =	ssyncadd.remote.s32 $0x1  }
0xc5: {  	_ =	sfence.sel $0xFFFF  }
0xc6: {  	[dreg:$0x0] =	wrdreg $0xFFFFFFFF;
	(pc) =	sbr.abs _section_cstart, $3  }
0xc7: {  	[dreg:$0x1] =	wrdreg $0xFFFFFFFF  }
0xc8: {  	_ =	task.clear_ibuf [dreg:s7], $0x2FFFF;
	_ =	strace $0x9FFFFFFF  }
0xc9: {  	(tm) =	ssettm $0x7FFFFFFF  }
tec
execute0_lowered:
.L_overlay_start_1:
0x0: {  	(tag) =	ssettag $0x1  }
0x1: {  	s0 =	rddreg [dreg:$0x0]  }
0x2: {  	s1 =	rddreg [dreg:$0x1]  }
0x3: {  	s2 =	rddreg [dreg:$0x2];
	s3 =	simm.s32 $0x0;
	s11 =	stileid.u32  }
0x4: {  	s4 =	srdreg.scid;
	s15 =	simm.s32 $0x40;
	s16 =	smul.u32 $0x9C4, s11  }
0x5: {  	s28 =	simm.s32 $0x12660;
	s30 =	simm.s32 $0x13A60;
	s5 =	smul.u32 $0x13880, s11  }
0x6: {  	s31 =	simm.s32 $0x3;
	s29 =	simm.s32 $0x18A60;
	s7 =	smul.u32 $0x271, s11  }
0x7: {  	[smem:$0x7FF] =	sst s3;
	s6 =	sand.u32 $0x1, s4;
	s9 =	smul.u32 $0x27100, s11  }
0x8: {  	s4 =	sadd.s32 $0x15E00, s1;
	s20 =	smul.u32 $0x271000, s11;
	_ =	strace $0x80000047  }
0x9: {  	s17 =	ssub.s32 $0x2, s6;
	s6 =	sshll.u32 s6, $0x6;
	s3 =	sadd.s32 s16, s1  }
0xa: {  	s8 =	sshrl.u32 s17, $0x1;
	s5 =	sor.u32 s6, s5;
	s7 =	sadd.s32 $0x190, s7  }
0xb: {  	s19 =	sshrl.u32 s9, $0x2;
	s23 =	sor.u32 s6, s20;
	s16 =	simm.s32 $0x80  }
0xc: {  	s20 =	simm.s32 $0x9C40;
	s5 =	sshrl.u32 s5, $0x3;
	s10 =	sshll.u32 s7, $0x7  }
0xd: {  	s1 =	ssub.s32 s17, s8;
	s8 =	sadd.s32 s19, s2;
	s21 =	sshll.u32 s7, $0x6  }
0xe: {  	s22 =	sadd.s32 $0x2200, s3;
	s24 =	sadd.s32 $0xC800, s23;
	s25 =	sadd.s32 $0x25800, s23  }
0xf: {  	s26 =	sshrl.u32 s23, $0x3;
	s14 =	sadd.s32 $0x19000, s23;
	s17 =	simm.s32 $0xEA60  }
0x10: {  	s19 =	simm.s32 $0x14E60;
	s23 =	simm.s32 $0xFE60;
	[dreg:$0x5] =	wrdreg s8  }
0x11: {  	s5 =	sadd.s32 s0, s5;
	s18 =	sor.u32 s6, s10;
	[dreg:$0x8] =	wrdreg s22  }
0x12: {  	s1 =	smax.u32 s1, $0x1;
	s3 =	sshrl.u32 s25, $0x3;
	s25 =	simm.s32 $0x11260  }
0x13: {  	s22 =	simm.s32 $0x4;
	[dreg:$0x4] =	wrdreg s5;
	s5 =	sshrl.u32 s18, $0x3  }
0x14: {  	[dreg:$0x9] =	wrdreg s1;
	s1 =	sshrl.u32 s24, $0x3;
	s9 =	sadd.s32 s3, s4  }
0x15: {  	s18 =	simm.s32 $0x5;
	s3 =	simm.s32 $0x16260;
	s24 =	simm.s32 $0x17660  }
0x16: {  	s0 =	sadd.s32 s0, s5;
	s5 =	sadd.s32 s4, s26;
	s12 =	sadd.s32 s4, s1  }
0x17: {  	s1 =	simm.s32 $0x19E60;
	s26 =	simm.s32 $0x1;
	[dreg:$0x6] =	wrdreg s0  }
0x18: {  	s0 =	sadd.s32 s21, s2;
	[dreg:$0xa] =	wrdreg s5;
	s21 =	simm.s32 $0x50  }
0x19: {  	s5 =	simm.s32 $0x0;
	[dreg:$0x7] =	wrdreg s0;
	s0 =	simm.s32 $0x2  }
.LBB2_1:
0x1a: {  	s6 =	rddreg [dreg:$0x4]  }
0x1b: {  	[tilespmem:s17], [sflag:$0x5] =	stream.strided.gather [hbm4b:s6+s15], $0x6400, s16, s15, $0x38;
	[tilespmem:$0x1B260] =	vst v63  }
0x1c: {  	_ =	swait.ge [sflag:s18], $0x6400  }
0x1d: {  	[sflag:s18] =	ssyncset.done $0x0  }
0x1e: {  	s7 =	rddreg [dreg:$0x5];
	[sflag:s18] =	ssyncadd.s32 $0xFFFF9C00  }
0x1f: {  	[spmem:s7] =	stream.linear.scatter [tilespmem:s17], [sflag:$0x5], $0x6400, $0x38;
	[tilespmem:$0x1B260] =	vst v63  }
0x20: {  	_ =	swait.ge [sflag:s18], $0x6400  }
0x21: {  	[sflag:s18] =	ssyncset.done $0x0  }
0x22: {  	s8 =	rddreg [dreg:$0x6];
	[sflag:s18] =	ssyncadd.s32 $0xFFFF9C00  }
0x23: {  	[tilespmem:s19], [sflag:$0x5] =	stream.strided.gather [hbm4b:s8+s15], $0x3840, s16, s15, $0x38;
	[tilespmem:$0x1B260] =	vst v63  }
0x24: {  	_ =	swait.ge [sflag:s18], $0x3840  }
0x25: {  	[sflag:s18] =	ssyncset.done $0x0  }
0x26: {  	s10 =	rddreg [dreg:$0x7];
	[sflag:s18] =	ssyncadd.s32 $0xFFFFC7C0  }
0x27: {  	[spmem:s10] =	stream.linear.scatter [tilespmem:s19], [sflag:$0x5], $0x3840, $0x38;
	[tilespmem:$0x1B260] =	vst v63  }
0x28: {  	_ =	swait.ge [sflag:s18], $0x3840  }
0x29: {  	[sflag:s18] =	ssyncset.done $0x0  }
0x2a: {  	[sflag:s18] =	ssyncadd.s32 $0xFFFFC7C0  }
0x2b: {  	[bflag:$0x0] =	sbarrier.arrive $0xFFFF  }
0x2c: {  	s11 =	simm.s32 $0x0;
	s7 =	rddreg [dreg:$0x8]  }
0x2d: {  	[tilespmem:s20], [sflag:$0x5] =	stream.linear.gather [hbm4b:s7+s11], $0x4E20, $0x38;
	[tilespmem:$0x1B260] =	vst v63  }
0x2e: {  	_ =	swait.ge [sflag:s18], $0x4E20  }
0x2f: {  	[sflag:s18] =	ssyncset.done $0x0  }
0x30: {  	[sflag:s18] =	ssyncadd.s32 $0xFFFFB1E0  }
0x31: {  	[tilespmem:s17], [sflag:$0x3] =	stream.indirect.gather [spmem:s2], $0x40, s20, s21, $0xb8;
	[tilespmem:$0x1B260] =	vst v63  }
0x32: {  	s13 =	simm.s32 $0x9C90  }
0x33: {  	[tilespmem:s23], [sflag:$0x3] =	stream.indirect.gather [spmem:s2], $0x40, s13, s21, $0xb8;
	[tilespmem:$0x1B260] =	vst v63  }
0x34: {  	s7 =	simm.s32 $0x9CE0  }
0x35: {  	[tilespmem:s25], [sflag:$0x3] =	stream.indirect.gather [spmem:s2], $0x40, s7, s21, $0xb8;
	[tilespmem:$0x1B260] =	vst v63  }
0x36: {  	s8 =	simm.s32 $0x9D30  }
0x37: {  	[tilespmem:s28], [sflag:$0x3] =	stream.indirect.gather [spmem:s2], $0x40, s8, s21, $0xb8;
	[tilespmem:$0x1B260] =	vst v63  }
0x38: {  	s10 =	simm.s32 $0x9D80  }
0x39: {  	[tilespmem:s30], [sflag:$0x3] =	stream.indirect.gather [spmem:s2], $0x40, s10, s21, $0xb8;
	[tilespmem:$0x1B260] =	vst v63  }
0x3a: {  	_ =	swait.ge [sflag:s31], $0x6400  }
0x3b: {  	[sflag:s31] =	ssyncset.done $0x0  }
0x3c: {  	s11 =	rddreg [dreg:$0xa];
	[sflag:s31] =	ssyncadd.s32 $0xFFFF9C00  }
0x3d: {  	[hbm4b:s11+s15] =	stream.strided.scatter [tilespmem:s17], [sflag:$0x1], $0x6400, s16, s15, $0x38;
	[tilespmem:$0x1B260] =	vst v63  }
0x3e: {  	s13 =	simm.s32 $0x9DD0  }
0x3f: {  	[tilespmem:s19], [sflag:$0x4] =	stream.indirect.gather [spmem:s2], $0x40, s13, s21, $0xb8;
	[tilespmem:$0x1B260] =	vst v63  }
0x40: {  	s7 =	simm.s32 $0x9E20  }
0x41: {  	[tilespmem:s3], [sflag:$0x4] =	stream.indirect.gather [spmem:s2], $0x40, s7, s21, $0xb8;
	[tilespmem:$0x1B260] =	vst v63  }
0x42: {  	s8 =	simm.s32 $0x9E70  }
0x43: {  	[tilespmem:s24], [sflag:$0x4] =	stream.indirect.gather [spmem:s2], $0x40, s8, s21, $0xb8;
	[tilespmem:$0x1B260] =	vst v63  }
0x44: {  	s10 =	simm.s32 $0x9EC0  }
0x45: {  	[tilespmem:s29], [sflag:$0x4] =	stream.indirect.gather [spmem:s2], $0x40, s10, s21, $0xb8;
	[tilespmem:$0x1B260] =	vst v63  }
0x46: {  	s11 =	simm.s32 $0x9F10  }
0x47: {  	[tilespmem:s1], [sflag:$0x4] =	stream.indirect.gather [spmem:s2], $0x40, s11, s21, $0xb8;
	[tilespmem:$0x1B260] =	vst v63  }
0x48: {  	_ =	swait.ge [sflag:s22], $0x6400  }
0x49: {  	[sflag:s22] =	ssyncset.done $0x0  }
0x4a: {  	[sflag:s22] =	ssyncadd.s32 $0xFFFF9C00  }
0x4b: {  	[hbm4b:s12+s15] =	stream.strided.scatter [tilespmem:s19], [sflag:$0x2], $0x6400, s16, s15, $0x38;
	[tilespmem:$0x1B260] =	vst v63  }
0x4c: {  	_ =	swait.ge [sflag:s26], $0x6400  }
0x4d: {  	[sflag:s26] =	ssyncset.done $0x0  }
0x4e: {  	s13 =	simm.s32 $0x9F60;
	[sflag:s26] =	ssyncadd.s32 $0xFFFF9C00  }
0x4f: {  	[tilespmem:s17], [sflag:$0x3] =	stream.indirect.gather [spmem:s2], $0x40, s13, s21, $0xb8;
	[tilespmem:$0x1B260] =	vst v63  }
0x50: {  	s7 =	simm.s32 $0x9FB0  }
0x51: {  	[tilespmem:s23], [sflag:$0x3] =	stream.indirect.gather [spmem:s2], $0x40, s7, s21, $0xb8;
	[tilespmem:$0x1B260] =	vst v63  }
0x52: {  	s8 =	simm.s32 $0xA000  }
0x53: {  	[tilespmem:s25], [sflag:$0x3] =	stream.indirect.gather [spmem:s2], $0x40, s8, s21, $0xb8;
	[tilespmem:$0x1B260] =	vst v63  }
0x54: {  	s10 =	simm.s32 $0xA050  }
0x55: {  	[tilespmem:s28], [sflag:$0x3] =	stream.indirect.gather [spmem:s2], $0x40, s10, s21, $0xb8;
	[tilespmem:$0x1B260] =	vst v63  }
0x56: {  	s11 =	simm.s32 $0xA0A0  }
0x57: {  	[tilespmem:s30], [sflag:$0x3] =	stream.indirect.gather [spmem:s2], $0x40, s11, s21, $0xb8;
	[tilespmem:$0x1B260] =	vst v63  }
0x58: {  	_ =	swait.ge [sflag:s31], $0x6400  }
0x59: {  	s13 =	sshrl.u32 s14, $0x3;
	[sflag:s31] =	ssyncset.done $0x0  }
0x5a: {  	s6 =	sadd.s32 s4, s13;
	[sflag:s31] =	ssyncadd.s32 $0xFFFF9C00  }
0x5b: {  	[hbm4b:s6+s15] =	stream.strided.scatter [tilespmem:s17], [sflag:$0x1], $0x6400, s16, s15, $0x38;
	[tilespmem:$0x1B260] =	vst v63  }
0x5c: {  	_ =	swait.ge [sflag:s0], $0x6400  }
0x5d: {  	[sflag:s0] =	ssyncset.done $0x0  }
0x5e: {  	s7 =	simm.s32 $0xA0F0;
	[sflag:s0] =	ssyncadd.s32 $0xFFFF9C00  }
0x5f: {  	[tilespmem:s19], [sflag:$0x4] =	stream.indirect.gather [spmem:s2], $0x40, s7, s21, $0xb8;
	[tilespmem:$0x1B260] =	vst v63  }
0x60: {  	s8 =	simm.s32 $0xA140  }
0x61: {  	[tilespmem:s3], [sflag:$0x4] =	stream.indirect.gather [spmem:s2], $0x40, s8, s21, $0xb8;
	[tilespmem:$0x1B260] =	vst v63  }
0x62: {  	s10 =	simm.s32 $0xA190  }
0x63: {  	[tilespmem:s24], [sflag:$0x4] =	stream.indirect.gather [spmem:s2], $0x40, s10, s21, $0xb8;
	[tilespmem:$0x1B260] =	vst v63  }
0x64: {  	s11 =	simm.s32 $0xA1E0  }
0x65: {  	[tilespmem:s29], [sflag:$0x4] =	stream.indirect.gather [spmem:s2], $0x40, s11, s21, $0xb8;
	[tilespmem:$0x1B260] =	vst v63  }
0x66: {  	s13 =	simm.s32 $0xA230  }
0x67: {  	[tilespmem:s1], [sflag:$0x4] =	stream.indirect.gather [spmem:s2], $0x40, s13, s21, $0xb8;
	[tilespmem:$0x1B260] =	vst v63  }
0x68: {  	_ =	swait.ge [sflag:s22], $0x6400  }
0x69: {  	s6 =	simm.s32 $0xC80;
	s7 =	sadd.s32 $0x3200, s9;
	[sflag:s22] =	ssyncset.done $0x0  }
0x6a: {  	s8 =	sadd.s32 $0x19000, s14;
	s13 =	smov.u32 s9;
	[sflag:s22] =	ssyncadd.s32 $0xFFFF9C00  }
.LBB2_2:
0x6b: {  	[hbm4b:s13+s15] =	stream.strided.scatter [tilespmem:s19], [sflag:$0x2], $0x6400, s16, s15, $0x38;
	[tilespmem:$0x1B260] =	vst v63  }
0x6c: {  	s10 =	smov.u32 s6;
	s13 =	smov.u32 s7  }
0x6d: {  	p0 =	sne.s32 s6, $0x11F80;
	s6 =	sadd.s32 $0xC80, s6;
	_ =	swait.ge [sflag:s26], $0x6400  }
0x6e: {  	s10 =	sshra.s32 s10, $0x2;
	[sflag:s26] =	ssyncset.done $0x0  }
0x6f: {  	s11 =	sadd.s32 $0x9F60, s10;
	[sflag:s26] =	ssyncadd.s32 $0xFFFF9C00  }
0x70: {  	[tilespmem:s17], [sflag:$0x3] =	stream.indirect.gather [spmem:s2], $0x40, s11, s21, $0xb8;
	[tilespmem:$0x1B260] =	vst v63  }
0x71: {  	s11 =	sadd.s32 $0x9FB0, s10  }
0x72: {  	[tilespmem:s23], [sflag:$0x3] =	stream.indirect.gather [spmem:s2], $0x40, s11, s21, $0xb8;
	[tilespmem:$0x1B260] =	vst v63  }
0x73: {  	s11 =	sadd.s32 $0xA000, s10  }
0x74: {  	[tilespmem:s25], [sflag:$0x3] =	stream.indirect.gather [spmem:s2], $0x40, s11, s21, $0xb8;
	[tilespmem:$0x1B260] =	vst v63  }
0x75: {  	s11 =	sadd.s32 $0xA050, s10  }
0x76: {  	[tilespmem:s28], [sflag:$0x3] =	stream.indirect.gather [spmem:s2], $0x40, s11, s21, $0xb8;
	[tilespmem:$0x1B260] =	vst v63  }
0x77: {  	s11 =	sadd.s32 $0xA0A0, s10  }
0x78: {  	[tilespmem:s30], [sflag:$0x3] =	stream.indirect.gather [spmem:s2], $0x40, s11, s21, $0xb8;
	[tilespmem:$0x1B260] =	vst v63  }
0x79: {  	_ =	swait.ge [sflag:s31], $0x6400  }
0x7a: {  	s11 =	sshrl.u32 s8, $0x3;
	[sflag:s31] =	ssyncset.done $0x0  }
0x7b: {  	s11 =	sadd.s32 s4, s11;
	[sflag:s31] =	ssyncadd.s32 $0xFFFF9C00  }
0x7c: {  	[hbm4b:s11+s15] =	stream.strided.scatter [tilespmem:s17], [sflag:$0x1], $0x6400, s16, s15, $0x38;
	[tilespmem:$0x1B260] =	vst v63  }
0x7d: {  	_ =	swait.ge [sflag:s0], $0x6400  }
0x7e: {  	[sflag:s0] =	ssyncset.done $0x0  }
0x7f: {  	s11 =	sadd.s32 $0xA0F0, s10;
	[sflag:s0] =	ssyncadd.s32 $0xFFFF9C00  }
0x80: {  	[tilespmem:s19], [sflag:$0x4] =	stream.indirect.gather [spmem:s2], $0x40, s11, s21, $0xb8;
	[tilespmem:$0x1B260] =	vst v63  }
0x81: {  	s11 =	sadd.s32 $0xA140, s10  }
0x82: {  	[tilespmem:s3], [sflag:$0x4] =	stream.indirect.gather [spmem:s2], $0x40, s11, s21, $0xb8;
	[tilespmem:$0x1B260] =	vst v63  }
0x83: {  	s11 =	sadd.s32 $0xA190, s10  }
0x84: {  	[tilespmem:s24], [sflag:$0x4] =	stream.indirect.gather [spmem:s2], $0x40, s11, s21, $0xb8;
	[tilespmem:$0x1B260] =	vst v63  }
0x85: {  	s11 =	sadd.s32 $0xA1E0, s10  }
0x86: {  	[tilespmem:s29], [sflag:$0x4] =	stream.indirect.gather [spmem:s2], $0x40, s11, s21, $0xb8;
	[tilespmem:$0x1B260] =	vst v63  }
.Ltmp0:
0x87: {  	s10 =	sadd.s32 $0xA230, s10;
	(pc) =	sbr.rel @p0 .LBB2_2-.Ltmp0, $4  }
0x88: {  	[tilespmem:s1], [sflag:$0x4] =	stream.indirect.gather [spmem:s2], $0x40, s10, s21, $0xb8;
	[tilespmem:$0x1B260] =	vst v63  }
0x89: {  	_ =	swait.ge [sflag:s22], $0x6400  }
0x8a: {  	[sflag:s22] =	ssyncset.done $0x0  }
0x8b: {  	s7 =	sadd.s32 $0x3200, s7;
	s8 =	sadd.s32 $0x19000, s8;
	[sflag:s22] =	ssyncadd.s32 $0xFFFF9C00  }
0x8c: {  	[hbm4b:s13+s15] =	stream.strided.scatter [tilespmem:s19], [sflag:$0x2], $0x6400, s16, s15, $0x38;
	[tilespmem:$0x1B260] =	vst v63  }
0x8d: {  	_ =	swait.ge [sflag:s26], $0x6400  }
0x8e: {  	[sflag:s26] =	ssyncset.done $0x0  }
0x8f: {  	[sflag:s26] =	ssyncadd.s32 $0xFFFF9C00  }
0x90: {  	_ =	swait.ge [sflag:s0], $0x6400  }
0x91: {  	s5 =	sadd.s32 $0x1, s5;
	s6 =	rddreg [dreg:$0x9]  }
0x92: {  	p0 =	sne.s32 s5, s6  }
.Ltmp1:
0x93: {  	_ = 	snop;
	(pc) =	sbr.rel @p0 .LBB2_1-.Ltmp1, $3  }
0x94: {  	_ =	sdelay $0x1  }
0x95: {  	[sflag:s0] =	ssyncset.done $0x0  }
0x96: {  	[sflag:s0] =	ssyncadd.s32 $0xFFFF9C00  }
0x97: {  	_ =	sfence.sel $0x180000  }
0x98: {  	[bflag:$0x0] =	sbarrier.arrive $0xFFFF  }
0x99: {  	_ =	strace $0x90000047  }
0x9a: {  	s0 =	stileid.u32;
	[bflag:$0x2] =	sbarrier.arrive $0xFFFF  }
0x9b: {  	p0 =	sne.s32 s0, $0x0;
	s0 =	rddreg [dreg:$0x3]  }
0x9c: {  	s0 =	sadd.s32 @!p0 $0x100000, s0  }
0x9d: {  	[sflag:s0] =	ssyncadd.tile.s32 @!p0 $0x1;
	_ =	shalt  }
.Lfunc_end2:
_tile_overlayer_lowered:
.L_overlay_start_2:
0x9e: {  	(tag) =	ssettag $0x2  }
0x9f: {  	s0 =	rddreg [dreg:$0x0];
	s2 =	stileid.u32  }
0xa0: {  	s1 =	rddreg [dreg:$0x1];
	p0 =	sne.s32 s2, $0x0  }
0xa1: {  	s3 =	rddreg [dreg:$0x2];
	[bflag:$0x3] =	sbarrier.arrive $0xFFFF;
	s2 =	simm.s32 @!p0 $0x1C05  }
0xa2: {  	[timem:s3], [sflag:s2] =	dma.local @!p0 [hbm:s0], s1  }
0xa3: {  	s0 =	simm.s32 @!p0 $0x5  }
0xa4: {  	_ =	swait.ge @!p0 [sflag:s0], s1  }
0xa5: {  	s1 =	ssub.s32 @!p0 $0x0, s1;
	[sflag:s0] =	ssyncset.done @!p0 $0x0  }
0xa6: {  	[sflag:s0] =	ssyncadd.s32 @!p0 s1  }
0xa7: {  	[bflag:$0x3] =	sbarrier.arrive $0xFFFF  }
0xa8: {  	_ =	shalt  }

// kernel: kernel.15.cloned.1.call-start
scs
__scs_entry_jumppad:
0x0: {  	(pc) =	sbr.rel $0x88, $3  }
0x1: {  	(tag) =	ssettag $0x0;
	lr =	simm.s32 $0x1  }
0x2: {  	[smem:$0x3F98] =	sst lr;
	_ =	strace $0xD0000000  }
0x3: {  	_ = 	snop  }
0x4: {  	_ = 	snop  }
0x5: {  	_ = 	snop  }
0x6: {  	_ = 	snop  }
0x7: {  	_ = 	snop  }
__scs_overlays_trampoline_lowered:
0x8: {  	[smem:$0x3FA7] =	sst s0  }
0x9: {  	[smem:$0x3FA8] =	sst s1  }
0xa: {  	[smem:$0x3FA9] =	sst s2  }
0xb: {  	[smem:$0x3FAA] =	sst s3  }
0xc: {  	[smem:$0x3FAB] =	sst s4  }
0xd: {  	[smem:$0x3FAC] =	sst s5  }
0xe: {  	[smem:$0x3FAD] =	sst s6  }
0xf: {  	[smem:$0x3FAE] =	sst s7  }
0x10: {  	[smem:$0x3FAF] =	sst s8  }
0x11: {  	[smem:$0x3FB0] =	sst s9;
	s0 =	simm.s32 @!p0 $0x0  }
0x12: {  	s1 =	sld [smem:$0x3F96];
	s0 =	simm.s32 @p0 $0x1  }
0x13: {  	[smem:$0x3FB1] =	sst s0;
	s0 =	simm.s32 @!p1 $0x0  }
0x14: {  	s2 =	sld [smem:$0x3F95];
	s0 =	simm.s32 @p1 $0x1  }
0x15: {  	[smem:$0x3FB2] =	sst s0;
	s0 =	simm.s32 @!p2 $0x0  }
0x16: {  	s3 =	sld [smem:$0x3FDB];
	s0 =	simm.s32 @p2 $0x1  }
0x17: {  	s4 =	simm.s32 $0x1BF5;
	[smem:$0x3FB4] =	sst s0  }
0x18: {  	s0 =	sld [smem:$0x3F97];
	_ =	swait.ge [sflag:s4], $0x0  }
0x19: {  	s7 =	sld [smem:$0x3F98]  }
0x1a: {  	s8 =	sadd.s32 $0xFFFFE003, lr  }
0x1b: {  	s9 =	sadd.s32 $0xFFFFFEF7, lr;
	s5 =	simm.s32 $0xFFFFFFFF;
	p2 =	slt.u32 s8, $0xFFFFF086  }
0x1c: {  	p1 =	slt.u32 s9, $0xF7A;
	s5 =	simm.s32 @!p2 $0x0  }
0x1d: {  	s5 =	simm.s32 @p1 $0x1;
	p0 =	seq.s32 s7, s2  }
0x1e: {  	s7 =	smul.u32 @!p0 $0xF7A, s2;
	p2 =	seq.s32 @!p0 s5, $0x0  }
0x1f: {  	s9 =	smul.u32 $0xF7A, s1;
	s8 =	simm.s32 @!p0 $0x1BF5;
	p2 =	por !p2, p0  }
0x20: {  	[sflag:s8] =	ssyncset.s32 @!p0 $0xFFFFF086;
	s6 =	sadd.s32 @!p0 s3, s7;
	s7 =	simm.s32 @!p0 $0x108  }
0x21: {  	s3 =	sadd.s32 s3, s9;
	s6 =	sadd.s32 @!p0 $0x88, s6;
	s7 =	simm.s32 @p2 $0x1082  }
0x22: {  	[simem:s7], [sflag:s8] =	dma.local @!p0 [hbm:s6], $0xF7A  }
0x23: {  	s9 =	sor.u32 $0xD0000000, s2;
	s6 =	simm.s32 $0x108;
	_ =	swait.ge @!p0 [sflag:s8], $0x0  }
0x24: {  	s3 =	sadd.s32 $0x88, s3;
	s6 =	simm.s32 @!p1 $0x1082;
	[sflag:s4] =	ssyncset.s32 $0xFFFFF086  }
0x25: {  	[simem:s6], [sflag:s4] =	dma.local [hbm:s3], $0xF7A  }
0x26: {  	[smem:$0x3F98] =	sst s1;
	(tag) =	ssettag s2;
	_ =	strace s9  }
0x27: {  	s1 =	sld [smem:$0x3FA8]  }
0x28: {  	s2 =	sld [smem:$0x3FA9]  }
0x29: {  	s4 =	sld [smem:$0x3FAB]  }
0x2a: {  	p0 =	seq.s32 s5, $0x0;
	s5 =	sld [smem:$0x3FAC]  }
0x2b: {  	s6 =	sld [smem:$0x3FAD]  }
0x2c: {  	s7 =	sld [smem:$0x3FAE]  }
0x2d: {  	s3 =	simm.s32 $0x108;
	s8 =	sld [smem:$0x3FAF]  }
0x2e: {  	s3 =	simm.s32 @!p0 $0x1082;
	s9 =	sld [smem:$0x3FB0]  }
0x2f: {  	lr =	sadd.s32 s0, s3;
	s0 =	sld [smem:$0x3FA7]  }
0x30: {  	s3 =	sld [smem:$0x3FAA]  }
0x31: {  	[smem:$0x3FB3] =	sst s10  }
0x32: {  	s10 =	sld [smem:$0x3FB1];
	_ =	sdelay $0x3  }
0x33: {  	p0 =	seq.s32 s10, $0x1;
	s10 =	sld [smem:$0x3FB3];
	_ =	sdelay $0x3  }
0x34: {  	[smem:$0x3FB3] =	sst s10  }
0x35: {  	s10 =	sld [smem:$0x3FB2];
	_ =	sdelay $0x3  }
0x36: {  	p1 =	seq.s32 s10, $0x1;
	s10 =	sld [smem:$0x3FB3];
	_ =	sdelay $0x3  }
0x37: {  	[smem:$0x3FB3] =	sst s10  }
0x38: {  	s10 =	sld [smem:$0x3FB4]  }
0x39: {  	_ = 	snop;
	(pc) =	sbr.ind lr, $3  }
0x3a: {  	_ = 	snop  }
0x3b: {  	_ = 	snop  }
0x3c: {  	p2 =	seq.s32 s10, $0x1;
	s10 =	sld [smem:$0x3FB3]  }
0x3d: {  	_ =	shalt  }
0x3e: {  	_ =	shalt  }
0x3f: {  	_ =	shalt  }
0x40: {  	_ =	shalt  }
0x41: {  	_ =	shalt  }
0x42: {  	_ =	shalt  }
0x43: {  	_ =	shalt  }
0x44: {  	_ =	shalt  }
0x45: {  	_ =	shalt  }
0x46: {  	_ =	shalt  }
0x47: {  	_ =	shalt  }
0x48: {  	_ =	shalt  }
0x49: {  	_ =	shalt  }
0x4a: {  	_ =	shalt  }
0x4b: {  	_ =	shalt  }
0x4c: {  	_ =	shalt  }
0x4d: {  	_ =	shalt  }
0x4e: {  	_ =	shalt  }
0x4f: {  	_ =	shalt  }
0x50: {  	_ =	shalt  }
0x51: {  	_ =	shalt  }
0x52: {  	_ =	shalt  }
0x53: {  	_ =	shalt  }
0x54: {  	_ =	shalt  }
0x55: {  	_ =	shalt  }
0x56: {  	_ =	shalt  }
0x57: {  	_ =	shalt  }
0x58: {  	_ =	shalt  }
0x59: {  	_ =	shalt  }
0x5a: {  	_ =	shalt  }
0x5b: {  	_ =	shalt  }
0x5c: {  	_ =	shalt  }
0x5d: {  	_ =	shalt  }
0x5e: {  	_ =	shalt  }
0x5f: {  	_ =	shalt  }
0x60: {  	_ =	shalt  }
0x61: {  	_ =	shalt  }
0x62: {  	_ =	shalt  }
0x63: {  	_ =	shalt  }
0x64: {  	_ =	shalt  }
0x65: {  	_ =	shalt  }
0x66: {  	_ =	shalt  }
0x67: {  	_ =	shalt  }
0x68: {  	_ =	shalt  }
0x69: {  	_ =	shalt  }
0x6a: {  	_ =	shalt  }
0x6b: {  	_ =	shalt  }
0x6c: {  	_ =	shalt  }
0x6d: {  	_ =	shalt  }
0x6e: {  	_ =	shalt  }
0x6f: {  	_ =	shalt  }
0x70: {  	_ =	shalt  }
0x71: {  	_ =	shalt  }
0x72: {  	_ =	shalt  }
0x73: {  	_ =	shalt  }
0x74: {  	_ =	shalt  }
0x75: {  	_ =	shalt  }
0x76: {  	_ =	shalt  }
0x77: {  	_ =	shalt  }
0x78: {  	_ =	shalt  }
0x79: {  	_ =	shalt  }
0x7a: {  	_ =	shalt  }
0x7b: {  	_ =	shalt  }
0x7c: {  	_ =	shalt  }
0x7d: {  	_ =	shalt  }
0x7e: {  	_ =	shalt  }
0x7f: {  	_ =	shalt  }
0x80: {  	_ =	shalt  }
0x81: {  	_ =	shalt  }
0x82: {  	_ =	shalt  }
0x83: {  	_ =	shalt  }
0x84: {  	_ =	shalt  }
0x85: {  	_ =	shalt  }
0x86: {  	_ =	shalt  }
0x87: {  	_ =	shalt  }
.Lfunc_end0:
.L_simem_size_0:
called_computation.1_lowered:
.L_overlay_start_0:
0x88: {  	s2 =	sld [smem:$0x3FD9]  }
0x89: {  	s3 =	sld [smem:$0x3FFE];
	_ =	sdelay $0x1  }
0x8a: {  	s1 =	srdreg.scid  }
0x8b: {  	s0 =	sand.u32 $0x1, s1  }
0x8c: {  	s16 =	sshll.u32 s0, $0xA;
	s2 =	sadd.s32 s3, s2  }
0x8d: {  	s2 =	sadd.s32 s2, s16  }
0x8e: {  	[smem:$0x3FBF] =	sst s2  }
0x8f: {  	_ = 	snop  }
0x90: {  	(tm) =	ssettm $0x1  }
0x91: {  	s17 =	sld [smem:$0x3FFB];
	_ =	sdelay $0x3  }
0x92: {  	_ =	strace s17  }
0x93: {  	s2 =	sld [smem:$0x3FFC];
	_ =	sdelay $0x3  }
0x94: {  	_ =	strace s2  }
0x95: {  	s2 =	sld [smem:$0x3FFD];
	_ =	sdelay $0x3  }
0x96: {  	_ =	strace s2  }
0x97: {  	_ =	strace $0x8FFFFFFF  }
0x98: {  	s18 =	sld [smem:$0x3FDB];
	_ =	sdelay $0x1  }
0x99: {  	s19 =	simm.s32 $_scs_section_size  }
0x9a: {  	s4 =	simm.s32 $_size__tile_overlayer_lowered;
	s5 =	simm.s32 $_tile_overlayer_lowered  }
0x9b: {  	s22 =	simm.s32 $0x1BFF;
	s21 =	sshll.u32 s5, $0x1;
	s2 =	sadd.s32 s19, s18  }
0x9c: {  	s6 =	simm.s32 $0x0;
	s20 =	sshll.u32 s4, $0x1;
	s4 =	sadd.s32 s21, s2  }
0x9d: {  	[timem:s6], [sflag:s22] =	dma.local [hbm:s4], s20  }
0x9e: {  	_ =	swait.ge [sflag:s22], s20  }
0x9f: {  	s3 =	ssub.s32 $0x0, s20;
	[sflag:s22] =	ssyncset.done $0x0  }
0xa0: {  	[sflag:s22] =	ssyncadd.s32 s3;
	_ =	sdelay $0x1  }
0xa1: {  	s23 =	simm.s32 $0x1B8B  }
0xa2: {  	_ =	swait.ge [sflag:s23], $0x1  }
0xa3: {  	[sflag:s23] =	ssyncset.done $0x0  }
0xa4: {  	s25 =	simm.s32 $0x1B8E;
	s24 =	sld [smem:$0x3FFE];
	[sflag:s23] =	ssyncadd.s32 $0xFFFFFFFF  }
0xa5: {  	s26 =	simm.s32 $execute0_lowered;
	[smem:$0x3FD2] =	sst s25  }
0xa6: {  	s4 =	sshll.u32 s26, $0x1;
	_ =	strace $0x80000049;
	[dreg:$0x1] =	wrdreg $0xFFFFFFFF  }
0xa7: {  	s28 =	simm.s32 $_size_execute0_lowered;
	s2 =	sadd.s32 s2, s4;
	[dreg:$0x0] =	wrdreg $0x0  }
0xa8: {  	s4 =	sshll.u32 s28, $0x1;
	[dreg:$0x2] =	wrdreg s2  }
0xa9: {  	[dreg:$0x3] =	wrdreg s4  }
0xaa: {  	[dreg:$0x4] =	wrdreg $0xC0  }
0xab: {  	_ =	task [dreg:s6], $0x5FFFF  }
0xac: {  	[dreg:$0x1] =	wrdreg $0xFFFFFFFF  }
0xad: {  	[dreg:$0x0] =	wrdreg $0x60  }
0xae: {  	[dreg:$0x2] =	wrdreg s24  }
0xaf: {  	[dreg:$0x3] =	wrdreg $0x0  }
0xb0: {  	[dreg:$0x4] =	wrdreg $0x9  }
0xb1: {  	_ =	task.clear_ibuf [dreg:s6], $0x5FFFF;
	_ =	strace $0x90000049  }
0xb2: {  	s29 =	simm.s32 $0x9;
	_ =	strace $0x8000004B  }
0xb3: {  	_ =	swait.ge [sflag:s29], $0x1  }
0xb4: {  	[sflag:s29] =	ssyncadd.s32 $0xFFFFFFFF  }
0xb5: {  	_ =	strace $0x9000004B  }
0xb6: {  	_ =	sfence  }
0xb7: {  	s30 =	sld [smem:$0x0];
	_ =	sdelay $0x2  }
0xb8: {  	s31 =	sshll.u32 s1, $0xD;
	s1 =	sshrl.u32 s1, $0x2  }
0xb9: {  	s3 =	sand.u32 $0x4000, s31;
	s1 =	sadd.s32 s1, s30  }
0xba: {  	s0 =	sor.u32 s3, s0;
	s1 =	sshll.u32 s1, $0x11  }
0xbb: {  	s0 =	sor.u32 s1, s0  }
0xbc: {  	s0 =	sadd.s32 $0x8F2B, s0  }
0xbd: {  	[sflag:s0] =	ssyncadd.remote.s32 $0x1  }
0xbe: {  	_ =	sfence.sel $0xFFFF  }
0xbf: {  	[dreg:$0x0] =	wrdreg $0xFFFFFFFF;
	(pc) =	sbr.abs _section_cstart, $3  }
0xc0: {  	[dreg:$0x1] =	wrdreg $0xFFFFFFFF  }
0xc1: {  	_ =	task.clear_ibuf [dreg:s6], $0x2FFFF;
	_ =	strace $0x9FFFFFFF  }
0xc2: {  	(tm) =	ssettm $0x7FFFFFFF  }
0xc3: {  	_ =	shalt  }
tec
execute0_lowered:
.L_overlay_start_1:
0x0: {  	(tag) =	ssettag $0x1  }
0x1: {  	s0 =	rddreg [dreg:$0x0]  }
0x2: {  	s2 =	rddreg [dreg:$0x1]  }
0x3: {  	s1 =	simm.s32 $0x0;
	s5 =	stileid.u32;
	s3 =	srdreg.scid  }
0x4: {  	s28 =	simm.s32 $0x1;
	s29 =	simm.s32 $0x50;
	s31 =	simm.s32 $0xFE60  }
0x5: {  	[smem:$0x7FF] =	sst s1;
	s9 =	smul.u32 $0x9C4, s5;
	s4 =	sadd.s32 $0x9D9E00, s0  }
0x6: {  	s3 =	sand.u32 $0x1, s3;
	s6 =	sadd.s32 $0x15E00, s0;
	s7 =	smul.u32 $0x271000, s5  }
0x7: {  	_ =	strace $0x8000004A;
	[dreg:$0x3] =	wrdreg s6;
	s10 =	ssub.s32 $0x2, s3  }
0x8: {  	s3 =	sshll.u32 s3, $0x6;
	s6 =	simm.s32 $0x0;
	s1 =	sadd.s32 s9, s0  }
0x9: {  	s8 =	sshrl.u32 s10, $0x1;
	s9 =	smul.u32 $0x27100, s5;
	s5 =	sadd.s32 $0x16C00, s0  }
0xa: {  	s12 =	sor.u32 s3, s7;
	s16 =	sor.u32 $0xC800, s3;
	s11 =	ssub.s32 s10, s8  }
0xb: {  	s13 =	sadd.s32 $0xC000, s1;
	s14 =	sshrl.u32 s12, $0x3;
	s17 =	sadd.s32 s16, s7  }
0xc: {  	s7 =	sadd.s32 $0xC800, s7;
	s1 =	sadd.s32 $0x2200, s1;
	s22 =	sadd.s32 $0x25800, s12  }
0xd: {  	s23 =	sadd.s32 $0x32000, s12;
	[dreg:$0x4] =	wrdreg s13;
	s9 =	sshrl.u32 s9, $0x2  }
0xe: {  	s10 =	sadd.s32 s4, s14;
	[dreg:$0x8] =	wrdreg s1;
	s18 =	sshrl.u32 s17, $0x3  }
0xf: {  	s0 =	smax.u32 s11, $0x1;
	s20 =	sadd.s32 s5, s14;
	s21 =	sor.u32 s3, s7  }
0x10: {  	s24 =	sshrl.u32 s22, $0x3;
	s25 =	sshrl.u32 s23, $0x3;
	s22 =	simm.s32 $0x5  }
0x11: {  	s23 =	simm.s32 $0x40;
	s17 =	simm.s32 $0x9C90;
	s1 =	simm.s32 $0x11260  }
0x12: {  	s14 =	simm.s32 $0x16260;
	s3 =	simm.s32 $0x4;
	[dreg:$0x5] =	wrdreg s10  }
0x13: {  	s15 =	sadd.s32 s9, s2;
	s9 =	sadd.s32 s16, s7;
	[dreg:$0x9] =	wrdreg s0  }
0x14: {  	[dreg:$0xc] =	wrdreg s20;
	s30 =	sadd.s32 s24, s4;
	s16 =	sadd.s32 s24, s5  }
0x15: {  	s20 =	sadd.s32 $0x19000, s12;
	s24 =	simm.s32 $0x80;
	s7 =	simm.s32 $0x13A60  }
0x16: {  	s12 =	simm.s32 $0x18A60;
	[dreg:$0x6] =	wrdreg s15;
	s10 =	sadd.s32 $0x6400, s15  }
0x17: {  	s19 =	sshrl.u32 s9, $0x3;
	[dreg:$0xf] =	wrdreg s30;
	s9 =	simm.s32 $0x3  }
0x18: {  	s15 =	simm.s32 $0x17660;
	[dreg:$0x7] =	wrdreg s10;
	s10 =	sadd.s32 s4, s18  }
0x19: {  	s0 =	sadd.s32 s4, s19;
	s18 =	sadd.s32 s25, s4;
	s25 =	simm.s32 $0xEA60  }
0x1a: {  	s4 =	simm.s32 $0x12660;
	[dreg:$0xb] =	wrdreg s0;
	s0 =	sshrl.u32 s21, $0x3  }
0x1b: {  	[dreg:$0xa] =	wrdreg s10;
	s26 =	sadd.s32 $0x4B000, s10;
	s21 =	simm.s32 $0x9C40  }
0x1c: {  	s10 =	simm.s32 $0x2;
	s0 =	sadd.s32 s5, s0;
	[dreg:$0xe] =	wrdreg s26  }
0x1d: {  	s26 =	simm.s32 $0x14E60;
	[dreg:$0xd] =	wrdreg s0;
	s0 =	simm.s32 $0x19E60  }
.LBB2_1:
0x1e: {  	s8 =	simm.s32 $0x0;
	s11 =	rddreg [dreg:$0x4]  }
0x1f: {  	[tilespmem:s21], [sflag:$0x5] =	stream.linear.gather [hbm4b:s11+s8], $0x4E20, $0x38;
	[tilespmem:$0x1B260] =	vst v63  }
0x20: {  	_ =	swait.ge [sflag:s22], $0x4E20  }
0x21: {  	[sflag:s22] =	ssyncset.done $0x0  }
0x22: {  	s19 =	rddreg [dreg:$0x5];
	[sflag:s22] =	ssyncadd.s32 $0xFFFFB1E0  }
0x23: {  	[tilespmem:s25], [sflag:$0x1] =	stream.strided.gather [hbm4b:s19+s23], $0x6400, s24, s23, $0x38;
	[tilespmem:$0x1B260] =	vst v63  }
0x24: {  	s30 =	rddreg [dreg:$0x3]  }
0x25: {  	[tilespmem:s26], [sflag:$0x5] =	stream.linear.gather [hbm4b:s30+s8], $0x6400, $0x38;
	[tilespmem:$0x1B260] =	vst v63  }
0x26: {  	_ =	swait.ge [sflag:s22], $0x6400  }
0x27: {  	[sflag:s22] =	ssyncset.done $0x0  }
0x28: {  	s11 =	rddreg [dreg:$0x6];
	[sflag:s22] =	ssyncadd.s32 $0xFFFF9C00  }
0x29: {  	[spmem:s11] =	stream.linear.scatter [tilespmem:s26], [sflag:$0x5], $0x6400, $0x38;
	[tilespmem:$0x1B260] =	vst v63  }
0x2a: {  	_ =	swait.ge [sflag:s22], $0x6400  }
0x2b: {  	[sflag:s22] =	ssyncset.done $0x0  }
0x2c: {  	s13 =	rddreg [dreg:$0x7];
	[sflag:s22] =	ssyncadd.s32 $0xFFFF9C00  }
0x2d: {  	[spmem:s13] =	stream.linear.scatter [tilespmem:s26], [sflag:$0x5], $0x3840, $0x38;
	[tilespmem:$0x1B260] =	vst v63  }
0x2e: {  	_ =	swait.ge [sflag:s22], $0x3840  }
0x2f: {  	[sflag:s22] =	ssyncset.done $0x0  }
0x30: {  	[sflag:s22] =	ssyncadd.s32 $0xFFFFC7C0  }
0x31: {  	[bflag:$0x0] =	sbarrier.arrive $0xFFFF  }
0x32: {  	s19 =	rddreg [dreg:$0xa]  }
0x33: {  	[tilespmem:s26], [sflag:$0x2] =	stream.strided.gather [hbm4b:s19+s23], $0x6400, s24, s23, $0x38;
	[tilespmem:$0x1B260] =	vst v63  }
0x34: {  	_ =	swait.ge [sflag:s28], $0x6400  }
0x35: {  	[sflag:s28] =	ssyncset.done $0x0  }
0x36: {  	[sflag:s28] =	ssyncadd.s32 $0xFFFF9C00  }
0x37: {  	[spmem:s2] =	stream.indirect.scatter.add.f32 [tilespmem:s25], [sflag:$0x3], $0x40, s21, s29, $0xb8;
	[tilespmem:$0x1B260] =	vst v63  }
0x38: {  	_ = 	snop  }
0x39: {  	[spmem:s2] =	stream.indirect.scatter.add.f32 [tilespmem:s31], [sflag:$0x3], $0x40, s17, s29, $0xb8;
	[tilespmem:$0x1B260] =	vst v63  }
0x3a: {  	s30 =	simm.s32 $0x9CE0  }
0x3b: {  	[spmem:s2] =	stream.indirect.scatter.add.f32 [tilespmem:s1], [sflag:$0x3], $0x40, s30, s29, $0xb8;
	[tilespmem:$0x1B260] =	vst v63  }
0x3c: {  	s11 =	simm.s32 $0x9D30  }
0x3d: {  	[spmem:s2] =	stream.indirect.scatter.add.f32 [tilespmem:s4], [sflag:$0x3], $0x40, s11, s29, $0xb8;
	[tilespmem:$0x1B260] =	vst v63  }
0x3e: {  	s13 =	simm.s32 $0x9D80  }
0x3f: {  	[spmem:s2] =	stream.indirect.scatter.add.f32 [tilespmem:s7], [sflag:$0x3], $0x40, s13, s29, $0xb8;
	[tilespmem:$0x1B260] =	vst v63  }
0x40: {  	_ =	swait.ge [sflag:s9], $0x6400  }
0x41: {  	[sflag:s9] =	ssyncset.done $0x0  }
0x42: {  	s19 =	rddreg [dreg:$0xb];
	[sflag:s9] =	ssyncadd.s32 $0xFFFF9C00  }
0x43: {  	[tilespmem:s25], [sflag:$0x1] =	stream.strided.gather [hbm4b:s19+s23], $0x6400, s24, s23, $0x38;
	[tilespmem:$0x1B260] =	vst v63  }
0x44: {  	_ =	swait.ge [sflag:s10], $0x6400  }
0x45: {  	[sflag:s10] =	ssyncset.done $0x0  }
0x46: {  	s30 =	simm.s32 $0x9DD0;
	[sflag:s10] =	ssyncadd.s32 $0xFFFF9C00  }
0x47: {  	[spmem:s2] =	stream.indirect.scatter.add.f32 [tilespmem:s26], [sflag:$0x4], $0x40, s30, s29, $0xb8;
	[tilespmem:$0x1B260] =	vst v63  }
0x48: {  	s11 =	simm.s32 $0x9E20  }
0x49: {  	[spmem:s2] =	stream.indirect.scatter.add.f32 [tilespmem:s14], [sflag:$0x4], $0x40, s11, s29, $0xb8;
	[tilespmem:$0x1B260] =	vst v63  }
0x4a: {  	s13 =	simm.s32 $0x9E70  }
0x4b: {  	[spmem:s2] =	stream.indirect.scatter.add.f32 [tilespmem:s15], [sflag:$0x4], $0x40, s13, s29, $0xb8;
	[tilespmem:$0x1B260] =	vst v63  }
0x4c: {  	s19 =	simm.s32 $0x9EC0  }
0x4d: {  	[spmem:s2] =	stream.indirect.scatter.add.f32 [tilespmem:s12], [sflag:$0x4], $0x40, s19, s29, $0xb8;
	[tilespmem:$0x1B260] =	vst v63  }
0x4e: {  	s30 =	simm.s32 $0x9F10  }
0x4f: {  	[spmem:s2] =	stream.indirect.scatter.add.f32 [tilespmem:s0], [sflag:$0x4], $0x40, s30, s29, $0xb8;
	[tilespmem:$0x1B260] =	vst v63  }
0x50: {  	_ =	swait.ge [sflag:s3], $0x6400  }
0x51: {  	[sflag:s3] =	ssyncset.done $0x0  }
0x52: {  	s13 =	rddreg [dreg:$0xf];
	[sflag:s3] =	ssyncadd.s32 $0xFFFF9C00  }
0x53: {  	[tilespmem:s26], [sflag:$0x2] =	stream.strided.gather [hbm4b:s13+s23], $0x6400, s24, s23, $0x38;
	[tilespmem:$0x1B260] =	vst v63  }
0x54: {  	_ =	swait.ge [sflag:s28], $0x6400  }
0x55: {  	[sflag:s28] =	ssyncset.done $0x0  }
0x56: {  	s11 =	simm.s32 $0x9F60;
	[sflag:s28] =	ssyncadd.s32 $0xFFFF9C00  }
0x57: {  	[spmem:s2] =	stream.indirect.scatter.add.f32 [tilespmem:s25], [sflag:$0x3], $0x40, s11, s29, $0xb8;
	[tilespmem:$0x1B260] =	vst v63  }
0x58: {  	s19 =	simm.s32 $0x9FB0  }
0x59: {  	[spmem:s2] =	stream.indirect.scatter.add.f32 [tilespmem:s31], [sflag:$0x3], $0x40, s19, s29, $0xb8;
	[tilespmem:$0x1B260] =	vst v63  }
0x5a: {  	s30 =	simm.s32 $0xA000  }
0x5b: {  	[spmem:s2] =	stream.indirect.scatter.add.f32 [tilespmem:s1], [sflag:$0x3], $0x40, s30, s29, $0xb8;
	[tilespmem:$0x1B260] =	vst v63  }
0x5c: {  	s11 =	simm.s32 $0xA050  }
0x5d: {  	[spmem:s2] =	stream.indirect.scatter.add.f32 [tilespmem:s4], [sflag:$0x3], $0x40, s11, s29, $0xb8;
	[tilespmem:$0x1B260] =	vst v63  }
0x5e: {  	s19 =	simm.s32 $0xA0A0  }
0x5f: {  	[spmem:s2] =	stream.indirect.scatter.add.f32 [tilespmem:s7], [sflag:$0x3], $0x40, s19, s29, $0xb8;
	[tilespmem:$0x1B260] =	vst v63  }
0x60: {  	_ =	swait.ge [sflag:s9], $0x6400  }
0x61: {  	[sflag:s9] =	ssyncset.done $0x0  }
0x62: {  	[sflag:s9] =	ssyncadd.s32 $0xFFFF9C00  }
0x63: {  	[tilespmem:s25], [sflag:$0x1] =	stream.strided.gather [hbm4b:s18+s23], $0x6400, s24, s23, $0x38;
	[tilespmem:$0x1B260] =	vst v63  }
0x64: {  	_ =	swait.ge [sflag:s10], $0x6400  }
0x65: {  	[sflag:s10] =	ssyncset.done $0x0  }
0x66: {  	s30 =	simm.s32 $0xA0F0;
	[sflag:s10] =	ssyncadd.s32 $0xFFFF9C00  }
0x67: {  	[spmem:s2] =	stream.indirect.scatter.add.f32 [tilespmem:s26], [sflag:$0x4], $0x40, s30, s29, $0xb8;
	[tilespmem:$0x1B260] =	vst v63  }
0x68: {  	s11 =	simm.s32 $0xA140  }
0x69: {  	[spmem:s2] =	stream.indirect.scatter.add.f32 [tilespmem:s14], [sflag:$0x4], $0x40, s11, s29, $0xb8;
	[tilespmem:$0x1B260] =	vst v63  }
0x6a: {  	s8 =	sadd.s32 $0x3200, s13;
	s13 =	sadd.s32 $0x3200, s18;
	s19 =	simm.s32 $0xA190  }
0x6b: {  	[spmem:s2] =	stream.indirect.scatter.add.f32 [tilespmem:s15], [sflag:$0x4], $0x40, s19, s29, $0xb8;
	[tilespmem:$0x1B260] =	vst v63  }
0x6c: {  	s30 =	simm.s32 $0xA1E0;
	s11 =	simm.s32 $0xC80;
	s19 =	simm.s32 $0xA230  }
0x6d: {  	[spmem:s2] =	stream.indirect.scatter.add.f32 [tilespmem:s12], [sflag:$0x4], $0x40, s30, s29, $0xb8;
	[tilespmem:$0x1B260] =	vst v63  }
.LBB2_2:
0x6e: {  	[spmem:s2] =	stream.indirect.scatter.add.f32 [tilespmem:s0], [sflag:$0x4], $0x40, s19, s29, $0xb8;
	[tilespmem:$0x1B260] =	vst v63  }
0x6f: {  	s19 =	smov.u32 s11;
	s11 =	sadd.s32 $0xC80, s11;
	_ =	swait.ge [sflag:s3], $0x6400  }
0x70: {  	p0 =	sne.s32 s11, $0x11F80;
	[sflag:s3] =	ssyncset.done $0x0  }
0x71: {  	[sflag:s3] =	ssyncadd.s32 $0xFFFF9C00  }
0x72: {  	[tilespmem:s26], [sflag:$0x2] =	stream.strided.gather [hbm4b:s8+s23], $0x6400, s24, s23, $0x38;
	[tilespmem:$0x1B260] =	vst v63  }
0x73: {  	_ =	swait.ge [sflag:s28], $0x6400  }
0x74: {  	s19 =	sshra.s32 s19, $0x2;
	[sflag:s28] =	ssyncset.done $0x0  }
0x75: {  	s30 =	sadd.s32 $0x9F60, s19;
	[sflag:s28] =	ssyncadd.s32 $0xFFFF9C00  }
0x76: {  	[spmem:s2] =	stream.indirect.scatter.add.f32 [tilespmem:s25], [sflag:$0x3], $0x40, s30, s29, $0xb8;
	[tilespmem:$0x1B260] =	vst v63  }
0x77: {  	s30 =	sadd.s32 $0x9FB0, s19  }
0x78: {  	[spmem:s2] =	stream.indirect.scatter.add.f32 [tilespmem:s31], [sflag:$0x3], $0x40, s30, s29, $0xb8;
	[tilespmem:$0x1B260] =	vst v63  }
0x79: {  	s30 =	sadd.s32 $0xA000, s19  }
0x7a: {  	[spmem:s2] =	stream.indirect.scatter.add.f32 [tilespmem:s1], [sflag:$0x3], $0x40, s30, s29, $0xb8;
	[tilespmem:$0x1B260] =	vst v63  }
0x7b: {  	s30 =	sadd.s32 $0xA050, s19  }
0x7c: {  	[spmem:s2] =	stream.indirect.scatter.add.f32 [tilespmem:s4], [sflag:$0x3], $0x40, s30, s29, $0xb8;
	[tilespmem:$0x1B260] =	vst v63  }
0x7d: {  	s30 =	sadd.s32 $0xA0A0, s19  }
0x7e: {  	[spmem:s2] =	stream.indirect.scatter.add.f32 [tilespmem:s7], [sflag:$0x3], $0x40, s30, s29, $0xb8;
	[tilespmem:$0x1B260] =	vst v63  }
0x7f: {  	_ =	swait.ge [sflag:s9], $0x6400  }
0x80: {  	[sflag:s9] =	ssyncset.done $0x0  }
0x81: {  	[sflag:s9] =	ssyncadd.s32 $0xFFFF9C00  }
0x82: {  	[tilespmem:s25], [sflag:$0x1] =	stream.strided.gather [hbm4b:s13+s23], $0x6400, s24, s23, $0x38;
	[tilespmem:$0x1B260] =	vst v63  }
0x83: {  	_ =	swait.ge [sflag:s10], $0x6400  }
0x84: {  	[sflag:s10] =	ssyncset.done $0x0  }
0x85: {  	s30 =	sadd.s32 $0xA0F0, s19;
	[sflag:s10] =	ssyncadd.s32 $0xFFFF9C00  }
0x86: {  	[spmem:s2] =	stream.indirect.scatter.add.f32 [tilespmem:s26], [sflag:$0x4], $0x40, s30, s29, $0xb8;
	[tilespmem:$0x1B260] =	vst v63  }
0x87: {  	s30 =	sadd.s32 $0xA140, s19  }
0x88: {  	[spmem:s2] =	stream.indirect.scatter.add.f32 [tilespmem:s14], [sflag:$0x4], $0x40, s30, s29, $0xb8;
	[tilespmem:$0x1B260] =	vst v63  }
.Ltmp0:
0x89: {  	s30 =	sadd.s32 $0xA190, s19;
	(pc) =	sbr.rel @p0 .LBB2_2-.Ltmp0, $4  }
0x8a: {  	[spmem:s2] =	stream.indirect.scatter.add.f32 [tilespmem:s15], [sflag:$0x4], $0x40, s30, s29, $0xb8;
	[tilespmem:$0x1B260] =	vst v63  }
0x8b: {  	s30 =	sadd.s32 $0xA1E0, s19  }
0x8c: {  	[spmem:s2] =	stream.indirect.scatter.add.f32 [tilespmem:s12], [sflag:$0x4], $0x40, s30, s29, $0xb8;
	[tilespmem:$0x1B260] =	vst v63  }
0x8d: {  	s8 =	sadd.s32 $0x3200, s8;
	s13 =	sadd.s32 $0x3200, s13;
	s19 =	sadd.s32 $0xA230, s19  }
0x8e: {  	[spmem:s2] =	stream.indirect.scatter.add.f32 [tilespmem:s0], [sflag:$0x4], $0x40, s19, s29, $0xb8;
	[tilespmem:$0x1B260] =	vst v63  }
0x8f: {  	_ =	swait.ge [sflag:s3], $0x6400  }
0x90: {  	[sflag:s3] =	ssyncset.done $0x0  }
0x91: {  	s8 =	rddreg [dreg:$0xe];
	[sflag:s3] =	ssyncadd.s32 $0xFFFF9C00  }
0x92: {  	[tilespmem:s26], [sflag:$0x2] =	stream.strided.gather [hbm4b:s8+s23], $0x6400, s24, s23, $0x38;
	[tilespmem:$0x1B260] =	vst v63  }
0x93: {  	_ =	swait.ge [sflag:s28], $0x6400  }
0x94: {  	s8 =	sshra.s32 s11, $0x2;
	[sflag:s28] =	ssyncset.done $0x0  }
0x95: {  	s11 =	sadd.s32 $0x9F60, s8;
	[sflag:s28] =	ssyncadd.s32 $0xFFFF9C00  }
0x96: {  	[spmem:s2] =	stream.indirect.scatter.add.f32 [tilespmem:s25], [sflag:$0x3], $0x40, s11, s29, $0xb8;
	[tilespmem:$0x1B260] =	vst v63  }
0x97: {  	s13 =	sadd.s32 $0x9FB0, s8  }
0x98: {  	[spmem:s2] =	stream.indirect.scatter.add.f32 [tilespmem:s31], [sflag:$0x3], $0x40, s13, s29, $0xb8;
	[tilespmem:$0x1B260] =	vst v63  }
0x99: {  	s19 =	sadd.s32 $0xA000, s8  }
0x9a: {  	[spmem:s2] =	stream.indirect.scatter.add.f32 [tilespmem:s1], [sflag:$0x3], $0x40, s19, s29, $0xb8;
	[tilespmem:$0x1B260] =	vst v63  }
0x9b: {  	s30 =	sadd.s32 $0xA050, s8  }
0x9c: {  	[spmem:s2] =	stream.indirect.scatter.add.f32 [tilespmem:s4], [sflag:$0x3], $0x40, s30, s29, $0xb8;
	[tilespmem:$0x1B260] =	vst v63  }
0x9d: {  	s8 =	sadd.s32 $0xA0A0, s8  }
0x9e: {  	[spmem:s2] =	stream.indirect.scatter.add.f32 [tilespmem:s7], [sflag:$0x3], $0x40, s8, s29, $0xb8;
	[tilespmem:$0x1B260] =	vst v63  }
0x9f: {  	_ =	swait.ge [sflag:s9], $0x6400  }
0xa0: {  	[sflag:s9] =	ssyncset.done $0x0  }
0xa1: {  	[sflag:s9] =	ssyncadd.s32 $0xFFFF9C00  }
0xa2: {  	_ =	swait.ge [sflag:s10], $0x6400  }
0xa3: {  	[sflag:s10] =	ssyncset.done $0x0  }
0xa4: {  	s11 =	simm.s32 $0xE8D0;
	[sflag:s10] =	ssyncadd.s32 $0xFFFF9C00  }
0xa5: {  	[spmem:s2] =	stream.indirect.scatter.add.f32 [tilespmem:s26], [sflag:$0x4], $0x40, s11, s29, $0xb8;
	[tilespmem:$0x1B260] =	vst v63  }
0xa6: {  	s13 =	simm.s32 $0xE920  }
0xa7: {  	[spmem:s2] =	stream.indirect.scatter.add.f32 [tilespmem:s14], [sflag:$0x4], $0x40, s13, s29, $0xb8;
	[tilespmem:$0x1B260] =	vst v63  }
0xa8: {  	s19 =	simm.s32 $0xE970  }
0xa9: {  	[spmem:s2] =	stream.indirect.scatter.add.f32 [tilespmem:s15], [sflag:$0x4], $0x40, s19, s29, $0xb8;
	[tilespmem:$0x1B260] =	vst v63  }
0xaa: {  	s30 =	simm.s32 $0xE9C0  }
0xab: {  	[spmem:s2] =	stream.indirect.scatter.add.f32 [tilespmem:s12], [sflag:$0x4], $0x40, s30, s29, $0xb8;
	[tilespmem:$0x1B260] =	vst v63  }
0xac: {  	s11 =	simm.s32 $0xEA10  }
0xad: {  	[spmem:s2] =	stream.indirect.scatter.add.f32 [tilespmem:s0], [sflag:$0x4], $0x40, s11, s29, $0xb8;
	[tilespmem:$0x1B260] =	vst v63  }
0xae: {  	_ =	swait.ge [sflag:s3], $0x6400  }
0xaf: {  	[sflag:s3] =	ssyncset.done $0x0  }
0xb0: {  	[sflag:s3] =	ssyncadd.s32 $0xFFFF9C00  }
0xb1: {  	[bflag:$0x0] =	sbarrier.arrive $0xFFFF  }
0xb2: {  	s13 =	simm.s32 $0x0;
	s19 =	rddreg [dreg:$0x8]  }
0xb3: {  	[tilespmem:s21], [sflag:$0x5] =	stream.linear.gather [hbm4b:s19+s13], $0x4E20, $0x38;
	[tilespmem:$0x1B260] =	vst v63  }
0xb4: {  	_ =	swait.ge [sflag:s22], $0x4E20  }
0xb5: {  	[sflag:s22] =	ssyncset.done $0x0  }
0xb6: {  	[sflag:s22] =	ssyncadd.s32 $0xFFFFB1E0  }
0xb7: {  	[tilespmem:s25], [sflag:$0x3] =	stream.indirect.gather [spmem:s2], $0x40, s21, s29, $0xb8;
	[tilespmem:$0x1B260] =	vst v63  }
0xb8: {  	_ = 	snop  }
0xb9: {  	[tilespmem:s31], [sflag:$0x3] =	stream.indirect.gather [spmem:s2], $0x40, s17, s29, $0xb8;
	[tilespmem:$0x1B260] =	vst v63  }
0xba: {  	s30 =	simm.s32 $0x9CE0  }
0xbb: {  	[tilespmem:s1], [sflag:$0x3] =	stream.indirect.gather [spmem:s2], $0x40, s30, s29, $0xb8;
	[tilespmem:$0x1B260] =	vst v63  }
0xbc: {  	s11 =	simm.s32 $0x9D30  }
0xbd: {  	[tilespmem:s4], [sflag:$0x3] =	stream.indirect.gather [spmem:s2], $0x40, s11, s29, $0xb8;
	[tilespmem:$0x1B260] =	vst v63  }
0xbe: {  	s13 =	simm.s32 $0x9D80  }
0xbf: {  	[tilespmem:s7], [sflag:$0x3] =	stream.indirect.gather [spmem:s2], $0x40, s13, s29, $0xb8;
	[tilespmem:$0x1B260] =	vst v63  }
0xc0: {  	_ =	swait.ge [sflag:s9], $0x6400  }
0xc1: {  	[sflag:s9] =	ssyncset.done $0x0  }
0xc2: {  	s17 =	rddreg [dreg:$0xc];
	[sflag:s9] =	ssyncadd.s32 $0xFFFF9C00  }
0xc3: {  	[hbm4b:s17+s23] =	stream.strided.scatter [tilespmem:s25], [sflag:$0x1], $0x6400, s24, s23, $0x38;
	[tilespmem:$0x1B260] =	vst v63  }
0xc4: {  	s19 =	simm.s32 $0x9DD0  }
0xc5: {  	[tilespmem:s26], [sflag:$0x4] =	stream.indirect.gather [spmem:s2], $0x40, s19, s29, $0xb8;
	[tilespmem:$0x1B260] =	vst v63  }
0xc6: {  	s30 =	simm.s32 $0x9E20  }
0xc7: {  	[tilespmem:s14], [sflag:$0x4] =	stream.indirect.gather [spmem:s2], $0x40, s30, s29, $0xb8;
	[tilespmem:$0x1B260] =	vst v63  }
0xc8: {  	s11 =	simm.s32 $0x9E70  }
0xc9: {  	[tilespmem:s15], [sflag:$0x4] =	stream.indirect.gather [spmem:s2], $0x40, s11, s29, $0xb8;
	[tilespmem:$0x1B260] =	vst v63  }
0xca: {  	s13 =	simm.s32 $0x9EC0  }
0xcb: {  	[tilespmem:s12], [sflag:$0x4] =	stream.indirect.gather [spmem:s2], $0x40, s13, s29, $0xb8;
	[tilespmem:$0x1B260] =	vst v63  }
0xcc: {  	s17 =	simm.s32 $0x9F10  }
0xcd: {  	[tilespmem:s0], [sflag:$0x4] =	stream.indirect.gather [spmem:s2], $0x40, s17, s29, $0xb8;
	[tilespmem:$0x1B260] =	vst v63  }
0xce: {  	_ =	swait.ge [sflag:s3], $0x6400  }
0xcf: {  	[sflag:s3] =	ssyncset.done $0x0  }
0xd0: {  	s19 =	rddreg [dreg:$0xd];
	[sflag:s3] =	ssyncadd.s32 $0xFFFF9C00  }
0xd1: {  	[hbm4b:s19+s23] =	stream.strided.scatter [tilespmem:s26], [sflag:$0x2], $0x6400, s24, s23, $0x38;
	[tilespmem:$0x1B260] =	vst v63  }
0xd2: {  	_ =	swait.ge [sflag:s28], $0x6400  }
0xd3: {  	[sflag:s28] =	ssyncset.done $0x0  }
0xd4: {  	s30 =	simm.s32 $0x9F60;
	[sflag:s28] =	ssyncadd.s32 $0xFFFF9C00  }
0xd5: {  	[tilespmem:s25], [sflag:$0x3] =	stream.indirect.gather [spmem:s2], $0x40, s30, s29, $0xb8;
	[tilespmem:$0x1B260] =	vst v63  }
0xd6: {  	s11 =	simm.s32 $0x9FB0  }
0xd7: {  	[tilespmem:s31], [sflag:$0x3] =	stream.indirect.gather [spmem:s2], $0x40, s11, s29, $0xb8;
	[tilespmem:$0x1B260] =	vst v63  }
0xd8: {  	s13 =	simm.s32 $0xA000  }
0xd9: {  	[tilespmem:s1], [sflag:$0x3] =	stream.indirect.gather [spmem:s2], $0x40, s13, s29, $0xb8;
	[tilespmem:$0x1B260] =	vst v63  }
0xda: {  	s17 =	simm.s32 $0xA050  }
0xdb: {  	[tilespmem:s4], [sflag:$0x3] =	stream.indirect.gather [spmem:s2], $0x40, s17, s29, $0xb8;
	[tilespmem:$0x1B260] =	vst v63  }
0xdc: {  	s19 =	simm.s32 $0xA0A0  }
0xdd: {  	[tilespmem:s7], [sflag:$0x3] =	stream.indirect.gather [spmem:s2], $0x40, s19, s29, $0xb8;
	[tilespmem:$0x1B260] =	vst v63  }
0xde: {  	_ =	swait.ge [sflag:s9], $0x6400  }
0xdf: {  	s30 =	sshrl.u32 s20, $0x3;
	[sflag:s9] =	ssyncset.done $0x0  }
0xe0: {  	s8 =	sadd.s32 s5, s30;
	[sflag:s9] =	ssyncadd.s32 $0xFFFF9C00  }
0xe1: {  	[hbm4b:s8+s23] =	stream.strided.scatter [tilespmem:s25], [sflag:$0x1], $0x6400, s24, s23, $0x38;
	[tilespmem:$0x1B260] =	vst v63  }
0xe2: {  	_ =	swait.ge [sflag:s10], $0x6400  }
0xe3: {  	[sflag:s10] =	ssyncset.done $0x0  }
0xe4: {  	s11 =	simm.s32 $0xA0F0;
	[sflag:s10] =	ssyncadd.s32 $0xFFFF9C00  }
0xe5: {  	[tilespmem:s26], [sflag:$0x4] =	stream.indirect.gather [spmem:s2], $0x40, s11, s29, $0xb8;
	[tilespmem:$0x1B260] =	vst v63  }
0xe6: {  	s13 =	simm.s32 $0xA140  }
0xe7: {  	[tilespmem:s14], [sflag:$0x4] =	stream.indirect.gather [spmem:s2], $0x40, s13, s29, $0xb8;
	[tilespmem:$0x1B260] =	vst v63  }
0xe8: {  	s17 =	simm.s32 $0xA190  }
0xe9: {  	[tilespmem:s15], [sflag:$0x4] =	stream.indirect.gather [spmem:s2], $0x40, s17, s29, $0xb8;
	[tilespmem:$0x1B260] =	vst v63  }
0xea: {  	s19 =	simm.s32 $0xA1E0  }
0xeb: {  	[tilespmem:s12], [sflag:$0x4] =	stream.indirect.gather [spmem:s2], $0x40, s19, s29, $0xb8;
	[tilespmem:$0x1B260] =	vst v63  }
0xec: {  	s30 =	simm.s32 $0xA230  }
0xed: {  	[tilespmem:s0], [sflag:$0x4] =	stream.indirect.gather [spmem:s2], $0x40, s30, s29, $0xb8;
	[tilespmem:$0x1B260] =	vst v63  }
0xee: {  	_ =	swait.ge [sflag:s3], $0x6400  }
0xef: {  	s8 =	sadd.s32 $0x19000, s20;
	s11 =	simm.s32 $0xC80;
	[sflag:s3] =	ssyncset.done $0x0  }
0xf0: {  	s13 =	sadd.s32 $0x3200, s16;
	s19 =	smov.u32 s16;
	[sflag:s3] =	ssyncadd.s32 $0xFFFF9C00  }
.LBB2_4:
0xf1: {  	[hbm4b:s19+s23] =	stream.strided.scatter [tilespmem:s26], [sflag:$0x2], $0x6400, s24, s23, $0x38;
	[tilespmem:$0x1B260] =	vst v63  }
0xf2: {  	s30 =	smov.u32 s11;
	s19 =	smov.u32 s13  }
0xf3: {  	p0 =	sne.s32 s11, $0x11F80;
	s11 =	sadd.s32 $0xC80, s11;
	_ =	swait.ge [sflag:s28], $0x6400  }
0xf4: {  	s30 =	sshra.s32 s30, $0x2;
	[sflag:s28] =	ssyncset.done $0x0  }
0xf5: {  	s17 =	sadd.s32 $0x9F60, s30;
	[sflag:s28] =	ssyncadd.s32 $0xFFFF9C00  }
0xf6: {  	[tilespmem:s25], [sflag:$0x3] =	stream.indirect.gather [spmem:s2], $0x40, s17, s29, $0xb8;
	[tilespmem:$0x1B260] =	vst v63  }
0xf7: {  	s17 =	sadd.s32 $0x9FB0, s30  }
0xf8: {  	[tilespmem:s31], [sflag:$0x3] =	stream.indirect.gather [spmem:s2], $0x40, s17, s29, $0xb8;
	[tilespmem:$0x1B260] =	vst v63  }
0xf9: {  	s17 =	sadd.s32 $0xA000, s30  }
0xfa: {  	[tilespmem:s1], [sflag:$0x3] =	stream.indirect.gather [spmem:s2], $0x40, s17, s29, $0xb8;
	[tilespmem:$0x1B260] =	vst v63  }
0xfb: {  	s17 =	sadd.s32 $0xA050, s30  }
0xfc: {  	[tilespmem:s4], [sflag:$0x3] =	stream.indirect.gather [spmem:s2], $0x40, s17, s29, $0xb8;
	[tilespmem:$0x1B260] =	vst v63  }
0xfd: {  	s17 =	sadd.s32 $0xA0A0, s30  }
0xfe: {  	[tilespmem:s7], [sflag:$0x3] =	stream.indirect.gather [spmem:s2], $0x40, s17, s29, $0xb8;
	[tilespmem:$0x1B260] =	vst v63  }
0xff: {  	_ =	swait.ge [sflag:s9], $0x6400  }
0x100: {  	s17 =	sshrl.u32 s8, $0x3;
	[sflag:s9] =	ssyncset.done $0x0  }
0x101: {  	s17 =	sadd.s32 s5, s17;
	[sflag:s9] =	ssyncadd.s32 $0xFFFF9C00  }
0x102: {  	[hbm4b:s17+s23] =	stream.strided.scatter [tilespmem:s25], [sflag:$0x1], $0x6400, s24, s23, $0x38;
	[tilespmem:$0x1B260] =	vst v63  }
0x103: {  	_ =	swait.ge [sflag:s10], $0x6400  }
0x104: {  	[sflag:s10] =	ssyncset.done $0x0  }
0x105: {  	s17 =	sadd.s32 $0xA0F0, s30;
	[sflag:s10] =	ssyncadd.s32 $0xFFFF9C00  }
0x106: {  	[tilespmem:s26], [sflag:$0x4] =	stream.indirect.gather [spmem:s2], $0x40, s17, s29, $0xb8;
	[tilespmem:$0x1B260] =	vst v63  }
0x107: {  	s17 =	sadd.s32 $0xA140, s30  }
0x108: {  	[tilespmem:s14], [sflag:$0x4] =	stream.indirect.gather [spmem:s2], $0x40, s17, s29, $0xb8;
	[tilespmem:$0x1B260] =	vst v63  }
0x109: {  	s17 =	sadd.s32 $0xA190, s30  }
0x10a: {  	[tilespmem:s15], [sflag:$0x4] =	stream.indirect.gather [spmem:s2], $0x40, s17, s29, $0xb8;
	[tilespmem:$0x1B260] =	vst v63  }
0x10b: {  	s17 =	sadd.s32 $0xA1E0, s30  }
0x10c: {  	[tilespmem:s12], [sflag:$0x4] =	stream.indirect.gather [spmem:s2], $0x40, s17, s29, $0xb8;
	[tilespmem:$0x1B260] =	vst v63  }
.Ltmp1:
0x10d: {  	s17 =	sadd.s32 $0xA230, s30;
	(pc) =	sbr.rel @p0 .LBB2_4-.Ltmp1, $4  }
0x10e: {  	[tilespmem:s0], [sflag:$0x4] =	stream.indirect.gather [spmem:s2], $0x40, s17, s29, $0xb8;
	[tilespmem:$0x1B260] =	vst v63  }
0x10f: {  	_ =	swait.ge [sflag:s3], $0x6400  }
0x110: {  	[sflag:s3] =	ssyncset.done $0x0  }
0x111: {  	s13 =	sadd.s32 $0x3200, s13;
	s8 =	sadd.s32 $0x19000, s8;
	[sflag:s3] =	ssyncadd.s32 $0xFFFF9C00  }
0x112: {  	[hbm4b:s19+s23] =	stream.strided.scatter [tilespmem:s26], [sflag:$0x2], $0x6400, s24, s23, $0x38;
	[tilespmem:$0x1B260] =	vst v63  }
0x113: {  	_ =	swait.ge [sflag:s28], $0x6400  }
0x114: {  	[sflag:s28] =	ssyncset.done $0x0  }
0x115: {  	[sflag:s28] =	ssyncadd.s32 $0xFFFF9C00  }
0x116: {  	_ =	swait.ge [sflag:s10], $0x6400  }
0x117: {  	s6 =	sadd.s32 $0x1, s6;
	s8 =	rddreg [dreg:$0x9]  }
0x118: {  	p0 =	sne.s32 s6, s8  }
.Ltmp2:
0x119: {  	_ = 	snop;
	(pc) =	sbr.rel @p0 .LBB2_1-.Ltmp2, $3  }
0x11a: {  	_ =	sdelay $0x1  }
0x11b: {  	[sflag:s10] =	ssyncset.done $0x0  }
0x11c: {  	s17 =	simm.s32 $0x9C90;
	[sflag:s10] =	ssyncadd.s32 $0xFFFF9C00  }
0x11d: {  	_ =	sfence.sel $0x180000  }
0x11e: {  	[bflag:$0x0] =	sbarrier.arrive $0xFFFF  }
0x11f: {  	_ =	strace $0x9000004A  }
0x120: {  	s0 =	stileid.u32;
	[bflag:$0x2] =	sbarrier.arrive $0xFFFF  }
0x121: {  	p0 =	sne.s32 s0, $0x0;
	s0 =	rddreg [dreg:$0x2]  }
0x122: {  	s0 =	sadd.s32 @!p0 $0x100000, s0  }
0x123: {  	[sflag:s0] =	ssyncadd.tile.s32 @!p0 $0x1;
	_ =	shalt  }
.Lfunc_end2:
_tile_overlayer_lowered:
.L_overlay_start_2:
0x124: {  	(tag) =	ssettag $0x2  }
0x125: {  	s0 =	rddreg [dreg:$0x0];
	s2 =	stileid.u32  }
0x126: {  	s1 =	rddreg [dreg:$0x1];
	p0 =	sne.s32 s2, $0x0  }
0x127: {  	s3 =	rddreg [dreg:$0x2];
	[bflag:$0x3] =	sbarrier.arrive $0xFFFF;
	s2 =	simm.s32 @!p0 $0x1C05  }
0x128: {  	[timem:s3], [sflag:s2] =	dma.local @!p0 [hbm:s0], s1  }
0x129: {  	s0 =	simm.s32 @!p0 $0x5  }
0x12a: {  	_ =	swait.ge @!p0 [sflag:s0], s1  }
0x12b: {  	s1 =	ssub.s32 @!p0 $0x0, s1;
	[sflag:s0] =	ssyncset.done @!p0 $0x0  }
0x12c: {  	[sflag:s0] =	ssyncadd.s32 @!p0 s1  }
0x12d: {  	[bflag:$0x3] =	sbarrier.arrive $0xFFFF  }
0x12e: {  	_ =	shalt  }

// kernel: kernel.18.cloned.1.call-start
scs
__scs_entry_jumppad:
0x0: {  	(pc) =	sbr.rel $0x88, $3  }
0x1: {  	(tag) =	ssettag $0x0;
	lr =	simm.s32 $0x1  }
0x2: {  	[smem:$0x3F98] =	sst lr;
	_ =	strace $0xD0000000  }
0x3: {  	_ = 	snop  }
0x4: {  	_ = 	snop  }
0x5: {  	_ = 	snop  }
0x6: {  	_ = 	snop  }
0x7: {  	_ = 	snop  }
__scs_overlays_trampoline_lowered:
0x8: {  	[smem:$0x3FA7] =	sst s0  }
0x9: {  	[smem:$0x3FA8] =	sst s1  }
0xa: {  	[smem:$0x3FA9] =	sst s2  }
0xb: {  	[smem:$0x3FAA] =	sst s3  }
0xc: {  	[smem:$0x3FAB] =	sst s4  }
0xd: {  	[smem:$0x3FAC] =	sst s5  }
0xe: {  	[smem:$0x3FAD] =	sst s6  }
0xf: {  	[smem:$0x3FAE] =	sst s7  }
0x10: {  	[smem:$0x3FAF] =	sst s8  }
0x11: {  	[smem:$0x3FB0] =	sst s9;
	s0 =	simm.s32 @!p0 $0x0  }
0x12: {  	s1 =	sld [smem:$0x3F96];
	s0 =	simm.s32 @p0 $0x1  }
0x13: {  	[smem:$0x3FB1] =	sst s0;
	s0 =	simm.s32 @!p1 $0x0  }
0x14: {  	s2 =	sld [smem:$0x3F95];
	s0 =	simm.s32 @p1 $0x1  }
0x15: {  	[smem:$0x3FB2] =	sst s0;
	s0 =	simm.s32 @!p2 $0x0  }
0x16: {  	s3 =	sld [smem:$0x3FDB];
	s0 =	simm.s32 @p2 $0x1  }
0x17: {  	s4 =	simm.s32 $0x1BF5;
	[smem:$0x3FB4] =	sst s0  }
0x18: {  	s0 =	sld [smem:$0x3F97];
	_ =	swait.ge [sflag:s4], $0x0  }
0x19: {  	s7 =	sld [smem:$0x3F98]  }
0x1a: {  	s8 =	sadd.s32 $0xFFFFE003, lr  }
0x1b: {  	s9 =	sadd.s32 $0xFFFFFEF7, lr;
	s5 =	simm.s32 $0xFFFFFFFF;
	p2 =	slt.u32 s8, $0xFFFFF086  }
0x1c: {  	p1 =	slt.u32 s9, $0xF7A;
	s5 =	simm.s32 @!p2 $0x0  }
0x1d: {  	s5 =	simm.s32 @p1 $0x1;
	p0 =	seq.s32 s7, s2  }
0x1e: {  	s7 =	smul.u32 @!p0 $0xF7A, s2;
	p2 =	seq.s32 @!p0 s5, $0x0  }
0x1f: {  	s9 =	smul.u32 $0xF7A, s1;
	s8 =	simm.s32 @!p0 $0x1BF5;
	p2 =	por !p2, p0  }
0x20: {  	[sflag:s8] =	ssyncset.s32 @!p0 $0xFFFFF086;
	s6 =	sadd.s32 @!p0 s3, s7;
	s7 =	simm.s32 @!p0 $0x108  }
0x21: {  	s3 =	sadd.s32 s3, s9;
	s6 =	sadd.s32 @!p0 $0x88, s6;
	s7 =	simm.s32 @p2 $0x1082  }
0x22: {  	[simem:s7], [sflag:s8] =	dma.local @!p0 [hbm:s6], $0xF7A  }
0x23: {  	s9 =	sor.u32 $0xD0000000, s2;
	s6 =	simm.s32 $0x108;
	_ =	swait.ge @!p0 [sflag:s8], $0x0  }
0x24: {  	s3 =	sadd.s32 $0x88, s3;
	s6 =	simm.s32 @!p1 $0x1082;
	[sflag:s4] =	ssyncset.s32 $0xFFFFF086  }
0x25: {  	[simem:s6], [sflag:s4] =	dma.local [hbm:s3], $0xF7A  }
0x26: {  	[smem:$0x3F98] =	sst s1;
	(tag) =	ssettag s2;
	_ =	strace s9  }
0x27: {  	s1 =	sld [smem:$0x3FA8]  }
0x28: {  	s2 =	sld [smem:$0x3FA9]  }
0x29: {  	s4 =	sld [smem:$0x3FAB]  }
0x2a: {  	p0 =	seq.s32 s5, $0x0;
	s5 =	sld [smem:$0x3FAC]  }
0x2b: {  	s6 =	sld [smem:$0x3FAD]  }
0x2c: {  	s7 =	sld [smem:$0x3FAE]  }
0x2d: {  	s3 =	simm.s32 $0x108;
	s8 =	sld [smem:$0x3FAF]  }
0x2e: {  	s3 =	simm.s32 @!p0 $0x1082;
	s9 =	sld [smem:$0x3FB0]  }
0x2f: {  	lr =	sadd.s32 s0, s3;
	s0 =	sld [smem:$0x3FA7]  }
0x30: {  	s3 =	sld [smem:$0x3FAA]  }
0x31: {  	[smem:$0x3FB3] =	sst s10  }
0x32: {  	s10 =	sld [smem:$0x3FB1];
	_ =	sdelay $0x3  }
0x33: {  	p0 =	seq.s32 s10, $0x1;
	s10 =	sld [smem:$0x3FB3];
	_ =	sdelay $0x3  }
0x34: {  	[smem:$0x3FB3] =	sst s10  }
0x35: {  	s10 =	sld [smem:$0x3FB2];
	_ =	sdelay $0x3  }
0x36: {  	p1 =	seq.s32 s10, $0x1;
	s10 =	sld [smem:$0x3FB3];
	_ =	sdelay $0x3  }
0x37: {  	[smem:$0x3FB3] =	sst s10  }
0x38: {  	s10 =	sld [smem:$0x3FB4]  }
0x39: {  	_ = 	snop;
	(pc) =	sbr.ind lr, $3  }
0x3a: {  	_ = 	snop  }
0x3b: {  	_ = 	snop  }
0x3c: {  	p2 =	seq.s32 s10, $0x1;
	s10 =	sld [smem:$0x3FB3]  }
0x3d: {  	_ =	shalt  }
0x3e: {  	_ =	shalt  }
0x3f: {  	_ =	shalt  }
0x40: {  	_ =	shalt  }
0x41: {  	_ =	shalt  }
0x42: {  	_ =	shalt  }
0x43: {  	_ =	shalt  }
0x44: {  	_ =	shalt  }
0x45: {  	_ =	shalt  }
0x46: {  	_ =	shalt  }
0x47: {  	_ =	shalt  }
0x48: {  	_ =	shalt  }
0x49: {  	_ =	shalt  }
0x4a: {  	_ =	shalt  }
0x4b: {  	_ =	shalt  }
0x4c: {  	_ =	shalt  }
0x4d: {  	_ =	shalt  }
0x4e: {  	_ =	shalt  }
0x4f: {  	_ =	shalt  }
0x50: {  	_ =	shalt  }
0x51: {  	_ =	shalt  }
0x52: {  	_ =	shalt  }
0x53: {  	_ =	shalt  }
0x54: {  	_ =	shalt  }
0x55: {  	_ =	shalt  }
0x56: {  	_ =	shalt  }
0x57: {  	_ =	shalt  }
0x58: {  	_ =	shalt  }
0x59: {  	_ =	shalt  }
0x5a: {  	_ =	shalt  }
0x5b: {  	_ =	shalt  }
0x5c: {  	_ =	shalt  }
0x5d: {  	_ =	shalt  }
0x5e: {  	_ =	shalt  }
0x5f: {  	_ =	shalt  }
0x60: {  	_ =	shalt  }
0x61: {  	_ =	shalt  }
0x62: {  	_ =	shalt  }
0x63: {  	_ =	shalt  }
0x64: {  	_ =	shalt  }
0x65: {  	_ =	shalt  }
0x66: {  	_ =	shalt  }
0x67: {  	_ =	shalt  }
0x68: {  	_ =	shalt  }
0x69: {  	_ =	shalt  }
0x6a: {  	_ =	shalt  }
0x6b: {  	_ =	shalt  }
0x6c: {  	_ =	shalt  }
0x6d: {  	_ =	shalt  }
0x6e: {  	_ =	shalt  }
0x6f: {  	_ =	shalt  }
0x70: {  	_ =	shalt  }
0x71: {  	_ =	shalt  }
0x72: {  	_ =	shalt  }
0x73: {  	_ =	shalt  }
0x74: {  	_ =	shalt  }
0x75: {  	_ =	shalt  }
0x76: {  	_ =	shalt  }
0x77: {  	_ =	shalt  }
0x78: {  	_ =	shalt  }
0x79: {  	_ =	shalt  }
0x7a: {  	_ =	shalt  }
0x7b: {  	_ =	shalt  }
0x7c: {  	_ =	shalt  }
0x7d: {  	_ =	shalt  }
0x7e: {  	_ =	shalt  }
0x7f: {  	_ =	shalt  }
0x80: {  	_ =	shalt  }
0x81: {  	_ =	shalt  }
0x82: {  	_ =	shalt  }
0x83: {  	_ =	shalt  }
0x84: {  	_ =	shalt  }
0x85: {  	_ =	shalt  }
0x86: {  	_ =	shalt  }
0x87: {  	_ =	shalt  }
.Lfunc_end0:
.L_simem_size_0:
called_computation.2_lowered:
.L_overlay_start_0:
0x88: {  	s2 =	sld [smem:$0x3FD9]  }
0x89: {  	s3 =	sld [smem:$0x3FFE];
	_ =	sdelay $0x1  }
0x8a: {  	s1 =	srdreg.scid  }
0x8b: {  	s0 =	sand.u32 $0x1, s1  }
0x8c: {  	s16 =	sshll.u32 s0, $0xA;
	s2 =	sadd.s32 s3, s2  }
0x8d: {  	s2 =	sadd.s32 s2, s16  }
0x8e: {  	[smem:$0x3FBF] =	sst s2  }
0x8f: {  	_ = 	snop  }
0x90: {  	(tm) =	ssettm $0x1  }
0x91: {  	s17 =	sld [smem:$0x3FFB];
	_ =	sdelay $0x3  }
0x92: {  	_ =	strace s17  }
0x93: {  	s2 =	sld [smem:$0x3FFC];
	_ =	sdelay $0x3  }
0x94: {  	_ =	strace s2  }
0x95: {  	s2 =	sld [smem:$0x3FFD];
	_ =	sdelay $0x3  }
0x96: {  	_ =	strace s2  }
0x97: {  	_ =	strace $0x8FFFFFFF  }
0x98: {  	s18 =	sld [smem:$0x3FDB];
	_ =	sdelay $0x1  }
0x99: {  	s19 =	simm.s32 $_scs_section_size  }
0x9a: {  	s4 =	simm.s32 $_size__tile_overlayer_lowered;
	s5 =	simm.s32 $_tile_overlayer_lowered  }
0x9b: {  	s22 =	simm.s32 $0x1BFF;
	s21 =	sshll.u32 s5, $0x1;
	s2 =	sadd.s32 s19, s18  }
0x9c: {  	s6 =	simm.s32 $0x0;
	s20 =	sshll.u32 s4, $0x1;
	s4 =	sadd.s32 s21, s2  }
0x9d: {  	[timem:s6], [sflag:s22] =	dma.local [hbm:s4], s20  }
0x9e: {  	_ =	swait.ge [sflag:s22], s20  }
0x9f: {  	s3 =	ssub.s32 $0x0, s20;
	[sflag:s22] =	ssyncset.done $0x0  }
0xa0: {  	[sflag:s22] =	ssyncadd.s32 s3;
	_ =	sdelay $0x1  }
0xa1: {  	s23 =	simm.s32 $0x1B8B  }
0xa2: {  	_ =	swait.ge [sflag:s23], $0x1  }
0xa3: {  	[sflag:s23] =	ssyncset.done $0x0  }
0xa4: {  	s25 =	simm.s32 $0x1B8E;
	s24 =	sld [smem:$0x3FFE];
	[sflag:s23] =	ssyncadd.s32 $0xFFFFFFFF  }
0xa5: {  	s26 =	simm.s32 $execute0_lowered;
	[smem:$0x3FD2] =	sst s25  }
0xa6: {  	s4 =	sshll.u32 s26, $0x1;
	_ =	strace $0x8000004C;
	[dreg:$0x1] =	wrdreg $0xFFFFFFFF  }
0xa7: {  	s28 =	simm.s32 $_size_execute0_lowered;
	s2 =	sadd.s32 s2, s4;
	[dreg:$0x0] =	wrdreg $0x0  }
0xa8: {  	s4 =	sshll.u32 s28, $0x1;
	[dreg:$0x2] =	wrdreg s2  }
0xa9: {  	[dreg:$0x3] =	wrdreg s4  }
0xaa: {  	[dreg:$0x4] =	wrdreg $0xC0  }
0xab: {  	_ =	task [dreg:s6], $0x5FFFF  }
0xac: {  	[dreg:$0x1] =	wrdreg $0xFFFFFFFF  }
0xad: {  	[dreg:$0x0] =	wrdreg $0x60  }
0xae: {  	[dreg:$0x2] =	wrdreg s24  }
0xaf: {  	[dreg:$0x3] =	wrdreg $0x0  }
0xb0: {  	[dreg:$0x4] =	wrdreg $0x9  }
0xb1: {  	_ =	task.clear_ibuf [dreg:s6], $0x5FFFF;
	_ =	strace $0x9000004C  }
0xb2: {  	s29 =	simm.s32 $0x9;
	_ =	strace $0x8000004E  }
0xb3: {  	_ =	swait.ge [sflag:s29], $0x1  }
0xb4: {  	[sflag:s29] =	ssyncadd.s32 $0xFFFFFFFF  }
0xb5: {  	_ =	strace $0x9000004E  }
0xb6: {  	_ =	sfence  }
0xb7: {  	s30 =	sld [smem:$0x0];
	_ =	sdelay $0x2  }
0xb8: {  	s31 =	sshll.u32 s1, $0xD;
	s1 =	sshrl.u32 s1, $0x2  }
0xb9: {  	s3 =	sand.u32 $0x4000, s31;
	s1 =	sadd.s32 s1, s30  }
0xba: {  	s0 =	sor.u32 s3, s0;
	s1 =	sshll.u32 s1, $0x11  }
0xbb: {  	s0 =	sor.u32 s1, s0  }
0xbc: {  	s0 =	sadd.s32 $0x8F2B, s0  }
0xbd: {  	[sflag:s0] =	ssyncadd.remote.s32 $0x1  }
0xbe: {  	_ =	sfence.sel $0xFFFF  }
0xbf: {  	[dreg:$0x0] =	wrdreg $0xFFFFFFFF;
	(pc) =	sbr.abs _section_cstart, $3  }
0xc0: {  	[dreg:$0x1] =	wrdreg $0xFFFFFFFF  }
0xc1: {  	_ =	task.clear_ibuf [dreg:s6], $0x2FFFF;
	_ =	strace $0x9FFFFFFF  }
0xc2: {  	(tm) =	ssettm $0x7FFFFFFF  }
0xc3: {  	_ =	shalt  }
tec
execute0_lowered:
.L_overlay_start_1:
0x0: {  	(tag) =	ssettag $0x1  }
0x1: {  	s0 =	rddreg [dreg:$0x0]  }
0x2: {  	s2 =	rddreg [dreg:$0x1]  }
0x3: {  	s1 =	simm.s32 $0x0;
	s5 =	stileid.u32;
	s3 =	srdreg.scid  }
0x4: {  	s28 =	simm.s32 $0x1;
	s29 =	simm.s32 $0x50;
	s31 =	simm.s32 $0xFE60  }
0x5: {  	[smem:$0x7FF] =	sst s1;
	s9 =	smul.u32 $0x9C4, s5;
	s4 =	sadd.s32 $0x4F8C00, s0  }
0x6: {  	s3 =	sand.u32 $0x1, s3;
	s6 =	sadd.s32 $0x15E00, s0;
	s7 =	smul.u32 $0x271000, s5  }
0x7: {  	_ =	strace $0x8000004D;
	[dreg:$0x3] =	wrdreg s6;
	s10 =	ssub.s32 $0x2, s3  }
0x8: {  	s3 =	sshll.u32 s3, $0x6;
	s6 =	simm.s32 $0x0;
	s1 =	sadd.s32 s9, s0  }
0x9: {  	s8 =	sshrl.u32 s10, $0x1;
	s9 =	smul.u32 $0x27100, s5;
	s5 =	sadd.s32 $0x16C00, s0  }
0xa: {  	s12 =	sor.u32 s3, s7;
	s16 =	sor.u32 $0xC800, s3;
	s11 =	ssub.s32 s10, s8  }
0xb: {  	s13 =	sadd.s32 $0xC000, s1;
	s14 =	sshrl.u32 s12, $0x3;
	s17 =	sadd.s32 s16, s7  }
0xc: {  	s7 =	sadd.s32 $0xC800, s7;
	s1 =	sadd.s32 $0x2200, s1;
	s22 =	sadd.s32 $0x25800, s12  }
0xd: {  	s23 =	sadd.s32 $0x32000, s12;
	[dreg:$0x4] =	wrdreg s13;
	s9 =	sshrl.u32 s9, $0x2  }
0xe: {  	s10 =	sadd.s32 s4, s14;
	[dreg:$0x8] =	wrdreg s1;
	s18 =	sshrl.u32 s17, $0x3  }
0xf: {  	s0 =	smax.u32 s11, $0x1;
	s20 =	sadd.s32 s5, s14;
	s21 =	sor.u32 s3, s7  }
0x10: {  	s24 =	sshrl.u32 s22, $0x3;
	s25 =	sshrl.u32 s23, $0x3;
	s22 =	simm.s32 $0x5  }
0x11: {  	s23 =	simm.s32 $0x40;
	s17 =	simm.s32 $0x9C90;
	s1 =	simm.s32 $0x11260  }
0x12: {  	s14 =	simm.s32 $0x16260;
	s3 =	simm.s32 $0x4;
	[dreg:$0x5] =	wrdreg s10  }
0x13: {  	s15 =	sadd.s32 s9, s2;
	s9 =	sadd.s32 s16, s7;
	[dreg:$0x9] =	wrdreg s0  }
0x14: {  	[dreg:$0xc] =	wrdreg s20;
	s30 =	sadd.s32 s24, s4;
	s16 =	sadd.s32 s24, s5  }
0x15: {  	s20 =	sadd.s32 $0x19000, s12;
	s24 =	simm.s32 $0x80;
	s7 =	simm.s32 $0x13A60  }
0x16: {  	s12 =	simm.s32 $0x18A60;
	[dreg:$0x6] =	wrdreg s15;
	s10 =	sadd.s32 $0x6400, s15  }
0x17: {  	s19 =	sshrl.u32 s9, $0x3;
	[dreg:$0xf] =	wrdreg s30;
	s9 =	simm.s32 $0x3  }
0x18: {  	s15 =	simm.s32 $0x17660;
	[dreg:$0x7] =	wrdreg s10;
	s10 =	sadd.s32 s4, s18  }
0x19: {  	s0 =	sadd.s32 s4, s19;
	s18 =	sadd.s32 s25, s4;
	s25 =	simm.s32 $0xEA60  }
0x1a: {  	s4 =	simm.s32 $0x12660;
	[dreg:$0xb] =	wrdreg s0;
	s0 =	sshrl.u32 s21, $0x3  }
0x1b: {  	[dreg:$0xa] =	wrdreg s10;
	s26 =	sadd.s32 $0x4B000, s10;
	s21 =	simm.s32 $0x9C40  }
0x1c: {  	s10 =	simm.s32 $0x2;
	s0 =	sadd.s32 s5, s0;
	[dreg:$0xe] =	wrdreg s26  }
0x1d: {  	s26 =	simm.s32 $0x14E60;
	[dreg:$0xd] =	wrdreg s0;
	s0 =	simm.s32 $0x19E60  }
.LBB2_1:
0x1e: {  	s8 =	simm.s32 $0x0;
	s11 =	rddreg [dreg:$0x4]  }
0x1f: {  	[tilespmem:s21], [sflag:$0x5] =	stream.linear.gather [hbm4b:s11+s8], $0x4E20, $0x38;
	[tilespmem:$0x1B260] =	vst v63  }
0x20: {  	_ =	swait.ge [sflag:s22], $0x4E20  }
0x21: {  	[sflag:s22] =	ssyncset.done $0x0  }
0x22: {  	s19 =	rddreg [dreg:$0x5];
	[sflag:s22] =	ssyncadd.s32 $0xFFFFB1E0  }
0x23: {  	[tilespmem:s25], [sflag:$0x1] =	stream.strided.gather [hbm4b:s19+s23], $0x6400, s24, s23, $0x38;
	[tilespmem:$0x1B260] =	vst v63  }
0x24: {  	s30 =	rddreg [dreg:$0x3]  }
0x25: {  	[tilespmem:s26], [sflag:$0x5] =	stream.linear.gather [hbm4b:s30+s8], $0x6400, $0x38;
	[tilespmem:$0x1B260] =	vst v63  }
0x26: {  	_ =	swait.ge [sflag:s22], $0x6400  }
0x27: {  	[sflag:s22] =	ssyncset.done $0x0  }
0x28: {  	s11 =	rddreg [dreg:$0x6];
	[sflag:s22] =	ssyncadd.s32 $0xFFFF9C00  }
0x29: {  	[spmem:s11] =	stream.linear.scatter [tilespmem:s26], [sflag:$0x5], $0x6400, $0x38;
	[tilespmem:$0x1B260] =	vst v63  }
0x2a: {  	_ =	swait.ge [sflag:s22], $0x6400  }
0x2b: {  	[sflag:s22] =	ssyncset.done $0x0  }
0x2c: {  	s13 =	rddreg [dreg:$0x7];
	[sflag:s22] =	ssyncadd.s32 $0xFFFF9C00  }
0x2d: {  	[spmem:s13] =	stream.linear.scatter [tilespmem:s26], [sflag:$0x5], $0x3840, $0x38;
	[tilespmem:$0x1B260] =	vst v63  }
0x2e: {  	_ =	swait.ge [sflag:s22], $0x3840  }
0x2f: {  	[sflag:s22] =	ssyncset.done $0x0  }
0x30: {  	[sflag:s22] =	ssyncadd.s32 $0xFFFFC7C0  }
0x31: {  	[bflag:$0x0] =	sbarrier.arrive $0xFFFF  }
0x32: {  	s19 =	rddreg [dreg:$0xa]  }
0x33: {  	[tilespmem:s26], [sflag:$0x2] =	stream.strided.gather [hbm4b:s19+s23], $0x6400, s24, s23, $0x38;
	[tilespmem:$0x1B260] =	vst v63  }
0x34: {  	_ =	swait.ge [sflag:s28], $0x6400  }
0x35: {  	[sflag:s28] =	ssyncset.done $0x0  }
0x36: {  	[sflag:s28] =	ssyncadd.s32 $0xFFFF9C00  }
0x37: {  	[spmem:s2] =	stream.indirect.scatter.add.f32 [tilespmem:s25], [sflag:$0x3], $0x40, s21, s29, $0xb8;
	[tilespmem:$0x1B260] =	vst v63  }
0x38: {  	_ = 	snop  }
0x39: {  	[spmem:s2] =	stream.indirect.scatter.add.f32 [tilespmem:s31], [sflag:$0x3], $0x40, s17, s29, $0xb8;
	[tilespmem:$0x1B260] =	vst v63  }
0x3a: {  	s30 =	simm.s32 $0x9CE0  }
0x3b: {  	[spmem:s2] =	stream.indirect.scatter.add.f32 [tilespmem:s1], [sflag:$0x3], $0x40, s30, s29, $0xb8;
	[tilespmem:$0x1B260] =	vst v63  }
0x3c: {  	s11 =	simm.s32 $0x9D30  }
0x3d: {  	[spmem:s2] =	stream.indirect.scatter.add.f32 [tilespmem:s4], [sflag:$0x3], $0x40, s11, s29, $0xb8;
	[tilespmem:$0x1B260] =	vst v63  }
0x3e: {  	s13 =	simm.s32 $0x9D80  }
0x3f: {  	[spmem:s2] =	stream.indirect.scatter.add.f32 [tilespmem:s7], [sflag:$0x3], $0x40, s13, s29, $0xb8;
	[tilespmem:$0x1B260] =	vst v63  }
0x40: {  	_ =	swait.ge [sflag:s9], $0x6400  }
0x41: {  	[sflag:s9] =	ssyncset.done $0x0  }
0x42: {  	s19 =	rddreg [dreg:$0xb];
	[sflag:s9] =	ssyncadd.s32 $0xFFFF9C00  }
0x43: {  	[tilespmem:s25], [sflag:$0x1] =	stream.strided.gather [hbm4b:s19+s23], $0x6400, s24, s23, $0x38;
	[tilespmem:$0x1B260] =	vst v63  }
0x44: {  	_ =	swait.ge [sflag:s10], $0x6400  }
0x45: {  	[sflag:s10] =	ssyncset.done $0x0  }
0x46: {  	s30 =	simm.s32 $0x9DD0;
	[sflag:s10] =	ssyncadd.s32 $0xFFFF9C00  }
0x47: {  	[spmem:s2] =	stream.indirect.scatter.add.f32 [tilespmem:s26], [sflag:$0x4], $0x40, s30, s29, $0xb8;
	[tilespmem:$0x1B260] =	vst v63  }
0x48: {  	s11 =	simm.s32 $0x9E20  }
0x49: {  	[spmem:s2] =	stream.indirect.scatter.add.f32 [tilespmem:s14], [sflag:$0x4], $0x40, s11, s29, $0xb8;
	[tilespmem:$0x1B260] =	vst v63  }
0x4a: {  	s13 =	simm.s32 $0x9E70  }
0x4b: {  	[spmem:s2] =	stream.indirect.scatter.add.f32 [tilespmem:s15], [sflag:$0x4], $0x40, s13, s29, $0xb8;
	[tilespmem:$0x1B260] =	vst v63  }
0x4c: {  	s19 =	simm.s32 $0x9EC0  }
0x4d: {  	[spmem:s2] =	stream.indirect.scatter.add.f32 [tilespmem:s12], [sflag:$0x4], $0x40, s19, s29, $0xb8;
	[tilespmem:$0x1B260] =	vst v63  }
0x4e: {  	s30 =	simm.s32 $0x9F10  }
0x4f: {  	[spmem:s2] =	stream.indirect.scatter.add.f32 [tilespmem:s0], [sflag:$0x4], $0x40, s30, s29, $0xb8;
	[tilespmem:$0x1B260] =	vst v63  }
0x50: {  	_ =	swait.ge [sflag:s3], $0x6400  }
0x51: {  	[sflag:s3] =	ssyncset.done $0x0  }
0x52: {  	s13 =	rddreg [dreg:$0xf];
	[sflag:s3] =	ssyncadd.s32 $0xFFFF9C00  }
0x53: {  	[tilespmem:s26], [sflag:$0x2] =	stream.strided.gather [hbm4b:s13+s23], $0x6400, s24, s23, $0x38;
	[tilespmem:$0x1B260] =	vst v63  }
0x54: {  	_ =	swait.ge [sflag:s28], $0x6400  }
0x55: {  	[sflag:s28] =	ssyncset.done $0x0  }
0x56: {  	s11 =	simm.s32 $0x9F60;
	[sflag:s28] =	ssyncadd.s32 $0xFFFF9C00  }
0x57: {  	[spmem:s2] =	stream.indirect.scatter.add.f32 [tilespmem:s25], [sflag:$0x3], $0x40, s11, s29, $0xb8;
	[tilespmem:$0x1B260] =	vst v63  }
0x58: {  	s19 =	simm.s32 $0x9FB0  }
0x59: {  	[spmem:s2] =	stream.indirect.scatter.add.f32 [tilespmem:s31], [sflag:$0x3], $0x40, s19, s29, $0xb8;
	[tilespmem:$0x1B260] =	vst v63  }
0x5a: {  	s30 =	simm.s32 $0xA000  }
0x5b: {  	[spmem:s2] =	stream.indirect.scatter.add.f32 [tilespmem:s1], [sflag:$0x3], $0x40, s30, s29, $0xb8;
	[tilespmem:$0x1B260] =	vst v63  }
0x5c: {  	s11 =	simm.s32 $0xA050  }
0x5d: {  	[spmem:s2] =	stream.indirect.scatter.add.f32 [tilespmem:s4], [sflag:$0x3], $0x40, s11, s29, $0xb8;
	[tilespmem:$0x1B260] =	vst v63  }
0x5e: {  	s19 =	simm.s32 $0xA0A0  }
0x5f: {  	[spmem:s2] =	stream.indirect.scatter.add.f32 [tilespmem:s7], [sflag:$0x3], $0x40, s19, s29, $0xb8;
	[tilespmem:$0x1B260] =	vst v63  }
0x60: {  	_ =	swait.ge [sflag:s9], $0x6400  }
0x61: {  	[sflag:s9] =	ssyncset.done $0x0  }
0x62: {  	[sflag:s9] =	ssyncadd.s32 $0xFFFF9C00  }
0x63: {  	[tilespmem:s25], [sflag:$0x1] =	stream.strided.gather [hbm4b:s18+s23], $0x6400, s24, s23, $0x38;
	[tilespmem:$0x1B260] =	vst v63  }
0x64: {  	_ =	swait.ge [sflag:s10], $0x6400  }
0x65: {  	[sflag:s10] =	ssyncset.done $0x0  }
0x66: {  	s30 =	simm.s32 $0xA0F0;
	[sflag:s10] =	ssyncadd.s32 $0xFFFF9C00  }
0x67: {  	[spmem:s2] =	stream.indirect.scatter.add.f32 [tilespmem:s26], [sflag:$0x4], $0x40, s30, s29, $0xb8;
	[tilespmem:$0x1B260] =	vst v63  }
0x68: {  	s11 =	simm.s32 $0xA140  }
0x69: {  	[spmem:s2] =	stream.indirect.scatter.add.f32 [tilespmem:s14], [sflag:$0x4], $0x40, s11, s29, $0xb8;
	[tilespmem:$0x1B260] =	vst v63  }
0x6a: {  	s8 =	sadd.s32 $0x3200, s13;
	s13 =	sadd.s32 $0x3200, s18;
	s19 =	simm.s32 $0xA190  }
0x6b: {  	[spmem:s2] =	stream.indirect.scatter.add.f32 [tilespmem:s15], [sflag:$0x4], $0x40, s19, s29, $0xb8;
	[tilespmem:$0x1B260] =	vst v63  }
0x6c: {  	s30 =	simm.s32 $0xA1E0;
	s11 =	simm.s32 $0xC80;
	s19 =	simm.s32 $0xA230  }
0x6d: {  	[spmem:s2] =	stream.indirect.scatter.add.f32 [tilespmem:s12], [sflag:$0x4], $0x40, s30, s29, $0xb8;
	[tilespmem:$0x1B260] =	vst v63  }
.LBB2_2:
0x6e: {  	[spmem:s2] =	stream.indirect.scatter.add.f32 [tilespmem:s0], [sflag:$0x4], $0x40, s19, s29, $0xb8;
	[tilespmem:$0x1B260] =	vst v63  }
0x6f: {  	s19 =	smov.u32 s11;
	s11 =	sadd.s32 $0xC80, s11;
	_ =	swait.ge [sflag:s3], $0x6400  }
0x70: {  	p0 =	sne.s32 s11, $0x11F80;
	[sflag:s3] =	ssyncset.done $0x0  }
0x71: {  	[sflag:s3] =	ssyncadd.s32 $0xFFFF9C00  }
0x72: {  	[tilespmem:s26], [sflag:$0x2] =	stream.strided.gather [hbm4b:s8+s23], $0x6400, s24, s23, $0x38;
	[tilespmem:$0x1B260] =	vst v63  }
0x73: {  	_ =	swait.ge [sflag:s28], $0x6400  }
0x74: {  	s19 =	sshra.s32 s19, $0x2;
	[sflag:s28] =	ssyncset.done $0x0  }
0x75: {  	s30 =	sadd.s32 $0x9F60, s19;
	[sflag:s28] =	ssyncadd.s32 $0xFFFF9C00  }
0x76: {  	[spmem:s2] =	stream.indirect.scatter.add.f32 [tilespmem:s25], [sflag:$0x3], $0x40, s30, s29, $0xb8;
	[tilespmem:$0x1B260] =	vst v63  }
0x77: {  	s30 =	sadd.s32 $0x9FB0, s19  }
0x78: {  	[spmem:s2] =	stream.indirect.scatter.add.f32 [tilespmem:s31], [sflag:$0x3], $0x40, s30, s29, $0xb8;
	[tilespmem:$0x1B260] =	vst v63  }
0x79: {  	s30 =	sadd.s32 $0xA000, s19  }
0x7a: {  	[spmem:s2] =	stream.indirect.scatter.add.f32 [tilespmem:s1], [sflag:$0x3], $0x40, s30, s29, $0xb8;
	[tilespmem:$0x1B260] =	vst v63  }
0x7b: {  	s30 =	sadd.s32 $0xA050, s19  }
0x7c: {  	[spmem:s2] =	stream.indirect.scatter.add.f32 [tilespmem:s4], [sflag:$0x3], $0x40, s30, s29, $0xb8;
	[tilespmem:$0x1B260] =	vst v63  }
0x7d: {  	s30 =	sadd.s32 $0xA0A0, s19  }
0x7e: {  	[spmem:s2] =	stream.indirect.scatter.add.f32 [tilespmem:s7], [sflag:$0x3], $0x40, s30, s29, $0xb8;
	[tilespmem:$0x1B260] =	vst v63  }
0x7f: {  	_ =	swait.ge [sflag:s9], $0x6400  }
0x80: {  	[sflag:s9] =	ssyncset.done $0x0  }
0x81: {  	[sflag:s9] =	ssyncadd.s32 $0xFFFF9C00  }
0x82: {  	[tilespmem:s25], [sflag:$0x1] =	stream.strided.gather [hbm4b:s13+s23], $0x6400, s24, s23, $0x38;
	[tilespmem:$0x1B260] =	vst v63  }
0x83: {  	_ =	swait.ge [sflag:s10], $0x6400  }
0x84: {  	[sflag:s10] =	ssyncset.done $0x0  }
0x85: {  	s30 =	sadd.s32 $0xA0F0, s19;
	[sflag:s10] =	ssyncadd.s32 $0xFFFF9C00  }
0x86: {  	[spmem:s2] =	stream.indirect.scatter.add.f32 [tilespmem:s26], [sflag:$0x4], $0x40, s30, s29, $0xb8;
	[tilespmem:$0x1B260] =	vst v63  }
0x87: {  	s30 =	sadd.s32 $0xA140, s19  }
0x88: {  	[spmem:s2] =	stream.indirect.scatter.add.f32 [tilespmem:s14], [sflag:$0x4], $0x40, s30, s29, $0xb8;
	[tilespmem:$0x1B260] =	vst v63  }
.Ltmp0:
0x89: {  	s30 =	sadd.s32 $0xA190, s19;
	(pc) =	sbr.rel @p0 .LBB2_2-.Ltmp0, $4  }
0x8a: {  	[spmem:s2] =	stream.indirect.scatter.add.f32 [tilespmem:s15], [sflag:$0x4], $0x40, s30, s29, $0xb8;
	[tilespmem:$0x1B260] =	vst v63  }
0x8b: {  	s30 =	sadd.s32 $0xA1E0, s19  }
0x8c: {  	[spmem:s2] =	stream.indirect.scatter.add.f32 [tilespmem:s12], [sflag:$0x4], $0x40, s30, s29, $0xb8;
	[tilespmem:$0x1B260] =	vst v63  }
0x8d: {  	s8 =	sadd.s32 $0x3200, s8;
	s13 =	sadd.s32 $0x3200, s13;
	s19 =	sadd.s32 $0xA230, s19  }
0x8e: {  	[spmem:s2] =	stream.indirect.scatter.add.f32 [tilespmem:s0], [sflag:$0x4], $0x40, s19, s29, $0xb8;
	[tilespmem:$0x1B260] =	vst v63  }
0x8f: {  	_ =	swait.ge [sflag:s3], $0x6400  }
0x90: {  	[sflag:s3] =	ssyncset.done $0x0  }
0x91: {  	s8 =	rddreg [dreg:$0xe];
	[sflag:s3] =	ssyncadd.s32 $0xFFFF9C00  }
0x92: {  	[tilespmem:s26], [sflag:$0x2] =	stream.strided.gather [hbm4b:s8+s23], $0x6400, s24, s23, $0x38;
	[tilespmem:$0x1B260] =	vst v63  }
0x93: {  	_ =	swait.ge [sflag:s28], $0x6400  }
0x94: {  	s8 =	sshra.s32 s11, $0x2;
	[sflag:s28] =	ssyncset.done $0x0  }
0x95: {  	s11 =	sadd.s32 $0x9F60, s8;
	[sflag:s28] =	ssyncadd.s32 $0xFFFF9C00  }
0x96: {  	[spmem:s2] =	stream.indirect.scatter.add.f32 [tilespmem:s25], [sflag:$0x3], $0x40, s11, s29, $0xb8;
	[tilespmem:$0x1B260] =	vst v63  }
0x97: {  	s13 =	sadd.s32 $0x9FB0, s8  }
0x98: {  	[spmem:s2] =	stream.indirect.scatter.add.f32 [tilespmem:s31], [sflag:$0x3], $0x40, s13, s29, $0xb8;
	[tilespmem:$0x1B260] =	vst v63  }
0x99: {  	s19 =	sadd.s32 $0xA000, s8  }
0x9a: {  	[spmem:s2] =	stream.indirect.scatter.add.f32 [tilespmem:s1], [sflag:$0x3], $0x40, s19, s29, $0xb8;
	[tilespmem:$0x1B260] =	vst v63  }
0x9b: {  	s30 =	sadd.s32 $0xA050, s8  }
0x9c: {  	[spmem:s2] =	stream.indirect.scatter.add.f32 [tilespmem:s4], [sflag:$0x3], $0x40, s30, s29, $0xb8;
	[tilespmem:$0x1B260] =	vst v63  }
0x9d: {  	s8 =	sadd.s32 $0xA0A0, s8  }
0x9e: {  	[spmem:s2] =	stream.indirect.scatter.add.f32 [tilespmem:s7], [sflag:$0x3], $0x40, s8, s29, $0xb8;
	[tilespmem:$0x1B260] =	vst v63  }
0x9f: {  	_ =	swait.ge [sflag:s9], $0x6400  }
0xa0: {  	[sflag:s9] =	ssyncset.done $0x0  }
0xa1: {  	[sflag:s9] =	ssyncadd.s32 $0xFFFF9C00  }
0xa2: {  	_ =	swait.ge [sflag:s10], $0x6400  }
0xa3: {  	[sflag:s10] =	ssyncset.done $0x0  }
0xa4: {  	s11 =	simm.s32 $0xE8D0;
	[sflag:s10] =	ssyncadd.s32 $0xFFFF9C00  }
0xa5: {  	[spmem:s2] =	stream.indirect.scatter.add.f32 [tilespmem:s26], [sflag:$0x4], $0x40, s11, s29, $0xb8;
	[tilespmem:$0x1B260] =	vst v63  }
0xa6: {  	s13 =	simm.s32 $0xE920  }
0xa7: {  	[spmem:s2] =	stream.indirect.scatter.add.f32 [tilespmem:s14], [sflag:$0x4], $0x40, s13, s29, $0xb8;
	[tilespmem:$0x1B260] =	vst v63  }
0xa8: {  	s19 =	simm.s32 $0xE970  }
0xa9: {  	[spmem:s2] =	stream.indirect.scatter.add.f32 [tilespmem:s15], [sflag:$0x4], $0x40, s19, s29, $0xb8;
	[tilespmem:$0x1B260] =	vst v63  }
0xaa: {  	s30 =	simm.s32 $0xE9C0  }
0xab: {  	[spmem:s2] =	stream.indirect.scatter.add.f32 [tilespmem:s12], [sflag:$0x4], $0x40, s30, s29, $0xb8;
	[tilespmem:$0x1B260] =	vst v63  }
0xac: {  	s11 =	simm.s32 $0xEA10  }
0xad: {  	[spmem:s2] =	stream.indirect.scatter.add.f32 [tilespmem:s0], [sflag:$0x4], $0x40, s11, s29, $0xb8;
	[tilespmem:$0x1B260] =	vst v63  }
0xae: {  	_ =	swait.ge [sflag:s3], $0x6400  }
0xaf: {  	[sflag:s3] =	ssyncset.done $0x0  }
0xb0: {  	[sflag:s3] =	ssyncadd.s32 $0xFFFF9C00  }
0xb1: {  	[bflag:$0x0] =	sbarrier.arrive $0xFFFF  }
0xb2: {  	s13 =	simm.s32 $0x0;
	s19 =	rddreg [dreg:$0x8]  }
0xb3: {  	[tilespmem:s21], [sflag:$0x5] =	stream.linear.gather [hbm4b:s19+s13], $0x4E20, $0x38;
	[tilespmem:$0x1B260] =	vst v63  }
0xb4: {  	_ =	swait.ge [sflag:s22], $0x4E20  }
0xb5: {  	[sflag:s22] =	ssyncset.done $0x0  }
0xb6: {  	[sflag:s22] =	ssyncadd.s32 $0xFFFFB1E0  }
0xb7: {  	[tilespmem:s25], [sflag:$0x3] =	stream.indirect.gather [spmem:s2], $0x40, s21, s29, $0xb8;
	[tilespmem:$0x1B260] =	vst v63  }
0xb8: {  	_ = 	snop  }
0xb9: {  	[tilespmem:s31], [sflag:$0x3] =	stream.indirect.gather [spmem:s2], $0x40, s17, s29, $0xb8;
	[tilespmem:$0x1B260] =	vst v63  }
0xba: {  	s30 =	simm.s32 $0x9CE0  }
0xbb: {  	[tilespmem:s1], [sflag:$0x3] =	stream.indirect.gather [spmem:s2], $0x40, s30, s29, $0xb8;
	[tilespmem:$0x1B260] =	vst v63  }
0xbc: {  	s11 =	simm.s32 $0x9D30  }
0xbd: {  	[tilespmem:s4], [sflag:$0x3] =	stream.indirect.gather [spmem:s2], $0x40, s11, s29, $0xb8;
	[tilespmem:$0x1B260] =	vst v63  }
0xbe: {  	s13 =	simm.s32 $0x9D80  }
0xbf: {  	[tilespmem:s7], [sflag:$0x3] =	stream.indirect.gather [spmem:s2], $0x40, s13, s29, $0xb8;
	[tilespmem:$0x1B260] =	vst v63  }
0xc0: {  	_ =	swait.ge [sflag:s9], $0x6400  }
0xc1: {  	[sflag:s9] =	ssyncset.done $0x0  }
0xc2: {  	s17 =	rddreg [dreg:$0xc];
	[sflag:s9] =	ssyncadd.s32 $0xFFFF9C00  }
0xc3: {  	[hbm4b:s17+s23] =	stream.strided.scatter [tilespmem:s25], [sflag:$0x1], $0x6400, s24, s23, $0x38;
	[tilespmem:$0x1B260] =	vst v63  }
0xc4: {  	s19 =	simm.s32 $0x9DD0  }
0xc5: {  	[tilespmem:s26], [sflag:$0x4] =	stream.indirect.gather [spmem:s2], $0x40, s19, s29, $0xb8;
	[tilespmem:$0x1B260] =	vst v63  }
0xc6: {  	s30 =	simm.s32 $0x9E20  }
0xc7: {  	[tilespmem:s14], [sflag:$0x4] =	stream.indirect.gather [spmem:s2], $0x40, s30, s29, $0xb8;
	[tilespmem:$0x1B260] =	vst v63  }
0xc8: {  	s11 =	simm.s32 $0x9E70  }
0xc9: {  	[tilespmem:s15], [sflag:$0x4] =	stream.indirect.gather [spmem:s2], $0x40, s11, s29, $0xb8;
	[tilespmem:$0x1B260] =	vst v63  }
0xca: {  	s13 =	simm.s32 $0x9EC0  }
0xcb: {  	[tilespmem:s12], [sflag:$0x4] =	stream.indirect.gather [spmem:s2], $0x40, s13, s29, $0xb8;
	[tilespmem:$0x1B260] =	vst v63  }
0xcc: {  	s17 =	simm.s32 $0x9F10  }
0xcd: {  	[tilespmem:s0], [sflag:$0x4] =	stream.indirect.gather [spmem:s2], $0x40, s17, s29, $0xb8;
	[tilespmem:$0x1B260] =	vst v63  }
0xce: {  	_ =	swait.ge [sflag:s3], $0x6400  }
0xcf: {  	[sflag:s3] =	ssyncset.done $0x0  }
0xd0: {  	s19 =	rddreg [dreg:$0xd];
	[sflag:s3] =	ssyncadd.s32 $0xFFFF9C00  }
0xd1: {  	[hbm4b:s19+s23] =	stream.strided.scatter [tilespmem:s26], [sflag:$0x2], $0x6400, s24, s23, $0x38;
	[tilespmem:$0x1B260] =	vst v63  }
0xd2: {  	_ =	swait.ge [sflag:s28], $0x6400  }
0xd3: {  	[sflag:s28] =	ssyncset.done $0x0  }
0xd4: {  	s30 =	simm.s32 $0x9F60;
	[sflag:s28] =	ssyncadd.s32 $0xFFFF9C00  }
0xd5: {  	[tilespmem:s25], [sflag:$0x3] =	stream.indirect.gather [spmem:s2], $0x40, s30, s29, $0xb8;
	[tilespmem:$0x1B260] =	vst v63  }
0xd6: {  	s11 =	simm.s32 $0x9FB0  }
0xd7: {  	[tilespmem:s31], [sflag:$0x3] =	stream.indirect.gather [spmem:s2], $0x40, s11, s29, $0xb8;
	[tilespmem:$0x1B260] =	vst v63  }
0xd8: {  	s13 =	simm.s32 $0xA000  }
0xd9: {  	[tilespmem:s1], [sflag:$0x3] =	stream.indirect.gather [spmem:s2], $0x40, s13, s29, $0xb8;
	[tilespmem:$0x1B260] =	vst v63  }
0xda: {  	s17 =	simm.s32 $0xA050  }
0xdb: {  	[tilespmem:s4], [sflag:$0x3] =	stream.indirect.gather [spmem:s2], $0x40, s17, s29, $0xb8;
	[tilespmem:$0x1B260] =	vst v63  }
0xdc: {  	s19 =	simm.s32 $0xA0A0  }
0xdd: {  	[tilespmem:s7], [sflag:$0x3] =	stream.indirect.gather [spmem:s2], $0x40, s19, s29, $0xb8;
	[tilespmem:$0x1B260] =	vst v63  }
0xde: {  	_ =	swait.ge [sflag:s9], $0x6400  }
0xdf: {  	s30 =	sshrl.u32 s20, $0x3;
	[sflag:s9] =	ssyncset.done $0x0  }
0xe0: {  	s8 =	sadd.s32 s5, s30;
	[sflag:s9] =	ssyncadd.s32 $0xFFFF9C00  }
0xe1: {  	[hbm4b:s8+s23] =	stream.strided.scatter [tilespmem:s25], [sflag:$0x1], $0x6400, s24, s23, $0x38;
	[tilespmem:$0x1B260] =	vst v63  }
0xe2: {  	_ =	swait.ge [sflag:s10], $0x6400  }
0xe3: {  	[sflag:s10] =	ssyncset.done $0x0  }
0xe4: {  	s11 =	simm.s32 $0xA0F0;
	[sflag:s10] =	ssyncadd.s32 $0xFFFF9C00  }
0xe5: {  	[tilespmem:s26], [sflag:$0x4] =	stream.indirect.gather [spmem:s2], $0x40, s11, s29, $0xb8;
	[tilespmem:$0x1B260] =	vst v63  }
0xe6: {  	s13 =	simm.s32 $0xA140  }
0xe7: {  	[tilespmem:s14], [sflag:$0x4] =	stream.indirect.gather [spmem:s2], $0x40, s13, s29, $0xb8;
	[tilespmem:$0x1B260] =	vst v63  }
0xe8: {  	s17 =	simm.s32 $0xA190  }
0xe9: {  	[tilespmem:s15], [sflag:$0x4] =	stream.indirect.gather [spmem:s2], $0x40, s17, s29, $0xb8;
	[tilespmem:$0x1B260] =	vst v63  }
0xea: {  	s19 =	simm.s32 $0xA1E0  }
0xeb: {  	[tilespmem:s12], [sflag:$0x4] =	stream.indirect.gather [spmem:s2], $0x40, s19, s29, $0xb8;
	[tilespmem:$0x1B260] =	vst v63  }
0xec: {  	s30 =	simm.s32 $0xA230  }
0xed: {  	[tilespmem:s0], [sflag:$0x4] =	stream.indirect.gather [spmem:s2], $0x40, s30, s29, $0xb8;
	[tilespmem:$0x1B260] =	vst v63  }
0xee: {  	_ =	swait.ge [sflag:s3], $0x6400  }
0xef: {  	s8 =	sadd.s32 $0x19000, s20;
	s11 =	simm.s32 $0xC80;
	[sflag:s3] =	ssyncset.done $0x0  }
0xf0: {  	s13 =	sadd.s32 $0x3200, s16;
	s19 =	smov.u32 s16;
	[sflag:s3] =	ssyncadd.s32 $0xFFFF9C00  }
.LBB2_4:
0xf1: {  	[hbm4b:s19+s23] =	stream.strided.scatter [tilespmem:s26], [sflag:$0x2], $0x6400, s24, s23, $0x38;
	[tilespmem:$0x1B260] =	vst v63  }
0xf2: {  	s30 =	smov.u32 s11;
	s19 =	smov.u32 s13  }
0xf3: {  	p0 =	sne.s32 s11, $0x11F80;
	s11 =	sadd.s32 $0xC80, s11;
	_ =	swait.ge [sflag:s28], $0x6400  }
0xf4: {  	s30 =	sshra.s32 s30, $0x2;
	[sflag:s28] =	ssyncset.done $0x0  }
0xf5: {  	s17 =	sadd.s32 $0x9F60, s30;
	[sflag:s28] =	ssyncadd.s32 $0xFFFF9C00  }
0xf6: {  	[tilespmem:s25], [sflag:$0x3] =	stream.indirect.gather [spmem:s2], $0x40, s17, s29, $0xb8;
	[tilespmem:$0x1B260] =	vst v63  }
0xf7: {  	s17 =	sadd.s32 $0x9FB0, s30  }
0xf8: {  	[tilespmem:s31], [sflag:$0x3] =	stream.indirect.gather [spmem:s2], $0x40, s17, s29, $0xb8;
	[tilespmem:$0x1B260] =	vst v63  }
0xf9: {  	s17 =	sadd.s32 $0xA000, s30  }
0xfa: {  	[tilespmem:s1], [sflag:$0x3] =	stream.indirect.gather [spmem:s2], $0x40, s17, s29, $0xb8;
	[tilespmem:$0x1B260] =	vst v63  }
0xfb: {  	s17 =	sadd.s32 $0xA050, s30  }
0xfc: {  	[tilespmem:s4], [sflag:$0x3] =	stream.indirect.gather [spmem:s2], $0x40, s17, s29, $0xb8;
	[tilespmem:$0x1B260] =	vst v63  }
0xfd: {  	s17 =	sadd.s32 $0xA0A0, s30  }
0xfe: {  	[tilespmem:s7], [sflag:$0x3] =	stream.indirect.gather [spmem:s2], $0x40, s17, s29, $0xb8;
	[tilespmem:$0x1B260] =	vst v63  }
0xff: {  	_ =	swait.ge [sflag:s9], $0x6400  }
0x100: {  	s17 =	sshrl.u32 s8, $0x3;
	[sflag:s9] =	ssyncset.done $0x0  }
0x101: {  	s17 =	sadd.s32 s5, s17;
	[sflag:s9] =	ssyncadd.s32 $0xFFFF9C00  }
0x102: {  	[hbm4b:s17+s23] =	stream.strided.scatter [tilespmem:s25], [sflag:$0x1], $0x6400, s24, s23, $0x38;
	[tilespmem:$0x1B260] =	vst v63  }
0x103: {  	_ =	swait.ge [sflag:s10], $0x6400  }
0x104: {  	[sflag:s10] =	ssyncset.done $0x0  }
0x105: {  	s17 =	sadd.s32 $0xA0F0, s30;
	[sflag:s10] =	ssyncadd.s32 $0xFFFF9C00  }
0x106: {  	[tilespmem:s26], [sflag:$0x4] =	stream.indirect.gather [spmem:s2], $0x40, s17, s29, $0xb8;
	[tilespmem:$0x1B260] =	vst v63  }
0x107: {  	s17 =	sadd.s32 $0xA140, s30  }
0x108: {  	[tilespmem:s14], [sflag:$0x4] =	stream.indirect.gather [spmem:s2], $0x40, s17, s29, $0xb8;
	[tilespmem:$0x1B260] =	vst v63  }
0x109: {  	s17 =	sadd.s32 $0xA190, s30  }
0x10a: {  	[tilespmem:s15], [sflag:$0x4] =	stream.indirect.gather [spmem:s2], $0x40, s17, s29, $0xb8;
	[tilespmem:$0x1B260] =	vst v63  }
0x10b: {  	s17 =	sadd.s32 $0xA1E0, s30  }
0x10c: {  	[tilespmem:s12], [sflag:$0x4] =	stream.indirect.gather [spmem:s2], $0x40, s17, s29, $0xb8;
	[tilespmem:$0x1B260] =	vst v63  }
.Ltmp1:
0x10d: {  	s17 =	sadd.s32 $0xA230, s30;
	(pc) =	sbr.rel @p0 .LBB2_4-.Ltmp1, $4  }
0x10e: {  	[tilespmem:s0], [sflag:$0x4] =	stream.indirect.gather [spmem:s2], $0x40, s17, s29, $0xb8;
	[tilespmem:$0x1B260] =	vst v63  }
0x10f: {  	_ =	swait.ge [sflag:s3], $0x6400  }
0x110: {  	[sflag:s3] =	ssyncset.done $0x0  }
0x111: {  	s13 =	sadd.s32 $0x3200, s13;
	s8 =	sadd.s32 $0x19000, s8;
	[sflag:s3] =	ssyncadd.s32 $0xFFFF9C00  }
0x112: {  	[hbm4b:s19+s23] =	stream.strided.scatter [tilespmem:s26], [sflag:$0x2], $0x6400, s24, s23, $0x38;
	[tilespmem:$0x1B260] =	vst v63  }
0x113: {  	_ =	swait.ge [sflag:s28], $0x6400  }
0x114: {  	[sflag:s28] =	ssyncset.done $0x0  }
0x115: {  	[sflag:s28] =	ssyncadd.s32 $0xFFFF9C00  }
0x116: {  	_ =	swait.ge [sflag:s10], $0x6400  }
0x117: {  	s6 =	sadd.s32 $0x1, s6;
	s8 =	rddreg [dreg:$0x9]  }
0x118: {  	p0 =	sne.s32 s6, s8  }
.Ltmp2:
0x119: {  	_ = 	snop;
	(pc) =	sbr.rel @p0 .LBB2_1-.Ltmp2, $3  }
0x11a: {  	_ =	sdelay $0x1  }
0x11b: {  	[sflag:s10] =	ssyncset.done $0x0  }
0x11c: {  	s17 =	simm.s32 $0x9C90;
	[sflag:s10] =	ssyncadd.s32 $0xFFFF9C00  }
0x11d: {  	_ =	sfence.sel $0x180000  }
0x11e: {  	[bflag:$0x0] =	sbarrier.arrive $0xFFFF  }
0x11f: {  	_ =	strace $0x9000004D  }
0x120: {  	s0 =	stileid.u32;
	[bflag:$0x2] =	sbarrier.arrive $0xFFFF  }
0x121: {  	p0 =	sne.s32 s0, $0x0;
	s0 =	rddreg [dreg:$0x2]  }
0x122: {  	s0 =	sadd.s32 @!p0 $0x100000, s0  }
0x123: {  	[sflag:s0] =	ssyncadd.tile.s32 @!p0 $0x1;
	_ =	shalt  }
.Lfunc_end2:
_tile_overlayer_lowered:
.L_overlay_start_2:
0x124: {  	(tag) =	ssettag $0x2  }
0x125: {  	s0 =	rddreg [dreg:$0x0];
	s2 =	stileid.u32  }
0x126: {  	s1 =	rddreg [dreg:$0x1];
	p0 =	sne.s32 s2, $0x0  }
0x127: {  	s3 =	rddreg [dreg:$0x2];
	[bflag:$0x3] =	sbarrier.arrive $0xFFFF;
	s2 =	simm.s32 @!p0 $0x1C05  }
0x128: {  	[timem:s3], [sflag:s2] =	dma.local @!p0 [hbm:s0], s1  }
0x129: {  	s0 =	simm.s32 @!p0 $0x5  }
0x12a: {  	_ =	swait.ge @!p0 [sflag:s0], s1  }
0x12b: {  	s1 =	ssub.s32 @!p0 $0x0, s1;
	[sflag:s0] =	ssyncset.done @!p0 $0x0  }
0x12c: {  	[sflag:s0] =	ssyncadd.s32 @!p0 s1  }
0x12d: {  	[bflag:$0x3] =	sbarrier.arrive $0xFFFF  }
0x12e: {  	_ =	shalt  }

// kernel: kernel.21.cloned.1.call-start
scs
__scs_entry_jumppad:
0x0: {  	(pc) =	sbr.rel $0x88, $3  }
0x1: {  	(tag) =	ssettag $0x0;
	lr =	simm.s32 $0x1  }
0x2: {  	[smem:$0x3F98] =	sst lr;
	_ =	strace $0xD0000000  }
0x3: {  	_ = 	snop  }
0x4: {  	_ = 	snop  }
0x5: {  	_ = 	snop  }
0x6: {  	_ = 	snop  }
0x7: {  	_ = 	snop  }
__scs_overlays_trampoline_lowered:
0x8: {  	[smem:$0x3FA7] =	sst s0  }
0x9: {  	[smem:$0x3FA8] =	sst s1  }
0xa: {  	[smem:$0x3FA9] =	sst s2  }
0xb: {  	[smem:$0x3FAA] =	sst s3  }
0xc: {  	[smem:$0x3FAB] =	sst s4  }
0xd: {  	[smem:$0x3FAC] =	sst s5  }
0xe: {  	[smem:$0x3FAD] =	sst s6  }
0xf: {  	[smem:$0x3FAE] =	sst s7  }
0x10: {  	[smem:$0x3FAF] =	sst s8  }
0x11: {  	[smem:$0x3FB0] =	sst s9;
	s0 =	simm.s32 @!p0 $0x0  }
0x12: {  	s1 =	sld [smem:$0x3F96];
	s0 =	simm.s32 @p0 $0x1  }
0x13: {  	[smem:$0x3FB1] =	sst s0;
	s0 =	simm.s32 @!p1 $0x0  }
0x14: {  	s2 =	sld [smem:$0x3F95];
	s0 =	simm.s32 @p1 $0x1  }
0x15: {  	[smem:$0x3FB2] =	sst s0;
	s0 =	simm.s32 @!p2 $0x0  }
0x16: {  	s3 =	sld [smem:$0x3FDB];
	s0 =	simm.s32 @p2 $0x1  }
0x17: {  	s4 =	simm.s32 $0x1BF5;
	[smem:$0x3FB4] =	sst s0  }
0x18: {  	s0 =	sld [smem:$0x3F97];
	_ =	swait.ge [sflag:s4], $0x0  }
0x19: {  	s7 =	sld [smem:$0x3F98]  }
0x1a: {  	s8 =	sadd.s32 $0xFFFFE003, lr  }
0x1b: {  	s9 =	sadd.s32 $0xFFFFFEF7, lr;
	s5 =	simm.s32 $0xFFFFFFFF;
	p2 =	slt.u32 s8, $0xFFFFF086  }
0x1c: {  	p1 =	slt.u32 s9, $0xF7A;
	s5 =	simm.s32 @!p2 $0x0  }
0x1d: {  	s5 =	simm.s32 @p1 $0x1;
	p0 =	seq.s32 s7, s2  }
0x1e: {  	s7 =	smul.u32 @!p0 $0xF7A, s2;
	p2 =	seq.s32 @!p0 s5, $0x0  }
0x1f: {  	s9 =	smul.u32 $0xF7A, s1;
	s8 =	simm.s32 @!p0 $0x1BF5;
	p2 =	por !p2, p0  }
0x20: {  	[sflag:s8] =	ssyncset.s32 @!p0 $0xFFFFF086;
	s6 =	sadd.s32 @!p0 s3, s7;
	s7 =	simm.s32 @!p0 $0x108  }
0x21: {  	s3 =	sadd.s32 s3, s9;
	s6 =	sadd.s32 @!p0 $0x88, s6;
	s7 =	simm.s32 @p2 $0x1082  }
0x22: {  	[simem:s7], [sflag:s8] =	dma.local @!p0 [hbm:s6], $0xF7A  }
0x23: {  	s9 =	sor.u32 $0xD0000000, s2;
	s6 =	simm.s32 $0x108;
	_ =	swait.ge @!p0 [sflag:s8], $0x0  }
0x24: {  	s3 =	sadd.s32 $0x88, s3;
	s6 =	simm.s32 @!p1 $0x1082;
	[sflag:s4] =	ssyncset.s32 $0xFFFFF086  }
0x25: {  	[simem:s6], [sflag:s4] =	dma.local [hbm:s3], $0xF7A  }
0x26: {  	[smem:$0x3F98] =	sst s1;
	(tag) =	ssettag s2;
	_ =	strace s9  }
0x27: {  	s1 =	sld [smem:$0x3FA8]  }
0x28: {  	s2 =	sld [smem:$0x3FA9]  }
0x29: {  	s4 =	sld [smem:$0x3FAB]  }
0x2a: {  	p0 =	seq.s32 s5, $0x0;
	s5 =	sld [smem:$0x3FAC]  }
0x2b: {  	s6 =	sld [smem:$0x3FAD]  }
0x2c: {  	s7 =	sld [smem:$0x3FAE]  }
0x2d: {  	s3 =	simm.s32 $0x108;
	s8 =	sld [smem:$0x3FAF]  }
0x2e: {  	s3 =	simm.s32 @!p0 $0x1082;
	s9 =	sld [smem:$0x3FB0]  }
0x2f: {  	lr =	sadd.s32 s0, s3;
	s0 =	sld [smem:$0x3FA7]  }
0x30: {  	s3 =	sld [smem:$0x3FAA]  }
0x31: {  	[smem:$0x3FB3] =	sst s10  }
0x32: {  	s10 =	sld [smem:$0x3FB1];
	_ =	sdelay $0x3  }
0x33: {  	p0 =	seq.s32 s10, $0x1;
	s10 =	sld [smem:$0x3FB3];
	_ =	sdelay $0x3  }
0x34: {  	[smem:$0x3FB3] =	sst s10  }
0x35: {  	s10 =	sld [smem:$0x3FB2];
	_ =	sdelay $0x3  }
0x36: {  	p1 =	seq.s32 s10, $0x1;
	s10 =	sld [smem:$0x3FB3];
	_ =	sdelay $0x3  }
0x37: {  	[smem:$0x3FB3] =	sst s10  }
0x38: {  	s10 =	sld [smem:$0x3FB4]  }
0x39: {  	_ = 	snop;
	(pc) =	sbr.ind lr, $3  }
0x3a: {  	_ = 	snop  }
0x3b: {  	_ = 	snop  }
0x3c: {  	p2 =	seq.s32 s10, $0x1;
	s10 =	sld [smem:$0x3FB3]  }
0x3d: {  	_ =	shalt  }
0x3e: {  	_ =	shalt  }
0x3f: {  	_ =	shalt  }
0x40: {  	_ =	shalt  }
0x41: {  	_ =	shalt  }
0x42: {  	_ =	shalt  }
0x43: {  	_ =	shalt  }
0x44: {  	_ =	shalt  }
0x45: {  	_ =	shalt  }
0x46: {  	_ =	shalt  }
0x47: {  	_ =	shalt  }
0x48: {  	_ =	shalt  }
0x49: {  	_ =	shalt  }
0x4a: {  	_ =	shalt  }
0x4b: {  	_ =	shalt  }
0x4c: {  	_ =	shalt  }
0x4d: {  	_ =	shalt  }
0x4e: {  	_ =	shalt  }
0x4f: {  	_ =	shalt  }
0x50: {  	_ =	shalt  }
0x51: {  	_ =	shalt  }
0x52: {  	_ =	shalt  }
0x53: {  	_ =	shalt  }
0x54: {  	_ =	shalt  }
0x55: {  	_ =	shalt  }
0x56: {  	_ =	shalt  }
0x57: {  	_ =	shalt  }
0x58: {  	_ =	shalt  }
0x59: {  	_ =	shalt  }
0x5a: {  	_ =	shalt  }
0x5b: {  	_ =	shalt  }
0x5c: {  	_ =	shalt  }
0x5d: {  	_ =	shalt  }
0x5e: {  	_ =	shalt  }
0x5f: {  	_ =	shalt  }
0x60: {  	_ =	shalt  }
0x61: {  	_ =	shalt  }
0x62: {  	_ =	shalt  }
0x63: {  	_ =	shalt  }
0x64: {  	_ =	shalt  }
0x65: {  	_ =	shalt  }
0x66: {  	_ =	shalt  }
0x67: {  	_ =	shalt  }
0x68: {  	_ =	shalt  }
0x69: {  	_ =	shalt  }
0x6a: {  	_ =	shalt  }
0x6b: {  	_ =	shalt  }
0x6c: {  	_ =	shalt  }
0x6d: {  	_ =	shalt  }
0x6e: {  	_ =	shalt  }
0x6f: {  	_ =	shalt  }
0x70: {  	_ =	shalt  }
0x71: {  	_ =	shalt  }
0x72: {  	_ =	shalt  }
0x73: {  	_ =	shalt  }
0x74: {  	_ =	shalt  }
0x75: {  	_ =	shalt  }
0x76: {  	_ =	shalt  }
0x77: {  	_ =	shalt  }
0x78: {  	_ =	shalt  }
0x79: {  	_ =	shalt  }
0x7a: {  	_ =	shalt  }
0x7b: {  	_ =	shalt  }
0x7c: {  	_ =	shalt  }
0x7d: {  	_ =	shalt  }
0x7e: {  	_ =	shalt  }
0x7f: {  	_ =	shalt  }
0x80: {  	_ =	shalt  }
0x81: {  	_ =	shalt  }
0x82: {  	_ =	shalt  }
0x83: {  	_ =	shalt  }
0x84: {  	_ =	shalt  }
0x85: {  	_ =	shalt  }
0x86: {  	_ =	shalt  }
0x87: {  	_ =	shalt  }
.Lfunc_end0:
.L_simem_size_0:
called_computation.3_lowered:
.L_overlay_start_0:
0x88: {  	s2 =	sld [smem:$0x3FD9]  }
0x89: {  	s3 =	sld [smem:$0x3FFE];
	_ =	sdelay $0x1  }
0x8a: {  	s1 =	srdreg.scid  }
0x8b: {  	s0 =	sand.u32 $0x1, s1  }
0x8c: {  	s14 =	sshll.u32 s0, $0xA;
	s2 =	sadd.s32 s3, s2  }
0x8d: {  	s2 =	sadd.s32 s2, s14  }
0x8e: {  	[smem:$0x3FBF] =	sst s2  }
0x8f: {  	_ = 	snop  }
0x90: {  	s2 =	sld [smem:$0x3FD0];
	_ =	sdelay $0x2  }
0x91: {  	s15 =	simm.s32 $0xA;
	s4 =	simm.s32 $0x10  }
0x92: {  	[smem:s4], [sflag:s15] =	dma.local [hbm:s2], $0x1  }
0x93: {  	_ =	swait.eq [sflag:s15], $0x1  }
0x94: {  	[sflag:s15] =	ssyncset.done $0x0  }
0x95: {  	[sflag:s15] =	ssyncadd.s32 $0xFFFFFFFF  }
0x96: {  	s16 =	sld [smem:$0x11];
	(tm) =	ssettm $0x1  }
0x97: {  	s17 =	sld [smem:$0x3FFB];
	_ =	sdelay $0x3  }
0x98: {  	_ =	strace s17  }
0x99: {  	s3 =	sld [smem:$0x3FFC];
	_ =	sdelay $0x3  }
0x9a: {  	_ =	strace s3  }
0x9b: {  	s3 =	sld [smem:$0x3FFD];
	_ =	sdelay $0x3  }
0x9c: {  	_ =	strace s3  }
0x9d: {  	_ =	strace $0x8FFFFFFF  }
0x9e: {  	s18 =	sld [smem:$0x3FDB];
	_ =	sdelay $0x1  }
0x9f: {  	s19 =	simm.s32 $_scs_section_size  }
0xa0: {  	s5 =	simm.s32 $_size__tile_overlayer_lowered;
	s6 =	simm.s32 $_tile_overlayer_lowered  }
0xa1: {  	s22 =	simm.s32 $0x1BFF;
	s21 =	sshll.u32 s6, $0x1;
	s3 =	sadd.s32 s19, s18  }
0xa2: {  	s7 =	simm.s32 $0x0;
	s20 =	sshll.u32 s5, $0x1;
	s5 =	sadd.s32 s21, s3  }
0xa3: {  	[timem:s7], [sflag:s22] =	dma.local [hbm:s5], s20  }
0xa4: {  	_ =	swait.ge [sflag:s22], s20  }
0xa5: {  	s4 =	ssub.s32 $0x0, s20;
	[sflag:s22] =	ssyncset.done $0x0  }
0xa6: {  	[sflag:s22] =	ssyncadd.s32 s4;
	_ =	sdelay $0x1  }
0xa7: {  	s23 =	simm.s32 $0x1B8B  }
0xa8: {  	_ =	swait.ge [sflag:s23], $0x1  }
0xa9: {  	[sflag:s23] =	ssyncset.done $0x0  }
0xaa: {  	s25 =	simm.s32 $0x1B8E;
	s24 =	sld [smem:$0x3FFE];
	[sflag:s23] =	ssyncadd.s32 $0xFFFFFFFF  }
0xab: {  	s26 =	simm.s32 $execute0_lowered;
	[smem:$0x3FD2] =	sst s25  }
0xac: {  	s5 =	sshll.u32 s26, $0x1;
	_ =	strace $0x8000004F;
	[dreg:$0x1] =	wrdreg $0xFFFFFFFF  }
0xad: {  	s28 =	simm.s32 $_size_execute0_lowered;
	s3 =	sadd.s32 s3, s5;
	[dreg:$0x0] =	wrdreg $0x0  }
0xae: {  	s5 =	sshll.u32 s28, $0x1;
	[dreg:$0x2] =	wrdreg s3  }
0xaf: {  	[dreg:$0x3] =	wrdreg s5  }
0xb0: {  	[dreg:$0x4] =	wrdreg $0xC0  }
0xb1: {  	_ =	task [dreg:s7], $0x5FFFF  }
0xb2: {  	[dreg:$0x1] =	wrdreg $0xFFFFFFFF  }
0xb3: {  	[dreg:$0x0] =	wrdreg $0x60  }
0xb4: {  	[dreg:$0x2] =	wrdreg s24  }
0xb5: {  	[dreg:$0x3] =	wrdreg s16  }
0xb6: {  	[dreg:$0x4] =	wrdreg $0x0  }
0xb7: {  	[dreg:$0x5] =	wrdreg $0x9  }
0xb8: {  	_ =	task.clear_ibuf [dreg:s7], $0x6FFFF;
	_ =	strace $0x9000004F  }
0xb9: {  	s29 =	simm.s32 $0x9;
	_ =	strace $0x80000051  }
0xba: {  	_ =	swait.ge [sflag:s29], $0x1  }
0xbb: {  	[sflag:s29] =	ssyncadd.s32 $0xFFFFFFFF  }
0xbc: {  	_ =	strace $0x90000051  }
0xbd: {  	_ =	sfence  }
0xbe: {  	s30 =	sld [smem:$0x0];
	_ =	sdelay $0x2  }
0xbf: {  	s31 =	sshll.u32 s1, $0xD;
	s1 =	sshrl.u32 s1, $0x2  }
0xc0: {  	s3 =	sand.u32 $0x4000, s31;
	s1 =	sadd.s32 s1, s30  }
0xc1: {  	s0 =	sor.u32 s3, s0;
	s1 =	sshll.u32 s1, $0x11  }
0xc2: {  	s0 =	sor.u32 s1, s0  }
0xc3: {  	s0 =	sadd.s32 $0x8F2B, s0  }
0xc4: {  	[sflag:s0] =	ssyncadd.remote.s32 $0x1  }
0xc5: {  	_ =	sfence.sel $0xFFFF  }
0xc6: {  	[dreg:$0x0] =	wrdreg $0xFFFFFFFF;
	(pc) =	sbr.abs _section_cstart, $3  }
0xc7: {  	[dreg:$0x1] =	wrdreg $0xFFFFFFFF  }
0xc8: {  	_ =	task.clear_ibuf [dreg:s7], $0x2FFFF;
	_ =	strace $0x9FFFFFFF  }
0xc9: {  	(tm) =	ssettm $0x7FFFFFFF  }
tec
execute0_lowered:
.L_overlay_start_1:
0x0: {  	(tag) =	ssettag $0x1  }
0x1: {  	s0 =	rddreg [dreg:$0x0]  }
0x2: {  	s1 =	rddreg [dreg:$0x1]  }
0x3: {  	s2 =	rddreg [dreg:$0x2];
	s3 =	simm.s32 $0x0;
	s10 =	stileid.u32  }
0x4: {  	s5 =	srdreg.scid;
	s29 =	simm.s32 $0x11260;
	s13 =	smul.u32 $0x9C4, s10  }
0x5: {  	s31 =	simm.s32 $0x12660;
	s28 =	simm.s32 $0x2;
	s15 =	smul.u32 $0x271000, s10  }
0x6: {  	s30 =	simm.s32 $0x16260;
	[smem:$0x7FF] =	sst s3;
	s7 =	smul.u32 $0x271, s10  }
0x7: {  	s4 =	sadd.s32 $0x112CE00, s0;
	s14 =	sand.u32 $0x1, s5;
	s9 =	smul.u32 $0x27100, s10  }
0x8: {  	s10 =	smul.u32 $0x13880, s10;
	_ =	strace $0x80000050;
	s6 =	ssub.s32 $0x2, s14  }
0x9: {  	s3 =	sadd.s32 s13, s0;
	s0 =	sadd.s32 $0x15E00, s0;
	s8 =	sshrl.u32 s6, $0x1  }
0xa: {  	s17 =	sshrl.u32 s9, $0x2;
	s18 =	sadd.s32 $0x190, s7;
	[dreg:$0x4] =	wrdreg s0  }
0xb: {  	s0 =	sshll.u32 s14, $0x6;
	s6 =	ssub.s32 s6, s8;
	s3 =	sadd.s32 $0xC000, s3  }
0xc: {  	s7 =	sadd.s32 s17, s2;
	s19 =	sshll.u32 s18, $0x6;
	s9 =	sshll.u32 s18, $0x7  }
0xd: {  	s17 =	simm.s32 $0x9C40;
	s18 =	simm.s32 $0x5;
	s5 =	sor.u32 s0, s15  }
0xe: {  	[dreg:$0x5] =	wrdreg s3;
	s8 =	sadd.s32 s19, s2;
	s20 =	sor.u32 s0, s10  }
0xf: {  	s0 =	sor.u32 s0, s9;
	s23 =	smax.u32 s6, $0x1;
	s19 =	simm.s32 $0x40  }
0x10: {  	s6 =	simm.s32 $0x0;
	s16 =	sshrl.u32 s5, $0x3;
	s21 =	sadd.s32 $0xC800, s5  }
0x11: {  	s0 =	sshrl.u32 s0, $0x3;
	[dreg:$0x9] =	wrdreg s23;
	s25 =	sadd.s32 $0x25800, s5  }
0x12: {  	s26 =	sadd.s32 $0x32000, s5;
	s23 =	simm.s32 $0x1;
	s5 =	simm.s32 $0x4  }
0x13: {  	s3 =	sadd.s32 s4, s16;
	s22 =	sshrl.u32 s21, $0x3;
	s0 =	sadd.s32 s1, s0  }
0x14: {  	s21 =	simm.s32 $0xEA60;
	[dreg:$0x6] =	wrdreg s3;
	s3 =	sshrl.u32 s20, $0x3  }
0x15: {  	[dreg:$0x8] =	wrdreg s0;
	s12 =	sadd.s32 s4, s22;
	s0 =	sshrl.u32 s25, $0x3  }
0x16: {  	s20 =	simm.s32 $0x80;
	s22 =	simm.s32 $0x14E60;
	s25 =	simm.s32 $0x3  }
0x17: {  	s3 =	sadd.s32 s1, s3;
	s24 =	sadd.s32 $0x1900, s12;
	s1 =	sshrl.u32 s26, $0x3  }
0x18: {  	s15 =	sadd.s32 s0, s4;
	s26 =	simm.s32 $0xFE60;
	[dreg:$0x7] =	wrdreg s3  }
0x19: {  	s0 =	simm.s32 $0x17660;
	[dreg:$0xa] =	wrdreg s24;
	s3 =	sadd.s32 $0x4B000, s12  }
0x1a: {  	s16 =	sadd.s32 s1, s4;
	s24 =	simm.s32 $0x50;
	s1 =	simm.s32 $0x13A60  }
0x1b: {  	s4 =	simm.s32 $0x19E60;
	[dreg:$0xb] =	wrdreg s3;
	s3 =	simm.s32 $0x18A60  }
.LBB2_1:
0x1c: {  	s9 =	simm.s32 $0x0;
	s10 =	rddreg [dreg:$0x5]  }
0x1d: {  	[tilespmem:s17], [sflag:$0x5] =	stream.linear.gather [hbm4b:s10+s9], $0x4E20, $0x38;
	[tilespmem:$0x1B260] =	vst v63  }
0x1e: {  	_ =	swait.ge [sflag:s18], $0x4E20  }
0x1f: {  	[sflag:s18] =	ssyncset.done $0x0  }
0x20: {  	s13 =	rddreg [dreg:$0x6];
	[sflag:s18] =	ssyncadd.s32 $0xFFFFB1E0  }
0x21: {  	[tilespmem:s21], [sflag:$0x1] =	stream.strided.gather [hbm4b:s13+s19], $0x6400, s20, s19, $0x38;
	[tilespmem:$0x1B260] =	vst v63  }
0x22: {  	s14 =	rddreg [dreg:$0x4]  }
0x23: {  	[tilespmem:s22], [sflag:$0x5] =	stream.linear.gather [hbm4b:s14+s9], $0x6400, $0x38;
	[tilespmem:$0x1B260] =	vst v63  }
0x24: {  	_ =	swait.ge [sflag:s18], $0x6400  }
0x25: {  	[sflag:s18] =	ssyncset.done $0x0  }
0x26: {  	[sflag:s18] =	ssyncadd.s32 $0xFFFF9C00  }
0x27: {  	[spmem:s7] =	stream.linear.scatter [tilespmem:s22], [sflag:$0x5], $0x6400, $0x38;
	[tilespmem:$0x1B260] =	vst v63  }
0x28: {  	_ =	swait.ge [sflag:s18], $0x6400  }
0x29: {  	[sflag:s18] =	ssyncset.done $0x0  }
0x2a: {  	[sflag:s18] =	ssyncadd.s32 $0xFFFF9C00  }
0x2b: {  	[spmem:s8] =	stream.linear.scatter [tilespmem:s22], [sflag:$0x5], $0x3840, $0x38;
	[tilespmem:$0x1B260] =	vst v63  }
0x2c: {  	_ =	swait.ge [sflag:s18], $0x3840  }
0x2d: {  	[sflag:s18] =	ssyncset.done $0x0  }
0x2e: {  	[sflag:s18] =	ssyncadd.s32 $0xFFFFC7C0  }
0x2f: {  	[bflag:$0x0] =	sbarrier.arrive $0xFFFF  }
0x30: {  	[tilespmem:s22], [sflag:$0x2] =	stream.strided.gather [hbm4b:s12+s19], $0x6400, s20, s19, $0x38;
	[tilespmem:$0x1B260] =	vst v63  }
0x31: {  	_ =	swait.ge [sflag:s23], $0x6400  }
0x32: {  	[sflag:s23] =	ssyncset.done $0x0  }
0x33: {  	[sflag:s23] =	ssyncadd.s32 $0xFFFF9C00  }
0x34: {  	[spmem:s2] =	stream.indirect.scatter.add.f32 [tilespmem:s21], [sflag:$0x3], $0x40, s17, s24, $0xb8;
	[tilespmem:$0x1B260] =	vst v63  }
0x35: {  	s11 =	simm.s32 $0x9C90  }
0x36: {  	[spmem:s2] =	stream.indirect.scatter.add.f32 [tilespmem:s26], [sflag:$0x3], $0x40, s11, s24, $0xb8;
	[tilespmem:$0x1B260] =	vst v63  }
0x37: {  	s13 =	simm.s32 $0x9CE0  }
0x38: {  	[spmem:s2] =	stream.indirect.scatter.add.f32 [tilespmem:s29], [sflag:$0x3], $0x40, s13, s24, $0xb8;
	[tilespmem:$0x1B260] =	vst v63  }
0x39: {  	s14 =	simm.s32 $0x9D30  }
0x3a: {  	[spmem:s2] =	stream.indirect.scatter.add.f32 [tilespmem:s31], [sflag:$0x3], $0x40, s14, s24, $0xb8;
	[tilespmem:$0x1B260] =	vst v63  }
0x3b: {  	s10 =	simm.s32 $0x9D80  }
0x3c: {  	[spmem:s2] =	stream.indirect.scatter.add.f32 [tilespmem:s1], [sflag:$0x3], $0x40, s10, s24, $0xb8;
	[tilespmem:$0x1B260] =	vst v63  }
0x3d: {  	_ =	swait.ge [sflag:s25], $0x6400  }
0x3e: {  	[sflag:s25] =	ssyncset.done $0x0  }
0x3f: {  	s11 =	rddreg [dreg:$0xa];
	[sflag:s25] =	ssyncadd.s32 $0xFFFF9C00  }
0x40: {  	[tilespmem:s21], [sflag:$0x1] =	stream.strided.gather [hbm4b:s11+s19], $0x6400, s20, s19, $0x38;
	[tilespmem:$0x1B260] =	vst v63  }
0x41: {  	_ =	swait.ge [sflag:s28], $0x6400  }
0x42: {  	[sflag:s28] =	ssyncset.done $0x0  }
0x43: {  	s13 =	simm.s32 $0x9DD0;
	[sflag:s28] =	ssyncadd.s32 $0xFFFF9C00  }
0x44: {  	[spmem:s2] =	stream.indirect.scatter.add.f32 [tilespmem:s22], [sflag:$0x4], $0x40, s13, s24, $0xb8;
	[tilespmem:$0x1B260] =	vst v63  }
0x45: {  	s14 =	simm.s32 $0x9E20  }
0x46: {  	[spmem:s2] =	stream.indirect.scatter.add.f32 [tilespmem:s30], [sflag:$0x4], $0x40, s14, s24, $0xb8;
	[tilespmem:$0x1B260] =	vst v63  }
0x47: {  	s10 =	simm.s32 $0x9E70  }
0x48: {  	[spmem:s2] =	stream.indirect.scatter.add.f32 [tilespmem:s0], [sflag:$0x4], $0x40, s10, s24, $0xb8;
	[tilespmem:$0x1B260] =	vst v63  }
0x49: {  	s11 =	simm.s32 $0x9EC0  }
0x4a: {  	[spmem:s2] =	stream.indirect.scatter.add.f32 [tilespmem:s3], [sflag:$0x4], $0x40, s11, s24, $0xb8;
	[tilespmem:$0x1B260] =	vst v63  }
0x4b: {  	s13 =	simm.s32 $0x9F10  }
0x4c: {  	[spmem:s2] =	stream.indirect.scatter.add.f32 [tilespmem:s4], [sflag:$0x4], $0x40, s13, s24, $0xb8;
	[tilespmem:$0x1B260] =	vst v63  }
0x4d: {  	_ =	swait.ge [sflag:s5], $0x6400  }
0x4e: {  	[sflag:s5] =	ssyncset.done $0x0  }
0x4f: {  	[sflag:s5] =	ssyncadd.s32 $0xFFFF9C00  }
0x50: {  	[tilespmem:s22], [sflag:$0x2] =	stream.strided.gather [hbm4b:s15+s19], $0x6400, s20, s19, $0x38;
	[tilespmem:$0x1B260] =	vst v63  }
0x51: {  	_ =	swait.ge [sflag:s23], $0x6400  }
0x52: {  	[sflag:s23] =	ssyncset.done $0x0  }
0x53: {  	s14 =	simm.s32 $0x9F60;
	[sflag:s23] =	ssyncadd.s32 $0xFFFF9C00  }
0x54: {  	[spmem:s2] =	stream.indirect.scatter.add.f32 [tilespmem:s21], [sflag:$0x3], $0x40, s14, s24, $0xb8;
	[tilespmem:$0x1B260] =	vst v63  }
0x55: {  	s10 =	simm.s32 $0x9FB0  }
0x56: {  	[spmem:s2] =	stream.indirect.scatter.add.f32 [tilespmem:s26], [sflag:$0x3], $0x40, s10, s24, $0xb8;
	[tilespmem:$0x1B260] =	vst v63  }
0x57: {  	s11 =	simm.s32 $0xA000  }
0x58: {  	[spmem:s2] =	stream.indirect.scatter.add.f32 [tilespmem:s29], [sflag:$0x3], $0x40, s11, s24, $0xb8;
	[tilespmem:$0x1B260] =	vst v63  }
0x59: {  	s13 =	simm.s32 $0xA050  }
0x5a: {  	[spmem:s2] =	stream.indirect.scatter.add.f32 [tilespmem:s31], [sflag:$0x3], $0x40, s13, s24, $0xb8;
	[tilespmem:$0x1B260] =	vst v63  }
0x5b: {  	s14 =	simm.s32 $0xA0A0  }
0x5c: {  	[spmem:s2] =	stream.indirect.scatter.add.f32 [tilespmem:s1], [sflag:$0x3], $0x40, s14, s24, $0xb8;
	[tilespmem:$0x1B260] =	vst v63  }
0x5d: {  	_ =	swait.ge [sflag:s25], $0x6400  }
0x5e: {  	[sflag:s25] =	ssyncset.done $0x0  }
0x5f: {  	[sflag:s25] =	ssyncadd.s32 $0xFFFF9C00  }
0x60: {  	[tilespmem:s21], [sflag:$0x1] =	stream.strided.gather [hbm4b:s16+s19], $0x6400, s20, s19, $0x38;
	[tilespmem:$0x1B260] =	vst v63  }
0x61: {  	_ =	swait.ge [sflag:s28], $0x6400  }
0x62: {  	[sflag:s28] =	ssyncset.done $0x0  }
0x63: {  	s10 =	simm.s32 $0xA0F0;
	[sflag:s28] =	ssyncadd.s32 $0xFFFF9C00  }
0x64: {  	[spmem:s2] =	stream.indirect.scatter.add.f32 [tilespmem:s22], [sflag:$0x4], $0x40, s10, s24, $0xb8;
	[tilespmem:$0x1B260] =	vst v63  }
0x65: {  	s11 =	simm.s32 $0xA140  }
0x66: {  	[spmem:s2] =	stream.indirect.scatter.add.f32 [tilespmem:s30], [sflag:$0x4], $0x40, s11, s24, $0xb8;
	[tilespmem:$0x1B260] =	vst v63  }
0x67: {  	s9 =	simm.s32 $0xC80;
	s13 =	simm.s32 $0xA190;
	s14 =	simm.s32 $0xA1E0  }
0x68: {  	[spmem:s2] =	stream.indirect.scatter.add.f32 [tilespmem:s0], [sflag:$0x4], $0x40, s13, s24, $0xb8;
	[tilespmem:$0x1B260] =	vst v63  }
0x69: {  	s10 =	sadd.s32 $0x3200, s15;
	s11 =	sadd.s32 $0x3200, s16;
	s13 =	simm.s32 $0xA230  }
0x6a: {  	[spmem:s2] =	stream.indirect.scatter.add.f32 [tilespmem:s3], [sflag:$0x4], $0x40, s14, s24, $0xb8;
	[tilespmem:$0x1B260] =	vst v63  }
.LBB2_2:
0x6b: {  	[spmem:s2] =	stream.indirect.scatter.add.f32 [tilespmem:s4], [sflag:$0x4], $0x40, s13, s24, $0xb8;
	[tilespmem:$0x1B260] =	vst v63  }
0x6c: {  	s13 =	smov.u32 s9;
	s9 =	sadd.s32 $0xC80, s9;
	_ =	swait.ge [sflag:s5], $0x6400  }
0x6d: {  	p0 =	sne.s32 s9, $0x11F80;
	[sflag:s5] =	ssyncset.done $0x0  }
0x6e: {  	[sflag:s5] =	ssyncadd.s32 $0xFFFF9C00  }
0x6f: {  	[tilespmem:s22], [sflag:$0x2] =	stream.strided.gather [hbm4b:s10+s19], $0x6400, s20, s19, $0x38;
	[tilespmem:$0x1B260] =	vst v63  }
0x70: {  	_ =	swait.ge [sflag:s23], $0x6400  }
0x71: {  	s13 =	sshra.s32 s13, $0x2;
	[sflag:s23] =	ssyncset.done $0x0  }
0x72: {  	s14 =	sadd.s32 $0x9F60, s13;
	[sflag:s23] =	ssyncadd.s32 $0xFFFF9C00  }
0x73: {  	[spmem:s2] =	stream.indirect.scatter.add.f32 [tilespmem:s21], [sflag:$0x3], $0x40, s14, s24, $0xb8;
	[tilespmem:$0x1B260] =	vst v63  }
0x74: {  	s14 =	sadd.s32 $0x9FB0, s13  }
0x75: {  	[spmem:s2] =	stream.indirect.scatter.add.f32 [tilespmem:s26], [sflag:$0x3], $0x40, s14, s24, $0xb8;
	[tilespmem:$0x1B260] =	vst v63  }
0x76: {  	s14 =	sadd.s32 $0xA000, s13  }
0x77: {  	[spmem:s2] =	stream.indirect.scatter.add.f32 [tilespmem:s29], [sflag:$0x3], $0x40, s14, s24, $0xb8;
	[tilespmem:$0x1B260] =	vst v63  }
0x78: {  	s14 =	sadd.s32 $0xA050, s13  }
0x79: {  	[spmem:s2] =	stream.indirect.scatter.add.f32 [tilespmem:s31], [sflag:$0x3], $0x40, s14, s24, $0xb8;
	[tilespmem:$0x1B260] =	vst v63  }
0x7a: {  	s14 =	sadd.s32 $0xA0A0, s13  }
0x7b: {  	[spmem:s2] =	stream.indirect.scatter.add.f32 [tilespmem:s1], [sflag:$0x3], $0x40, s14, s24, $0xb8;
	[tilespmem:$0x1B260] =	vst v63  }
0x7c: {  	_ =	swait.ge [sflag:s25], $0x6400  }
0x7d: {  	[sflag:s25] =	ssyncset.done $0x0  }
0x7e: {  	[sflag:s25] =	ssyncadd.s32 $0xFFFF9C00  }
0x7f: {  	[tilespmem:s21], [sflag:$0x1] =	stream.strided.gather [hbm4b:s11+s19], $0x6400, s20, s19, $0x38;
	[tilespmem:$0x1B260] =	vst v63  }
0x80: {  	_ =	swait.ge [sflag:s28], $0x6400  }
0x81: {  	[sflag:s28] =	ssyncset.done $0x0  }
0x82: {  	s14 =	sadd.s32 $0xA0F0, s13;
	[sflag:s28] =	ssyncadd.s32 $0xFFFF9C00  }
0x83: {  	[spmem:s2] =	stream.indirect.scatter.add.f32 [tilespmem:s22], [sflag:$0x4], $0x40, s14, s24, $0xb8;
	[tilespmem:$0x1B260] =	vst v63  }
0x84: {  	s14 =	sadd.s32 $0xA140, s13  }
0x85: {  	[spmem:s2] =	stream.indirect.scatter.add.f32 [tilespmem:s30], [sflag:$0x4], $0x40, s14, s24, $0xb8;
	[tilespmem:$0x1B260] =	vst v63  }
.Ltmp0:
0x86: {  	s14 =	sadd.s32 $0xA190, s13;
	(pc) =	sbr.rel @p0 .LBB2_2-.Ltmp0, $4  }
0x87: {  	[spmem:s2] =	stream.indirect.scatter.add.f32 [tilespmem:s0], [sflag:$0x4], $0x40, s14, s24, $0xb8;
	[tilespmem:$0x1B260] =	vst v63  }
0x88: {  	s14 =	sadd.s32 $0xA1E0, s13  }
0x89: {  	[spmem:s2] =	stream.indirect.scatter.add.f32 [tilespmem:s3], [sflag:$0x4], $0x40, s14, s24, $0xb8;
	[tilespmem:$0x1B260] =	vst v63  }
0x8a: {  	s10 =	sadd.s32 $0x3200, s10;
	s11 =	sadd.s32 $0x3200, s11;
	s13 =	sadd.s32 $0xA230, s13  }
0x8b: {  	[spmem:s2] =	stream.indirect.scatter.add.f32 [tilespmem:s4], [sflag:$0x4], $0x40, s13, s24, $0xb8;
	[tilespmem:$0x1B260] =	vst v63  }
0x8c: {  	_ =	swait.ge [sflag:s5], $0x6400  }
0x8d: {  	[sflag:s5] =	ssyncset.done $0x0  }
0x8e: {  	s10 =	rddreg [dreg:$0xb];
	[sflag:s5] =	ssyncadd.s32 $0xFFFF9C00  }
0x8f: {  	[tilespmem:s22], [sflag:$0x2] =	stream.strided.gather [hbm4b:s10+s19], $0x6400, s20, s19, $0x38;
	[tilespmem:$0x1B260] =	vst v63  }
0x90: {  	_ =	swait.ge [sflag:s23], $0x6400  }
0x91: {  	s9 =	sshra.s32 s9, $0x2;
	[sflag:s23] =	ssyncset.done $0x0  }
0x92: {  	s14 =	sadd.s32 $0x9F60, s9;
	[sflag:s23] =	ssyncadd.s32 $0xFFFF9C00  }
0x93: {  	[spmem:s2] =	stream.indirect.scatter.add.f32 [tilespmem:s21], [sflag:$0x3], $0x40, s14, s24, $0xb8;
	[tilespmem:$0x1B260] =	vst v63  }
0x94: {  	s11 =	sadd.s32 $0x9FB0, s9  }
0x95: {  	[spmem:s2] =	stream.indirect.scatter.add.f32 [tilespmem:s26], [sflag:$0x3], $0x40, s11, s24, $0xb8;
	[tilespmem:$0x1B260] =	vst v63  }
0x96: {  	s13 =	sadd.s32 $0xA000, s9  }
0x97: {  	[spmem:s2] =	stream.indirect.scatter.add.f32 [tilespmem:s29], [sflag:$0x3], $0x40, s13, s24, $0xb8;
	[tilespmem:$0x1B260] =	vst v63  }
0x98: {  	s14 =	sadd.s32 $0xA050, s9  }
0x99: {  	[spmem:s2] =	stream.indirect.scatter.add.f32 [tilespmem:s31], [sflag:$0x3], $0x40, s14, s24, $0xb8;
	[tilespmem:$0x1B260] =	vst v63  }
0x9a: {  	s9 =	sadd.s32 $0xA0A0, s9  }
0x9b: {  	[spmem:s2] =	stream.indirect.scatter.add.f32 [tilespmem:s1], [sflag:$0x3], $0x40, s9, s24, $0xb8;
	[tilespmem:$0x1B260] =	vst v63  }
0x9c: {  	_ =	swait.ge [sflag:s25], $0x6400  }
0x9d: {  	[sflag:s25] =	ssyncset.done $0x0  }
0x9e: {  	[sflag:s25] =	ssyncadd.s32 $0xFFFF9C00  }
0x9f: {  	_ =	swait.ge [sflag:s28], $0x6400  }
0xa0: {  	[sflag:s28] =	ssyncset.done $0x0  }
0xa1: {  	s10 =	simm.s32 $0xE8D0;
	[sflag:s28] =	ssyncadd.s32 $0xFFFF9C00  }
0xa2: {  	[spmem:s2] =	stream.indirect.scatter.add.f32 [tilespmem:s22], [sflag:$0x4], $0x40, s10, s24, $0xb8;
	[tilespmem:$0x1B260] =	vst v63  }
0xa3: {  	s11 =	simm.s32 $0xE920  }
0xa4: {  	[spmem:s2] =	stream.indirect.scatter.add.f32 [tilespmem:s30], [sflag:$0x4], $0x40, s11, s24, $0xb8;
	[tilespmem:$0x1B260] =	vst v63  }
0xa5: {  	s13 =	simm.s32 $0xE970  }
0xa6: {  	[spmem:s2] =	stream.indirect.scatter.add.f32 [tilespmem:s0], [sflag:$0x4], $0x40, s13, s24, $0xb8;
	[tilespmem:$0x1B260] =	vst v63  }
0xa7: {  	s14 =	simm.s32 $0xE9C0  }
0xa8: {  	[spmem:s2] =	stream.indirect.scatter.add.f32 [tilespmem:s3], [sflag:$0x4], $0x40, s14, s24, $0xb8;
	[tilespmem:$0x1B260] =	vst v63  }
0xa9: {  	s10 =	simm.s32 $0xEA10  }
0xaa: {  	[spmem:s2] =	stream.indirect.scatter.add.f32 [tilespmem:s4], [sflag:$0x4], $0x40, s10, s24, $0xb8;
	[tilespmem:$0x1B260] =	vst v63  }
0xab: {  	_ =	swait.ge [sflag:s5], $0x6400  }
0xac: {  	[sflag:s5] =	ssyncset.done $0x0  }
0xad: {  	[sflag:s5] =	ssyncadd.s32 $0xFFFF9C00  }
0xae: {  	[bflag:$0x0] =	sbarrier.arrive $0xFFFF  }
0xaf: {  	[tilespmem:s21], [sflag:$0x5] =	stream.linear.gather [spmem:s7], $0x6400, $0x38;
	[tilespmem:$0x1B260] =	vst v63  }
0xb0: {  	_ =	swait.ge [sflag:s18], $0x6400  }
0xb1: {  	[sflag:s18] =	ssyncset.done $0x0  }
0xb2: {  	s11 =	rddreg [dreg:$0x7];
	[sflag:s18] =	ssyncadd.s32 $0xFFFF9C00  }
0xb3: {  	[hbm4b:s11+s19] =	stream.strided.scatter [tilespmem:s21], [sflag:$0x5], $0x6400, s20, s19, $0x38;
	[tilespmem:$0x1B260] =	vst v63  }
0xb4: {  	_ =	swait.ge [sflag:s18], $0x6400  }
0xb5: {  	[sflag:s18] =	ssyncset.done $0x0  }
0xb6: {  	[sflag:s18] =	ssyncadd.s32 $0xFFFF9C00  }
0xb7: {  	[tilespmem:s21], [sflag:$0x5] =	stream.linear.gather [spmem:s8], $0x3840, $0x38;
	[tilespmem:$0x1B260] =	vst v63  }
0xb8: {  	_ =	swait.ge [sflag:s18], $0x3840  }
0xb9: {  	[sflag:s18] =	ssyncset.done $0x0  }
0xba: {  	s13 =	rddreg [dreg:$0x8];
	[sflag:s18] =	ssyncadd.s32 $0xFFFFC7C0  }
0xbb: {  	[hbm4b:s13+s19] =	stream.strided.scatter [tilespmem:s21], [sflag:$0x5], $0x3840, s20, s19, $0x38;
	[tilespmem:$0x1B260] =	vst v63  }
0xbc: {  	_ =	swait.ge [sflag:s18], $0x3840  }
0xbd: {  	s6 =	sadd.s32 $0x1, s6;
	s14 =	rddreg [dreg:$0x9]  }
0xbe: {  	p0 =	sne.s32 s6, s14  }
.Ltmp1:
0xbf: {  	_ = 	snop;
	(pc) =	sbr.rel @p0 .LBB2_1-.Ltmp1, $3  }
0xc0: {  	_ =	sdelay $0x1  }
0xc1: {  	[sflag:s18] =	ssyncset.done $0x0  }
0xc2: {  	[sflag:s18] =	ssyncadd.s32 $0xFFFFC7C0  }
0xc3: {  	_ =	sfence.sel $0x180000  }
0xc4: {  	[bflag:$0x0] =	sbarrier.arrive $0xFFFF  }
0xc5: {  	_ =	strace $0x90000050  }
0xc6: {  	s0 =	stileid.u32;
	[bflag:$0x2] =	sbarrier.arrive $0xFFFF  }
0xc7: {  	p0 =	sne.s32 s0, $0x0;
	s0 =	rddreg [dreg:$0x3]  }
0xc8: {  	s0 =	sadd.s32 @!p0 $0x100000, s0  }
0xc9: {  	[sflag:s0] =	ssyncadd.tile.s32 @!p0 $0x1;
	_ =	shalt  }
.Lfunc_end2:
_tile_overlayer_lowered:
.L_overlay_start_2:
0xca: {  	(tag) =	ssettag $0x2  }
0xcb: {  	s0 =	rddreg [dreg:$0x0];
	s2 =	stileid.u32  }
0xcc: {  	s1 =	rddreg [dreg:$0x1];
	p0 =	sne.s32 s2, $0x0  }
0xcd: {  	s3 =	rddreg [dreg:$0x2];
	[bflag:$0x3] =	sbarrier.arrive $0xFFFF;
	s2 =	simm.s32 @!p0 $0x1C05  }
0xce: {  	[timem:s3], [sflag:s2] =	dma.local @!p0 [hbm:s0], s1  }
0xcf: {  	s0 =	simm.s32 @!p0 $0x5  }
0xd0: {  	_ =	swait.ge @!p0 [sflag:s0], s1  }
0xd1: {  	s1 =	ssub.s32 @!p0 $0x0, s1;
	[sflag:s0] =	ssyncset.done @!p0 $0x0  }
0xd2: {  	[sflag:s0] =	ssyncadd.s32 @!p0 s1  }
0xd3: {  	[bflag:$0x3] =	sbarrier.arrive $0xFFFF  }
0xd4: {  	_ =	shalt  }

</sc_bundles>
